<compile_context>
chip_gen: v7x
topology: tpu7x:2x2x1
jax: 0.10.2.dev20260603
libtpu: 0.0.44.dev20260713+nightly
codegen_flags: <defaults>
</compile_context>

<pallas_src>
import functools

import jax
import jax.numpy as jnp
from jax import lax
from jax.experimental import pallas as pl
from jax.experimental.pallas import tpu as pltpu
from jax.experimental.pallas import tpu_sc as plsc

N = 10000
NP = 10240
D = 256
HH = 128
E = 160000
EP = 163840
DUMMY = 10000
NC = 2
NS = 16
B = 128
R = 512
GRID = NP // R
ROWS_PER_TILE = NP // NS
SHIFT = 14



def _scatter_body(u0, u1, pe_hbm, out0, out1,
                  pk_v, idx_v, buf_a, buf_b, sem_a, sem_b, acc):
    c = lax.axis_index("c")
    s = lax.axis_index("s")
    nblk = EP // NS // B

    pltpu.sync_copy(pe_hbm.at[pl.ds(s * nblk, nblk)], pk_v)

    def unpack(j, slot):
        for k in range(B // 16):
            v = pk_v[j, pl.ds(k * 16, 16)]
            idx_v[slot, pl.ds(k * 16, 16)] = v & ((1 << SHIFT) - 1)
            idx_v[2 + slot, pl.ds(k * 16, 16)] = v >> SHIFT

    def zrow(i, _):
        for q in range(HH // 16):
            buf_a[i, pl.ds(q * 16, 16)] = jnp.zeros((16,), jnp.float32)
        return 0

    lax.fori_loop(0, B, zrow, 0)

    def zchunk(k, _):
        pltpu.sync_copy(buf_a, acc.at[pl.ds(s * ROWS_PER_TILE + k * B, B)])
        return 0

    lax.fori_loop(0, ROWS_PER_TILE // B, zchunk, 0)
    plsc.subcore_barrier()

    def run(u_hbm):
        unpack(0, 0)
        pltpu.async_copy(u_hbm.at[idx_v.at[0]], buf_a, sem_a)

        def step2(jj, _):
            j = jj * 2
            unpack(j + 1, 1)
            pltpu.async_copy(u_hbm.at[idx_v.at[1]], buf_b, sem_b)
            pltpu.make_async_copy(u_hbm.at[idx_v.at[0]], buf_a, sem_a).wait()
            pltpu.sync_copy(buf_a, acc.at[idx_v.at[2]], add=True)

            @pl.when(jj < nblk // 2 - 1)
            def _():
                unpack(j + 2, 0)
                pltpu.async_copy(u_hbm.at[idx_v.at[0]], buf_a, sem_a)

            pltpu.make_async_copy(u_hbm.at[idx_v.at[1]], buf_b, sem_b).wait()
            pltpu.sync_copy(buf_b, acc.at[idx_v.at[3]], add=True)
            return 0

        lax.fori_loop(0, nblk // 2, step2, 0)

    @pl.when(c == 0)
    def _():
        run(u0)

    @pl.when(c == 1)
    def _():
        run(u1)

    plsc.subcore_barrier()
    sl = pl.ds(s * ROWS_PER_TILE, ROWS_PER_TILE)

    @pl.when(c == 0)
    def _():
        pltpu.sync_copy(acc.at[sl], out0.at[sl])

    @pl.when(c == 1)
    def _():
        pltpu.sync_copy(acc.at[sl], out1.at[sl])


def _degones_body(pe_hbm, out0, out1, pk_v, idx_v, buf_a, acc):
    c = lax.axis_index("c")
    s = lax.axis_index("s")
    nslab = EP // NS // B
    nblk = nslab // NC

    pltpu.sync_copy(pe_hbm.at[pl.ds(s * nslab, nslab)], pk_v)

    def zrow(i, _):
        for q in range(HH // 16):
            buf_a[i, pl.ds(q * 16, 16)] = jnp.zeros((16,), jnp.float32)
        return 0

    lax.fori_loop(0, B, zrow, 0)

    def zchunk(k, _):
        pltpu.sync_copy(buf_a, acc.at[pl.ds(s * ROWS_PER_TILE + k * B, B)])
        return 0

    lax.fori_loop(0, ROWS_PER_TILE // B, zchunk, 0)

    def orow(i, _):
        for q in range(HH // 16):
            buf_a[i, pl.ds(q * 16, 16)] = jnp.full((16,), 1.0, jnp.float32)
        return 0

    lax.fori_loop(0, B, orow, 0)
    plsc.subcore_barrier()

    def blk(jj, _):
        j = c * nblk + jj
        for k in range(B // 16):
            idx_v[2, pl.ds(k * 16, 16)] = pk_v[j, pl.ds(k * 16, 16)] >> SHIFT
        pltpu.sync_copy(buf_a, acc.at[idx_v.at[2]], add=True)
        return 0

    lax.fori_loop(0, nblk, blk, 0)
    plsc.subcore_barrier()
    sl = pl.ds(s * ROWS_PER_TILE, ROWS_PER_TILE)

    @pl.when(c == 0)
    def _():
        pltpu.sync_copy(acc.at[sl], out0.at[sl])

    @pl.when(c == 1)
    def _():
        pltpu.sync_copy(acc.at[sl], out1.at[sl])


@functools.lru_cache(maxsize=None)
def _sc_kernels():
    mesh = plsc.VectorSubcoreMesh(
        core_axis_name="c", subcore_axis_name="s",
        num_cores=NC, num_subcores=NS)
    scatter = pl.kernel(
        _scatter_body,
        out_type=(
            jax.ShapeDtypeStruct((NP, HH), jnp.float32),
            jax.ShapeDtypeStruct((NP, HH), jnp.float32),
        ),
        mesh=mesh,
        scratch_types=[
            pltpu.VMEM((EP // NS // B, B), jnp.int32),
            pltpu.VMEM((4, B), jnp.int32),
            pltpu.VMEM((B, HH), jnp.float32),
            pltpu.VMEM((B, HH), jnp.float32),
            pltpu.SemaphoreType.DMA,
            pltpu.SemaphoreType.DMA,
            pltpu.VMEM_SHARED((NP, HH), jnp.float32),
        ],
    )
    degones = pl.kernel(
        _degones_body,
        out_type=(
            jax.ShapeDtypeStruct((NP, HH), jnp.float32),
            jax.ShapeDtypeStruct((NP, HH), jnp.float32),
        ),
        mesh=mesh,
        scratch_types=[
            pltpu.VMEM((EP // NS // B, B), jnp.int32),
            pltpu.VMEM((4, B), jnp.int32),
            pltpu.VMEM((B, HH), jnp.float32),
            pltpu.VMEM_SHARED((NP, HH), jnp.float32),
        ],
    )
    return degones, scatter



_HI = jax.lax.Precision.HIGHEST


def _dinv_block(d0_ref, d1_ref):
    return lax.rsqrt(1.0 + d0_ref[:, 0:1] + d1_ref[:, 0:1])


def _dense1_body(x_ref, w_ref, d0_ref, d1_ref, u0_ref, u1_ref):
    dinv = _dinv_block(d0_ref, d1_ref)
    h = jnp.dot(x_ref[...], w_ref[...],
                preferred_element_type=jnp.float32, precision=_HI)
    u = h * dinv
    u0_ref[...] = u[:, :HH]
    u1_ref[...] = u[:, HH:]


def _dense2_body(s0_ref, s1_ref, u0_ref, u1_ref, d0_ref, d1_ref, b_ref,
                 w_ref, v0_ref, v1_ref):
    dinv = _dinv_block(d0_ref, d1_ref)
    agg = jnp.concatenate(
        [s0_ref[...] + u0_ref[...], s1_ref[...] + u1_ref[...]], axis=1)
    hin = jnp.maximum(agg * dinv + b_ref[...], 0.0)
    h = jnp.dot(hin, w_ref[...],
                preferred_element_type=jnp.float32, precision=_HI)
    v = h * dinv
    v0_ref[...] = v[:, :HH]
    v1_ref[...] = v[:, HH:]


def _readout_body(s0_ref, s1_ref, u0_ref, u1_ref, d0_ref, d1_ref, b_ref,
                  wr1_ref, br1_ref, wr2_ref, br2_ref, wo_ref, bo_ref,
                  out_ref, acc_ref):
    i = pl.program_id(0)
    dinv = _dinv_block(d0_ref, d1_ref)
    agg = jnp.concatenate(
        [s0_ref[...] + u0_ref[...], s1_ref[...] + u1_ref[...]], axis=1)
    h = jnp.maximum(agg * dinv + b_ref[...], 0.0)
    row = lax.broadcasted_iota(jnp.int32, (R, D), 0) + i * R
    h = jnp.where(row < N, h, 0.0)
    part = jnp.sum(h, axis=0, keepdims=True)

    @pl.when(i == 0)
    def _():
        acc_ref[...] = part

    @pl.when(i > 0)
    def _():
        acc_ref[...] = acc_ref[...] + part

    @pl.when(i == pl.num_programs(0) - 1)
    def _():
        g = acc_ref[...] * (1.0 / N)
        r = jnp.maximum(
            jnp.dot(g, wr1_ref[...], preferred_element_type=jnp.float32,
                    precision=_HI) + br1_ref[...], 0.0)
        r = jnp.maximum(
            jnp.dot(r, wr2_ref[...], preferred_element_type=jnp.float32,
                    precision=_HI) + br2_ref[...], 0.0)
        out_ref[...] = (
            jnp.dot(r, wo_ref[...], preferred_element_type=jnp.float32,
                    precision=_HI) + bo_ref[...])


def _row_spec(width):
    return pl.BlockSpec((R, width), lambda i: (i, 0))


def _full_spec(shape):
    nd = len(shape)
    return pl.BlockSpec(shape, lambda i: (0,) * nd)



_dense1_call = pl.pallas_call(
    _dense1_body,
    grid=(GRID,),
    in_specs=[_row_spec(D), _full_spec((D, D)), _row_spec(HH), _row_spec(HH)],
    out_specs=[_row_spec(HH), _row_spec(HH)],
    out_shape=[jax.ShapeDtypeStruct((NP, HH), jnp.float32)] * 2,
)

_dense2_call = pl.pallas_call(
    _dense2_body,
    grid=(GRID,),
    in_specs=[_row_spec(HH)] * 6 +
             [_full_spec((1, D)), _full_spec((D, D))],
    out_specs=[_row_spec(HH), _row_spec(HH)],
    out_shape=[jax.ShapeDtypeStruct((NP, HH), jnp.float32)] * 2,
)

_readout_call = pl.pallas_call(
    _readout_body,
    grid=(GRID,),
    in_specs=[_row_spec(HH)] * 6 +
             [_full_spec((1, D)),
              _full_spec((D, D)), _full_spec((1, D)),
              _full_spec((D, D)), _full_spec((1, D)),
              _full_spec((D, 1)), _full_spec((1, 1))],
    out_specs=pl.BlockSpec((1, 1), lambda i: (0, 0)),
    out_shape=jax.ShapeDtypeStruct((1, 1), jnp.float32),
    scratch_shapes=[pltpu.VMEM((1, D), jnp.float32)],
)


def kernel(x, edge_index, W1, b1, W2, b2, Wr1, br1, Wr2, br2, Wo, bo):
    src = edge_index[0].astype(jnp.int32)
    dst = edge_index[1].astype(jnp.int32)
    padv = jnp.full((EP - E,), DUMMY, jnp.int32)
    srcp = jnp.concatenate([src, padv])
    dstp = jnp.concatenate([dst, padv])
    packed = srcp | (dstp << SHIFT)
    pe = packed.reshape(EP // B, B)
    xp = jnp.pad(x, ((0, NP - N), (0, 0)))
    b1r = b1.reshape(1, D)
    b2r = b2.reshape(1, D)
    br1r = br1.reshape(1, D)
    br2r = br2.reshape(1, D)
    bor = bo.reshape(1, 1)

    degones_sc, scatter_sc = _sc_kernels()

    d0, d1 = degones_sc(pe)
    u0, u1 = _dense1_call(xp, W1, d0, d1)
    s0, s1 = scatter_sc(u0, u1, pe)
    v0, v1 = _dense2_call(s0, s1, u0, u1, d0, d1, b1r, W2)
    t0, t1 = scatter_sc(v0, v1, pe)
    out = _readout_call(t0, t1, v0, v1, d0, d1, b2r,
                        Wr1, br1r, Wr2, br2r, Wo, bor)
    return out

# --- scband reference (transcript-rebuilt; emitter-appended) ---
"""Pipeline reference for scband-qin-gnn-55757265436707 (READ-ONLY COPY).

The authoritative reference and input builder live on the scoring server;
editing this copy changes nothing except your own understanding.
"""

import jax, jax.numpy as jnp
import numpy as np

N = 10000
E = 160000
D = 256
H = 256


def setup_inputs(seed: int = 0) -> dict:
    key = jax.random.key(seed)
    ks = jax.random.split(key, 12)
    x = jax.random.normal(ks[0], (N, D), dtype=jnp.float32)
    edge_index = jax.random.randint(ks[1], (2, E), 0, N)
    s = 0.05
    W1 = jax.random.normal(ks[2], (D, H), dtype=jnp.float32) * s
    b1 = jnp.zeros((H,), dtype=jnp.float32)
    W2 = jax.random.normal(ks[3], (H, H), dtype=jnp.float32) * s
    b2 = jnp.zeros((H,), dtype=jnp.float32)
    Wr1 = jax.random.normal(ks[4], (H, H), dtype=jnp.float32) * s
    br1 = jnp.zeros((H,), dtype=jnp.float32)
    Wr2 = jax.random.normal(ks[5], (H, H), dtype=jnp.float32) * s
    br2 = jnp.zeros((H,), dtype=jnp.float32)
    Wo = jax.random.normal(ks[6], (H, 1), dtype=jnp.float32) * s
    bo = jnp.zeros((1,), dtype=jnp.float32)
    return {"x": x, "edge_index": edge_index, "W1": W1, "b1": b1, "W2": W2, "b2": b2,
            "Wr1": Wr1, "br1": br1, "Wr2": Wr2, "br2": br2, "Wo": Wo, "bo": bo}


def _gcn_layer(x, W, b, src, dst, deg_inv_sqrt, n_nodes):
    h = x @ W
    norm = deg_inv_sqrt[src] * deg_inv_sqrt[dst]
    msg = h[src] * norm[:, None]
    agg = jnp.zeros((n_nodes, h.shape[1]), dtype=h.dtype).at[dst].add(msg)
    return jax.nn.relu(agg + b)


def reference(x, edge_index, W1, b1, W2, b2, Wr1, br1, Wr2, br2, Wo, bo):
    n = x.shape[0]
    loop = jnp.arange(n, dtype=edge_index.dtype)
    src = jnp.concatenate([edge_index[0], loop])
    dst = jnp.concatenate([edge_index[1], loop])
    deg = jnp.zeros((n,), dtype=jnp.float32).at[dst].add(1.0)
    deg_inv_sqrt = jax.lax.rsqrt(deg)
    h = _gcn_layer(x, W1, b1, src, dst, deg_inv_sqrt, n)
    h = _gcn_layer(h, W2, b2, src, dst, deg_inv_sqrt, n)
    g = jnp.mean(h, axis=0, keepdims=True)  # GlobalAvgPool -> [1, H]
    r = jax.nn.relu(g @ Wr1 + br1)
    r = jax.nn.relu(r @ Wr2 + br2)
    out = r @ Wo + bo  # [1, 1]
    return out

if __name__ == "__main__":
    import jax
    _d = setup_inputs()
    print(jax.jit(kernel)(*tuple(_d.values())))

</pallas_src>

<mosaic_0001>
#map = affine_map<(d0, d1) -> (0, 0)>
module attributes {stable_mosaic.version = 14 : i64} {
  func.func @_degones_body(%arg0: i32, %arg1: i32, %arg2: memref<1280x128xi32, #tpu.memory_space<hbm>>, %arg3: memref<10240x128xf32, #tpu.memory_space<hbm>>, %arg4: memref<10240x128xf32, #tpu.memory_space<hbm>>, %arg5: memref<80x128xi32, #tpu.memory_space<vmem>>, %arg6: memref<4x128xi32, #tpu.memory_space<vmem>>, %arg7: memref<128x128xf32, #tpu.memory_space<vmem>>, %arg8: memref<10240x128xf32, #tpu.memory_space<vmem_shared>>) attributes {dimension_semantics = [#tpu.dimension_semantics<core_parallel>, #tpu.dimension_semantics<subcore_parallel>], iteration_bounds = array<i64: 2, 16>, scalar_prefetch = 0 : i64, scratch_operands = 4 : i64, tpu.core_type = #tpu.core_type<sc_vector_subcore>, window_params = [{transform_indices = #map}, {transform_indices = #map}, {transform_indices = #map}]} {
    %mul3A = arith.constant 80 : i32
    %mul3A_0 = arith.muli %arg1, %mul3A : i32
    "tpu.region"() ({
      %run_scoped3A = tpu.sem_alloc : memref<!tpu.dma_semaphore, #tpu.memory_space<semaphore_mem>>
      %dma_start3A = arith.constant 0 : i32
      %dma_start3A_38 = tpu.memref_slice %arg2[%mul3A_0, %dma_start3A] : memref<1280x128xi32, #tpu.memory_space<hbm>> -> memref<80x128xi32, #tpu.memory_space<hbm>>
      %dma_start3A_39 = arith.constant 0 : i32
      %dma_start3A_40 = tpu.memref_slice %arg2[%mul3A_0, %dma_start3A_39] : memref<1280x128xi32, #tpu.memory_space<hbm>> -> memref<80x128xi32, #tpu.memory_space<hbm>>
      tpu.enqueue_dma source(%dma_start3A_40 : memref<80x128xi32, #tpu.memory_space<hbm>>) target(%arg5 : memref<80x128xi32, #tpu.memory_space<vmem>>) target_semaphore(%run_scoped3A : memref<!tpu.dma_semaphore, #tpu.memory_space<semaphore_mem>>)
      %dma_wait3A = arith.constant 0 : i32
      %dma_wait3A_41 = tpu.memref_slice %arg2[%mul3A_0, %dma_wait3A] : memref<1280x128xi32, #tpu.memory_space<hbm>> -> memref<80x128xi32, #tpu.memory_space<hbm>>
      %dma_wait3A_42 = arith.constant 0 : i32
      %dma_wait3A_43 = tpu.memref_slice %arg2[%mul3A_0, %dma_wait3A_42] : memref<1280x128xi32, #tpu.memory_space<hbm>> -> memref<80x128xi32, #tpu.memory_space<hbm>>
      tpu.wait_dma2 semaphore(%run_scoped3A : memref<!tpu.dma_semaphore, #tpu.memory_space<semaphore_mem>>) src(%dma_wait3A_43 : memref<80x128xi32, #tpu.memory_space<hbm>>) dst(%arg5 : memref<80x128xi32, #tpu.memory_space<vmem>>)
      tpu.yield
    }) : () -> ()
    %scan3A = arith.constant 0 : i32
    %scan3A_1 = arith.constant 0 : i32
    %scan3A_2 = arith.constant 128 : i32
    %scan3A_3 = arith.addi %scan3A_1, %scan3A_2 : i32
    %scan3A_4 = arith.constant 1 : i32
    %scan3A_5 = scf.for %scan3A_38 = %scan3A_1 to %scan3A_3 step %scan3A_4 iter_args(%scan3A_39 = %scan3A) -> (i32)  : i32 {
      %broadcast_in_dim3A = arith.constant 0.000000e+00 : f32
      %broadcast_in_dim3A_40 = vector.broadcast %broadcast_in_dim3A : f32 to vector<16xf32>
      %swap3A = arith.index_cast %scan3A_38 : i32 to index
      %swap3A_41 = arith.constant 0 : index
      %swap3A_42 = tpu.vector_load %arg7[%swap3A, %swap3A_41] {strides = array<i32>} : memref<128x128xf32, #tpu.memory_space<vmem>>, vector<1x16xf32>,
      %swap3A_43 = vector.shape_cast %swap3A_42 : vector<1x16xf32> to vector<16xf32>
      %swap3A_44 = vector.shape_cast %broadcast_in_dim3A_40 : vector<16xf32> to vector<1x16xf32>
      tpu.vector_store %arg7[%swap3A, %swap3A_41], %swap3A_44 {strides = array<i32>} : memref<128x128xf32, #tpu.memory_space<vmem>>, vector<1x16xf32>,
      %broadcast_in_dim3A_45 = arith.constant 0.000000e+00 : f32
      %broadcast_in_dim3A_46 = vector.broadcast %broadcast_in_dim3A_45 : f32 to vector<16xf32>
      %swap3A_47 = arith.index_cast %scan3A_38 : i32 to index
      %swap3A_48 = arith.constant 16 : index
      %swap3A_49 = tpu.vector_load %arg7[%swap3A_47, %swap3A_48] {strides = array<i32>} : memref<128x128xf32, #tpu.memory_space<vmem>>, vector<1x16xf32>,
      %swap3A_50 = vector.shape_cast %swap3A_49 : vector<1x16xf32> to vector<16xf32>
      %swap3A_51 = vector.shape_cast %broadcast_in_dim3A_46 : vector<16xf32> to vector<1x16xf32>
      tpu.vector_store %arg7[%swap3A_47, %swap3A_48], %swap3A_51 {strides = array<i32>} : memref<128x128xf32, #tpu.memory_space<vmem>>, vector<1x16xf32>,
      %broadcast_in_dim3A_52 = arith.constant 0.000000e+00 : f32
      %broadcast_in_dim3A_53 = vector.broadcast %broadcast_in_dim3A_52 : f32 to vector<16xf32>
      %swap3A_54 = arith.index_cast %scan3A_38 : i32 to index
      %swap3A_55 = arith.constant 32 : index
      %swap3A_56 = tpu.vector_load %arg7[%swap3A_54, %swap3A_55] {strides = array<i32>} : memref<128x128xf32, #tpu.memory_space<vmem>>, vector<1x16xf32>,
      %swap3A_57 = vector.shape_cast %swap3A_56 : vector<1x16xf32> to vector<16xf32>
      %swap3A_58 = vector.shape_cast %broadcast_in_dim3A_53 : vector<16xf32> to vector<1x16xf32>
      tpu.vector_store %arg7[%swap3A_54, %swap3A_55], %swap3A_58 {strides = array<i32>} : memref<128x128xf32, #tpu.memory_space<vmem>>, vector<1x16xf32>,
      %broadcast_in_dim3A_59 = arith.constant 0.000000e+00 : f32
      %broadcast_in_dim3A_60 = vector.broadcast %broadcast_in_dim3A_59 : f32 to vector<16xf32>
      %swap3A_61 = arith.index_cast %scan3A_38 : i32 to index
      %swap3A_62 = arith.constant 48 : index
      %swap3A_63 = tpu.vector_load %arg7[%swap3A_61, %swap3A_62] {strides = array<i32>} : memref<128x128xf32, #tpu.memory_space<vmem>>, vector<1x16xf32>,
      %swap3A_64 = vector.shape_cast %swap3A_63 : vector<1x16xf32> to vector<16xf32>
      %swap3A_65 = vector.shape_cast %broadcast_in_dim3A_60 : vector<16xf32> to vector<1x16xf32>
      tpu.vector_store %arg7[%swap3A_61, %swap3A_62], %swap3A_65 {strides = array<i32>} : memref<128x128xf32, #tpu.memory_space<vmem>>, vector<1x16xf32>,
      %broadcast_in_dim3A_66 = arith.constant 0.000000e+00 : f32
      %broadcast_in_dim3A_67 = vector.broadcast %broadcast_in_dim3A_66 : f32 to vector<16xf32>
      %swap3A_68 = arith.index_cast %scan3A_38 : i32 to index
      %swap3A_69 = arith.constant 64 : index
      %swap3A_70 = tpu.vector_load %arg7[%swap3A_68, %swap3A_69] {strides = array<i32>} : memref<128x128xf32, #tpu.memory_space<vmem>>, vector<1x16xf32>,
      %swap3A_71 = vector.shape_cast %swap3A_70 : vector<1x16xf32> to vector<16xf32>
      %swap3A_72 = vector.shape_cast %broadcast_in_dim3A_67 : vector<16xf32> to vector<1x16xf32>
      tpu.vector_store %arg7[%swap3A_68, %swap3A_69], %swap3A_72 {strides = array<i32>} : memref<128x128xf32, #tpu.memory_space<vmem>>, vector<1x16xf32>,
      %broadcast_in_dim3A_73 = arith.constant 0.000000e+00 : f32
      %broadcast_in_dim3A_74 = vector.broadcast %broadcast_in_dim3A_73 : f32 to vector<16xf32>
      %swap3A_75 = arith.index_cast %scan3A_38 : i32 to index
      %swap3A_76 = arith.constant 80 : index
      %swap3A_77 = tpu.vector_load %arg7[%swap3A_75, %swap3A_76] {strides = array<i32>} : memref<128x128xf32, #tpu.memory_space<vmem>>, vector<1x16xf32>,
      %swap3A_78 = vector.shape_cast %swap3A_77 : vector<1x16xf32> to vector<16xf32>
      %swap3A_79 = vector.shape_cast %broadcast_in_dim3A_74 : vector<16xf32> to vector<1x16xf32>
      tpu.vector_store %arg7[%swap3A_75, %swap3A_76], %swap3A_79 {strides = array<i32>} : memref<128x128xf32, #tpu.memory_space<vmem>>, vector<1x16xf32>,
      %broadcast_in_dim3A_80 = arith.constant 0.000000e+00 : f32
      %broadcast_in_dim3A_81 = vector.broadcast %broadcast_in_dim3A_80 : f32 to vector<16xf32>
      %swap3A_82 = arith.index_cast %scan3A_38 : i32 to index
      %swap3A_83 = arith.constant 96 : index
      %swap3A_84 = tpu.vector_load %arg7[%swap3A_82, %swap3A_83] {strides = array<i32>} : memref<128x128xf32, #tpu.memory_space<vmem>>, vector<1x16xf32>,
      %swap3A_85 = vector.shape_cast %swap3A_84 : vector<1x16xf32> to vector<16xf32>
      %swap3A_86 = vector.shape_cast %broadcast_in_dim3A_81 : vector<16xf32> to vector<1x16xf32>
      tpu.vector_store %arg7[%swap3A_82, %swap3A_83], %swap3A_86 {strides = array<i32>} : memref<128x128xf32, #tpu.memory_space<vmem>>, vector<1x16xf32>,
      %broadcast_in_dim3A_87 = arith.constant 0.000000e+00 : f32
      %broadcast_in_dim3A_88 = vector.broadcast %broadcast_in_dim3A_87 : f32 to vector<16xf32>
      %swap3A_89 = arith.index_cast %scan3A_38 : i32 to index
      %swap3A_90 = arith.constant 112 : index
      %swap3A_91 = tpu.vector_load %arg7[%swap3A_89, %swap3A_90] {strides = array<i32>} : memref<128x128xf32, #tpu.memory_space<vmem>>, vector<1x16xf32>,
      %swap3A_92 = vector.shape_cast %swap3A_91 : vector<1x16xf32> to vector<16xf32>
      %swap3A_93 = vector.shape_cast %broadcast_in_dim3A_88 : vector<16xf32> to vector<1x16xf32>
      tpu.vector_store %arg7[%swap3A_89, %swap3A_90], %swap3A_93 {strides = array<i32>} : memref<128x128xf32, #tpu.memory_space<vmem>>, vector<1x16xf32>,
      %scan3A_94 = arith.constant 0 : i32
      scf.yield %scan3A_94 : i32
    }
    %scan3A_6 = arith.constant 128 : i32
    %scan3A_7 = arith.constant 0 : i32
    %scan3A_8 = arith.constant 0 : i32
    %scan3A_9 = arith.constant 5 : i32
    %scan3A_10 = arith.addi %scan3A_8, %scan3A_9 : i32
    %scan3A_11 = arith.constant 1 : i32
    %scan3A_12 = scf.for %scan3A_38 = %scan3A_8 to %scan3A_10 step %scan3A_11 iter_args(%scan3A_39 = %scan3A_7) -> (i32)  : i32 {
      %mul3A_40 = arith.constant 640 : i32
      %mul3A_41 = arith.muli %arg1, %mul3A_40 : i32
      %mul3A_42 = arith.constant 128 : i32
      %mul3A_43 = arith.muli %scan3A_38, %mul3A_42 : i32
      %add3A = arith.addi %mul3A_41, %mul3A_43 : i32
      "tpu.region"() ({
        %run_scoped3A = tpu.sem_alloc : memref<!tpu.dma_semaphore, #tpu.memory_space<semaphore_mem>>
        %dma_start3A = arith.constant 0 : i32
        %dma_start3A_45 = tpu.memref_slice %arg8[%add3A, %dma_start3A] : memref<10240x128xf32, #tpu.memory_space<vmem_shared>> -> memref<128x128xf32, #tpu.memory_space<vmem_shared>>
        %dma_start3A_46 = arith.constant 0 : i32
        %dma_start3A_47 = tpu.memref_slice %arg8[%add3A, %dma_start3A_46] : memref<10240x128xf32, #tpu.memory_space<vmem_shared>> -> memref<128x128xf32, #tpu.memory_space<vmem_shared>>
        tpu.enqueue_dma source(%arg7 : memref<128x128xf32, #tpu.memory_space<vmem>>) target(%dma_start3A_47 : memref<128x128xf32, #tpu.memory_space<vmem_shared>>) target_semaphore(%run_scoped3A : memref<!tpu.dma_semaphore, #tpu.memory_space<semaphore_mem>>)
        %dma_wait3A = arith.constant 0 : i32
        %dma_wait3A_48 = tpu.memref_slice %arg8[%add3A, %dma_wait3A] : memref<10240x128xf32, #tpu.memory_space<vmem_shared>> -> memref<128x128xf32, #tpu.memory_space<vmem_shared>>
        %dma_wait3A_49 = arith.constant 0 : i32
        %dma_wait3A_50 = tpu.memref_slice %arg8[%add3A, %dma_wait3A_49] : memref<10240x128xf32, #tpu.memory_space<vmem_shared>> -> memref<128x128xf32, #tpu.memory_space<vmem_shared>>
        tpu.wait_dma2 semaphore(%run_scoped3A : memref<!tpu.dma_semaphore, #tpu.memory_space<semaphore_mem>>) src(%arg7 : memref<128x128xf32, #tpu.memory_space<vmem>>) dst(%dma_wait3A_50 : memref<128x128xf32, #tpu.memory_space<vmem_shared>>)
        tpu.yield
      }) : () -> ()
      %scan3A_44 = arith.constant 0 : i32
      scf.yield %scan3A_44 : i32
    }
    %scan3A_13 = arith.constant 5 : i32
    %scan3A_14 = arith.constant 0 : i32
    %scan3A_15 = arith.constant 0 : i32
    %scan3A_16 = arith.constant 128 : i32
    %scan3A_17 = arith.addi %scan3A_15, %scan3A_16 : i32
    %scan3A_18 = arith.constant 1 : i32
    %scan3A_19 = scf.for %scan3A_38 = %scan3A_15 to %scan3A_17 step %scan3A_18 iter_args(%scan3A_39 = %scan3A_14) -> (i32)  : i32 {
      %broadcast_in_dim3A = arith.constant 1.000000e+00 : f32
      %broadcast_in_dim3A_40 = vector.broadcast %broadcast_in_dim3A : f32 to vector<16xf32>
      %swap3A = arith.index_cast %scan3A_38 : i32 to index
      %swap3A_41 = arith.constant 0 : index
      %swap3A_42 = tpu.vector_load %arg7[%swap3A, %swap3A_41] {strides = array<i32>} : memref<128x128xf32, #tpu.memory_space<vmem>>, vector<1x16xf32>,
      %swap3A_43 = vector.shape_cast %swap3A_42 : vector<1x16xf32> to vector<16xf32>
      %swap3A_44 = vector.shape_cast %broadcast_in_dim3A_40 : vector<16xf32> to vector<1x16xf32>
      tpu.vector_store %arg7[%swap3A, %swap3A_41], %swap3A_44 {strides = array<i32>} : memref<128x128xf32, #tpu.memory_space<vmem>>, vector<1x16xf32>,
      %broadcast_in_dim3A_45 = arith.constant 1.000000e+00 : f32
      %broadcast_in_dim3A_46 = vector.broadcast %broadcast_in_dim3A_45 : f32 to vector<16xf32>
      %swap3A_47 = arith.index_cast %scan3A_38 : i32 to index
      %swap3A_48 = arith.constant 16 : index
      %swap3A_49 = tpu.vector_load %arg7[%swap3A_47, %swap3A_48] {strides = array<i32>} : memref<128x128xf32, #tpu.memory_space<vmem>>, vector<1x16xf32>,
      %swap3A_50 = vector.shape_cast %swap3A_49 : vector<1x16xf32> to vector<16xf32>
      %swap3A_51 = vector.shape_cast %broadcast_in_dim3A_46 : vector<16xf32> to vector<1x16xf32>
      tpu.vector_store %arg7[%swap3A_47, %swap3A_48], %swap3A_51 {strides = array<i32>} : memref<128x128xf32, #tpu.memory_space<vmem>>, vector<1x16xf32>,
      %broadcast_in_dim3A_52 = arith.constant 1.000000e+00 : f32
      %broadcast_in_dim3A_53 = vector.broadcast %broadcast_in_dim3A_52 : f32 to vector<16xf32>
      %swap3A_54 = arith.index_cast %scan3A_38 : i32 to index
      %swap3A_55 = arith.constant 32 : index
      %swap3A_56 = tpu.vector_load %arg7[%swap3A_54, %swap3A_55] {strides = array<i32>} : memref<128x128xf32, #tpu.memory_space<vmem>>, vector<1x16xf32>,
      %swap3A_57 = vector.shape_cast %swap3A_56 : vector<1x16xf32> to vector<16xf32>
      %swap3A_58 = vector.shape_cast %broadcast_in_dim3A_53 : vector<16xf32> to vector<1x16xf32>
      tpu.vector_store %arg7[%swap3A_54, %swap3A_55], %swap3A_58 {strides = array<i32>} : memref<128x128xf32, #tpu.memory_space<vmem>>, vector<1x16xf32>,
      %broadcast_in_dim3A_59 = arith.constant 1.000000e+00 : f32
      %broadcast_in_dim3A_60 = vector.broadcast %broadcast_in_dim3A_59 : f32 to vector<16xf32>
      %swap3A_61 = arith.index_cast %scan3A_38 : i32 to index
      %swap3A_62 = arith.constant 48 : index
      %swap3A_63 = tpu.vector_load %arg7[%swap3A_61, %swap3A_62] {strides = array<i32>} : memref<128x128xf32, #tpu.memory_space<vmem>>, vector<1x16xf32>,
      %swap3A_64 = vector.shape_cast %swap3A_63 : vector<1x16xf32> to vector<16xf32>
      %swap3A_65 = vector.shape_cast %broadcast_in_dim3A_60 : vector<16xf32> to vector<1x16xf32>
      tpu.vector_store %arg7[%swap3A_61, %swap3A_62], %swap3A_65 {strides = array<i32>} : memref<128x128xf32, #tpu.memory_space<vmem>>, vector<1x16xf32>,
      %broadcast_in_dim3A_66 = arith.constant 1.000000e+00 : f32
      %broadcast_in_dim3A_67 = vector.broadcast %broadcast_in_dim3A_66 : f32 to vector<16xf32>
      %swap3A_68 = arith.index_cast %scan3A_38 : i32 to index
      %swap3A_69 = arith.constant 64 : index
      %swap3A_70 = tpu.vector_load %arg7[%swap3A_68, %swap3A_69] {strides = array<i32>} : memref<128x128xf32, #tpu.memory_space<vmem>>, vector<1x16xf32>,
      %swap3A_71 = vector.shape_cast %swap3A_70 : vector<1x16xf32> to vector<16xf32>
      %swap3A_72 = vector.shape_cast %broadcast_in_dim3A_67 : vector<16xf32> to vector<1x16xf32>
      tpu.vector_store %arg7[%swap3A_68, %swap3A_69], %swap3A_72 {strides = array<i32>} : memref<128x128xf32, #tpu.memory_space<vmem>>, vector<1x16xf32>,
      %broadcast_in_dim3A_73 = arith.constant 1.000000e+00 : f32
      %broadcast_in_dim3A_74 = vector.broadcast %broadcast_in_dim3A_73 : f32 to vector<16xf32>
      %swap3A_75 = arith.index_cast %scan3A_38 : i32 to index
      %swap3A_76 = arith.constant 80 : index
      %swap3A_77 = tpu.vector_load %arg7[%swap3A_75, %swap3A_76] {strides = array<i32>} : memref<128x128xf32, #tpu.memory_space<vmem>>, vector<1x16xf32>,
      %swap3A_78 = vector.shape_cast %swap3A_77 : vector<1x16xf32> to vector<16xf32>
      %swap3A_79 = vector.shape_cast %broadcast_in_dim3A_74 : vector<16xf32> to vector<1x16xf32>
      tpu.vector_store %arg7[%swap3A_75, %swap3A_76], %swap3A_79 {strides = array<i32>} : memref<128x128xf32, #tpu.memory_space<vmem>>, vector<1x16xf32>,
      %broadcast_in_dim3A_80 = arith.constant 1.000000e+00 : f32
      %broadcast_in_dim3A_81 = vector.broadcast %broadcast_in_dim3A_80 : f32 to vector<16xf32>
      %swap3A_82 = arith.index_cast %scan3A_38 : i32 to index
      %swap3A_83 = arith.constant 96 : index
      %swap3A_84 = tpu.vector_load %arg7[%swap3A_82, %swap3A_83] {strides = array<i32>} : memref<128x128xf32, #tpu.memory_space<vmem>>, vector<1x16xf32>,
      %swap3A_85 = vector.shape_cast %swap3A_84 : vector<1x16xf32> to vector<16xf32>
      %swap3A_86 = vector.shape_cast %broadcast_in_dim3A_81 : vector<16xf32> to vector<1x16xf32>
      tpu.vector_store %arg7[%swap3A_82, %swap3A_83], %swap3A_86 {strides = array<i32>} : memref<128x128xf32, #tpu.memory_space<vmem>>, vector<1x16xf32>,
      %broadcast_in_dim3A_87 = arith.constant 1.000000e+00 : f32
      %broadcast_in_dim3A_88 = vector.broadcast %broadcast_in_dim3A_87 : f32 to vector<16xf32>
      %swap3A_89 = arith.index_cast %scan3A_38 : i32 to index
      %swap3A_90 = arith.constant 112 : index
      %swap3A_91 = tpu.vector_load %arg7[%swap3A_89, %swap3A_90] {strides = array<i32>} : memref<128x128xf32, #tpu.memory_space<vmem>>, vector<1x16xf32>,
      %swap3A_92 = vector.shape_cast %swap3A_91 : vector<1x16xf32> to vector<16xf32>
      %swap3A_93 = vector.shape_cast %broadcast_in_dim3A_88 : vector<16xf32> to vector<1x16xf32>
      tpu.vector_store %arg7[%swap3A_89, %swap3A_90], %swap3A_93 {strides = array<i32>} : memref<128x128xf32, #tpu.memory_space<vmem>>, vector<1x16xf32>,
      %scan3A_94 = arith.constant 0 : i32
      scf.yield %scan3A_94 : i32
    }
    %scan3A_20 = arith.constant 128 : i32
    %barrier3A = arith.constant 0 : index
    tpu.barrier barrier_id(%barrier3A)
    %scan3A_21 = arith.constant 0 : i32
    %scan3A_22 = arith.constant 0 : i32
    %scan3A_23 = arith.constant 40 : i32
    %scan3A_24 = arith.addi %scan3A_22, %scan3A_23 : i32
    %scan3A_25 = arith.constant 1 : i32
    %scan3A_26 = scf.for %scan3A_38 = %scan3A_22 to %scan3A_24 step %scan3A_25 iter_args(%scan3A_39 = %scan3A_21) -> (i32)  : i32 {
      %mul3A_40 = arith.constant 40 : i32
      %mul3A_41 = arith.muli %arg0, %mul3A_40 : i32
      %add3A = arith.addi %mul3A_41, %scan3A_38 : i32
      %get3A = arith.index_cast %add3A : i32 to index
      %get3A_42 = arith.constant 0 : index
      %get3A_43 = tpu.vector_load %arg5[%get3A, %get3A_42] {strides = array<i32>} : memref<80x128xi32, #tpu.memory_space<vmem>>, vector<1x16xi32>,
      %get3A_44 = vector.shape_cast %get3A_43 : vector<1x16xi32> to vector<16xi32>
      %shift_right_arithmetic3A = arith.constant 14 : i32
      %shift_right_arithmetic3A_45 = vector.broadcast %shift_right_arithmetic3A : i32 to vector<16xi32>
      %shift_right_arithmetic3A_46 = arith.shrsi %get3A_44, %shift_right_arithmetic3A_45 : vector<16xi32>
      %swap3A = arith.constant 2 : i32
      %swap3A_47 = arith.index_cast %swap3A : i32 to index
      %swap3A_48 = arith.constant 0 : index
      %swap3A_49 = tpu.vector_load %arg6[%swap3A_47, %swap3A_48] {strides = array<i32>} : memref<4x128xi32, #tpu.memory_space<vmem>>, vector<1x16xi32>,
      %swap3A_50 = vector.shape_cast %swap3A_49 : vector<1x16xi32> to vector<16xi32>
      %swap3A_51 = vector.shape_cast %shift_right_arithmetic3A_46 : vector<16xi32> to vector<1x16xi32>
      tpu.vector_store %arg6[%swap3A_47, %swap3A_48], %swap3A_51 {strides = array<i32>} : memref<4x128xi32, #tpu.memory_space<vmem>>, vector<1x16xi32>,
      %get3A_52 = arith.index_cast %add3A : i32 to index
      %get3A_53 = arith.constant 16 : index
      %get3A_54 = tpu.vector_load %arg5[%get3A_52, %get3A_53] {strides = array<i32>} : memref<80x128xi32, #tpu.memory_space<vmem>>, vector<1x16xi32>,
      %get3A_55 = vector.shape_cast %get3A_54 : vector<1x16xi32> to vector<16xi32>
      %shift_right_arithmetic3A_56 = arith.constant 14 : i32
      %shift_right_arithmetic3A_57 = vector.broadcast %shift_right_arithmetic3A_56 : i32 to vector<16xi32>
      %shift_right_arithmetic3A_58 = arith.shrsi %get3A_55, %shift_right_arithmetic3A_57 : vector<16xi32>
      %swap3A_59 = arith.constant 2 : i32
      %swap3A_60 = arith.index_cast %swap3A_59 : i32 to index
      %swap3A_61 = arith.constant 16 : index
      %swap3A_62 = tpu.vector_load %arg6[%swap3A_60, %swap3A_61] {strides = array<i32>} : memref<4x128xi32, #tpu.memory_space<vmem>>, vector<1x16xi32>,
      %swap3A_63 = vector.shape_cast %swap3A_62 : vector<1x16xi32> to vector<16xi32>
      %swap3A_64 = vector.shape_cast %shift_right_arithmetic3A_58 : vector<16xi32> to vector<1x16xi32>
      tpu.vector_store %arg6[%swap3A_60, %swap3A_61], %swap3A_64 {strides = array<i32>} : memref<4x128xi32, #tpu.memory_space<vmem>>, vector<1x16xi32>,
      %get3A_65 = arith.index_cast %add3A : i32 to index
      %get3A_66 = arith.constant 32 : index
      %get3A_67 = tpu.vector_load %arg5[%get3A_65, %get3A_66] {strides = array<i32>} : memref<80x128xi32, #tpu.memory_space<vmem>>, vector<1x16xi32>,
      %get3A_68 = vector.shape_cast %get3A_67 : vector<1x16xi32> to vector<16xi32>
      %shift_right_arithmetic3A_69 = arith.constant 14 : i32
      %shift_right_arithmetic3A_70 = vector.broadcast %shift_right_arithmetic3A_69 : i32 to vector<16xi32>
      %shift_right_arithmetic3A_71 = arith.shrsi %get3A_68, %shift_right_arithmetic3A_70 : vector<16xi32>
      %swap3A_72 = arith.constant 2 : i32
      %swap3A_73 = arith.index_cast %swap3A_72 : i32 to index
      %swap3A_74 = arith.constant 32 : index
      %swap3A_75 = tpu.vector_load %arg6[%swap3A_73, %swap3A_74] {strides = array<i32>} : memref<4x128xi32, #tpu.memory_space<vmem>>, vector<1x16xi32>,
      %swap3A_76 = vector.shape_cast %swap3A_75 : vector<1x16xi32> to vector<16xi32>
      %swap3A_77 = vector.shape_cast %shift_right_arithmetic3A_71 : vector<16xi32> to vector<1x16xi32>
      tpu.vector_store %arg6[%swap3A_73, %swap3A_74], %swap3A_77 {strides = array<i32>} : memref<4x128xi32, #tpu.memory_space<vmem>>, vector<1x16xi32>,
      %get3A_78 = arith.index_cast %add3A : i32 to index
      %get3A_79 = arith.constant 48 : index
      %get3A_80 = tpu.vector_load %arg5[%get3A_78, %get3A_79] {strides = array<i32>} : memref<80x128xi32, #tpu.memory_space<vmem>>, vector<1x16xi32>,
      %get3A_81 = vector.shape_cast %get3A_80 : vector<1x16xi32> to vector<16xi32>
      %shift_right_arithmetic3A_82 = arith.constant 14 : i32
      %shift_right_arithmetic3A_83 = vector.broadcast %shift_right_arithmetic3A_82 : i32 to vector<16xi32>
      %shift_right_arithmetic3A_84 = arith.shrsi %get3A_81, %shift_right_arithmetic3A_83 : vector<16xi32>
      %swap3A_85 = arith.constant 2 : i32
      %swap3A_86 = arith.index_cast %swap3A_85 : i32 to index
      %swap3A_87 = arith.constant 48 : index
      %swap3A_88 = tpu.vector_load %arg6[%swap3A_86, %swap3A_87] {strides = array<i32>} : memref<4x128xi32, #tpu.memory_space<vmem>>, vector<1x16xi32>,
      %swap3A_89 = vector.shape_cast %swap3A_88 : vector<1x16xi32> to vector<16xi32>
      %swap3A_90 = vector.shape_cast %shift_right_arithmetic3A_84 : vector<16xi32> to vector<1x16xi32>
      tpu.vector_store %arg6[%swap3A_86, %swap3A_87], %swap3A_90 {strides = array<i32>} : memref<4x128xi32, #tpu.memory_space<vmem>>, vector<1x16xi32>,
      %get3A_91 = arith.index_cast %add3A : i32 to index
      %get3A_92 = arith.constant 64 : index
      %get3A_93 = tpu.vector_load %arg5[%get3A_91, %get3A_92] {strides = array<i32>} : memref<80x128xi32, #tpu.memory_space<vmem>>, vector<1x16xi32>,
      %get3A_94 = vector.shape_cast %get3A_93 : vector<1x16xi32> to vector<16xi32>
      %shift_right_arithmetic3A_95 = arith.constant 14 : i32
      %shift_right_arithmetic3A_96 = vector.broadcast %shift_right_arithmetic3A_95 : i32 to vector<16xi32>
      %shift_right_arithmetic3A_97 = arith.shrsi %get3A_94, %shift_right_arithmetic3A_96 : vector<16xi32>
      %swap3A_98 = arith.constant 2 : i32
      %swap3A_99 = arith.index_cast %swap3A_98 : i32 to index
      %swap3A_100 = arith.constant 64 : index
      %swap3A_101 = tpu.vector_load %arg6[%swap3A_99, %swap3A_100] {strides = array<i32>} : memref<4x128xi32, #tpu.memory_space<vmem>>, vector<1x16xi32>,
      %swap3A_102 = vector.shape_cast %swap3A_101 : vector<1x16xi32> to vector<16xi32>
      %swap3A_103 = vector.shape_cast %shift_right_arithmetic3A_97 : vector<16xi32> to vector<1x16xi32>
      tpu.vector_store %arg6[%swap3A_99, %swap3A_100], %swap3A_103 {strides = array<i32>} : memref<4x128xi32, #tpu.memory_space<vmem>>, vector<1x16xi32>,
      %get3A_104 = arith.index_cast %add3A : i32 to index
      %get3A_105 = arith.constant 80 : index
      %get3A_106 = tpu.vector_load %arg5[%get3A_104, %get3A_105] {strides = array<i32>} : memref<80x128xi32, #tpu.memory_space<vmem>>, vector<1x16xi32>,
      %get3A_107 = vector.shape_cast %get3A_106 : vector<1x16xi32> to vector<16xi32>
      %shift_right_arithmetic3A_108 = arith.constant 14 : i32
      %shift_right_arithmetic3A_109 = vector.broadcast %shift_right_arithmetic3A_108 : i32 to vector<16xi32>
      %shift_right_arithmetic3A_110 = arith.shrsi %get3A_107, %shift_right_arithmetic3A_109 : vector<16xi32>
      %swap3A_111 = arith.constant 2 : i32
      %swap3A_112 = arith.index_cast %swap3A_111 : i32 to index
      %swap3A_113 = arith.constant 80 : index
      %swap3A_114 = tpu.vector_load %arg6[%swap3A_112, %swap3A_113] {strides = array<i32>} : memref<4x128xi32, #tpu.memory_space<vmem>>, vector<1x16xi32>,
      %swap3A_115 = vector.shape_cast %swap3A_114 : vector<1x16xi32> to vector<16xi32>
      %swap3A_116 = vector.shape_cast %shift_right_arithmetic3A_110 : vector<16xi32> to vector<1x16xi32>
      tpu.vector_store %arg6[%swap3A_112, %swap3A_113], %swap3A_116 {strides = array<i32>} : memref<4x128xi32, #tpu.memory_space<vmem>>, vector<1x16xi32>,
      %get3A_117 = arith.index_cast %add3A : i32 to index
      %get3A_118 = arith.constant 96 : index
      %get3A_119 = tpu.vector_load %arg5[%get3A_117, %get3A_118] {strides = array<i32>} : memref<80x128xi32, #tpu.memory_space<vmem>>, vector<1x16xi32>,
      %get3A_120 = vector.shape_cast %get3A_119 : vector<1x16xi32> to vector<16xi32>
      %shift_right_arithmetic3A_121 = arith.constant 14 : i32
      %shift_right_arithmetic3A_122 = vector.broadcast %shift_right_arithmetic3A_121 : i32 to vector<16xi32>
      %shift_right_arithmetic3A_123 = arith.shrsi %get3A_120, %shift_right_arithmetic3A_122 : vector<16xi32>
      %swap3A_124 = arith.constant 2 : i32
      %swap3A_125 = arith.index_cast %swap3A_124 : i32 to index
      %swap3A_126 = arith.constant 96 : index
      %swap3A_127 = tpu.vector_load %arg6[%swap3A_125, %swap3A_126] {strides = array<i32>} : memref<4x128xi32, #tpu.memory_space<vmem>>, vector<1x16xi32>,
      %swap3A_128 = vector.shape_cast %swap3A_127 : vector<1x16xi32> to vector<16xi32>
      %swap3A_129 = vector.shape_cast %shift_right_arithmetic3A_123 : vector<16xi32> to vector<1x16xi32>
      tpu.vector_store %arg6[%swap3A_125, %swap3A_126], %swap3A_129 {strides = array<i32>} : memref<4x128xi32, #tpu.memory_space<vmem>>, vector<1x16xi32>,
      %get3A_130 = arith.index_cast %add3A : i32 to index
      %get3A_131 = arith.constant 112 : index
      %get3A_132 = tpu.vector_load %arg5[%get3A_130, %get3A_131] {strides = array<i32>} : memref<80x128xi32, #tpu.memory_space<vmem>>, vector<1x16xi32>,
      %get3A_133 = vector.shape_cast %get3A_132 : vector<1x16xi32> to vector<16xi32>
      %shift_right_arithmetic3A_134 = arith.constant 14 : i32
      %shift_right_arithmetic3A_135 = vector.broadcast %shift_right_arithmetic3A_134 : i32 to vector<16xi32>
      %shift_right_arithmetic3A_136 = arith.shrsi %get3A_133, %shift_right_arithmetic3A_135 : vector<16xi32>
      %swap3A_137 = arith.constant 2 : i32
      %swap3A_138 = arith.index_cast %swap3A_137 : i32 to index
      %swap3A_139 = arith.constant 112 : index
      %swap3A_140 = tpu.vector_load %arg6[%swap3A_138, %swap3A_139] {strides = array<i32>} : memref<4x128xi32, #tpu.memory_space<vmem>>, vector<1x16xi32>,
      %swap3A_141 = vector.shape_cast %swap3A_140 : vector<1x16xi32> to vector<16xi32>
      %swap3A_142 = vector.shape_cast %shift_right_arithmetic3A_136 : vector<16xi32> to vector<1x16xi32>
      tpu.vector_store %arg6[%swap3A_138, %swap3A_139], %swap3A_142 {strides = array<i32>} : memref<4x128xi32, #tpu.memory_space<vmem>>, vector<1x16xi32>,
      %run_scoped3A = arith.constant 2 : i32
      "tpu.region"() ({
        %run_scoped3A_144 = tpu.sem_alloc : memref<!tpu.dma_semaphore, #tpu.memory_space<semaphore_mem>>
        %dma_start3A = arith.constant 0 : i32
        %dma_start3A_145 = tpu.memref_slice %arg6[%run_scoped3A, %dma_start3A] : memref<4x128xi32, #tpu.memory_space<vmem>> -> memref<1x128xi32, #tpu.memory_space<vmem>>
        %dma_start3A_146 = tpu.memref_squeeze %dma_start3A_145 : memref<1x128xi32, #tpu.memory_space<vmem>> -> memref<128xi32, #tpu.memory_space<vmem>>
        %dma_start3A_147 = arith.constant 0 : i32
        %dma_start3A_148 = arith.constant 0 : i32
        %dma_start3A_149 = tpu.memref_slice %arg8[%dma_start3A_147, %dma_start3A_148] : memref<10240x128xf32, #tpu.memory_space<vmem_shared>> -> memref<10240x128xf32, #tpu.memory_space<vmem_shared>>
        tpu.enqueue_indirect_dma source(%arg7 : memref<128x128xf32, #tpu.memory_space<vmem>>) target(%dma_start3A_149 : memref<10240x128xf32, #tpu.memory_space<vmem_shared>>) offsets(%dma_start3A_146 : memref<128xi32, #tpu.memory_space<vmem>>) semaphore(%run_scoped3A_144 : memref<!tpu.dma_semaphore, #tpu.memory_space<semaphore_mem>>) {add = true}
        %dma_wait3A = arith.constant 0 : i32
        %dma_wait3A_150 = tpu.memref_slice %arg6[%run_scoped3A, %dma_wait3A] : memref<4x128xi32, #tpu.memory_space<vmem>> -> memref<1x128xi32, #tpu.memory_space<vmem>>
        %dma_wait3A_151 = tpu.memref_squeeze %dma_wait3A_150 : memref<1x128xi32, #tpu.memory_space<vmem>> -> memref<128xi32, #tpu.memory_space<vmem>>
        %dma_wait3A_152 = arith.constant 0 : i32
        %dma_wait3A_153 = arith.constant 0 : i32
        %dma_wait3A_154 = tpu.memref_slice %arg8[%dma_wait3A_152, %dma_wait3A_153] : memref<10240x128xf32, #tpu.memory_space<vmem_shared>> -> memref<10240x128xf32, #tpu.memory_space<vmem_shared>>
        tpu.wait_indirect_dma semaphore(%run_scoped3A_144 : memref<!tpu.dma_semaphore, #tpu.memory_space<semaphore_mem>>) src(%arg7 : memref<128x128xf32, #tpu.memory_space<vmem>>) dst(%dma_wait3A_154 : memref<10240x128xf32, #tpu.memory_space<vmem_shared>>)
        tpu.yield
      }) : () -> ()
      %scan3A_143 = arith.constant 0 : i32
      scf.yield %scan3A_143 : i32
    }
    %scan3A_27 = arith.constant 40 : i32
    %barrier3A_28 = arith.constant 0 : index
    tpu.barrier barrier_id(%barrier3A_28)
    %mul3A_29 = arith.constant 640 : i32
    %mul3A_30 = arith.muli %arg1, %mul3A_29 : i32
    %eq3A = arith.constant 0 : i32
    %eq3A_31 = arith.cmpi eq, %arg0, %eq3A : i32
    %convert_element_type3A = arith.extui %eq3A_31 : i1 to i32
    %cond3A = arith.constant 0 : i32
    %cond3A_32 = arith.cmpi ne, %convert_element_type3A, %cond3A : i32
    scf.if %cond3A_32 {
      "tpu.region"() ({
        %run_scoped3A = tpu.sem_alloc : memref<!tpu.dma_semaphore, #tpu.memory_space<semaphore_mem>>
        %dma_start3A = arith.constant 0 : i32
        %dma_start3A_38 = tpu.memref_slice %arg3[%mul3A_30, %dma_start3A] : memref<10240x128xf32, #tpu.memory_space<hbm>> -> memref<640x128xf32, #tpu.memory_space<hbm>>
        %dma_start3A_39 = arith.constant 0 : i32
        %dma_start3A_40 = tpu.memref_slice %arg8[%mul3A_30, %dma_start3A_39] : memref<10240x128xf32, #tpu.memory_space<vmem_shared>> -> memref<640x128xf32, #tpu.memory_space<vmem_shared>>
        tpu.enqueue_dma source(%dma_start3A_40 : memref<640x128xf32, #tpu.memory_space<vmem_shared>>) target(%dma_start3A_38 : memref<640x128xf32, #tpu.memory_space<hbm>>) target_semaphore(%run_scoped3A : memref<!tpu.dma_semaphore, #tpu.memory_space<semaphore_mem>>)
        %dma_wait3A = arith.constant 0 : i32
        %dma_wait3A_41 = tpu.memref_slice %arg3[%mul3A_30, %dma_wait3A] : memref<10240x128xf32, #tpu.memory_space<hbm>> -> memref<640x128xf32, #tpu.memory_space<hbm>>
        %dma_wait3A_42 = arith.constant 0 : i32
        %dma_wait3A_43 = tpu.memref_slice %arg8[%mul3A_30, %dma_wait3A_42] : memref<10240x128xf32, #tpu.memory_space<vmem_shared>> -> memref<640x128xf32, #tpu.memory_space<vmem_shared>>
        tpu.wait_dma2 semaphore(%run_scoped3A : memref<!tpu.dma_semaphore, #tpu.memory_space<semaphore_mem>>) src(%dma_wait3A_43 : memref<640x128xf32, #tpu.memory_space<vmem_shared>>) dst(%dma_wait3A_41 : memref<640x128xf32, #tpu.memory_space<hbm>>)
        tpu.yield
      }) : () -> ()
    } else {
    }
    %eq3A_33 = arith.constant 1 : i32
    %eq3A_34 = arith.cmpi eq, %arg0, %eq3A_33 : i32
    %convert_element_type3A_35 = arith.extui %eq3A_34 : i1 to i32
    %cond3A_36 = arith.constant 0 : i32
    %cond3A_37 = arith.cmpi ne, %convert_element_type3A_35, %cond3A_36 : i32
    scf.if %cond3A_37 {
      "tpu.region"() ({
        %run_scoped3A = tpu.sem_alloc : memref<!tpu.dma_semaphore, #tpu.memory_space<semaphore_mem>>
        %dma_start3A = arith.constant 0 : i32
        %dma_start3A_38 = tpu.memref_slice %arg4[%mul3A_30, %dma_start3A] : memref<10240x128xf32, #tpu.memory_space<hbm>> -> memref<640x128xf32, #tpu.memory_space<hbm>>
        %dma_start3A_39 = arith.constant 0 : i32
        %dma_start3A_40 = tpu.memref_slice %arg8[%mul3A_30, %dma_start3A_39] : memref<10240x128xf32, #tpu.memory_space<vmem_shared>> -> memref<640x128xf32, #tpu.memory_space<vmem_shared>>
        tpu.enqueue_dma source(%dma_start3A_40 : memref<640x128xf32, #tpu.memory_space<vmem_shared>>) target(%dma_start3A_38 : memref<640x128xf32, #tpu.memory_space<hbm>>) target_semaphore(%run_scoped3A : memref<!tpu.dma_semaphore, #tpu.memory_space<semaphore_mem>>)
        %dma_wait3A = arith.constant 0 : i32
        %dma_wait3A_41 = tpu.memref_slice %arg4[%mul3A_30, %dma_wait3A] : memref<10240x128xf32, #tpu.memory_space<hbm>> -> memref<640x128xf32, #tpu.memory_space<hbm>>
        %dma_wait3A_42 = arith.constant 0 : i32
        %dma_wait3A_43 = tpu.memref_slice %arg8[%mul3A_30, %dma_wait3A_42] : memref<10240x128xf32, #tpu.memory_space<vmem_shared>> -> memref<640x128xf32, #tpu.memory_space<vmem_shared>>
        tpu.wait_dma2 semaphore(%run_scoped3A : memref<!tpu.dma_semaphore, #tpu.memory_space<semaphore_mem>>) src(%dma_wait3A_43 : memref<640x128xf32, #tpu.memory_space<vmem_shared>>) dst(%dma_wait3A_41 : memref<640x128xf32, #tpu.memory_space<hbm>>)
        tpu.yield
      }) : () -> ()
    } else {
    }
    return
  }
}

#map = affine_map<(d0, d1) -> (0, 0)>
module attributes {stable_mosaic.version = 14 : i64} {
  func.func @_scatter_body(%arg0: i32, %arg1: i32, %arg2: memref<10240x128xf32, #tpu.memory_space<hbm>>, %arg3: memref<10240x128xf32, #tpu.memory_space<hbm>>, %arg4: memref<1280x128xi32, #tpu.memory_space<hbm>>, %arg5: memref<10240x128xf32, #tpu.memory_space<hbm>>, %arg6: memref<10240x128xf32, #tpu.memory_space<hbm>>, %arg7: memref<80x128xi32, #tpu.memory_space<vmem>>, %arg8: memref<4x128xi32, #tpu.memory_space<vmem>>, %arg9: memref<128x128xf32, #tpu.memory_space<vmem>>, %arg10: memref<128x128xf32, #tpu.memory_space<vmem>>, %arg11: memref<!tpu.dma_semaphore, #tpu.memory_space<semaphore_mem>>, %arg12: memref<!tpu.dma_semaphore, #tpu.memory_space<semaphore_mem>>, %arg13: memref<10240x128xf32, #tpu.memory_space<vmem_shared>>) attributes {dimension_semantics = [#tpu.dimension_semantics<core_parallel>, #tpu.dimension_semantics<subcore_parallel>], iteration_bounds = array<i64: 2, 16>, scalar_prefetch = 0 : i64, scratch_operands = 7 : i64, tpu.core_type = #tpu.core_type<sc_vector_subcore>, window_params = [{transform_indices = #map}, {transform_indices = #map}, {transform_indices = #map}, {transform_indices = #map}, {transform_indices = #map}]} {
    %mul3A = arith.constant 80 : i32
    %mul3A_0 = arith.muli %arg1, %mul3A : i32
    "tpu.region"() ({
      %run_scoped3A = tpu.sem_alloc : memref<!tpu.dma_semaphore, #tpu.memory_space<semaphore_mem>>
      %dma_start3A = arith.constant 0 : i32
      %dma_start3A_34 = tpu.memref_slice %arg4[%mul3A_0, %dma_start3A] : memref<1280x128xi32, #tpu.memory_space<hbm>> -> memref<80x128xi32, #tpu.memory_space<hbm>>
      %dma_start3A_35 = arith.constant 0 : i32
      %dma_start3A_36 = tpu.memref_slice %arg4[%mul3A_0, %dma_start3A_35] : memref<1280x128xi32, #tpu.memory_space<hbm>> -> memref<80x128xi32, #tpu.memory_space<hbm>>
      tpu.enqueue_dma source(%dma_start3A_36 : memref<80x128xi32, #tpu.memory_space<hbm>>) target(%arg7 : memref<80x128xi32, #tpu.memory_space<vmem>>) target_semaphore(%run_scoped3A : memref<!tpu.dma_semaphore, #tpu.memory_space<semaphore_mem>>)
      %dma_wait3A = arith.constant 0 : i32
      %dma_wait3A_37 = tpu.memref_slice %arg4[%mul3A_0, %dma_wait3A] : memref<1280x128xi32, #tpu.memory_space<hbm>> -> memref<80x128xi32, #tpu.memory_space<hbm>>
      %dma_wait3A_38 = arith.constant 0 : i32
      %dma_wait3A_39 = tpu.memref_slice %arg4[%mul3A_0, %dma_wait3A_38] : memref<1280x128xi32, #tpu.memory_space<hbm>> -> memref<80x128xi32, #tpu.memory_space<hbm>>
      tpu.wait_dma2 semaphore(%run_scoped3A : memref<!tpu.dma_semaphore, #tpu.memory_space<semaphore_mem>>) src(%dma_wait3A_39 : memref<80x128xi32, #tpu.memory_space<hbm>>) dst(%arg7 : memref<80x128xi32, #tpu.memory_space<vmem>>)
      tpu.yield
    }) : () -> ()
    %scan3A = arith.constant 0 : i32
    %scan3A_1 = arith.constant 0 : i32
    %scan3A_2 = arith.constant 128 : i32
    %scan3A_3 = arith.addi %scan3A_1, %scan3A_2 : i32
    %scan3A_4 = arith.constant 1 : i32
    %scan3A_5 = scf.for %scan3A_34 = %scan3A_1 to %scan3A_3 step %scan3A_4 iter_args(%scan3A_35 = %scan3A) -> (i32)  : i32 {
      %broadcast_in_dim3A = arith.constant 0.000000e+00 : f32
      %broadcast_in_dim3A_36 = vector.broadcast %broadcast_in_dim3A : f32 to vector<16xf32>
      %swap3A = arith.index_cast %scan3A_34 : i32 to index
      %swap3A_37 = arith.constant 0 : index
      %swap3A_38 = tpu.vector_load %arg9[%swap3A, %swap3A_37] {strides = array<i32>} : memref<128x128xf32, #tpu.memory_space<vmem>>, vector<1x16xf32>,
      %swap3A_39 = vector.shape_cast %swap3A_38 : vector<1x16xf32> to vector<16xf32>
      %swap3A_40 = vector.shape_cast %broadcast_in_dim3A_36 : vector<16xf32> to vector<1x16xf32>
      tpu.vector_store %arg9[%swap3A, %swap3A_37], %swap3A_40 {strides = array<i32>} : memref<128x128xf32, #tpu.memory_space<vmem>>, vector<1x16xf32>,
      %broadcast_in_dim3A_41 = arith.constant 0.000000e+00 : f32
      %broadcast_in_dim3A_42 = vector.broadcast %broadcast_in_dim3A_41 : f32 to vector<16xf32>
      %swap3A_43 = arith.index_cast %scan3A_34 : i32 to index
      %swap3A_44 = arith.constant 16 : index
      %swap3A_45 = tpu.vector_load %arg9[%swap3A_43, %swap3A_44] {strides = array<i32>} : memref<128x128xf32, #tpu.memory_space<vmem>>, vector<1x16xf32>,
      %swap3A_46 = vector.shape_cast %swap3A_45 : vector<1x16xf32> to vector<16xf32>
      %swap3A_47 = vector.shape_cast %broadcast_in_dim3A_42 : vector<16xf32> to vector<1x16xf32>
      tpu.vector_store %arg9[%swap3A_43, %swap3A_44], %swap3A_47 {strides = array<i32>} : memref<128x128xf32, #tpu.memory_space<vmem>>, vector<1x16xf32>,
      %broadcast_in_dim3A_48 = arith.constant 0.000000e+00 : f32
      %broadcast_in_dim3A_49 = vector.broadcast %broadcast_in_dim3A_48 : f32 to vector<16xf32>
      %swap3A_50 = arith.index_cast %scan3A_34 : i32 to index
      %swap3A_51 = arith.constant 32 : index
      %swap3A_52 = tpu.vector_load %arg9[%swap3A_50, %swap3A_51] {strides = array<i32>} : memref<128x128xf32, #tpu.memory_space<vmem>>, vector<1x16xf32>,
      %swap3A_53 = vector.shape_cast %swap3A_52 : vector<1x16xf32> to vector<16xf32>
      %swap3A_54 = vector.shape_cast %broadcast_in_dim3A_49 : vector<16xf32> to vector<1x16xf32>
      tpu.vector_store %arg9[%swap3A_50, %swap3A_51], %swap3A_54 {strides = array<i32>} : memref<128x128xf32, #tpu.memory_space<vmem>>, vector<1x16xf32>,
      %broadcast_in_dim3A_55 = arith.constant 0.000000e+00 : f32
      %broadcast_in_dim3A_56 = vector.broadcast %broadcast_in_dim3A_55 : f32 to vector<16xf32>
      %swap3A_57 = arith.index_cast %scan3A_34 : i32 to index
      %swap3A_58 = arith.constant 48 : index
      %swap3A_59 = tpu.vector_load %arg9[%swap3A_57, %swap3A_58] {strides = array<i32>} : memref<128x128xf32, #tpu.memory_space<vmem>>, vector<1x16xf32>,
      %swap3A_60 = vector.shape_cast %swap3A_59 : vector<1x16xf32> to vector<16xf32>
      %swap3A_61 = vector.shape_cast %broadcast_in_dim3A_56 : vector<16xf32> to vector<1x16xf32>
      tpu.vector_store %arg9[%swap3A_57, %swap3A_58], %swap3A_61 {strides = array<i32>} : memref<128x128xf32, #tpu.memory_space<vmem>>, vector<1x16xf32>,
      %broadcast_in_dim3A_62 = arith.constant 0.000000e+00 : f32
      %broadcast_in_dim3A_63 = vector.broadcast %broadcast_in_dim3A_62 : f32 to vector<16xf32>
      %swap3A_64 = arith.index_cast %scan3A_34 : i32 to index
      %swap3A_65 = arith.constant 64 : index
      %swap3A_66 = tpu.vector_load %arg9[%swap3A_64, %swap3A_65] {strides = array<i32>} : memref<128x128xf32, #tpu.memory_space<vmem>>, vector<1x16xf32>,
      %swap3A_67 = vector.shape_cast %swap3A_66 : vector<1x16xf32> to vector<16xf32>
      %swap3A_68 = vector.shape_cast %broadcast_in_dim3A_63 : vector<16xf32> to vector<1x16xf32>
      tpu.vector_store %arg9[%swap3A_64, %swap3A_65], %swap3A_68 {strides = array<i32>} : memref<128x128xf32, #tpu.memory_space<vmem>>, vector<1x16xf32>,
      %broadcast_in_dim3A_69 = arith.constant 0.000000e+00 : f32
      %broadcast_in_dim3A_70 = vector.broadcast %broadcast_in_dim3A_69 : f32 to vector<16xf32>
      %swap3A_71 = arith.index_cast %scan3A_34 : i32 to index
      %swap3A_72 = arith.constant 80 : index
      %swap3A_73 = tpu.vector_load %arg9[%swap3A_71, %swap3A_72] {strides = array<i32>} : memref<128x128xf32, #tpu.memory_space<vmem>>, vector<1x16xf32>,
      %swap3A_74 = vector.shape_cast %swap3A_73 : vector<1x16xf32> to vector<16xf32>
      %swap3A_75 = vector.shape_cast %broadcast_in_dim3A_70 : vector<16xf32> to vector<1x16xf32>
      tpu.vector_store %arg9[%swap3A_71, %swap3A_72], %swap3A_75 {strides = array<i32>} : memref<128x128xf32, #tpu.memory_space<vmem>>, vector<1x16xf32>,
      %broadcast_in_dim3A_76 = arith.constant 0.000000e+00 : f32
      %broadcast_in_dim3A_77 = vector.broadcast %broadcast_in_dim3A_76 : f32 to vector<16xf32>
      %swap3A_78 = arith.index_cast %scan3A_34 : i32 to index
      %swap3A_79 = arith.constant 96 : index
      %swap3A_80 = tpu.vector_load %arg9[%swap3A_78, %swap3A_79] {strides = array<i32>} : memref<128x128xf32, #tpu.memory_space<vmem>>, vector<1x16xf32>,
      %swap3A_81 = vector.shape_cast %swap3A_80 : vector<1x16xf32> to vector<16xf32>
      %swap3A_82 = vector.shape_cast %broadcast_in_dim3A_77 : vector<16xf32> to vector<1x16xf32>
      tpu.vector_store %arg9[%swap3A_78, %swap3A_79], %swap3A_82 {strides = array<i32>} : memref<128x128xf32, #tpu.memory_space<vmem>>, vector<1x16xf32>,
      %broadcast_in_dim3A_83 = arith.constant 0.000000e+00 : f32
      %broadcast_in_dim3A_84 = vector.broadcast %broadcast_in_dim3A_83 : f32 to vector<16xf32>
      %swap3A_85 = arith.index_cast %scan3A_34 : i32 to index
      %swap3A_86 = arith.constant 112 : index
      %swap3A_87 = tpu.vector_load %arg9[%swap3A_85, %swap3A_86] {strides = array<i32>} : memref<128x128xf32, #tpu.memory_space<vmem>>, vector<1x16xf32>,
      %swap3A_88 = vector.shape_cast %swap3A_87 : vector<1x16xf32> to vector<16xf32>
      %swap3A_89 = vector.shape_cast %broadcast_in_dim3A_84 : vector<16xf32> to vector<1x16xf32>
      tpu.vector_store %arg9[%swap3A_85, %swap3A_86], %swap3A_89 {strides = array<i32>} : memref<128x128xf32, #tpu.memory_space<vmem>>, vector<1x16xf32>,
      %scan3A_90 = arith.constant 0 : i32
      scf.yield %scan3A_90 : i32
    }
    %scan3A_6 = arith.constant 128 : i32
    %scan3A_7 = arith.constant 0 : i32
    %scan3A_8 = arith.constant 0 : i32
    %scan3A_9 = arith.constant 5 : i32
    %scan3A_10 = arith.addi %scan3A_8, %scan3A_9 : i32
    %scan3A_11 = arith.constant 1 : i32
    %scan3A_12 = scf.for %scan3A_34 = %scan3A_8 to %scan3A_10 step %scan3A_11 iter_args(%scan3A_35 = %scan3A_7) -> (i32)  : i32 {
      %mul3A_36 = arith.constant 640 : i32
      %mul3A_37 = arith.muli %arg1, %mul3A_36 : i32
      %mul3A_38 = arith.constant 128 : i32
      %mul3A_39 = arith.muli %scan3A_34, %mul3A_38 : i32
      %add3A = arith.addi %mul3A_37, %mul3A_39 : i32
      "tpu.region"() ({
        %run_scoped3A = tpu.sem_alloc : memref<!tpu.dma_semaphore, #tpu.memory_space<semaphore_mem>>
        %dma_start3A = arith.constant 0 : i32
        %dma_start3A_41 = tpu.memref_slice %arg13[%add3A, %dma_start3A] : memref<10240x128xf32, #tpu.memory_space<vmem_shared>> -> memref<128x128xf32, #tpu.memory_space<vmem_shared>>
        %dma_start3A_42 = arith.constant 0 : i32
        %dma_start3A_43 = tpu.memref_slice %arg13[%add3A, %dma_start3A_42] : memref<10240x128xf32, #tpu.memory_space<vmem_shared>> -> memref<128x128xf32, #tpu.memory_space<vmem_shared>>
        tpu.enqueue_dma source(%arg9 : memref<128x128xf32, #tpu.memory_space<vmem>>) target(%dma_start3A_43 : memref<128x128xf32, #tpu.memory_space<vmem_shared>>) target_semaphore(%run_scoped3A : memref<!tpu.dma_semaphore, #tpu.memory_space<semaphore_mem>>)
        %dma_wait3A = arith.constant 0 : i32
        %dma_wait3A_44 = tpu.memref_slice %arg13[%add3A, %dma_wait3A] : memref<10240x128xf32, #tpu.memory_space<vmem_shared>> -> memref<128x128xf32, #tpu.memory_space<vmem_shared>>
        %dma_wait3A_45 = arith.constant 0 : i32
        %dma_wait3A_46 = tpu.memref_slice %arg13[%add3A, %dma_wait3A_45] : memref<10240x128xf32, #tpu.memory_space<vmem_shared>> -> memref<128x128xf32, #tpu.memory_space<vmem_shared>>
        tpu.wait_dma2 semaphore(%run_scoped3A : memref<!tpu.dma_semaphore, #tpu.memory_space<semaphore_mem>>) src(%arg9 : memref<128x128xf32, #tpu.memory_space<vmem>>) dst(%dma_wait3A_46 : memref<128x128xf32, #tpu.memory_space<vmem_shared>>)
        tpu.yield
      }) : () -> ()
      %scan3A_40 = arith.constant 0 : i32
      scf.yield %scan3A_40 : i32
    }
    %scan3A_13 = arith.constant 5 : i32
    %barrier3A = arith.constant 0 : index
    tpu.barrier barrier_id(%barrier3A)
    %eq3A = arith.constant 0 : i32
    %eq3A_14 = arith.cmpi eq, %arg0, %eq3A : i32
    %convert_element_type3A = arith.extui %eq3A_14 : i1 to i32
    %cond3A = arith.constant 0 : i32
    %cond3A_15 = arith.cmpi ne, %convert_element_type3A, %cond3A : i32
    scf.if %cond3A_15 {
      %get3A = arith.constant 0 : i32
      %get3A_34 = arith.index_cast %get3A : i32 to index
      %get3A_35 = arith.constant 0 : index
      %get3A_36 = tpu.vector_load %arg7[%get3A_34, %get3A_35] {strides = array<i32>} : memref<80x128xi32, #tpu.memory_space<vmem>>, vector<1x16xi32>,
      %get3A_37 = vector.shape_cast %get3A_36 : vector<1x16xi32> to vector<16xi32>
      %and3A = arith.constant 16383 : i32
      %and3A_38 = vector.broadcast %and3A : i32 to vector<16xi32>
      %and3A_39 = arith.andi %get3A_37, %and3A_38 : vector<16xi32>
      %swap3A = arith.constant 0 : i32
      %swap3A_40 = arith.index_cast %swap3A : i32 to index
      %swap3A_41 = arith.constant 0 : index
      %swap3A_42 = tpu.vector_load %arg8[%swap3A_40, %swap3A_41] {strides = array<i32>} : memref<4x128xi32, #tpu.memory_space<vmem>>, vector<1x16xi32>,
      %swap3A_43 = vector.shape_cast %swap3A_42 : vector<1x16xi32> to vector<16xi32>
      %swap3A_44 = vector.shape_cast %and3A_39 : vector<16xi32> to vector<1x16xi32>
      tpu.vector_store %arg8[%swap3A_40, %swap3A_41], %swap3A_44 {strides = array<i32>} : memref<4x128xi32, #tpu.memory_space<vmem>>, vector<1x16xi32>,
      %shift_right_arithmetic3A = arith.constant 14 : i32
      %shift_right_arithmetic3A_45 = vector.broadcast %shift_right_arithmetic3A : i32 to vector<16xi32>
      %shift_right_arithmetic3A_46 = arith.shrsi %get3A_37, %shift_right_arithmetic3A_45 : vector<16xi32>
      %swap3A_47 = arith.constant 2 : i32
      %swap3A_48 = arith.index_cast %swap3A_47 : i32 to index
      %swap3A_49 = arith.constant 0 : index
      %swap3A_50 = tpu.vector_load %arg8[%swap3A_48, %swap3A_49] {strides = array<i32>} : memref<4x128xi32, #tpu.memory_space<vmem>>, vector<1x16xi32>,
      %swap3A_51 = vector.shape_cast %swap3A_50 : vector<1x16xi32> to vector<16xi32>
      %swap3A_52 = vector.shape_cast %shift_right_arithmetic3A_46 : vector<16xi32> to vector<1x16xi32>
      tpu.vector_store %arg8[%swap3A_48, %swap3A_49], %swap3A_52 {strides = array<i32>} : memref<4x128xi32, #tpu.memory_space<vmem>>, vector<1x16xi32>,
      %get3A_53 = arith.constant 0 : i32
      %get3A_54 = arith.index_cast %get3A_53 : i32 to index
      %get3A_55 = arith.constant 16 : index
      %get3A_56 = tpu.vector_load %arg7[%get3A_54, %get3A_55] {strides = array<i32>} : memref<80x128xi32, #tpu.memory_space<vmem>>, vector<1x16xi32>,
      %get3A_57 = vector.shape_cast %get3A_56 : vector<1x16xi32> to vector<16xi32>
      %and3A_58 = arith.constant 16383 : i32
      %and3A_59 = vector.broadcast %and3A_58 : i32 to vector<16xi32>
      %and3A_60 = arith.andi %get3A_57, %and3A_59 : vector<16xi32>
      %swap3A_61 = arith.constant 0 : i32
      %swap3A_62 = arith.index_cast %swap3A_61 : i32 to index
      %swap3A_63 = arith.constant 16 : index
      %swap3A_64 = tpu.vector_load %arg8[%swap3A_62, %swap3A_63] {strides = array<i32>} : memref<4x128xi32, #tpu.memory_space<vmem>>, vector<1x16xi32>,
      %swap3A_65 = vector.shape_cast %swap3A_64 : vector<1x16xi32> to vector<16xi32>
      %swap3A_66 = vector.shape_cast %and3A_60 : vector<16xi32> to vector<1x16xi32>
      tpu.vector_store %arg8[%swap3A_62, %swap3A_63], %swap3A_66 {strides = array<i32>} : memref<4x128xi32, #tpu.memory_space<vmem>>, vector<1x16xi32>,
      %shift_right_arithmetic3A_67 = arith.constant 14 : i32
      %shift_right_arithmetic3A_68 = vector.broadcast %shift_right_arithmetic3A_67 : i32 to vector<16xi32>
      %shift_right_arithmetic3A_69 = arith.shrsi %get3A_57, %shift_right_arithmetic3A_68 : vector<16xi32>
      %swap3A_70 = arith.constant 2 : i32
      %swap3A_71 = arith.index_cast %swap3A_70 : i32 to index
      %swap3A_72 = arith.constant 16 : index
      %swap3A_73 = tpu.vector_load %arg8[%swap3A_71, %swap3A_72] {strides = array<i32>} : memref<4x128xi32, #tpu.memory_space<vmem>>, vector<1x16xi32>,
      %swap3A_74 = vector.shape_cast %swap3A_73 : vector<1x16xi32> to vector<16xi32>
      %swap3A_75 = vector.shape_cast %shift_right_arithmetic3A_69 : vector<16xi32> to vector<1x16xi32>
      tpu.vector_store %arg8[%swap3A_71, %swap3A_72], %swap3A_75 {strides = array<i32>} : memref<4x128xi32, #tpu.memory_space<vmem>>, vector<1x16xi32>,
      %get3A_76 = arith.constant 0 : i32
      %get3A_77 = arith.index_cast %get3A_76 : i32 to index
      %get3A_78 = arith.constant 32 : index
      %get3A_79 = tpu.vector_load %arg7[%get3A_77, %get3A_78] {strides = array<i32>} : memref<80x128xi32, #tpu.memory_space<vmem>>, vector<1x16xi32>,
      %get3A_80 = vector.shape_cast %get3A_79 : vector<1x16xi32> to vector<16xi32>
      %and3A_81 = arith.constant 16383 : i32
      %and3A_82 = vector.broadcast %and3A_81 : i32 to vector<16xi32>
      %and3A_83 = arith.andi %get3A_80, %and3A_82 : vector<16xi32>
      %swap3A_84 = arith.constant 0 : i32
      %swap3A_85 = arith.index_cast %swap3A_84 : i32 to index
      %swap3A_86 = arith.constant 32 : index
      %swap3A_87 = tpu.vector_load %arg8[%swap3A_85, %swap3A_86] {strides = array<i32>} : memref<4x128xi32, #tpu.memory_space<vmem>>, vector<1x16xi32>,
      %swap3A_88 = vector.shape_cast %swap3A_87 : vector<1x16xi32> to vector<16xi32>
      %swap3A_89 = vector.shape_cast %and3A_83 : vector<16xi32> to vector<1x16xi32>
      tpu.vector_store %arg8[%swap3A_85, %swap3A_86], %swap3A_89 {strides = array<i32>} : memref<4x128xi32, #tpu.memory_space<vmem>>, vector<1x16xi32>,
      %shift_right_arithmetic3A_90 = arith.constant 14 : i32
      %shift_right_arithmetic3A_91 = vector.broadcast %shift_right_arithmetic3A_90 : i32 to vector<16xi32>
      %shift_right_arithmetic3A_92 = arith.shrsi %get3A_80, %shift_right_arithmetic3A_91 : vector<16xi32>
      %swap3A_93 = arith.constant 2 : i32
      %swap3A_94 = arith.index_cast %swap3A_93 : i32 to index
      %swap3A_95 = arith.constant 32 : index
      %swap3A_96 = tpu.vector_load %arg8[%swap3A_94, %swap3A_95] {strides = array<i32>} : memref<4x128xi32, #tpu.memory_space<vmem>>, vector<1x16xi32>,
      %swap3A_97 = vector.shape_cast %swap3A_96 : vector<1x16xi32> to vector<16xi32>
      %swap3A_98 = vector.shape_cast %shift_right_arithmetic3A_92 : vector<16xi32> to vector<1x16xi32>
      tpu.vector_store %arg8[%swap3A_94, %swap3A_95], %swap3A_98 {strides = array<i32>} : memref<4x128xi32, #tpu.memory_space<vmem>>, vector<1x16xi32>,
      %get3A_99 = arith.constant 0 : i32
      %get3A_100 = arith.index_cast %get3A_99 : i32 to index
      %get3A_101 = arith.constant 48 : index
      %get3A_102 = tpu.vector_load %arg7[%get3A_100, %get3A_101] {strides = array<i32>} : memref<80x128xi32, #tpu.memory_space<vmem>>, vector<1x16xi32>,
      %get3A_103 = vector.shape_cast %get3A_102 : vector<1x16xi32> to vector<16xi32>
      %and3A_104 = arith.constant 16383 : i32
      %and3A_105 = vector.broadcast %and3A_104 : i32 to vector<16xi32>
      %and3A_106 = arith.andi %get3A_103, %and3A_105 : vector<16xi32>
      %swap3A_107 = arith.constant 0 : i32
      %swap3A_108 = arith.index_cast %swap3A_107 : i32 to index
      %swap3A_109 = arith.constant 48 : index
      %swap3A_110 = tpu.vector_load %arg8[%swap3A_108, %swap3A_109] {strides = array<i32>} : memref<4x128xi32, #tpu.memory_space<vmem>>, vector<1x16xi32>,
      %swap3A_111 = vector.shape_cast %swap3A_110 : vector<1x16xi32> to vector<16xi32>
      %swap3A_112 = vector.shape_cast %and3A_106 : vector<16xi32> to vector<1x16xi32>
      tpu.vector_store %arg8[%swap3A_108, %swap3A_109], %swap3A_112 {strides = array<i32>} : memref<4x128xi32, #tpu.memory_space<vmem>>, vector<1x16xi32>,
      %shift_right_arithmetic3A_113 = arith.constant 14 : i32
      %shift_right_arithmetic3A_114 = vector.broadcast %shift_right_arithmetic3A_113 : i32 to vector<16xi32>
      %shift_right_arithmetic3A_115 = arith.shrsi %get3A_103, %shift_right_arithmetic3A_114 : vector<16xi32>
      %swap3A_116 = arith.constant 2 : i32
      %swap3A_117 = arith.index_cast %swap3A_116 : i32 to index
      %swap3A_118 = arith.constant 48 : index
      %swap3A_119 = tpu.vector_load %arg8[%swap3A_117, %swap3A_118] {strides = array<i32>} : memref<4x128xi32, #tpu.memory_space<vmem>>, vector<1x16xi32>,
      %swap3A_120 = vector.shape_cast %swap3A_119 : vector<1x16xi32> to vector<16xi32>
      %swap3A_121 = vector.shape_cast %shift_right_arithmetic3A_115 : vector<16xi32> to vector<1x16xi32>
      tpu.vector_store %arg8[%swap3A_117, %swap3A_118], %swap3A_121 {strides = array<i32>} : memref<4x128xi32, #tpu.memory_space<vmem>>, vector<1x16xi32>,
      %get3A_122 = arith.constant 0 : i32
      %get3A_123 = arith.index_cast %get3A_122 : i32 to index
      %get3A_124 = arith.constant 64 : index
      %get3A_125 = tpu.vector_load %arg7[%get3A_123, %get3A_124] {strides = array<i32>} : memref<80x128xi32, #tpu.memory_space<vmem>>, vector<1x16xi32>,
      %get3A_126 = vector.shape_cast %get3A_125 : vector<1x16xi32> to vector<16xi32>
      %and3A_127 = arith.constant 16383 : i32
      %and3A_128 = vector.broadcast %and3A_127 : i32 to vector<16xi32>
      %and3A_129 = arith.andi %get3A_126, %and3A_128 : vector<16xi32>
      %swap3A_130 = arith.constant 0 : i32
      %swap3A_131 = arith.index_cast %swap3A_130 : i32 to index
      %swap3A_132 = arith.constant 64 : index
      %swap3A_133 = tpu.vector_load %arg8[%swap3A_131, %swap3A_132] {strides = array<i32>} : memref<4x128xi32, #tpu.memory_space<vmem>>, vector<1x16xi32>,
      %swap3A_134 = vector.shape_cast %swap3A_133 : vector<1x16xi32> to vector<16xi32>
      %swap3A_135 = vector.shape_cast %and3A_129 : vector<16xi32> to vector<1x16xi32>
      tpu.vector_store %arg8[%swap3A_131, %swap3A_132], %swap3A_135 {strides = array<i32>} : memref<4x128xi32, #tpu.memory_space<vmem>>, vector<1x16xi32>,
      %shift_right_arithmetic3A_136 = arith.constant 14 : i32
      %shift_right_arithmetic3A_137 = vector.broadcast %shift_right_arithmetic3A_136 : i32 to vector<16xi32>
      %shift_right_arithmetic3A_138 = arith.shrsi %get3A_126, %shift_right_arithmetic3A_137 : vector<16xi32>
      %swap3A_139 = arith.constant 2 : i32
      %swap3A_140 = arith.index_cast %swap3A_139 : i32 to index
      %swap3A_141 = arith.constant 64 : index
      %swap3A_142 = tpu.vector_load %arg8[%swap3A_140, %swap3A_141] {strides = array<i32>} : memref<4x128xi32, #tpu.memory_space<vmem>>, vector<1x16xi32>,
      %swap3A_143 = vector.shape_cast %swap3A_142 : vector<1x16xi32> to vector<16xi32>
      %swap3A_144 = vector.shape_cast %shift_right_arithmetic3A_138 : vector<16xi32> to vector<1x16xi32>
      tpu.vector_store %arg8[%swap3A_140, %swap3A_141], %swap3A_144 {strides = array<i32>} : memref<4x128xi32, #tpu.memory_space<vmem>>, vector<1x16xi32>,
      %get3A_145 = arith.constant 0 : i32
      %get3A_146 = arith.index_cast %get3A_145 : i32 to index
      %get3A_147 = arith.constant 80 : index
      %get3A_148 = tpu.vector_load %arg7[%get3A_146, %get3A_147] {strides = array<i32>} : memref<80x128xi32, #tpu.memory_space<vmem>>, vector<1x16xi32>,
      %get3A_149 = vector.shape_cast %get3A_148 : vector<1x16xi32> to vector<16xi32>
      %and3A_150 = arith.constant 16383 : i32
      %and3A_151 = vector.broadcast %and3A_150 : i32 to vector<16xi32>
      %and3A_152 = arith.andi %get3A_149, %and3A_151 : vector<16xi32>
      %swap3A_153 = arith.constant 0 : i32
      %swap3A_154 = arith.index_cast %swap3A_153 : i32 to index
      %swap3A_155 = arith.constant 80 : index
      %swap3A_156 = tpu.vector_load %arg8[%swap3A_154, %swap3A_155] {strides = array<i32>} : memref<4x128xi32, #tpu.memory_space<vmem>>, vector<1x16xi32>,
      %swap3A_157 = vector.shape_cast %swap3A_156 : vector<1x16xi32> to vector<16xi32>
      %swap3A_158 = vector.shape_cast %and3A_152 : vector<16xi32> to vector<1x16xi32>
      tpu.vector_store %arg8[%swap3A_154, %swap3A_155], %swap3A_158 {strides = array<i32>} : memref<4x128xi32, #tpu.memory_space<vmem>>, vector<1x16xi32>,
      %shift_right_arithmetic3A_159 = arith.constant 14 : i32
      %shift_right_arithmetic3A_160 = vector.broadcast %shift_right_arithmetic3A_159 : i32 to vector<16xi32>
      %shift_right_arithmetic3A_161 = arith.shrsi %get3A_149, %shift_right_arithmetic3A_160 : vector<16xi32>
      %swap3A_162 = arith.constant 2 : i32
      %swap3A_163 = arith.index_cast %swap3A_162 : i32 to index
      %swap3A_164 = arith.constant 80 : index
      %swap3A_165 = tpu.vector_load %arg8[%swap3A_163, %swap3A_164] {strides = array<i32>} : memref<4x128xi32, #tpu.memory_space<vmem>>, vector<1x16xi32>,
      %swap3A_166 = vector.shape_cast %swap3A_165 : vector<1x16xi32> to vector<16xi32>
      %swap3A_167 = vector.shape_cast %shift_right_arithmetic3A_161 : vector<16xi32> to vector<1x16xi32>
      tpu.vector_store %arg8[%swap3A_163, %swap3A_164], %swap3A_167 {strides = array<i32>} : memref<4x128xi32, #tpu.memory_space<vmem>>, vector<1x16xi32>,
      %get3A_168 = arith.constant 0 : i32
      %get3A_169 = arith.index_cast %get3A_168 : i32 to index
      %get3A_170 = arith.constant 96 : index
      %get3A_171 = tpu.vector_load %arg7[%get3A_169, %get3A_170] {strides = array<i32>} : memref<80x128xi32, #tpu.memory_space<vmem>>, vector<1x16xi32>,
      %get3A_172 = vector.shape_cast %get3A_171 : vector<1x16xi32> to vector<16xi32>
      %and3A_173 = arith.constant 16383 : i32
      %and3A_174 = vector.broadcast %and3A_173 : i32 to vector<16xi32>
      %and3A_175 = arith.andi %get3A_172, %and3A_174 : vector<16xi32>
      %swap3A_176 = arith.constant 0 : i32
      %swap3A_177 = arith.index_cast %swap3A_176 : i32 to index
      %swap3A_178 = arith.constant 96 : index
      %swap3A_179 = tpu.vector_load %arg8[%swap3A_177, %swap3A_178] {strides = array<i32>} : memref<4x128xi32, #tpu.memory_space<vmem>>, vector<1x16xi32>,
      %swap3A_180 = vector.shape_cast %swap3A_179 : vector<1x16xi32> to vector<16xi32>
      %swap3A_181 = vector.shape_cast %and3A_175 : vector<16xi32> to vector<1x16xi32>
      tpu.vector_store %arg8[%swap3A_177, %swap3A_178], %swap3A_181 {strides = array<i32>} : memref<4x128xi32, #tpu.memory_space<vmem>>, vector<1x16xi32>,
      %shift_right_arithmetic3A_182 = arith.constant 14 : i32
      %shift_right_arithmetic3A_183 = vector.broadcast %shift_right_arithmetic3A_182 : i32 to vector<16xi32>
      %shift_right_arithmetic3A_184 = arith.shrsi %get3A_172, %shift_right_arithmetic3A_183 : vector<16xi32>
      %swap3A_185 = arith.constant 2 : i32
      %swap3A_186 = arith.index_cast %swap3A_185 : i32 to index
      %swap3A_187 = arith.constant 96 : index
      %swap3A_188 = tpu.vector_load %arg8[%swap3A_186, %swap3A_187] {strides = array<i32>} : memref<4x128xi32, #tpu.memory_space<vmem>>, vector<1x16xi32>,
      %swap3A_189 = vector.shape_cast %swap3A_188 : vector<1x16xi32> to vector<16xi32>
      %swap3A_190 = vector.shape_cast %shift_right_arithmetic3A_184 : vector<16xi32> to vector<1x16xi32>
      tpu.vector_store %arg8[%swap3A_186, %swap3A_187], %swap3A_190 {strides = array<i32>} : memref<4x128xi32, #tpu.memory_space<vmem>>, vector<1x16xi32>,
      %get3A_191 = arith.constant 0 : i32
      %get3A_192 = arith.index_cast %get3A_191 : i32 to index
      %get3A_193 = arith.constant 112 : index
      %get3A_194 = tpu.vector_load %arg7[%get3A_192, %get3A_193] {strides = array<i32>} : memref<80x128xi32, #tpu.memory_space<vmem>>, vector<1x16xi32>,
      %get3A_195 = vector.shape_cast %get3A_194 : vector<1x16xi32> to vector<16xi32>
      %and3A_196 = arith.constant 16383 : i32
      %and3A_197 = vector.broadcast %and3A_196 : i32 to vector<16xi32>
      %and3A_198 = arith.andi %get3A_195, %and3A_197 : vector<16xi32>
      %swap3A_199 = arith.constant 0 : i32
      %swap3A_200 = arith.index_cast %swap3A_199 : i32 to index
      %swap3A_201 = arith.constant 112 : index
      %swap3A_202 = tpu.vector_load %arg8[%swap3A_200, %swap3A_201] {strides = array<i32>} : memref<4x128xi32, #tpu.memory_space<vmem>>, vector<1x16xi32>,
      %swap3A_203 = vector.shape_cast %swap3A_202 : vector<1x16xi32> to vector<16xi32>
      %swap3A_204 = vector.shape_cast %and3A_198 : vector<16xi32> to vector<1x16xi32>
      tpu.vector_store %arg8[%swap3A_200, %swap3A_201], %swap3A_204 {strides = array<i32>} : memref<4x128xi32, #tpu.memory_space<vmem>>, vector<1x16xi32>,
      %shift_right_arithmetic3A_205 = arith.constant 14 : i32
      %shift_right_arithmetic3A_206 = vector.broadcast %shift_right_arithmetic3A_205 : i32 to vector<16xi32>
      %shift_right_arithmetic3A_207 = arith.shrsi %get3A_195, %shift_right_arithmetic3A_206 : vector<16xi32>
      %swap3A_208 = arith.constant 2 : i32
      %swap3A_209 = arith.index_cast %swap3A_208 : i32 to index
      %swap3A_210 = arith.constant 112 : index
      %swap3A_211 = tpu.vector_load %arg8[%swap3A_209, %swap3A_210] {strides = array<i32>} : memref<4x128xi32, #tpu.memory_space<vmem>>, vector<1x16xi32>,
      %swap3A_212 = vector.shape_cast %swap3A_211 : vector<1x16xi32> to vector<16xi32>
      %swap3A_213 = vector.shape_cast %shift_right_arithmetic3A_207 : vector<16xi32> to vector<1x16xi32>
      tpu.vector_store %arg8[%swap3A_209, %swap3A_210], %swap3A_213 {strides = array<i32>} : memref<4x128xi32, #tpu.memory_space<vmem>>, vector<1x16xi32>,
      %dma_start3A = arith.constant 0 : i32
      %dma_start3A_214 = arith.constant 0 : i32
      %dma_start3A_215 = tpu.memref_slice %arg8[%dma_start3A, %dma_start3A_214] : memref<4x128xi32, #tpu.memory_space<vmem>> -> memref<1x128xi32, #tpu.memory_space<vmem>>
      %dma_start3A_216 = tpu.memref_squeeze %dma_start3A_215 : memref<1x128xi32, #tpu.memory_space<vmem>> -> memref<128xi32, #tpu.memory_space<vmem>>
      %dma_start3A_217 = arith.constant 0 : i32
      %dma_start3A_218 = arith.constant 0 : i32
      %dma_start3A_219 = tpu.memref_slice %arg2[%dma_start3A_217, %dma_start3A_218] : memref<10240x128xf32, #tpu.memory_space<hbm>> -> memref<10240x128xf32, #tpu.memory_space<hbm>>
      tpu.enqueue_indirect_dma source(%dma_start3A_219 : memref<10240x128xf32, #tpu.memory_space<hbm>>) target(%arg9 : memref<128x128xf32, #tpu.memory_space<vmem>>) offsets(%dma_start3A_216 : memref<128xi32, #tpu.memory_space<vmem>>) semaphore(%arg11 : memref<!tpu.dma_semaphore, #tpu.memory_space<semaphore_mem>>)
      %scan3A_220 = arith.constant 0 : i32
      %scan3A_221 = arith.constant 0 : i32
      %scan3A_222 = arith.constant 40 : i32
      %scan3A_223 = arith.addi %scan3A_221, %scan3A_222 : i32
      %scan3A_224 = arith.constant 1 : i32
      %scan3A_225 = scf.for %scan3A_227 = %scan3A_221 to %scan3A_223 step %scan3A_224 iter_args(%scan3A_228 = %scan3A_220) -> (i32)  : i32 {
        %mul3A_229 = arith.constant 2 : i32
        %mul3A_230 = arith.muli %scan3A_227, %mul3A_229 : i32
        %add3A = arith.constant 1 : i32
        %add3A_231 = arith.addi %mul3A_230, %add3A : i32
        %get3A_232 = arith.index_cast %add3A_231 : i32 to index
        %get3A_233 = arith.constant 0 : index
        %get3A_234 = tpu.vector_load %arg7[%get3A_232, %get3A_233] {strides = array<i32>} : memref<80x128xi32, #tpu.memory_space<vmem>>, vector<1x16xi32>,
        %get3A_235 = vector.shape_cast %get3A_234 : vector<1x16xi32> to vector<16xi32>
        %and3A_236 = arith.constant 16383 : i32
        %and3A_237 = vector.broadcast %and3A_236 : i32 to vector<16xi32>
        %and3A_238 = arith.andi %get3A_235, %and3A_237 : vector<16xi32>
        %swap3A_239 = arith.constant 1 : i32
        %swap3A_240 = arith.index_cast %swap3A_239 : i32 to index
        %swap3A_241 = arith.constant 0 : index
        %swap3A_242 = tpu.vector_load %arg8[%swap3A_240, %swap3A_241] {strides = array<i32>} : memref<4x128xi32, #tpu.memory_space<vmem>>, vector<1x16xi32>,
        %swap3A_243 = vector.shape_cast %swap3A_242 : vector<1x16xi32> to vector<16xi32>
        %swap3A_244 = vector.shape_cast %and3A_238 : vector<16xi32> to vector<1x16xi32>
        tpu.vector_store %arg8[%swap3A_240, %swap3A_241], %swap3A_244 {strides = array<i32>} : memref<4x128xi32, #tpu.memory_space<vmem>>, vector<1x16xi32>,
        %shift_right_arithmetic3A_245 = arith.constant 14 : i32
        %shift_right_arithmetic3A_246 = vector.broadcast %shift_right_arithmetic3A_245 : i32 to vector<16xi32>
        %shift_right_arithmetic3A_247 = arith.shrsi %get3A_235, %shift_right_arithmetic3A_246 : vector<16xi32>
        %swap3A_248 = arith.constant 3 : i32
        %swap3A_249 = arith.index_cast %swap3A_248 : i32 to index
        %swap3A_250 = arith.constant 0 : index
        %swap3A_251 = tpu.vector_load %arg8[%swap3A_249, %swap3A_250] {strides = array<i32>} : memref<4x128xi32, #tpu.memory_space<vmem>>, vector<1x16xi32>,
        %swap3A_252 = vector.shape_cast %swap3A_251 : vector<1x16xi32> to vector<16xi32>
        %swap3A_253 = vector.shape_cast %shift_right_arithmetic3A_247 : vector<16xi32> to vector<1x16xi32>
        tpu.vector_store %arg8[%swap3A_249, %swap3A_250], %swap3A_253 {strides = array<i32>} : memref<4x128xi32, #tpu.memory_space<vmem>>, vector<1x16xi32>,
        %get3A_254 = arith.index_cast %add3A_231 : i32 to index
        %get3A_255 = arith.constant 16 : index
        %get3A_256 = tpu.vector_load %arg7[%get3A_254, %get3A_255] {strides = array<i32>} : memref<80x128xi32, #tpu.memory_space<vmem>>, vector<1x16xi32>,
        %get3A_257 = vector.shape_cast %get3A_256 : vector<1x16xi32> to vector<16xi32>
        %and3A_258 = arith.constant 16383 : i32
        %and3A_259 = vector.broadcast %and3A_258 : i32 to vector<16xi32>
        %and3A_260 = arith.andi %get3A_257, %and3A_259 : vector<16xi32>
        %swap3A_261 = arith.constant 1 : i32
        %swap3A_262 = arith.index_cast %swap3A_261 : i32 to index
        %swap3A_263 = arith.constant 16 : index
        %swap3A_264 = tpu.vector_load %arg8[%swap3A_262, %swap3A_263] {strides = array<i32>} : memref<4x128xi32, #tpu.memory_space<vmem>>, vector<1x16xi32>,
        %swap3A_265 = vector.shape_cast %swap3A_264 : vector<1x16xi32> to vector<16xi32>
        %swap3A_266 = vector.shape_cast %and3A_260 : vector<16xi32> to vector<1x16xi32>
        tpu.vector_store %arg8[%swap3A_262, %swap3A_263], %swap3A_266 {strides = array<i32>} : memref<4x128xi32, #tpu.memory_space<vmem>>, vector<1x16xi32>,
        %shift_right_arithmetic3A_267 = arith.constant 14 : i32
        %shift_right_arithmetic3A_268 = vector.broadcast %shift_right_arithmetic3A_267 : i32 to vector<16xi32>
        %shift_right_arithmetic3A_269 = arith.shrsi %get3A_257, %shift_right_arithmetic3A_268 : vector<16xi32>
        %swap3A_270 = arith.constant 3 : i32
        %swap3A_271 = arith.index_cast %swap3A_270 : i32 to index
        %swap3A_272 = arith.constant 16 : index
        %swap3A_273 = tpu.vector_load %arg8[%swap3A_271, %swap3A_272] {strides = array<i32>} : memref<4x128xi32, #tpu.memory_space<vmem>>, vector<1x16xi32>,
        %swap3A_274 = vector.shape_cast %swap3A_273 : vector<1x16xi32> to vector<16xi32>
        %swap3A_275 = vector.shape_cast %shift_right_arithmetic3A_269 : vector<16xi32> to vector<1x16xi32>
        tpu.vector_store %arg8[%swap3A_271, %swap3A_272], %swap3A_275 {strides = array<i32>} : memref<4x128xi32, #tpu.memory_space<vmem>>, vector<1x16xi32>,
        %get3A_276 = arith.index_cast %add3A_231 : i32 to index
        %get3A_277 = arith.constant 32 : index
        %get3A_278 = tpu.vector_load %arg7[%get3A_276, %get3A_277] {strides = array<i32>} : memref<80x128xi32, #tpu.memory_space<vmem>>, vector<1x16xi32>,
        %get3A_279 = vector.shape_cast %get3A_278 : vector<1x16xi32> to vector<16xi32>
        %and3A_280 = arith.constant 16383 : i32
        %and3A_281 = vector.broadcast %and3A_280 : i32 to vector<16xi32>
        %and3A_282 = arith.andi %get3A_279, %and3A_281 : vector<16xi32>
        %swap3A_283 = arith.constant 1 : i32
        %swap3A_284 = arith.index_cast %swap3A_283 : i32 to index
        %swap3A_285 = arith.constant 32 : index
        %swap3A_286 = tpu.vector_load %arg8[%swap3A_284, %swap3A_285] {strides = array<i32>} : memref<4x128xi32, #tpu.memory_space<vmem>>, vector<1x16xi32>,
        %swap3A_287 = vector.shape_cast %swap3A_286 : vector<1x16xi32> to vector<16xi32>
        %swap3A_288 = vector.shape_cast %and3A_282 : vector<16xi32> to vector<1x16xi32>
        tpu.vector_store %arg8[%swap3A_284, %swap3A_285], %swap3A_288 {strides = array<i32>} : memref<4x128xi32, #tpu.memory_space<vmem>>, vector<1x16xi32>,
        %shift_right_arithmetic3A_289 = arith.constant 14 : i32
        %shift_right_arithmetic3A_290 = vector.broadcast %shift_right_arithmetic3A_289 : i32 to vector<16xi32>
        %shift_right_arithmetic3A_291 = arith.shrsi %get3A_279, %shift_right_arithmetic3A_290 : vector<16xi32>
        %swap3A_292 = arith.constant 3 : i32
        %swap3A_293 = arith.index_cast %swap3A_292 : i32 to index
        %swap3A_294 = arith.constant 32 : index
        %swap3A_295 = tpu.vector_load %arg8[%swap3A_293, %swap3A_294] {strides = array<i32>} : memref<4x128xi32, #tpu.memory_space<vmem>>, vector<1x16xi32>,
        %swap3A_296 = vector.shape_cast %swap3A_295 : vector<1x16xi32> to vector<16xi32>
        %swap3A_297 = vector.shape_cast %shift_right_arithmetic3A_291 : vector<16xi32> to vector<1x16xi32>
        tpu.vector_store %arg8[%swap3A_293, %swap3A_294], %swap3A_297 {strides = array<i32>} : memref<4x128xi32, #tpu.memory_space<vmem>>, vector<1x16xi32>,
        %get3A_298 = arith.index_cast %add3A_231 : i32 to index
        %get3A_299 = arith.constant 48 : index
        %get3A_300 = tpu.vector_load %arg7[%get3A_298, %get3A_299] {strides = array<i32>} : memref<80x128xi32, #tpu.memory_space<vmem>>, vector<1x16xi32>,
        %get3A_301 = vector.shape_cast %get3A_300 : vector<1x16xi32> to vector<16xi32>
        %and3A_302 = arith.constant 16383 : i32
        %and3A_303 = vector.broadcast %and3A_302 : i32 to vector<16xi32>
        %and3A_304 = arith.andi %get3A_301, %and3A_303 : vector<16xi32>
        %swap3A_305 = arith.constant 1 : i32
        %swap3A_306 = arith.index_cast %swap3A_305 : i32 to index
        %swap3A_307 = arith.constant 48 : index
        %swap3A_308 = tpu.vector_load %arg8[%swap3A_306, %swap3A_307] {strides = array<i32>} : memref<4x128xi32, #tpu.memory_space<vmem>>, vector<1x16xi32>,
        %swap3A_309 = vector.shape_cast %swap3A_308 : vector<1x16xi32> to vector<16xi32>
        %swap3A_310 = vector.shape_cast %and3A_304 : vector<16xi32> to vector<1x16xi32>
        tpu.vector_store %arg8[%swap3A_306, %swap3A_307], %swap3A_310 {strides = array<i32>} : memref<4x128xi32, #tpu.memory_space<vmem>>, vector<1x16xi32>,
        %shift_right_arithmetic3A_311 = arith.constant 14 : i32
        %shift_right_arithmetic3A_312 = vector.broadcast %shift_right_arithmetic3A_311 : i32 to vector<16xi32>
        %shift_right_arithmetic3A_313 = arith.shrsi %get3A_301, %shift_right_arithmetic3A_312 : vector<16xi32>
        %swap3A_314 = arith.constant 3 : i32
        %swap3A_315 = arith.index_cast %swap3A_314 : i32 to index
        %swap3A_316 = arith.constant 48 : index
        %swap3A_317 = tpu.vector_load %arg8[%swap3A_315, %swap3A_316] {strides = array<i32>} : memref<4x128xi32, #tpu.memory_space<vmem>>, vector<1x16xi32>,
        %swap3A_318 = vector.shape_cast %swap3A_317 : vector<1x16xi32> to vector<16xi32>
        %swap3A_319 = vector.shape_cast %shift_right_arithmetic3A_313 : vector<16xi32> to vector<1x16xi32>
        tpu.vector_store %arg8[%swap3A_315, %swap3A_316], %swap3A_319 {strides = array<i32>} : memref<4x128xi32, #tpu.memory_space<vmem>>, vector<1x16xi32>,
        %get3A_320 = arith.index_cast %add3A_231 : i32 to index
        %get3A_321 = arith.constant 64 : index
        %get3A_322 = tpu.vector_load %arg7[%get3A_320, %get3A_321] {strides = array<i32>} : memref<80x128xi32, #tpu.memory_space<vmem>>, vector<1x16xi32>,
        %get3A_323 = vector.shape_cast %get3A_322 : vector<1x16xi32> to vector<16xi32>
        %and3A_324 = arith.constant 16383 : i32
        %and3A_325 = vector.broadcast %and3A_324 : i32 to vector<16xi32>
        %and3A_326 = arith.andi %get3A_323, %and3A_325 : vector<16xi32>
        %swap3A_327 = arith.constant 1 : i32
        %swap3A_328 = arith.index_cast %swap3A_327 : i32 to index
        %swap3A_329 = arith.constant 64 : index
        %swap3A_330 = tpu.vector_load %arg8[%swap3A_328, %swap3A_329] {strides = array<i32>} : memref<4x128xi32, #tpu.memory_space<vmem>>, vector<1x16xi32>,
        %swap3A_331 = vector.shape_cast %swap3A_330 : vector<1x16xi32> to vector<16xi32>
        %swap3A_332 = vector.shape_cast %and3A_326 : vector<16xi32> to vector<1x16xi32>
        tpu.vector_store %arg8[%swap3A_328, %swap3A_329], %swap3A_332 {strides = array<i32>} : memref<4x128xi32, #tpu.memory_space<vmem>>, vector<1x16xi32>,
        %shift_right_arithmetic3A_333 = arith.constant 14 : i32
        %shift_right_arithmetic3A_334 = vector.broadcast %shift_right_arithmetic3A_333 : i32 to vector<16xi32>
        %shift_right_arithmetic3A_335 = arith.shrsi %get3A_323, %shift_right_arithmetic3A_334 : vector<16xi32>
        %swap3A_336 = arith.constant 3 : i32
        %swap3A_337 = arith.index_cast %swap3A_336 : i32 to index
        %swap3A_338 = arith.constant 64 : index
        %swap3A_339 = tpu.vector_load %arg8[%swap3A_337, %swap3A_338] {strides = array<i32>} : memref<4x128xi32, #tpu.memory_space<vmem>>, vector<1x16xi32>,
        %swap3A_340 = vector.shape_cast %swap3A_339 : vector<1x16xi32> to vector<16xi32>
        %swap3A_341 = vector.shape_cast %shift_right_arithmetic3A_335 : vector<16xi32> to vector<1x16xi32>
        tpu.vector_store %arg8[%swap3A_337, %swap3A_338], %swap3A_341 {strides = array<i32>} : memref<4x128xi32, #tpu.memory_space<vmem>>, vector<1x16xi32>,
        %get3A_342 = arith.index_cast %add3A_231 : i32 to index
        %get3A_343 = arith.constant 80 : index
        %get3A_344 = tpu.vector_load %arg7[%get3A_342, %get3A_343] {strides = array<i32>} : memref<80x128xi32, #tpu.memory_space<vmem>>, vector<1x16xi32>,
        %get3A_345 = vector.shape_cast %get3A_344 : vector<1x16xi32> to vector<16xi32>
        %and3A_346 = arith.constant 16383 : i32
        %and3A_347 = vector.broadcast %and3A_346 : i32 to vector<16xi32>
        %and3A_348 = arith.andi %get3A_345, %and3A_347 : vector<16xi32>
        %swap3A_349 = arith.constant 1 : i32
        %swap3A_350 = arith.index_cast %swap3A_349 : i32 to index
        %swap3A_351 = arith.constant 80 : index
        %swap3A_352 = tpu.vector_load %arg8[%swap3A_350, %swap3A_351] {strides = array<i32>} : memref<4x128xi32, #tpu.memory_space<vmem>>, vector<1x16xi32>,
        %swap3A_353 = vector.shape_cast %swap3A_352 : vector<1x16xi32> to vector<16xi32>
        %swap3A_354 = vector.shape_cast %and3A_348 : vector<16xi32> to vector<1x16xi32>
        tpu.vector_store %arg8[%swap3A_350, %swap3A_351], %swap3A_354 {strides = array<i32>} : memref<4x128xi32, #tpu.memory_space<vmem>>, vector<1x16xi32>,
        %shift_right_arithmetic3A_355 = arith.constant 14 : i32
        %shift_right_arithmetic3A_356 = vector.broadcast %shift_right_arithmetic3A_355 : i32 to vector<16xi32>
        %shift_right_arithmetic3A_357 = arith.shrsi %get3A_345, %shift_right_arithmetic3A_356 : vector<16xi32>
        %swap3A_358 = arith.constant 3 : i32
        %swap3A_359 = arith.index_cast %swap3A_358 : i32 to index
        %swap3A_360 = arith.constant 80 : index
        %swap3A_361 = tpu.vector_load %arg8[%swap3A_359, %swap3A_360] {strides = array<i32>} : memref<4x128xi32, #tpu.memory_space<vmem>>, vector<1x16xi32>,
        %swap3A_362 = vector.shape_cast %swap3A_361 : vector<1x16xi32> to vector<16xi32>
        %swap3A_363 = vector.shape_cast %shift_right_arithmetic3A_357 : vector<16xi32> to vector<1x16xi32>
        tpu.vector_store %arg8[%swap3A_359, %swap3A_360], %swap3A_363 {strides = array<i32>} : memref<4x128xi32, #tpu.memory_space<vmem>>, vector<1x16xi32>,
        %get3A_364 = arith.index_cast %add3A_231 : i32 to index
        %get3A_365 = arith.constant 96 : index
        %get3A_366 = tpu.vector_load %arg7[%get3A_364, %get3A_365] {strides = array<i32>} : memref<80x128xi32, #tpu.memory_space<vmem>>, vector<1x16xi32>,
        %get3A_367 = vector.shape_cast %get3A_366 : vector<1x16xi32> to vector<16xi32>
        %and3A_368 = arith.constant 16383 : i32
        %and3A_369 = vector.broadcast %and3A_368 : i32 to vector<16xi32>
        %and3A_370 = arith.andi %get3A_367, %and3A_369 : vector<16xi32>
        %swap3A_371 = arith.constant 1 : i32
        %swap3A_372 = arith.index_cast %swap3A_371 : i32 to index
        %swap3A_373 = arith.constant 96 : index
        %swap3A_374 = tpu.vector_load %arg8[%swap3A_372, %swap3A_373] {strides = array<i32>} : memref<4x128xi32, #tpu.memory_space<vmem>>, vector<1x16xi32>,
        %swap3A_375 = vector.shape_cast %swap3A_374 : vector<1x16xi32> to vector<16xi32>
        %swap3A_376 = vector.shape_cast %and3A_370 : vector<16xi32> to vector<1x16xi32>
        tpu.vector_store %arg8[%swap3A_372, %swap3A_373], %swap3A_376 {strides = array<i32>} : memref<4x128xi32, #tpu.memory_space<vmem>>, vector<1x16xi32>,
        %shift_right_arithmetic3A_377 = arith.constant 14 : i32
        %shift_right_arithmetic3A_378 = vector.broadcast %shift_right_arithmetic3A_377 : i32 to vector<16xi32>
        %shift_right_arithmetic3A_379 = arith.shrsi %get3A_367, %shift_right_arithmetic3A_378 : vector<16xi32>
        %swap3A_380 = arith.constant 3 : i32
        %swap3A_381 = arith.index_cast %swap3A_380 : i32 to index
        %swap3A_382 = arith.constant 96 : index
        %swap3A_383 = tpu.vector_load %arg8[%swap3A_381, %swap3A_382] {strides = array<i32>} : memref<4x128xi32, #tpu.memory_space<vmem>>, vector<1x16xi32>,
        %swap3A_384 = vector.shape_cast %swap3A_383 : vector<1x16xi32> to vector<16xi32>
        %swap3A_385 = vector.shape_cast %shift_right_arithmetic3A_379 : vector<16xi32> to vector<1x16xi32>
        tpu.vector_store %arg8[%swap3A_381, %swap3A_382], %swap3A_385 {strides = array<i32>} : memref<4x128xi32, #tpu.memory_space<vmem>>, vector<1x16xi32>,
        %get3A_386 = arith.index_cast %add3A_231 : i32 to index
        %get3A_387 = arith.constant 112 : index
        %get3A_388 = tpu.vector_load %arg7[%get3A_386, %get3A_387] {strides = array<i32>} : memref<80x128xi32, #tpu.memory_space<vmem>>, vector<1x16xi32>,
        %get3A_389 = vector.shape_cast %get3A_388 : vector<1x16xi32> to vector<16xi32>
        %and3A_390 = arith.constant 16383 : i32
        %and3A_391 = vector.broadcast %and3A_390 : i32 to vector<16xi32>
        %and3A_392 = arith.andi %get3A_389, %and3A_391 : vector<16xi32>
        %swap3A_393 = arith.constant 1 : i32
        %swap3A_394 = arith.index_cast %swap3A_393 : i32 to index
        %swap3A_395 = arith.constant 112 : index
        %swap3A_396 = tpu.vector_load %arg8[%swap3A_394, %swap3A_395] {strides = array<i32>} : memref<4x128xi32, #tpu.memory_space<vmem>>, vector<1x16xi32>,
        %swap3A_397 = vector.shape_cast %swap3A_396 : vector<1x16xi32> to vector<16xi32>
        %swap3A_398 = vector.shape_cast %and3A_392 : vector<16xi32> to vector<1x16xi32>
        tpu.vector_store %arg8[%swap3A_394, %swap3A_395], %swap3A_398 {strides = array<i32>} : memref<4x128xi32, #tpu.memory_space<vmem>>, vector<1x16xi32>,
        %shift_right_arithmetic3A_399 = arith.constant 14 : i32
        %shift_right_arithmetic3A_400 = vector.broadcast %shift_right_arithmetic3A_399 : i32 to vector<16xi32>
        %shift_right_arithmetic3A_401 = arith.shrsi %get3A_389, %shift_right_arithmetic3A_400 : vector<16xi32>
        %swap3A_402 = arith.constant 3 : i32
        %swap3A_403 = arith.index_cast %swap3A_402 : i32 to index
        %swap3A_404 = arith.constant 112 : index
        %swap3A_405 = tpu.vector_load %arg8[%swap3A_403, %swap3A_404] {strides = array<i32>} : memref<4x128xi32, #tpu.memory_space<vmem>>, vector<1x16xi32>,
        %swap3A_406 = vector.shape_cast %swap3A_405 : vector<1x16xi32> to vector<16xi32>
        %swap3A_407 = vector.shape_cast %shift_right_arithmetic3A_401 : vector<16xi32> to vector<1x16xi32>
        tpu.vector_store %arg8[%swap3A_403, %swap3A_404], %swap3A_407 {strides = array<i32>} : memref<4x128xi32, #tpu.memory_space<vmem>>, vector<1x16xi32>,
        %dma_start3A_408 = arith.constant 1 : i32
        %dma_start3A_409 = arith.constant 0 : i32
        %dma_start3A_410 = tpu.memref_slice %arg8[%dma_start3A_408, %dma_start3A_409] : memref<4x128xi32, #tpu.memory_space<vmem>> -> memref<1x128xi32, #tpu.memory_space<vmem>>
        %dma_start3A_411 = tpu.memref_squeeze %dma_start3A_410 : memref<1x128xi32, #tpu.memory_space<vmem>> -> memref<128xi32, #tpu.memory_space<vmem>>
        %dma_start3A_412 = arith.constant 0 : i32
        %dma_start3A_413 = arith.constant 0 : i32
        %dma_start3A_414 = tpu.memref_slice %arg2[%dma_start3A_412, %dma_start3A_413] : memref<10240x128xf32, #tpu.memory_space<hbm>> -> memref<10240x128xf32, #tpu.memory_space<hbm>>
        tpu.enqueue_indirect_dma source(%dma_start3A_414 : memref<10240x128xf32, #tpu.memory_space<hbm>>) target(%arg10 : memref<128x128xf32, #tpu.memory_space<vmem>>) offsets(%dma_start3A_411 : memref<128xi32, #tpu.memory_space<vmem>>) semaphore(%arg12 : memref<!tpu.dma_semaphore, #tpu.memory_space<semaphore_mem>>)
        %dma_wait3A = arith.constant 0 : i32
        %dma_wait3A_415 = arith.constant 0 : i32
        %dma_wait3A_416 = tpu.memref_slice %arg8[%dma_wait3A, %dma_wait3A_415] : memref<4x128xi32, #tpu.memory_space<vmem>> -> memref<1x128xi32, #tpu.memory_space<vmem>>
        %dma_wait3A_417 = tpu.memref_squeeze %dma_wait3A_416 : memref<1x128xi32, #tpu.memory_space<vmem>> -> memref<128xi32, #tpu.memory_space<vmem>>
        %dma_wait3A_418 = arith.constant 0 : i32
        %dma_wait3A_419 = arith.constant 0 : i32
        %dma_wait3A_420 = tpu.memref_slice %arg2[%dma_wait3A_418, %dma_wait3A_419] : memref<10240x128xf32, #tpu.memory_space<hbm>> -> memref<10240x128xf32, #tpu.memory_space<hbm>>
        tpu.wait_indirect_dma semaphore(%arg11 : memref<!tpu.dma_semaphore, #tpu.memory_space<semaphore_mem>>) src(%dma_wait3A_420 : memref<10240x128xf32, #tpu.memory_space<hbm>>) dst(%arg9 : memref<128x128xf32, #tpu.memory_space<vmem>>)
        %run_scoped3A = arith.constant 2 : i32
        "tpu.region"() ({
          %run_scoped3A_434 = tpu.sem_alloc : memref<!tpu.dma_semaphore, #tpu.memory_space<semaphore_mem>>
          %dma_start3A_435 = arith.constant 0 : i32
          %dma_start3A_436 = tpu.memref_slice %arg8[%run_scoped3A, %dma_start3A_435] : memref<4x128xi32, #tpu.memory_space<vmem>> -> memref<1x128xi32, #tpu.memory_space<vmem>>
          %dma_start3A_437 = tpu.memref_squeeze %dma_start3A_436 : memref<1x128xi32, #tpu.memory_space<vmem>> -> memref<128xi32, #tpu.memory_space<vmem>>
          %dma_start3A_438 = arith.constant 0 : i32
          %dma_start3A_439 = arith.constant 0 : i32
          %dma_start3A_440 = tpu.memref_slice %arg13[%dma_start3A_438, %dma_start3A_439] : memref<10240x128xf32, #tpu.memory_space<vmem_shared>> -> memref<10240x128xf32, #tpu.memory_space<vmem_shared>>
          tpu.enqueue_indirect_dma source(%arg9 : memref<128x128xf32, #tpu.memory_space<vmem>>) target(%dma_start3A_440 : memref<10240x128xf32, #tpu.memory_space<vmem_shared>>) offsets(%dma_start3A_437 : memref<128xi32, #tpu.memory_space<vmem>>) semaphore(%run_scoped3A_434 : memref<!tpu.dma_semaphore, #tpu.memory_space<semaphore_mem>>) {add = true}
          %dma_wait3A_441 = arith.constant 0 : i32
          %dma_wait3A_442 = tpu.memref_slice %arg8[%run_scoped3A, %dma_wait3A_441] : memref<4x128xi32, #tpu.memory_space<vmem>> -> memref<1x128xi32, #tpu.memory_space<vmem>>
          %dma_wait3A_443 = tpu.memref_squeeze %dma_wait3A_442 : memref<1x128xi32, #tpu.memory_space<vmem>> -> memref<128xi32, #tpu.memory_space<vmem>>
          %dma_wait3A_444 = arith.constant 0 : i32
          %dma_wait3A_445 = arith.constant 0 : i32
          %dma_wait3A_446 = tpu.memref_slice %arg13[%dma_wait3A_444, %dma_wait3A_445] : memref<10240x128xf32, #tpu.memory_space<vmem_shared>> -> memref<10240x128xf32, #tpu.memory_space<vmem_shared>>
          tpu.wait_indirect_dma semaphore(%run_scoped3A_434 : memref<!tpu.dma_semaphore, #tpu.memory_space<semaphore_mem>>) src(%arg9 : memref<128x128xf32, #tpu.memory_space<vmem>>) dst(%dma_wait3A_446 : memref<10240x128xf32, #tpu.memory_space<vmem_shared>>)
          tpu.yield
        }) : () -> ()
        %lt3A = arith.constant 39 : i32
        %lt3A_421 = arith.cmpi slt, %scan3A_227, %lt3A : i32
        %convert_element_type3A_422 = arith.extui %lt3A_421 : i1 to i32
        %cond3A_423 = arith.constant 0 : i32
        %cond3A_424 = arith.cmpi ne, %convert_element_type3A_422, %cond3A_423 : i32
        scf.if %cond3A_424 {
          %add3A_434 = arith.constant 2 : i32
          %add3A_435 = arith.addi %mul3A_230, %add3A_434 : i32
          %get3A_436 = arith.index_cast %add3A_435 : i32 to index
          %get3A_437 = arith.constant 0 : index
          %get3A_438 = tpu.vector_load %arg7[%get3A_436, %get3A_437] {strides = array<i32>} : memref<80x128xi32, #tpu.memory_space<vmem>>, vector<1x16xi32>,
          %get3A_439 = vector.shape_cast %get3A_438 : vector<1x16xi32> to vector<16xi32>
          %and3A_440 = arith.constant 16383 : i32
          %and3A_441 = vector.broadcast %and3A_440 : i32 to vector<16xi32>
          %and3A_442 = arith.andi %get3A_439, %and3A_441 : vector<16xi32>
          %swap3A_443 = arith.constant 0 : i32
          %swap3A_444 = arith.index_cast %swap3A_443 : i32 to index
          %swap3A_445 = arith.constant 0 : index
          %swap3A_446 = tpu.vector_load %arg8[%swap3A_444, %swap3A_445] {strides = array<i32>} : memref<4x128xi32, #tpu.memory_space<vmem>>, vector<1x16xi32>,
          %swap3A_447 = vector.shape_cast %swap3A_446 : vector<1x16xi32> to vector<16xi32>
          %swap3A_448 = vector.shape_cast %and3A_442 : vector<16xi32> to vector<1x16xi32>
          tpu.vector_store %arg8[%swap3A_444, %swap3A_445], %swap3A_448 {strides = array<i32>} : memref<4x128xi32, #tpu.memory_space<vmem>>, vector<1x16xi32>,
          %shift_right_arithmetic3A_449 = arith.constant 14 : i32
          %shift_right_arithmetic3A_450 = vector.broadcast %shift_right_arithmetic3A_449 : i32 to vector<16xi32>
          %shift_right_arithmetic3A_451 = arith.shrsi %get3A_439, %shift_right_arithmetic3A_450 : vector<16xi32>
          %swap3A_452 = arith.constant 2 : i32
          %swap3A_453 = arith.index_cast %swap3A_452 : i32 to index
          %swap3A_454 = arith.constant 0 : index
          %swap3A_455 = tpu.vector_load %arg8[%swap3A_453, %swap3A_454] {strides = array<i32>} : memref<4x128xi32, #tpu.memory_space<vmem>>, vector<1x16xi32>,
          %swap3A_456 = vector.shape_cast %swap3A_455 : vector<1x16xi32> to vector<16xi32>
          %swap3A_457 = vector.shape_cast %shift_right_arithmetic3A_451 : vector<16xi32> to vector<1x16xi32>
          tpu.vector_store %arg8[%swap3A_453, %swap3A_454], %swap3A_457 {strides = array<i32>} : memref<4x128xi32, #tpu.memory_space<vmem>>, vector<1x16xi32>,
          %get3A_458 = arith.index_cast %add3A_435 : i32 to index
          %get3A_459 = arith.constant 16 : index
          %get3A_460 = tpu.vector_load %arg7[%get3A_458, %get3A_459] {strides = array<i32>} : memref<80x128xi32, #tpu.memory_space<vmem>>, vector<1x16xi32>,
          %get3A_461 = vector.shape_cast %get3A_460 : vector<1x16xi32> to vector<16xi32>
          %and3A_462 = arith.constant 16383 : i32
          %and3A_463 = vector.broadcast %and3A_462 : i32 to vector<16xi32>
          %and3A_464 = arith.andi %get3A_461, %and3A_463 : vector<16xi32>
          %swap3A_465 = arith.constant 0 : i32
          %swap3A_466 = arith.index_cast %swap3A_465 : i32 to index
          %swap3A_467 = arith.constant 16 : index
          %swap3A_468 = tpu.vector_load %arg8[%swap3A_466, %swap3A_467] {strides = array<i32>} : memref<4x128xi32, #tpu.memory_space<vmem>>, vector<1x16xi32>,
          %swap3A_469 = vector.shape_cast %swap3A_468 : vector<1x16xi32> to vector<16xi32>
          %swap3A_470 = vector.shape_cast %and3A_464 : vector<16xi32> to vector<1x16xi32>
          tpu.vector_store %arg8[%swap3A_466, %swap3A_467], %swap3A_470 {strides = array<i32>} : memref<4x128xi32, #tpu.memory_space<vmem>>, vector<1x16xi32>,
          %shift_right_arithmetic3A_471 = arith.constant 14 : i32
          %shift_right_arithmetic3A_472 = vector.broadcast %shift_right_arithmetic3A_471 : i32 to vector<16xi32>
          %shift_right_arithmetic3A_473 = arith.shrsi %get3A_461, %shift_right_arithmetic3A_472 : vector<16xi32>
          %swap3A_474 = arith.constant 2 : i32
          %swap3A_475 = arith.index_cast %swap3A_474 : i32 to index
          %swap3A_476 = arith.constant 16 : index
          %swap3A_477 = tpu.vector_load %arg8[%swap3A_475, %swap3A_476] {strides = array<i32>} : memref<4x128xi32, #tpu.memory_space<vmem>>, vector<1x16xi32>,
          %swap3A_478 = vector.shape_cast %swap3A_477 : vector<1x16xi32> to vector<16xi32>
          %swap3A_479 = vector.shape_cast %shift_right_arithmetic3A_473 : vector<16xi32> to vector<1x16xi32>
          tpu.vector_store %arg8[%swap3A_475, %swap3A_476], %swap3A_479 {strides = array<i32>} : memref<4x128xi32, #tpu.memory_space<vmem>>, vector<1x16xi32>,
          %get3A_480 = arith.index_cast %add3A_435 : i32 to index
          %get3A_481 = arith.constant 32 : index
          %get3A_482 = tpu.vector_load %arg7[%get3A_480, %get3A_481] {strides = array<i32>} : memref<80x128xi32, #tpu.memory_space<vmem>>, vector<1x16xi32>,
          %get3A_483 = vector.shape_cast %get3A_482 : vector<1x16xi32> to vector<16xi32>
          %and3A_484 = arith.constant 16383 : i32
          %and3A_485 = vector.broadcast %and3A_484 : i32 to vector<16xi32>
          %and3A_486 = arith.andi %get3A_483, %and3A_485 : vector<16xi32>
          %swap3A_487 = arith.constant 0 : i32
          %swap3A_488 = arith.index_cast %swap3A_487 : i32 to index
          %swap3A_489 = arith.constant 32 : index
          %swap3A_490 = tpu.vector_load %arg8[%swap3A_488, %swap3A_489] {strides = array<i32>} : memref<4x128xi32, #tpu.memory_space<vmem>>, vector<1x16xi32>,
          %swap3A_491 = vector.shape_cast %swap3A_490 : vector<1x16xi32> to vector<16xi32>
          %swap3A_492 = vector.shape_cast %and3A_486 : vector<16xi32> to vector<1x16xi32>
          tpu.vector_store %arg8[%swap3A_488, %swap3A_489], %swap3A_492 {strides = array<i32>} : memref<4x128xi32, #tpu.memory_space<vmem>>, vector<1x16xi32>,
          %shift_right_arithmetic3A_493 = arith.constant 14 : i32
          %shift_right_arithmetic3A_494 = vector.broadcast %shift_right_arithmetic3A_493 : i32 to vector<16xi32>
          %shift_right_arithmetic3A_495 = arith.shrsi %get3A_483, %shift_right_arithmetic3A_494 : vector<16xi32>
          %swap3A_496 = arith.constant 2 : i32
          %swap3A_497 = arith.index_cast %swap3A_496 : i32 to index
          %swap3A_498 = arith.constant 32 : index
          %swap3A_499 = tpu.vector_load %arg8[%swap3A_497, %swap3A_498] {strides = array<i32>} : memref<4x128xi32, #tpu.memory_space<vmem>>, vector<1x16xi32>,
          %swap3A_500 = vector.shape_cast %swap3A_499 : vector<1x16xi32> to vector<16xi32>
          %swap3A_501 = vector.shape_cast %shift_right_arithmetic3A_495 : vector<16xi32> to vector<1x16xi32>
          tpu.vector_store %arg8[%swap3A_497, %swap3A_498], %swap3A_501 {strides = array<i32>} : memref<4x128xi32, #tpu.memory_space<vmem>>, vector<1x16xi32>,
          %get3A_502 = arith.index_cast %add3A_435 : i32 to index
          %get3A_503 = arith.constant 48 : index
          %get3A_504 = tpu.vector_load %arg7[%get3A_502, %get3A_503] {strides = array<i32>} : memref<80x128xi32, #tpu.memory_space<vmem>>, vector<1x16xi32>,
          %get3A_505 = vector.shape_cast %get3A_504 : vector<1x16xi32> to vector<16xi32>
          %and3A_506 = arith.constant 16383 : i32
          %and3A_507 = vector.broadcast %and3A_506 : i32 to vector<16xi32>
          %and3A_508 = arith.andi %get3A_505, %and3A_507 : vector<16xi32>
          %swap3A_509 = arith.constant 0 : i32
          %swap3A_510 = arith.index_cast %swap3A_509 : i32 to index
          %swap3A_511 = arith.constant 48 : index
          %swap3A_512 = tpu.vector_load %arg8[%swap3A_510, %swap3A_511] {strides = array<i32>} : memref<4x128xi32, #tpu.memory_space<vmem>>, vector<1x16xi32>,
          %swap3A_513 = vector.shape_cast %swap3A_512 : vector<1x16xi32> to vector<16xi32>
          %swap3A_514 = vector.shape_cast %and3A_508 : vector<16xi32> to vector<1x16xi32>
          tpu.vector_store %arg8[%swap3A_510, %swap3A_511], %swap3A_514 {strides = array<i32>} : memref<4x128xi32, #tpu.memory_space<vmem>>, vector<1x16xi32>,
          %shift_right_arithmetic3A_515 = arith.constant 14 : i32
          %shift_right_arithmetic3A_516 = vector.broadcast %shift_right_arithmetic3A_515 : i32 to vector<16xi32>
          %shift_right_arithmetic3A_517 = arith.shrsi %get3A_505, %shift_right_arithmetic3A_516 : vector<16xi32>
          %swap3A_518 = arith.constant 2 : i32
          %swap3A_519 = arith.index_cast %swap3A_518 : i32 to index
          %swap3A_520 = arith.constant 48 : index
          %swap3A_521 = tpu.vector_load %arg8[%swap3A_519, %swap3A_520] {strides = array<i32>} : memref<4x128xi32, #tpu.memory_space<vmem>>, vector<1x16xi32>,
          %swap3A_522 = vector.shape_cast %swap3A_521 : vector<1x16xi32> to vector<16xi32>
          %swap3A_523 = vector.shape_cast %shift_right_arithmetic3A_517 : vector<16xi32> to vector<1x16xi32>
          tpu.vector_store %arg8[%swap3A_519, %swap3A_520], %swap3A_523 {strides = array<i32>} : memref<4x128xi32, #tpu.memory_space<vmem>>, vector<1x16xi32>,
          %get3A_524 = arith.index_cast %add3A_435 : i32 to index
          %get3A_525 = arith.constant 64 : index
          %get3A_526 = tpu.vector_load %arg7[%get3A_524, %get3A_525] {strides = array<i32>} : memref<80x128xi32, #tpu.memory_space<vmem>>, vector<1x16xi32>,
          %get3A_527 = vector.shape_cast %get3A_526 : vector<1x16xi32> to vector<16xi32>
          %and3A_528 = arith.constant 16383 : i32
          %and3A_529 = vector.broadcast %and3A_528 : i32 to vector<16xi32>
          %and3A_530 = arith.andi %get3A_527, %and3A_529 : vector<16xi32>
          %swap3A_531 = arith.constant 0 : i32
          %swap3A_532 = arith.index_cast %swap3A_531 : i32 to index
          %swap3A_533 = arith.constant 64 : index
          %swap3A_534 = tpu.vector_load %arg8[%swap3A_532, %swap3A_533] {strides = array<i32>} : memref<4x128xi32, #tpu.memory_space<vmem>>, vector<1x16xi32>,
          %swap3A_535 = vector.shape_cast %swap3A_534 : vector<1x16xi32> to vector<16xi32>
          %swap3A_536 = vector.shape_cast %and3A_530 : vector<16xi32> to vector<1x16xi32>
          tpu.vector_store %arg8[%swap3A_532, %swap3A_533], %swap3A_536 {strides = array<i32>} : memref<4x128xi32, #tpu.memory_space<vmem>>, vector<1x16xi32>,
          %shift_right_arithmetic3A_537 = arith.constant 14 : i32
          %shift_right_arithmetic3A_538 = vector.broadcast %shift_right_arithmetic3A_537 : i32 to vector<16xi32>
          %shift_right_arithmetic3A_539 = arith.shrsi %get3A_527, %shift_right_arithmetic3A_538 : vector<16xi32>
          %swap3A_540 = arith.constant 2 : i32
          %swap3A_541 = arith.index_cast %swap3A_540 : i32 to index
          %swap3A_542 = arith.constant 64 : index
          %swap3A_543 = tpu.vector_load %arg8[%swap3A_541, %swap3A_542] {strides = array<i32>} : memref<4x128xi32, #tpu.memory_space<vmem>>, vector<1x16xi32>,
          %swap3A_544 = vector.shape_cast %swap3A_543 : vector<1x16xi32> to vector<16xi32>
          %swap3A_545 = vector.shape_cast %shift_right_arithmetic3A_539 : vector<16xi32> to vector<1x16xi32>
          tpu.vector_store %arg8[%swap3A_541, %swap3A_542], %swap3A_545 {strides = array<i32>} : memref<4x128xi32, #tpu.memory_space<vmem>>, vector<1x16xi32>,
          %get3A_546 = arith.index_cast %add3A_435 : i32 to index
          %get3A_547 = arith.constant 80 : index
          %get3A_548 = tpu.vector_load %arg7[%get3A_546, %get3A_547] {strides = array<i32>} : memref<80x128xi32, #tpu.memory_space<vmem>>, vector<1x16xi32>,
          %get3A_549 = vector.shape_cast %get3A_548 : vector<1x16xi32> to vector<16xi32>
          %and3A_550 = arith.constant 16383 : i32
          %and3A_551 = vector.broadcast %and3A_550 : i32 to vector<16xi32>
          %and3A_552 = arith.andi %get3A_549, %and3A_551 : vector<16xi32>
          %swap3A_553 = arith.constant 0 : i32
          %swap3A_554 = arith.index_cast %swap3A_553 : i32 to index
          %swap3A_555 = arith.constant 80 : index
          %swap3A_556 = tpu.vector_load %arg8[%swap3A_554, %swap3A_555] {strides = array<i32>} : memref<4x128xi32, #tpu.memory_space<vmem>>, vector<1x16xi32>,
          %swap3A_557 = vector.shape_cast %swap3A_556 : vector<1x16xi32> to vector<16xi32>
          %swap3A_558 = vector.shape_cast %and3A_552 : vector<16xi32> to vector<1x16xi32>
          tpu.vector_store %arg8[%swap3A_554, %swap3A_555], %swap3A_558 {strides = array<i32>} : memref<4x128xi32, #tpu.memory_space<vmem>>, vector<1x16xi32>,
          %shift_right_arithmetic3A_559 = arith.constant 14 : i32
          %shift_right_arithmetic3A_560 = vector.broadcast %shift_right_arithmetic3A_559 : i32 to vector<16xi32>
          %shift_right_arithmetic3A_561 = arith.shrsi %get3A_549, %shift_right_arithmetic3A_560 : vector<16xi32>
          %swap3A_562 = arith.constant 2 : i32
          %swap3A_563 = arith.index_cast %swap3A_562 : i32 to index
          %swap3A_564 = arith.constant 80 : index
          %swap3A_565 = tpu.vector_load %arg8[%swap3A_563, %swap3A_564] {strides = array<i32>} : memref<4x128xi32, #tpu.memory_space<vmem>>, vector<1x16xi32>,
          %swap3A_566 = vector.shape_cast %swap3A_565 : vector<1x16xi32> to vector<16xi32>
          %swap3A_567 = vector.shape_cast %shift_right_arithmetic3A_561 : vector<16xi32> to vector<1x16xi32>
          tpu.vector_store %arg8[%swap3A_563, %swap3A_564], %swap3A_567 {strides = array<i32>} : memref<4x128xi32, #tpu.memory_space<vmem>>, vector<1x16xi32>,
          %get3A_568 = arith.index_cast %add3A_435 : i32 to index
          %get3A_569 = arith.constant 96 : index
          %get3A_570 = tpu.vector_load %arg7[%get3A_568, %get3A_569] {strides = array<i32>} : memref<80x128xi32, #tpu.memory_space<vmem>>, vector<1x16xi32>,
          %get3A_571 = vector.shape_cast %get3A_570 : vector<1x16xi32> to vector<16xi32>
          %and3A_572 = arith.constant 16383 : i32
          %and3A_573 = vector.broadcast %and3A_572 : i32 to vector<16xi32>
          %and3A_574 = arith.andi %get3A_571, %and3A_573 : vector<16xi32>
          %swap3A_575 = arith.constant 0 : i32
          %swap3A_576 = arith.index_cast %swap3A_575 : i32 to index
          %swap3A_577 = arith.constant 96 : index
          %swap3A_578 = tpu.vector_load %arg8[%swap3A_576, %swap3A_577] {strides = array<i32>} : memref<4x128xi32, #tpu.memory_space<vmem>>, vector<1x16xi32>,
          %swap3A_579 = vector.shape_cast %swap3A_578 : vector<1x16xi32> to vector<16xi32>
          %swap3A_580 = vector.shape_cast %and3A_574 : vector<16xi32> to vector<1x16xi32>
          tpu.vector_store %arg8[%swap3A_576, %swap3A_577], %swap3A_580 {strides = array<i32>} : memref<4x128xi32, #tpu.memory_space<vmem>>, vector<1x16xi32>,
          %shift_right_arithmetic3A_581 = arith.constant 14 : i32
          %shift_right_arithmetic3A_582 = vector.broadcast %shift_right_arithmetic3A_581 : i32 to vector<16xi32>
          %shift_right_arithmetic3A_583 = arith.shrsi %get3A_571, %shift_right_arithmetic3A_582 : vector<16xi32>
          %swap3A_584 = arith.constant 2 : i32
          %swap3A_585 = arith.index_cast %swap3A_584 : i32 to index
          %swap3A_586 = arith.constant 96 : index
          %swap3A_587 = tpu.vector_load %arg8[%swap3A_585, %swap3A_586] {strides = array<i32>} : memref<4x128xi32, #tpu.memory_space<vmem>>, vector<1x16xi32>,
          %swap3A_588 = vector.shape_cast %swap3A_587 : vector<1x16xi32> to vector<16xi32>
          %swap3A_589 = vector.shape_cast %shift_right_arithmetic3A_583 : vector<16xi32> to vector<1x16xi32>
          tpu.vector_store %arg8[%swap3A_585, %swap3A_586], %swap3A_589 {strides = array<i32>} : memref<4x128xi32, #tpu.memory_space<vmem>>, vector<1x16xi32>,
          %get3A_590 = arith.index_cast %add3A_435 : i32 to index
          %get3A_591 = arith.constant 112 : index
          %get3A_592 = tpu.vector_load %arg7[%get3A_590, %get3A_591] {strides = array<i32>} : memref<80x128xi32, #tpu.memory_space<vmem>>, vector<1x16xi32>,
          %get3A_593 = vector.shape_cast %get3A_592 : vector<1x16xi32> to vector<16xi32>
          %and3A_594 = arith.constant 16383 : i32
          %and3A_595 = vector.broadcast %and3A_594 : i32 to vector<16xi32>
          %and3A_596 = arith.andi %get3A_593, %and3A_595 : vector<16xi32>
          %swap3A_597 = arith.constant 0 : i32
          %swap3A_598 = arith.index_cast %swap3A_597 : i32 to index
          %swap3A_599 = arith.constant 112 : index
          %swap3A_600 = tpu.vector_load %arg8[%swap3A_598, %swap3A_599] {strides = array<i32>} : memref<4x128xi32, #tpu.memory_space<vmem>>, vector<1x16xi32>,
          %swap3A_601 = vector.shape_cast %swap3A_600 : vector<1x16xi32> to vector<16xi32>
          %swap3A_602 = vector.shape_cast %and3A_596 : vector<16xi32> to vector<1x16xi32>
          tpu.vector_store %arg8[%swap3A_598, %swap3A_599], %swap3A_602 {strides = array<i32>} : memref<4x128xi32, #tpu.memory_space<vmem>>, vector<1x16xi32>,
          %shift_right_arithmetic3A_603 = arith.constant 14 : i32
          %shift_right_arithmetic3A_604 = vector.broadcast %shift_right_arithmetic3A_603 : i32 to vector<16xi32>
          %shift_right_arithmetic3A_605 = arith.shrsi %get3A_593, %shift_right_arithmetic3A_604 : vector<16xi32>
          %swap3A_606 = arith.constant 2 : i32
          %swap3A_607 = arith.index_cast %swap3A_606 : i32 to index
          %swap3A_608 = arith.constant 112 : index
          %swap3A_609 = tpu.vector_load %arg8[%swap3A_607, %swap3A_608] {strides = array<i32>} : memref<4x128xi32, #tpu.memory_space<vmem>>, vector<1x16xi32>,
          %swap3A_610 = vector.shape_cast %swap3A_609 : vector<1x16xi32> to vector<16xi32>
          %swap3A_611 = vector.shape_cast %shift_right_arithmetic3A_605 : vector<16xi32> to vector<1x16xi32>
          tpu.vector_store %arg8[%swap3A_607, %swap3A_608], %swap3A_611 {strides = array<i32>} : memref<4x128xi32, #tpu.memory_space<vmem>>, vector<1x16xi32>,
          %dma_start3A_612 = arith.constant 0 : i32
          %dma_start3A_613 = arith.constant 0 : i32
          %dma_start3A_614 = tpu.memref_slice %arg8[%dma_start3A_612, %dma_start3A_613] : memref<4x128xi32, #tpu.memory_space<vmem>> -> memref<1x128xi32, #tpu.memory_space<vmem>>
          %dma_start3A_615 = tpu.memref_squeeze %dma_start3A_614 : memref<1x128xi32, #tpu.memory_space<vmem>> -> memref<128xi32, #tpu.memory_space<vmem>>
          %dma_start3A_616 = arith.constant 0 : i32
          %dma_start3A_617 = arith.constant 0 : i32
          %dma_start3A_618 = tpu.memref_slice %arg2[%dma_start3A_616, %dma_start3A_617] : memref<10240x128xf32, #tpu.memory_space<hbm>> -> memref<10240x128xf32, #tpu.memory_space<hbm>>
          tpu.enqueue_indirect_dma source(%dma_start3A_618 : memref<10240x128xf32, #tpu.memory_space<hbm>>) target(%arg9 : memref<128x128xf32, #tpu.memory_space<vmem>>) offsets(%dma_start3A_615 : memref<128xi32, #tpu.memory_space<vmem>>) semaphore(%arg11 : memref<!tpu.dma_semaphore, #tpu.memory_space<semaphore_mem>>)
        } else {
        }
        %dma_wait3A_425 = arith.constant 1 : i32
        %dma_wait3A_426 = arith.constant 0 : i32
        %dma_wait3A_427 = tpu.memref_slice %arg8[%dma_wait3A_425, %dma_wait3A_426] : memref<4x128xi32, #tpu.memory_space<vmem>> -> memref<1x128xi32, #tpu.memory_space<vmem>>
        %dma_wait3A_428 = tpu.memref_squeeze %dma_wait3A_427 : memref<1x128xi32, #tpu.memory_space<vmem>> -> memref<128xi32, #tpu.memory_space<vmem>>
        %dma_wait3A_429 = arith.constant 0 : i32
        %dma_wait3A_430 = arith.constant 0 : i32
        %dma_wait3A_431 = tpu.memref_slice %arg2[%dma_wait3A_429, %dma_wait3A_430] : memref<10240x128xf32, #tpu.memory_space<hbm>> -> memref<10240x128xf32, #tpu.memory_space<hbm>>
        tpu.wait_indirect_dma semaphore(%arg12 : memref<!tpu.dma_semaphore, #tpu.memory_space<semaphore_mem>>) src(%dma_wait3A_431 : memref<10240x128xf32, #tpu.memory_space<hbm>>) dst(%arg10 : memref<128x128xf32, #tpu.memory_space<vmem>>)
        %run_scoped3A_432 = arith.constant 3 : i32
        "tpu.region"() ({
          %run_scoped3A_434 = tpu.sem_alloc : memref<!tpu.dma_semaphore, #tpu.memory_space<semaphore_mem>>
          %dma_start3A_435 = arith.constant 0 : i32
          %dma_start3A_436 = tpu.memref_slice %arg8[%run_scoped3A_432, %dma_start3A_435] : memref<4x128xi32, #tpu.memory_space<vmem>> -> memref<1x128xi32, #tpu.memory_space<vmem>>
          %dma_start3A_437 = tpu.memref_squeeze %dma_start3A_436 : memref<1x128xi32, #tpu.memory_space<vmem>> -> memref<128xi32, #tpu.memory_space<vmem>>
          %dma_start3A_438 = arith.constant 0 : i32
          %dma_start3A_439 = arith.constant 0 : i32
          %dma_start3A_440 = tpu.memref_slice %arg13[%dma_start3A_438, %dma_start3A_439] : memref<10240x128xf32, #tpu.memory_space<vmem_shared>> -> memref<10240x128xf32, #tpu.memory_space<vmem_shared>>
          tpu.enqueue_indirect_dma source(%arg10 : memref<128x128xf32, #tpu.memory_space<vmem>>) target(%dma_start3A_440 : memref<10240x128xf32, #tpu.memory_space<vmem_shared>>) offsets(%dma_start3A_437 : memref<128xi32, #tpu.memory_space<vmem>>) semaphore(%run_scoped3A_434 : memref<!tpu.dma_semaphore, #tpu.memory_space<semaphore_mem>>) {add = true}
          %dma_wait3A_441 = arith.constant 0 : i32
          %dma_wait3A_442 = tpu.memref_slice %arg8[%run_scoped3A_432, %dma_wait3A_441] : memref<4x128xi32, #tpu.memory_space<vmem>> -> memref<1x128xi32, #tpu.memory_space<vmem>>
          %dma_wait3A_443 = tpu.memref_squeeze %dma_wait3A_442 : memref<1x128xi32, #tpu.memory_space<vmem>> -> memref<128xi32, #tpu.memory_space<vmem>>
          %dma_wait3A_444 = arith.constant 0 : i32
          %dma_wait3A_445 = arith.constant 0 : i32
          %dma_wait3A_446 = tpu.memref_slice %arg13[%dma_wait3A_444, %dma_wait3A_445] : memref<10240x128xf32, #tpu.memory_space<vmem_shared>> -> memref<10240x128xf32, #tpu.memory_space<vmem_shared>>
          tpu.wait_indirect_dma semaphore(%run_scoped3A_434 : memref<!tpu.dma_semaphore, #tpu.memory_space<semaphore_mem>>) src(%arg10 : memref<128x128xf32, #tpu.memory_space<vmem>>) dst(%dma_wait3A_446 : memref<10240x128xf32, #tpu.memory_space<vmem_shared>>)
          tpu.yield
        }) : () -> ()
        %scan3A_433 = arith.constant 0 : i32
        scf.yield %scan3A_433 : i32
      }
      %scan3A_226 = arith.constant 40 : i32
    } else {
    }
    %eq3A_16 = arith.constant 1 : i32
    %eq3A_17 = arith.cmpi eq, %arg0, %eq3A_16 : i32
    %convert_element_type3A_18 = arith.extui %eq3A_17 : i1 to i32
    %cond3A_19 = arith.constant 0 : i32
    %cond3A_20 = arith.cmpi ne, %convert_element_type3A_18, %cond3A_19 : i32
    scf.if %cond3A_20 {
      %get3A = arith.constant 0 : i32
      %get3A_34 = arith.index_cast %get3A : i32 to index
      %get3A_35 = arith.constant 0 : index
      %get3A_36 = tpu.vector_load %arg7[%get3A_34, %get3A_35] {strides = array<i32>} : memref<80x128xi32, #tpu.memory_space<vmem>>, vector<1x16xi32>,
      %get3A_37 = vector.shape_cast %get3A_36 : vector<1x16xi32> to vector<16xi32>
      %and3A = arith.constant 16383 : i32
      %and3A_38 = vector.broadcast %and3A : i32 to vector<16xi32>
      %and3A_39 = arith.andi %get3A_37, %and3A_38 : vector<16xi32>
      %swap3A = arith.constant 0 : i32
      %swap3A_40 = arith.index_cast %swap3A : i32 to index
      %swap3A_41 = arith.constant 0 : index
      %swap3A_42 = tpu.vector_load %arg8[%swap3A_40, %swap3A_41] {strides = array<i32>} : memref<4x128xi32, #tpu.memory_space<vmem>>, vector<1x16xi32>,
      %swap3A_43 = vector.shape_cast %swap3A_42 : vector<1x16xi32> to vector<16xi32>
      %swap3A_44 = vector.shape_cast %and3A_39 : vector<16xi32> to vector<1x16xi32>
      tpu.vector_store %arg8[%swap3A_40, %swap3A_41], %swap3A_44 {strides = array<i32>} : memref<4x128xi32, #tpu.memory_space<vmem>>, vector<1x16xi32>,
      %shift_right_arithmetic3A = arith.constant 14 : i32
      %shift_right_arithmetic3A_45 = vector.broadcast %shift_right_arithmetic3A : i32 to vector<16xi32>
      %shift_right_arithmetic3A_46 = arith.shrsi %get3A_37, %shift_right_arithmetic3A_45 : vector<16xi32>
      %swap3A_47 = arith.constant 2 : i32
      %swap3A_48 = arith.index_cast %swap3A_47 : i32 to index
      %swap3A_49 = arith.constant 0 : index
      %swap3A_50 = tpu.vector_load %arg8[%swap3A_48, %swap3A_49] {strides = array<i32>} : memref<4x128xi32, #tpu.memory_space<vmem>>, vector<1x16xi32>,
      %swap3A_51 = vector.shape_cast %swap3A_50 : vector<1x16xi32> to vector<16xi32>
      %swap3A_52 = vector.shape_cast %shift_right_arithmetic3A_46 : vector<16xi32> to vector<1x16xi32>
      tpu.vector_store %arg8[%swap3A_48, %swap3A_49], %swap3A_52 {strides = array<i32>} : memref<4x128xi32, #tpu.memory_space<vmem>>, vector<1x16xi32>,
      %get3A_53 = arith.constant 0 : i32
      %get3A_54 = arith.index_cast %get3A_53 : i32 to index
      %get3A_55 = arith.constant 16 : index
      %get3A_56 = tpu.vector_load %arg7[%get3A_54, %get3A_55] {strides = array<i32>} : memref<80x128xi32, #tpu.memory_space<vmem>>, vector<1x16xi32>,
      %get3A_57 = vector.shape_cast %get3A_56 : vector<1x16xi32> to vector<16xi32>
      %and3A_58 = arith.constant 16383 : i32
      %and3A_59 = vector.broadcast %and3A_58 : i32 to vector<16xi32>
      %and3A_60 = arith.andi %get3A_57, %and3A_59 : vector<16xi32>
      %swap3A_61 = arith.constant 0 : i32
      %swap3A_62 = arith.index_cast %swap3A_61 : i32 to index
      %swap3A_63 = arith.constant 16 : index
      %swap3A_64 = tpu.vector_load %arg8[%swap3A_62, %swap3A_63] {strides = array<i32>} : memref<4x128xi32, #tpu.memory_space<vmem>>, vector<1x16xi32>,
      %swap3A_65 = vector.shape_cast %swap3A_64 : vector<1x16xi32> to vector<16xi32>
      %swap3A_66 = vector.shape_cast %and3A_60 : vector<16xi32> to vector<1x16xi32>
      tpu.vector_store %arg8[%swap3A_62, %swap3A_63], %swap3A_66 {strides = array<i32>} : memref<4x128xi32, #tpu.memory_space<vmem>>, vector<1x16xi32>,
      %shift_right_arithmetic3A_67 = arith.constant 14 : i32
      %shift_right_arithmetic3A_68 = vector.broadcast %shift_right_arithmetic3A_67 : i32 to vector<16xi32>
      %shift_right_arithmetic3A_69 = arith.shrsi %get3A_57, %shift_right_arithmetic3A_68 : vector<16xi32>
      %swap3A_70 = arith.constant 2 : i32
      %swap3A_71 = arith.index_cast %swap3A_70 : i32 to index
      %swap3A_72 = arith.constant 16 : index
      %swap3A_73 = tpu.vector_load %arg8[%swap3A_71, %swap3A_72] {strides = array<i32>} : memref<4x128xi32, #tpu.memory_space<vmem>>, vector<1x16xi32>,
      %swap3A_74 = vector.shape_cast %swap3A_73 : vector<1x16xi32> to vector<16xi32>
      %swap3A_75 = vector.shape_cast %shift_right_arithmetic3A_69 : vector<16xi32> to vector<1x16xi32>
      tpu.vector_store %arg8[%swap3A_71, %swap3A_72], %swap3A_75 {strides = array<i32>} : memref<4x128xi32, #tpu.memory_space<vmem>>, vector<1x16xi32>,
      %get3A_76 = arith.constant 0 : i32
      %get3A_77 = arith.index_cast %get3A_76 : i32 to index
      %get3A_78 = arith.constant 32 : index
      %get3A_79 = tpu.vector_load %arg7[%get3A_77, %get3A_78] {strides = array<i32>} : memref<80x128xi32, #tpu.memory_space<vmem>>, vector<1x16xi32>,
      %get3A_80 = vector.shape_cast %get3A_79 : vector<1x16xi32> to vector<16xi32>
      %and3A_81 = arith.constant 16383 : i32
      %and3A_82 = vector.broadcast %and3A_81 : i32 to vector<16xi32>
      %and3A_83 = arith.andi %get3A_80, %and3A_82 : vector<16xi32>
      %swap3A_84 = arith.constant 0 : i32
      %swap3A_85 = arith.index_cast %swap3A_84 : i32 to index
      %swap3A_86 = arith.constant 32 : index
      %swap3A_87 = tpu.vector_load %arg8[%swap3A_85, %swap3A_86] {strides = array<i32>} : memref<4x128xi32, #tpu.memory_space<vmem>>, vector<1x16xi32>,
      %swap3A_88 = vector.shape_cast %swap3A_87 : vector<1x16xi32> to vector<16xi32>
      %swap3A_89 = vector.shape_cast %and3A_83 : vector<16xi32> to vector<1x16xi32>
      tpu.vector_store %arg8[%swap3A_85, %swap3A_86], %swap3A_89 {strides = array<i32>} : memref<4x128xi32, #tpu.memory_space<vmem>>, vector<1x16xi32>,
      %shift_right_arithmetic3A_90 = arith.constant 14 : i32
      %shift_right_arithmetic3A_91 = vector.broadcast %shift_right_arithmetic3A_90 : i32 to vector<16xi32>
      %shift_right_arithmetic3A_92 = arith.shrsi %get3A_80, %shift_right_arithmetic3A_91 : vector<16xi32>
      %swap3A_93 = arith.constant 2 : i32
      %swap3A_94 = arith.index_cast %swap3A_93 : i32 to index
      %swap3A_95 = arith.constant 32 : index
      %swap3A_96 = tpu.vector_load %arg8[%swap3A_94, %swap3A_95] {strides = array<i32>} : memref<4x128xi32, #tpu.memory_space<vmem>>, vector<1x16xi32>,
      %swap3A_97 = vector.shape_cast %swap3A_96 : vector<1x16xi32> to vector<16xi32>
      %swap3A_98 = vector.shape_cast %shift_right_arithmetic3A_92 : vector<16xi32> to vector<1x16xi32>
      tpu.vector_store %arg8[%swap3A_94, %swap3A_95], %swap3A_98 {strides = array<i32>} : memref<4x128xi32, #tpu.memory_space<vmem>>, vector<1x16xi32>,
      %get3A_99 = arith.constant 0 : i32
      %get3A_100 = arith.index_cast %get3A_99 : i32 to index
      %get3A_101 = arith.constant 48 : index
      %get3A_102 = tpu.vector_load %arg7[%get3A_100, %get3A_101] {strides = array<i32>} : memref<80x128xi32, #tpu.memory_space<vmem>>, vector<1x16xi32>,
      %get3A_103 = vector.shape_cast %get3A_102 : vector<1x16xi32> to vector<16xi32>
      %and3A_104 = arith.constant 16383 : i32
      %and3A_105 = vector.broadcast %and3A_104 : i32 to vector<16xi32>
      %and3A_106 = arith.andi %get3A_103, %and3A_105 : vector<16xi32>
      %swap3A_107 = arith.constant 0 : i32
      %swap3A_108 = arith.index_cast %swap3A_107 : i32 to index
      %swap3A_109 = arith.constant 48 : index
      %swap3A_110 = tpu.vector_load %arg8[%swap3A_108, %swap3A_109] {strides = array<i32>} : memref<4x128xi32, #tpu.memory_space<vmem>>, vector<1x16xi32>,
      %swap3A_111 = vector.shape_cast %swap3A_110 : vector<1x16xi32> to vector<16xi32>
      %swap3A_112 = vector.shape_cast %and3A_106 : vector<16xi32> to vector<1x16xi32>
      tpu.vector_store %arg8[%swap3A_108, %swap3A_109], %swap3A_112 {strides = array<i32>} : memref<4x128xi32, #tpu.memory_space<vmem>>, vector<1x16xi32>,
      %shift_right_arithmetic3A_113 = arith.constant 14 : i32
      %shift_right_arithmetic3A_114 = vector.broadcast %shift_right_arithmetic3A_113 : i32 to vector<16xi32>
      %shift_right_arithmetic3A_115 = arith.shrsi %get3A_103, %shift_right_arithmetic3A_114 : vector<16xi32>
      %swap3A_116 = arith.constant 2 : i32
      %swap3A_117 = arith.index_cast %swap3A_116 : i32 to index
      %swap3A_118 = arith.constant 48 : index
      %swap3A_119 = tpu.vector_load %arg8[%swap3A_117, %swap3A_118] {strides = array<i32>} : memref<4x128xi32, #tpu.memory_space<vmem>>, vector<1x16xi32>,
      %swap3A_120 = vector.shape_cast %swap3A_119 : vector<1x16xi32> to vector<16xi32>
      %swap3A_121 = vector.shape_cast %shift_right_arithmetic3A_115 : vector<16xi32> to vector<1x16xi32>
      tpu.vector_store %arg8[%swap3A_117, %swap3A_118], %swap3A_121 {strides = array<i32>} : memref<4x128xi32, #tpu.memory_space<vmem>>, vector<1x16xi32>,
      %get3A_122 = arith.constant 0 : i32
      %get3A_123 = arith.index_cast %get3A_122 : i32 to index
      %get3A_124 = arith.constant 64 : index
      %get3A_125 = tpu.vector_load %arg7[%get3A_123, %get3A_124] {strides = array<i32>} : memref<80x128xi32, #tpu.memory_space<vmem>>, vector<1x16xi32>,
      %get3A_126 = vector.shape_cast %get3A_125 : vector<1x16xi32> to vector<16xi32>
      %and3A_127 = arith.constant 16383 : i32
      %and3A_128 = vector.broadcast %and3A_127 : i32 to vector<16xi32>
      %and3A_129 = arith.andi %get3A_126, %and3A_128 : vector<16xi32>
      %swap3A_130 = arith.constant 0 : i32
      %swap3A_131 = arith.index_cast %swap3A_130 : i32 to index
      %swap3A_132 = arith.constant 64 : index
      %swap3A_133 = tpu.vector_load %arg8[%swap3A_131, %swap3A_132] {strides = array<i32>} : memref<4x128xi32, #tpu.memory_space<vmem>>, vector<1x16xi32>,
      %swap3A_134 = vector.shape_cast %swap3A_133 : vector<1x16xi32> to vector<16xi32>
      %swap3A_135 = vector.shape_cast %and3A_129 : vector<16xi32> to vector<1x16xi32>
      tpu.vector_store %arg8[%swap3A_131, %swap3A_132], %swap3A_135 {strides = array<i32>} : memref<4x128xi32, #tpu.memory_space<vmem>>, vector<1x16xi32>,
      %shift_right_arithmetic3A_136 = arith.constant 14 : i32
      %shift_right_arithmetic3A_137 = vector.broadcast %shift_right_arithmetic3A_136 : i32 to vector<16xi32>
      %shift_right_arithmetic3A_138 = arith.shrsi %get3A_126, %shift_right_arithmetic3A_137 : vector<16xi32>
      %swap3A_139 = arith.constant 2 : i32
      %swap3A_140 = arith.index_cast %swap3A_139 : i32 to index
      %swap3A_141 = arith.constant 64 : index
      %swap3A_142 = tpu.vector_load %arg8[%swap3A_140, %swap3A_141] {strides = array<i32>} : memref<4x128xi32, #tpu.memory_space<vmem>>, vector<1x16xi32>,
      %swap3A_143 = vector.shape_cast %swap3A_142 : vector<1x16xi32> to vector<16xi32>
      %swap3A_144 = vector.shape_cast %shift_right_arithmetic3A_138 : vector<16xi32> to vector<1x16xi32>
      tpu.vector_store %arg8[%swap3A_140, %swap3A_141], %swap3A_144 {strides = array<i32>} : memref<4x128xi32, #tpu.memory_space<vmem>>, vector<1x16xi32>,
      %get3A_145 = arith.constant 0 : i32
      %get3A_146 = arith.index_cast %get3A_145 : i32 to index
      %get3A_147 = arith.constant 80 : index
      %get3A_148 = tpu.vector_load %arg7[%get3A_146, %get3A_147] {strides = array<i32>} : memref<80x128xi32, #tpu.memory_space<vmem>>, vector<1x16xi32>,
      %get3A_149 = vector.shape_cast %get3A_148 : vector<1x16xi32> to vector<16xi32>
      %and3A_150 = arith.constant 16383 : i32
      %and3A_151 = vector.broadcast %and3A_150 : i32 to vector<16xi32>
      %and3A_152 = arith.andi %get3A_149, %and3A_151 : vector<16xi32>
      %swap3A_153 = arith.constant 0 : i32
      %swap3A_154 = arith.index_cast %swap3A_153 : i32 to index
      %swap3A_155 = arith.constant 80 : index
      %swap3A_156 = tpu.vector_load %arg8[%swap3A_154, %swap3A_155] {strides = array<i32>} : memref<4x128xi32, #tpu.memory_space<vmem>>, vector<1x16xi32>,
      %swap3A_157 = vector.shape_cast %swap3A_156 : vector<1x16xi32> to vector<16xi32>
      %swap3A_158 = vector.shape_cast %and3A_152 : vector<16xi32> to vector<1x16xi32>
      tpu.vector_store %arg8[%swap3A_154, %swap3A_155], %swap3A_158 {strides = array<i32>} : memref<4x128xi32, #tpu.memory_space<vmem>>, vector<1x16xi32>,
      %shift_right_arithmetic3A_159 = arith.constant 14 : i32
      %shift_right_arithmetic3A_160 = vector.broadcast %shift_right_arithmetic3A_159 : i32 to vector<16xi32>
      %shift_right_arithmetic3A_161 = arith.shrsi %get3A_149, %shift_right_arithmetic3A_160 : vector<16xi32>
      %swap3A_162 = arith.constant 2 : i32
      %swap3A_163 = arith.index_cast %swap3A_162 : i32 to index
      %swap3A_164 = arith.constant 80 : index
      %swap3A_165 = tpu.vector_load %arg8[%swap3A_163, %swap3A_164] {strides = array<i32>} : memref<4x128xi32, #tpu.memory_space<vmem>>, vector<1x16xi32>,
      %swap3A_166 = vector.shape_cast %swap3A_165 : vector<1x16xi32> to vector<16xi32>
      %swap3A_167 = vector.shape_cast %shift_right_arithmetic3A_161 : vector<16xi32> to vector<1x16xi32>
      tpu.vector_store %arg8[%swap3A_163, %swap3A_164], %swap3A_167 {strides = array<i32>} : memref<4x128xi32, #tpu.memory_space<vmem>>, vector<1x16xi32>,
      %get3A_168 = arith.constant 0 : i32
      %get3A_169 = arith.index_cast %get3A_168 : i32 to index
      %get3A_170 = arith.constant 96 : index
      %get3A_171 = tpu.vector_load %arg7[%get3A_169, %get3A_170] {strides = array<i32>} : memref<80x128xi32, #tpu.memory_space<vmem>>, vector<1x16xi32>,
      %get3A_172 = vector.shape_cast %get3A_171 : vector<1x16xi32> to vector<16xi32>
      %and3A_173 = arith.constant 16383 : i32
      %and3A_174 = vector.broadcast %and3A_173 : i32 to vector<16xi32>
      %and3A_175 = arith.andi %get3A_172, %and3A_174 : vector<16xi32>
      %swap3A_176 = arith.constant 0 : i32
      %swap3A_177 = arith.index_cast %swap3A_176 : i32 to index
      %swap3A_178 = arith.constant 96 : index
      %swap3A_179 = tpu.vector_load %arg8[%swap3A_177, %swap3A_178] {strides = array<i32>} : memref<4x128xi32, #tpu.memory_space<vmem>>, vector<1x16xi32>,
      %swap3A_180 = vector.shape_cast %swap3A_179 : vector<1x16xi32> to vector<16xi32>
      %swap3A_181 = vector.shape_cast %and3A_175 : vector<16xi32> to vector<1x16xi32>
      tpu.vector_store %arg8[%swap3A_177, %swap3A_178], %swap3A_181 {strides = array<i32>} : memref<4x128xi32, #tpu.memory_space<vmem>>, vector<1x16xi32>,
      %shift_right_arithmetic3A_182 = arith.constant 14 : i32
      %shift_right_arithmetic3A_183 = vector.broadcast %shift_right_arithmetic3A_182 : i32 to vector<16xi32>
      %shift_right_arithmetic3A_184 = arith.shrsi %get3A_172, %shift_right_arithmetic3A_183 : vector<16xi32>
      %swap3A_185 = arith.constant 2 : i32
      %swap3A_186 = arith.index_cast %swap3A_185 : i32 to index
      %swap3A_187 = arith.constant 96 : index
      %swap3A_188 = tpu.vector_load %arg8[%swap3A_186, %swap3A_187] {strides = array<i32>} : memref<4x128xi32, #tpu.memory_space<vmem>>, vector<1x16xi32>,
      %swap3A_189 = vector.shape_cast %swap3A_188 : vector<1x16xi32> to vector<16xi32>
      %swap3A_190 = vector.shape_cast %shift_right_arithmetic3A_184 : vector<16xi32> to vector<1x16xi32>
      tpu.vector_store %arg8[%swap3A_186, %swap3A_187], %swap3A_190 {strides = array<i32>} : memref<4x128xi32, #tpu.memory_space<vmem>>, vector<1x16xi32>,
      %get3A_191 = arith.constant 0 : i32
      %get3A_192 = arith.index_cast %get3A_191 : i32 to index
      %get3A_193 = arith.constant 112 : index
      %get3A_194 = tpu.vector_load %arg7[%get3A_192, %get3A_193] {strides = array<i32>} : memref<80x128xi32, #tpu.memory_space<vmem>>, vector<1x16xi32>,
      %get3A_195 = vector.shape_cast %get3A_194 : vector<1x16xi32> to vector<16xi32>
      %and3A_196 = arith.constant 16383 : i32
      %and3A_197 = vector.broadcast %and3A_196 : i32 to vector<16xi32>
      %and3A_198 = arith.andi %get3A_195, %and3A_197 : vector<16xi32>
      %swap3A_199 = arith.constant 0 : i32
      %swap3A_200 = arith.index_cast %swap3A_199 : i32 to index
      %swap3A_201 = arith.constant 112 : index
      %swap3A_202 = tpu.vector_load %arg8[%swap3A_200, %swap3A_201] {strides = array<i32>} : memref<4x128xi32, #tpu.memory_space<vmem>>, vector<1x16xi32>,
      %swap3A_203 = vector.shape_cast %swap3A_202 : vector<1x16xi32> to vector<16xi32>
      %swap3A_204 = vector.shape_cast %and3A_198 : vector<16xi32> to vector<1x16xi32>
      tpu.vector_store %arg8[%swap3A_200, %swap3A_201], %swap3A_204 {strides = array<i32>} : memref<4x128xi32, #tpu.memory_space<vmem>>, vector<1x16xi32>,
      %shift_right_arithmetic3A_205 = arith.constant 14 : i32
      %shift_right_arithmetic3A_206 = vector.broadcast %shift_right_arithmetic3A_205 : i32 to vector<16xi32>
      %shift_right_arithmetic3A_207 = arith.shrsi %get3A_195, %shift_right_arithmetic3A_206 : vector<16xi32>
      %swap3A_208 = arith.constant 2 : i32
      %swap3A_209 = arith.index_cast %swap3A_208 : i32 to index
      %swap3A_210 = arith.constant 112 : index
      %swap3A_211 = tpu.vector_load %arg8[%swap3A_209, %swap3A_210] {strides = array<i32>} : memref<4x128xi32, #tpu.memory_space<vmem>>, vector<1x16xi32>,
      %swap3A_212 = vector.shape_cast %swap3A_211 : vector<1x16xi32> to vector<16xi32>
      %swap3A_213 = vector.shape_cast %shift_right_arithmetic3A_207 : vector<16xi32> to vector<1x16xi32>
      tpu.vector_store %arg8[%swap3A_209, %swap3A_210], %swap3A_213 {strides = array<i32>} : memref<4x128xi32, #tpu.memory_space<vmem>>, vector<1x16xi32>,
      %dma_start3A = arith.constant 0 : i32
      %dma_start3A_214 = arith.constant 0 : i32
      %dma_start3A_215 = tpu.memref_slice %arg8[%dma_start3A, %dma_start3A_214] : memref<4x128xi32, #tpu.memory_space<vmem>> -> memref<1x128xi32, #tpu.memory_space<vmem>>
      %dma_start3A_216 = tpu.memref_squeeze %dma_start3A_215 : memref<1x128xi32, #tpu.memory_space<vmem>> -> memref<128xi32, #tpu.memory_space<vmem>>
      %dma_start3A_217 = arith.constant 0 : i32
      %dma_start3A_218 = arith.constant 0 : i32
      %dma_start3A_219 = tpu.memref_slice %arg3[%dma_start3A_217, %dma_start3A_218] : memref<10240x128xf32, #tpu.memory_space<hbm>> -> memref<10240x128xf32, #tpu.memory_space<hbm>>
      tpu.enqueue_indirect_dma source(%dma_start3A_219 : memref<10240x128xf32, #tpu.memory_space<hbm>>) target(%arg9 : memref<128x128xf32, #tpu.memory_space<vmem>>) offsets(%dma_start3A_216 : memref<128xi32, #tpu.memory_space<vmem>>) semaphore(%arg11 : memref<!tpu.dma_semaphore, #tpu.memory_space<semaphore_mem>>)
      %scan3A_220 = arith.constant 0 : i32
      %scan3A_221 = arith.constant 0 : i32
      %scan3A_222 = arith.constant 40 : i32
      %scan3A_223 = arith.addi %scan3A_221, %scan3A_222 : i32
      %scan3A_224 = arith.constant 1 : i32
      %scan3A_225 = scf.for %scan3A_227 = %scan3A_221 to %scan3A_223 step %scan3A_224 iter_args(%scan3A_228 = %scan3A_220) -> (i32)  : i32 {
        %mul3A_229 = arith.constant 2 : i32
        %mul3A_230 = arith.muli %scan3A_227, %mul3A_229 : i32
        %add3A = arith.constant 1 : i32
        %add3A_231 = arith.addi %mul3A_230, %add3A : i32
        %get3A_232 = arith.index_cast %add3A_231 : i32 to index
        %get3A_233 = arith.constant 0 : index
        %get3A_234 = tpu.vector_load %arg7[%get3A_232, %get3A_233] {strides = array<i32>} : memref<80x128xi32, #tpu.memory_space<vmem>>, vector<1x16xi32>,
        %get3A_235 = vector.shape_cast %get3A_234 : vector<1x16xi32> to vector<16xi32>
        %and3A_236 = arith.constant 16383 : i32
        %and3A_237 = vector.broadcast %and3A_236 : i32 to vector<16xi32>
        %and3A_238 = arith.andi %get3A_235, %and3A_237 : vector<16xi32>
        %swap3A_239 = arith.constant 1 : i32
        %swap3A_240 = arith.index_cast %swap3A_239 : i32 to index
        %swap3A_241 = arith.constant 0 : index
        %swap3A_242 = tpu.vector_load %arg8[%swap3A_240, %swap3A_241] {strides = array<i32>} : memref<4x128xi32, #tpu.memory_space<vmem>>, vector<1x16xi32>,
        %swap3A_243 = vector.shape_cast %swap3A_242 : vector<1x16xi32> to vector<16xi32>
        %swap3A_244 = vector.shape_cast %and3A_238 : vector<16xi32> to vector<1x16xi32>
        tpu.vector_store %arg8[%swap3A_240, %swap3A_241], %swap3A_244 {strides = array<i32>} : memref<4x128xi32, #tpu.memory_space<vmem>>, vector<1x16xi32>,
        %shift_right_arithmetic3A_245 = arith.constant 14 : i32
        %shift_right_arithmetic3A_246 = vector.broadcast %shift_right_arithmetic3A_245 : i32 to vector<16xi32>
        %shift_right_arithmetic3A_247 = arith.shrsi %get3A_235, %shift_right_arithmetic3A_246 : vector<16xi32>
        %swap3A_248 = arith.constant 3 : i32
        %swap3A_249 = arith.index_cast %swap3A_248 : i32 to index
        %swap3A_250 = arith.constant 0 : index
        %swap3A_251 = tpu.vector_load %arg8[%swap3A_249, %swap3A_250] {strides = array<i32>} : memref<4x128xi32, #tpu.memory_space<vmem>>, vector<1x16xi32>,
        %swap3A_252 = vector.shape_cast %swap3A_251 : vector<1x16xi32> to vector<16xi32>
        %swap3A_253 = vector.shape_cast %shift_right_arithmetic3A_247 : vector<16xi32> to vector<1x16xi32>
        tpu.vector_store %arg8[%swap3A_249, %swap3A_250], %swap3A_253 {strides = array<i32>} : memref<4x128xi32, #tpu.memory_space<vmem>>, vector<1x16xi32>,
        %get3A_254 = arith.index_cast %add3A_231 : i32 to index
        %get3A_255 = arith.constant 16 : index
        %get3A_256 = tpu.vector_load %arg7[%get3A_254, %get3A_255] {strides = array<i32>} : memref<80x128xi32, #tpu.memory_space<vmem>>, vector<1x16xi32>,
        %get3A_257 = vector.shape_cast %get3A_256 : vector<1x16xi32> to vector<16xi32>
        %and3A_258 = arith.constant 16383 : i32
        %and3A_259 = vector.broadcast %and3A_258 : i32 to vector<16xi32>
        %and3A_260 = arith.andi %get3A_257, %and3A_259 : vector<16xi32>
        %swap3A_261 = arith.constant 1 : i32
        %swap3A_262 = arith.index_cast %swap3A_261 : i32 to index
        %swap3A_263 = arith.constant 16 : index
        %swap3A_264 = tpu.vector_load %arg8[%swap3A_262, %swap3A_263] {strides = array<i32>} : memref<4x128xi32, #tpu.memory_space<vmem>>, vector<1x16xi32>,
        %swap3A_265 = vector.shape_cast %swap3A_264 : vector<1x16xi32> to vector<16xi32>
        %swap3A_266 = vector.shape_cast %and3A_260 : vector<16xi32> to vector<1x16xi32>
        tpu.vector_store %arg8[%swap3A_262, %swap3A_263], %swap3A_266 {strides = array<i32>} : memref<4x128xi32, #tpu.memory_space<vmem>>, vector<1x16xi32>,
        %shift_right_arithmetic3A_267 = arith.constant 14 : i32
        %shift_right_arithmetic3A_268 = vector.broadcast %shift_right_arithmetic3A_267 : i32 to vector<16xi32>
        %shift_right_arithmetic3A_269 = arith.shrsi %get3A_257, %shift_right_arithmetic3A_268 : vector<16xi32>
        %swap3A_270 = arith.constant 3 : i32
        %swap3A_271 = arith.index_cast %swap3A_270 : i32 to index
        %swap3A_272 = arith.constant 16 : index
        %swap3A_273 = tpu.vector_load %arg8[%swap3A_271, %swap3A_272] {strides = array<i32>} : memref<4x128xi32, #tpu.memory_space<vmem>>, vector<1x16xi32>,
        %swap3A_274 = vector.shape_cast %swap3A_273 : vector<1x16xi32> to vector<16xi32>
        %swap3A_275 = vector.shape_cast %shift_right_arithmetic3A_269 : vector<16xi32> to vector<1x16xi32>
        tpu.vector_store %arg8[%swap3A_271, %swap3A_272], %swap3A_275 {strides = array<i32>} : memref<4x128xi32, #tpu.memory_space<vmem>>, vector<1x16xi32>,
        %get3A_276 = arith.index_cast %add3A_231 : i32 to index
        %get3A_277 = arith.constant 32 : index
        %get3A_278 = tpu.vector_load %arg7[%get3A_276, %get3A_277] {strides = array<i32>} : memref<80x128xi32, #tpu.memory_space<vmem>>, vector<1x16xi32>,
        %get3A_279 = vector.shape_cast %get3A_278 : vector<1x16xi32> to vector<16xi32>
        %and3A_280 = arith.constant 16383 : i32
        %and3A_281 = vector.broadcast %and3A_280 : i32 to vector<16xi32>
        %and3A_282 = arith.andi %get3A_279, %and3A_281 : vector<16xi32>
        %swap3A_283 = arith.constant 1 : i32
        %swap3A_284 = arith.index_cast %swap3A_283 : i32 to index
        %swap3A_285 = arith.constant 32 : index
        %swap3A_286 = tpu.vector_load %arg8[%swap3A_284, %swap3A_285] {strides = array<i32>} : memref<4x128xi32, #tpu.memory_space<vmem>>, vector<1x16xi32>,
        %swap3A_287 = vector.shape_cast %swap3A_286 : vector<1x16xi32> to vector<16xi32>
        %swap3A_288 = vector.shape_cast %and3A_282 : vector<16xi32> to vector<1x16xi32>
        tpu.vector_store %arg8[%swap3A_284, %swap3A_285], %swap3A_288 {strides = array<i32>} : memref<4x128xi32, #tpu.memory_space<vmem>>, vector<1x16xi32>,
        %shift_right_arithmetic3A_289 = arith.constant 14 : i32
        %shift_right_arithmetic3A_290 = vector.broadcast %shift_right_arithmetic3A_289 : i32 to vector<16xi32>
        %shift_right_arithmetic3A_291 = arith.shrsi %get3A_279, %shift_right_arithmetic3A_290 : vector<16xi32>
        %swap3A_292 = arith.constant 3 : i32
        %swap3A_293 = arith.index_cast %swap3A_292 : i32 to index
        %swap3A_294 = arith.constant 32 : index
        %swap3A_295 = tpu.vector_load %arg8[%swap3A_293, %swap3A_294] {strides = array<i32>} : memref<4x128xi32, #tpu.memory_space<vmem>>, vector<1x16xi32>,
        %swap3A_296 = vector.shape_cast %swap3A_295 : vector<1x16xi32> to vector<16xi32>
        %swap3A_297 = vector.shape_cast %shift_right_arithmetic3A_291 : vector<16xi32> to vector<1x16xi32>
        tpu.vector_store %arg8[%swap3A_293, %swap3A_294], %swap3A_297 {strides = array<i32>} : memref<4x128xi32, #tpu.memory_space<vmem>>, vector<1x16xi32>,
        %get3A_298 = arith.index_cast %add3A_231 : i32 to index
        %get3A_299 = arith.constant 48 : index
        %get3A_300 = tpu.vector_load %arg7[%get3A_298, %get3A_299] {strides = array<i32>} : memref<80x128xi32, #tpu.memory_space<vmem>>, vector<1x16xi32>,
        %get3A_301 = vector.shape_cast %get3A_300 : vector<1x16xi32> to vector<16xi32>
        %and3A_302 = arith.constant 16383 : i32
        %and3A_303 = vector.broadcast %and3A_302 : i32 to vector<16xi32>
        %and3A_304 = arith.andi %get3A_301, %and3A_303 : vector<16xi32>
        %swap3A_305 = arith.constant 1 : i32
        %swap3A_306 = arith.index_cast %swap3A_305 : i32 to index
        %swap3A_307 = arith.constant 48 : index
        %swap3A_308 = tpu.vector_load %arg8[%swap3A_306, %swap3A_307] {strides = array<i32>} : memref<4x128xi32, #tpu.memory_space<vmem>>, vector<1x16xi32>,
        %swap3A_309 = vector.shape_cast %swap3A_308 : vector<1x16xi32> to vector<16xi32>
        %swap3A_310 = vector.shape_cast %and3A_304 : vector<16xi32> to vector<1x16xi32>
        tpu.vector_store %arg8[%swap3A_306, %swap3A_307], %swap3A_310 {strides = array<i32>} : memref<4x128xi32, #tpu.memory_space<vmem>>, vector<1x16xi32>,
        %shift_right_arithmetic3A_311 = arith.constant 14 : i32
        %shift_right_arithmetic3A_312 = vector.broadcast %shift_right_arithmetic3A_311 : i32 to vector<16xi32>
        %shift_right_arithmetic3A_313 = arith.shrsi %get3A_301, %shift_right_arithmetic3A_312 : vector<16xi32>
        %swap3A_314 = arith.constant 3 : i32
        %swap3A_315 = arith.index_cast %swap3A_314 : i32 to index
        %swap3A_316 = arith.constant 48 : index
        %swap3A_317 = tpu.vector_load %arg8[%swap3A_315, %swap3A_316] {strides = array<i32>} : memref<4x128xi32, #tpu.memory_space<vmem>>, vector<1x16xi32>,
        %swap3A_318 = vector.shape_cast %swap3A_317 : vector<1x16xi32> to vector<16xi32>
        %swap3A_319 = vector.shape_cast %shift_right_arithmetic3A_313 : vector<16xi32> to vector<1x16xi32>
        tpu.vector_store %arg8[%swap3A_315, %swap3A_316], %swap3A_319 {strides = array<i32>} : memref<4x128xi32, #tpu.memory_space<vmem>>, vector<1x16xi32>,
        %get3A_320 = arith.index_cast %add3A_231 : i32 to index
        %get3A_321 = arith.constant 64 : index
        %get3A_322 = tpu.vector_load %arg7[%get3A_320, %get3A_321] {strides = array<i32>} : memref<80x128xi32, #tpu.memory_space<vmem>>, vector<1x16xi32>,
        %get3A_323 = vector.shape_cast %get3A_322 : vector<1x16xi32> to vector<16xi32>
        %and3A_324 = arith.constant 16383 : i32
        %and3A_325 = vector.broadcast %and3A_324 : i32 to vector<16xi32>
        %and3A_326 = arith.andi %get3A_323, %and3A_325 : vector<16xi32>
        %swap3A_327 = arith.constant 1 : i32
        %swap3A_328 = arith.index_cast %swap3A_327 : i32 to index
        %swap3A_329 = arith.constant 64 : index
        %swap3A_330 = tpu.vector_load %arg8[%swap3A_328, %swap3A_329] {strides = array<i32>} : memref<4x128xi32, #tpu.memory_space<vmem>>, vector<1x16xi32>,
        %swap3A_331 = vector.shape_cast %swap3A_330 : vector<1x16xi32> to vector<16xi32>
        %swap3A_332 = vector.shape_cast %and3A_326 : vector<16xi32> to vector<1x16xi32>
        tpu.vector_store %arg8[%swap3A_328, %swap3A_329], %swap3A_332 {strides = array<i32>} : memref<4x128xi32, #tpu.memory_space<vmem>>, vector<1x16xi32>,
        %shift_right_arithmetic3A_333 = arith.constant 14 : i32
        %shift_right_arithmetic3A_334 = vector.broadcast %shift_right_arithmetic3A_333 : i32 to vector<16xi32>
        %shift_right_arithmetic3A_335 = arith.shrsi %get3A_323, %shift_right_arithmetic3A_334 : vector<16xi32>
        %swap3A_336 = arith.constant 3 : i32
        %swap3A_337 = arith.index_cast %swap3A_336 : i32 to index
        %swap3A_338 = arith.constant 64 : index
        %swap3A_339 = tpu.vector_load %arg8[%swap3A_337, %swap3A_338] {strides = array<i32>} : memref<4x128xi32, #tpu.memory_space<vmem>>, vector<1x16xi32>,
        %swap3A_340 = vector.shape_cast %swap3A_339 : vector<1x16xi32> to vector<16xi32>
        %swap3A_341 = vector.shape_cast %shift_right_arithmetic3A_335 : vector<16xi32> to vector<1x16xi32>
        tpu.vector_store %arg8[%swap3A_337, %swap3A_338], %swap3A_341 {strides = array<i32>} : memref<4x128xi32, #tpu.memory_space<vmem>>, vector<1x16xi32>,
        %get3A_342 = arith.index_cast %add3A_231 : i32 to index
        %get3A_343 = arith.constant 80 : index
        %get3A_344 = tpu.vector_load %arg7[%get3A_342, %get3A_343] {strides = array<i32>} : memref<80x128xi32, #tpu.memory_space<vmem>>, vector<1x16xi32>,
        %get3A_345 = vector.shape_cast %get3A_344 : vector<1x16xi32> to vector<16xi32>
        %and3A_346 = arith.constant 16383 : i32
        %and3A_347 = vector.broadcast %and3A_346 : i32 to vector<16xi32>
        %and3A_348 = arith.andi %get3A_345, %and3A_347 : vector<16xi32>
        %swap3A_349 = arith.constant 1 : i32
        %swap3A_350 = arith.index_cast %swap3A_349 : i32 to index
        %swap3A_351 = arith.constant 80 : index
        %swap3A_352 = tpu.vector_load %arg8[%swap3A_350, %swap3A_351] {strides = array<i32>} : memref<4x128xi32, #tpu.memory_space<vmem>>, vector<1x16xi32>,
        %swap3A_353 = vector.shape_cast %swap3A_352 : vector<1x16xi32> to vector<16xi32>
        %swap3A_354 = vector.shape_cast %and3A_348 : vector<16xi32> to vector<1x16xi32>
        tpu.vector_store %arg8[%swap3A_350, %swap3A_351], %swap3A_354 {strides = array<i32>} : memref<4x128xi32, #tpu.memory_space<vmem>>, vector<1x16xi32>,
        %shift_right_arithmetic3A_355 = arith.constant 14 : i32
        %shift_right_arithmetic3A_356 = vector.broadcast %shift_right_arithmetic3A_355 : i32 to vector<16xi32>
        %shift_right_arithmetic3A_357 = arith.shrsi %get3A_345, %shift_right_arithmetic3A_356 : vector<16xi32>
        %swap3A_358 = arith.constant 3 : i32
        %swap3A_359 = arith.index_cast %swap3A_358 : i32 to index
        %swap3A_360 = arith.constant 80 : index
        %swap3A_361 = tpu.vector_load %arg8[%swap3A_359, %swap3A_360] {strides = array<i32>} : memref<4x128xi32, #tpu.memory_space<vmem>>, vector<1x16xi32>,
        %swap3A_362 = vector.shape_cast %swap3A_361 : vector<1x16xi32> to vector<16xi32>
        %swap3A_363 = vector.shape_cast %shift_right_arithmetic3A_357 : vector<16xi32> to vector<1x16xi32>
        tpu.vector_store %arg8[%swap3A_359, %swap3A_360], %swap3A_363 {strides = array<i32>} : memref<4x128xi32, #tpu.memory_space<vmem>>, vector<1x16xi32>,
        %get3A_364 = arith.index_cast %add3A_231 : i32 to index
        %get3A_365 = arith.constant 96 : index
        %get3A_366 = tpu.vector_load %arg7[%get3A_364, %get3A_365] {strides = array<i32>} : memref<80x128xi32, #tpu.memory_space<vmem>>, vector<1x16xi32>,
        %get3A_367 = vector.shape_cast %get3A_366 : vector<1x16xi32> to vector<16xi32>
        %and3A_368 = arith.constant 16383 : i32
        %and3A_369 = vector.broadcast %and3A_368 : i32 to vector<16xi32>
        %and3A_370 = arith.andi %get3A_367, %and3A_369 : vector<16xi32>
        %swap3A_371 = arith.constant 1 : i32
        %swap3A_372 = arith.index_cast %swap3A_371 : i32 to index
        %swap3A_373 = arith.constant 96 : index
        %swap3A_374 = tpu.vector_load %arg8[%swap3A_372, %swap3A_373] {strides = array<i32>} : memref<4x128xi32, #tpu.memory_space<vmem>>, vector<1x16xi32>,
        %swap3A_375 = vector.shape_cast %swap3A_374 : vector<1x16xi32> to vector<16xi32>
        %swap3A_376 = vector.shape_cast %and3A_370 : vector<16xi32> to vector<1x16xi32>
        tpu.vector_store %arg8[%swap3A_372, %swap3A_373], %swap3A_376 {strides = array<i32>} : memref<4x128xi32, #tpu.memory_space<vmem>>, vector<1x16xi32>,
        %shift_right_arithmetic3A_377 = arith.constant 14 : i32
        %shift_right_arithmetic3A_378 = vector.broadcast %shift_right_arithmetic3A_377 : i32 to vector<16xi32>
        %shift_right_arithmetic3A_379 = arith.shrsi %get3A_367, %shift_right_arithmetic3A_378 : vector<16xi32>
        %swap3A_380 = arith.constant 3 : i32
        %swap3A_381 = arith.index_cast %swap3A_380 : i32 to index
        %swap3A_382 = arith.constant 96 : index
        %swap3A_383 = tpu.vector_load %arg8[%swap3A_381, %swap3A_382] {strides = array<i32>} : memref<4x128xi32, #tpu.memory_space<vmem>>, vector<1x16xi32>,
        %swap3A_384 = vector.shape_cast %swap3A_383 : vector<1x16xi32> to vector<16xi32>
        %swap3A_385 = vector.shape_cast %shift_right_arithmetic3A_379 : vector<16xi32> to vector<1x16xi32>
        tpu.vector_store %arg8[%swap3A_381, %swap3A_382], %swap3A_385 {strides = array<i32>} : memref<4x128xi32, #tpu.memory_space<vmem>>, vector<1x16xi32>,
        %get3A_386 = arith.index_cast %add3A_231 : i32 to index
        %get3A_387 = arith.constant 112 : index
        %get3A_388 = tpu.vector_load %arg7[%get3A_386, %get3A_387] {strides = array<i32>} : memref<80x128xi32, #tpu.memory_space<vmem>>, vector<1x16xi32>,
        %get3A_389 = vector.shape_cast %get3A_388 : vector<1x16xi32> to vector<16xi32>
        %and3A_390 = arith.constant 16383 : i32
        %and3A_391 = vector.broadcast %and3A_390 : i32 to vector<16xi32>
        %and3A_392 = arith.andi %get3A_389, %and3A_391 : vector<16xi32>
        %swap3A_393 = arith.constant 1 : i32
        %swap3A_394 = arith.index_cast %swap3A_393 : i32 to index
        %swap3A_395 = arith.constant 112 : index
        %swap3A_396 = tpu.vector_load %arg8[%swap3A_394, %swap3A_395] {strides = array<i32>} : memref<4x128xi32, #tpu.memory_space<vmem>>, vector<1x16xi32>,
        %swap3A_397 = vector.shape_cast %swap3A_396 : vector<1x16xi32> to vector<16xi32>
        %swap3A_398 = vector.shape_cast %and3A_392 : vector<16xi32> to vector<1x16xi32>
        tpu.vector_store %arg8[%swap3A_394, %swap3A_395], %swap3A_398 {strides = array<i32>} : memref<4x128xi32, #tpu.memory_space<vmem>>, vector<1x16xi32>,
        %shift_right_arithmetic3A_399 = arith.constant 14 : i32
        %shift_right_arithmetic3A_400 = vector.broadcast %shift_right_arithmetic3A_399 : i32 to vector<16xi32>
        %shift_right_arithmetic3A_401 = arith.shrsi %get3A_389, %shift_right_arithmetic3A_400 : vector<16xi32>
        %swap3A_402 = arith.constant 3 : i32
        %swap3A_403 = arith.index_cast %swap3A_402 : i32 to index
        %swap3A_404 = arith.constant 112 : index
        %swap3A_405 = tpu.vector_load %arg8[%swap3A_403, %swap3A_404] {strides = array<i32>} : memref<4x128xi32, #tpu.memory_space<vmem>>, vector<1x16xi32>,
        %swap3A_406 = vector.shape_cast %swap3A_405 : vector<1x16xi32> to vector<16xi32>
        %swap3A_407 = vector.shape_cast %shift_right_arithmetic3A_401 : vector<16xi32> to vector<1x16xi32>
        tpu.vector_store %arg8[%swap3A_403, %swap3A_404], %swap3A_407 {strides = array<i32>} : memref<4x128xi32, #tpu.memory_space<vmem>>, vector<1x16xi32>,
        %dma_start3A_408 = arith.constant 1 : i32
        %dma_start3A_409 = arith.constant 0 : i32
        %dma_start3A_410 = tpu.memref_slice %arg8[%dma_start3A_408, %dma_start3A_409] : memref<4x128xi32, #tpu.memory_space<vmem>> -> memref<1x128xi32, #tpu.memory_space<vmem>>
        %dma_start3A_411 = tpu.memref_squeeze %dma_start3A_410 : memref<1x128xi32, #tpu.memory_space<vmem>> -> memref<128xi32, #tpu.memory_space<vmem>>
        %dma_start3A_412 = arith.constant 0 : i32
        %dma_start3A_413 = arith.constant 0 : i32
        %dma_start3A_414 = tpu.memref_slice %arg3[%dma_start3A_412, %dma_start3A_413] : memref<10240x128xf32, #tpu.memory_space<hbm>> -> memref<10240x128xf32, #tpu.memory_space<hbm>>
        tpu.enqueue_indirect_dma source(%dma_start3A_414 : memref<10240x128xf32, #tpu.memory_space<hbm>>) target(%arg10 : memref<128x128xf32, #tpu.memory_space<vmem>>) offsets(%dma_start3A_411 : memref<128xi32, #tpu.memory_space<vmem>>) semaphore(%arg12 : memref<!tpu.dma_semaphore, #tpu.memory_space<semaphore_mem>>)
        %dma_wait3A = arith.constant 0 : i32
        %dma_wait3A_415 = arith.constant 0 : i32
        %dma_wait3A_416 = tpu.memref_slice %arg8[%dma_wait3A, %dma_wait3A_415] : memref<4x128xi32, #tpu.memory_space<vmem>> -> memref<1x128xi32, #tpu.memory_space<vmem>>
        %dma_wait3A_417 = tpu.memref_squeeze %dma_wait3A_416 : memref<1x128xi32, #tpu.memory_space<vmem>> -> memref<128xi32, #tpu.memory_space<vmem>>
        %dma_wait3A_418 = arith.constant 0 : i32
        %dma_wait3A_419 = arith.constant 0 : i32
        %dma_wait3A_420 = tpu.memref_slice %arg3[%dma_wait3A_418, %dma_wait3A_419] : memref<10240x128xf32, #tpu.memory_space<hbm>> -> memref<10240x128xf32, #tpu.memory_space<hbm>>
        tpu.wait_indirect_dma semaphore(%arg11 : memref<!tpu.dma_semaphore, #tpu.memory_space<semaphore_mem>>) src(%dma_wait3A_420 : memref<10240x128xf32, #tpu.memory_space<hbm>>) dst(%arg9 : memref<128x128xf32, #tpu.memory_space<vmem>>)
        %run_scoped3A = arith.constant 2 : i32
        "tpu.region"() ({
          %run_scoped3A_434 = tpu.sem_alloc : memref<!tpu.dma_semaphore, #tpu.memory_space<semaphore_mem>>
          %dma_start3A_435 = arith.constant 0 : i32
          %dma_start3A_436 = tpu.memref_slice %arg8[%run_scoped3A, %dma_start3A_435] : memref<4x128xi32, #tpu.memory_space<vmem>> -> memref<1x128xi32, #tpu.memory_space<vmem>>
          %dma_start3A_437 = tpu.memref_squeeze %dma_start3A_436 : memref<1x128xi32, #tpu.memory_space<vmem>> -> memref<128xi32, #tpu.memory_space<vmem>>
          %dma_start3A_438 = arith.constant 0 : i32
          %dma_start3A_439 = arith.constant 0 : i32
          %dma_start3A_440 = tpu.memref_slice %arg13[%dma_start3A_438, %dma_start3A_439] : memref<10240x128xf32, #tpu.memory_space<vmem_shared>> -> memref<10240x128xf32, #tpu.memory_space<vmem_shared>>
          tpu.enqueue_indirect_dma source(%arg9 : memref<128x128xf32, #tpu.memory_space<vmem>>) target(%dma_start3A_440 : memref<10240x128xf32, #tpu.memory_space<vmem_shared>>) offsets(%dma_start3A_437 : memref<128xi32, #tpu.memory_space<vmem>>) semaphore(%run_scoped3A_434 : memref<!tpu.dma_semaphore, #tpu.memory_space<semaphore_mem>>) {add = true}
          %dma_wait3A_441 = arith.constant 0 : i32
          %dma_wait3A_442 = tpu.memref_slice %arg8[%run_scoped3A, %dma_wait3A_441] : memref<4x128xi32, #tpu.memory_space<vmem>> -> memref<1x128xi32, #tpu.memory_space<vmem>>
          %dma_wait3A_443 = tpu.memref_squeeze %dma_wait3A_442 : memref<1x128xi32, #tpu.memory_space<vmem>> -> memref<128xi32, #tpu.memory_space<vmem>>
          %dma_wait3A_444 = arith.constant 0 : i32
          %dma_wait3A_445 = arith.constant 0 : i32
          %dma_wait3A_446 = tpu.memref_slice %arg13[%dma_wait3A_444, %dma_wait3A_445] : memref<10240x128xf32, #tpu.memory_space<vmem_shared>> -> memref<10240x128xf32, #tpu.memory_space<vmem_shared>>
          tpu.wait_indirect_dma semaphore(%run_scoped3A_434 : memref<!tpu.dma_semaphore, #tpu.memory_space<semaphore_mem>>) src(%arg9 : memref<128x128xf32, #tpu.memory_space<vmem>>) dst(%dma_wait3A_446 : memref<10240x128xf32, #tpu.memory_space<vmem_shared>>)
          tpu.yield
        }) : () -> ()
        %lt3A = arith.constant 39 : i32
        %lt3A_421 = arith.cmpi slt, %scan3A_227, %lt3A : i32
        %convert_element_type3A_422 = arith.extui %lt3A_421 : i1 to i32
        %cond3A_423 = arith.constant 0 : i32
        %cond3A_424 = arith.cmpi ne, %convert_element_type3A_422, %cond3A_423 : i32
        scf.if %cond3A_424 {
          %add3A_434 = arith.constant 2 : i32
          %add3A_435 = arith.addi %mul3A_230, %add3A_434 : i32
          %get3A_436 = arith.index_cast %add3A_435 : i32 to index
          %get3A_437 = arith.constant 0 : index
          %get3A_438 = tpu.vector_load %arg7[%get3A_436, %get3A_437] {strides = array<i32>} : memref<80x128xi32, #tpu.memory_space<vmem>>, vector<1x16xi32>,
          %get3A_439 = vector.shape_cast %get3A_438 : vector<1x16xi32> to vector<16xi32>
          %and3A_440 = arith.constant 16383 : i32
          %and3A_441 = vector.broadcast %and3A_440 : i32 to vector<16xi32>
          %and3A_442 = arith.andi %get3A_439, %and3A_441 : vector<16xi32>
          %swap3A_443 = arith.constant 0 : i32
          %swap3A_444 = arith.index_cast %swap3A_443 : i32 to index
          %swap3A_445 = arith.constant 0 : index
          %swap3A_446 = tpu.vector_load %arg8[%swap3A_444, %swap3A_445] {strides = array<i32>} : memref<4x128xi32, #tpu.memory_space<vmem>>, vector<1x16xi32>,
          %swap3A_447 = vector.shape_cast %swap3A_446 : vector<1x16xi32> to vector<16xi32>
          %swap3A_448 = vector.shape_cast %and3A_442 : vector<16xi32> to vector<1x16xi32>
          tpu.vector_store %arg8[%swap3A_444, %swap3A_445], %swap3A_448 {strides = array<i32>} : memref<4x128xi32, #tpu.memory_space<vmem>>, vector<1x16xi32>,
          %shift_right_arithmetic3A_449 = arith.constant 14 : i32
          %shift_right_arithmetic3A_450 = vector.broadcast %shift_right_arithmetic3A_449 : i32 to vector<16xi32>
          %shift_right_arithmetic3A_451 = arith.shrsi %get3A_439, %shift_right_arithmetic3A_450 : vector<16xi32>
          %swap3A_452 = arith.constant 2 : i32
          %swap3A_453 = arith.index_cast %swap3A_452 : i32 to index
          %swap3A_454 = arith.constant 0 : index
          %swap3A_455 = tpu.vector_load %arg8[%swap3A_453, %swap3A_454] {strides = array<i32>} : memref<4x128xi32, #tpu.memory_space<vmem>>, vector<1x16xi32>,
          %swap3A_456 = vector.shape_cast %swap3A_455 : vector<1x16xi32> to vector<16xi32>
          %swap3A_457 = vector.shape_cast %shift_right_arithmetic3A_451 : vector<16xi32> to vector<1x16xi32>
          tpu.vector_store %arg8[%swap3A_453, %swap3A_454], %swap3A_457 {strides = array<i32>} : memref<4x128xi32, #tpu.memory_space<vmem>>, vector<1x16xi32>,
          %get3A_458 = arith.index_cast %add3A_435 : i32 to index
          %get3A_459 = arith.constant 16 : index
          %get3A_460 = tpu.vector_load %arg7[%get3A_458, %get3A_459] {strides = array<i32>} : memref<80x128xi32, #tpu.memory_space<vmem>>, vector<1x16xi32>,
          %get3A_461 = vector.shape_cast %get3A_460 : vector<1x16xi32> to vector<16xi32>
          %and3A_462 = arith.constant 16383 : i32
          %and3A_463 = vector.broadcast %and3A_462 : i32 to vector<16xi32>
          %and3A_464 = arith.andi %get3A_461, %and3A_463 : vector<16xi32>
          %swap3A_465 = arith.constant 0 : i32
          %swap3A_466 = arith.index_cast %swap3A_465 : i32 to index
          %swap3A_467 = arith.constant 16 : index
          %swap3A_468 = tpu.vector_load %arg8[%swap3A_466, %swap3A_467] {strides = array<i32>} : memref<4x128xi32, #tpu.memory_space<vmem>>, vector<1x16xi32>,
          %swap3A_469 = vector.shape_cast %swap3A_468 : vector<1x16xi32> to vector<16xi32>
          %swap3A_470 = vector.shape_cast %and3A_464 : vector<16xi32> to vector<1x16xi32>
          tpu.vector_store %arg8[%swap3A_466, %swap3A_467], %swap3A_470 {strides = array<i32>} : memref<4x128xi32, #tpu.memory_space<vmem>>, vector<1x16xi32>,
          %shift_right_arithmetic3A_471 = arith.constant 14 : i32
          %shift_right_arithmetic3A_472 = vector.broadcast %shift_right_arithmetic3A_471 : i32 to vector<16xi32>
          %shift_right_arithmetic3A_473 = arith.shrsi %get3A_461, %shift_right_arithmetic3A_472 : vector<16xi32>
          %swap3A_474 = arith.constant 2 : i32
          %swap3A_475 = arith.index_cast %swap3A_474 : i32 to index
          %swap3A_476 = arith.constant 16 : index
          %swap3A_477 = tpu.vector_load %arg8[%swap3A_475, %swap3A_476] {strides = array<i32>} : memref<4x128xi32, #tpu.memory_space<vmem>>, vector<1x16xi32>,
          %swap3A_478 = vector.shape_cast %swap3A_477 : vector<1x16xi32> to vector<16xi32>
          %swap3A_479 = vector.shape_cast %shift_right_arithmetic3A_473 : vector<16xi32> to vector<1x16xi32>
          tpu.vector_store %arg8[%swap3A_475, %swap3A_476], %swap3A_479 {strides = array<i32>} : memref<4x128xi32, #tpu.memory_space<vmem>>, vector<1x16xi32>,
          %get3A_480 = arith.index_cast %add3A_435 : i32 to index
          %get3A_481 = arith.constant 32 : index
          %get3A_482 = tpu.vector_load %arg7[%get3A_480, %get3A_481] {strides = array<i32>} : memref<80x128xi32, #tpu.memory_space<vmem>>, vector<1x16xi32>,
          %get3A_483 = vector.shape_cast %get3A_482 : vector<1x16xi32> to vector<16xi32>
          %and3A_484 = arith.constant 16383 : i32
          %and3A_485 = vector.broadcast %and3A_484 : i32 to vector<16xi32>
          %and3A_486 = arith.andi %get3A_483, %and3A_485 : vector<16xi32>
          %swap3A_487 = arith.constant 0 : i32
          %swap3A_488 = arith.index_cast %swap3A_487 : i32 to index
          %swap3A_489 = arith.constant 32 : index
          %swap3A_490 = tpu.vector_load %arg8[%swap3A_488, %swap3A_489] {strides = array<i32>} : memref<4x128xi32, #tpu.memory_space<vmem>>, vector<1x16xi32>,
          %swap3A_491 = vector.shape_cast %swap3A_490 : vector<1x16xi32> to vector<16xi32>
          %swap3A_492 = vector.shape_cast %and3A_486 : vector<16xi32> to vector<1x16xi32>
          tpu.vector_store %arg8[%swap3A_488, %swap3A_489], %swap3A_492 {strides = array<i32>} : memref<4x128xi32, #tpu.memory_space<vmem>>, vector<1x16xi32>,
          %shift_right_arithmetic3A_493 = arith.constant 14 : i32
          %shift_right_arithmetic3A_494 = vector.broadcast %shift_right_arithmetic3A_493 : i32 to vector<16xi32>
          %shift_right_arithmetic3A_495 = arith.shrsi %get3A_483, %shift_right_arithmetic3A_494 : vector<16xi32>
          %swap3A_496 = arith.constant 2 : i32
          %swap3A_497 = arith.index_cast %swap3A_496 : i32 to index
          %swap3A_498 = arith.constant 32 : index
          %swap3A_499 = tpu.vector_load %arg8[%swap3A_497, %swap3A_498] {strides = array<i32>} : memref<4x128xi32, #tpu.memory_space<vmem>>, vector<1x16xi32>,
          %swap3A_500 = vector.shape_cast %swap3A_499 : vector<1x16xi32> to vector<16xi32>
          %swap3A_501 = vector.shape_cast %shift_right_arithmetic3A_495 : vector<16xi32> to vector<1x16xi32>
          tpu.vector_store %arg8[%swap3A_497, %swap3A_498], %swap3A_501 {strides = array<i32>} : memref<4x128xi32, #tpu.memory_space<vmem>>, vector<1x16xi32>,
          %get3A_502 = arith.index_cast %add3A_435 : i32 to index
          %get3A_503 = arith.constant 48 : index
          %get3A_504 = tpu.vector_load %arg7[%get3A_502, %get3A_503] {strides = array<i32>} : memref<80x128xi32, #tpu.memory_space<vmem>>, vector<1x16xi32>,
          %get3A_505 = vector.shape_cast %get3A_504 : vector<1x16xi32> to vector<16xi32>
          %and3A_506 = arith.constant 16383 : i32
          %and3A_507 = vector.broadcast %and3A_506 : i32 to vector<16xi32>
          %and3A_508 = arith.andi %get3A_505, %and3A_507 : vector<16xi32>
          %swap3A_509 = arith.constant 0 : i32
          %swap3A_510 = arith.index_cast %swap3A_509 : i32 to index
          %swap3A_511 = arith.constant 48 : index
          %swap3A_512 = tpu.vector_load %arg8[%swap3A_510, %swap3A_511] {strides = array<i32>} : memref<4x128xi32, #tpu.memory_space<vmem>>, vector<1x16xi32>,
          %swap3A_513 = vector.shape_cast %swap3A_512 : vector<1x16xi32> to vector<16xi32>
          %swap3A_514 = vector.shape_cast %and3A_508 : vector<16xi32> to vector<1x16xi32>
          tpu.vector_store %arg8[%swap3A_510, %swap3A_511], %swap3A_514 {strides = array<i32>} : memref<4x128xi32, #tpu.memory_space<vmem>>, vector<1x16xi32>,
          %shift_right_arithmetic3A_515 = arith.constant 14 : i32
          %shift_right_arithmetic3A_516 = vector.broadcast %shift_right_arithmetic3A_515 : i32 to vector<16xi32>
          %shift_right_arithmetic3A_517 = arith.shrsi %get3A_505, %shift_right_arithmetic3A_516 : vector<16xi32>
          %swap3A_518 = arith.constant 2 : i32
          %swap3A_519 = arith.index_cast %swap3A_518 : i32 to index
          %swap3A_520 = arith.constant 48 : index
          %swap3A_521 = tpu.vector_load %arg8[%swap3A_519, %swap3A_520] {strides = array<i32>} : memref<4x128xi32, #tpu.memory_space<vmem>>, vector<1x16xi32>,
          %swap3A_522 = vector.shape_cast %swap3A_521 : vector<1x16xi32> to vector<16xi32>
          %swap3A_523 = vector.shape_cast %shift_right_arithmetic3A_517 : vector<16xi32> to vector<1x16xi32>
          tpu.vector_store %arg8[%swap3A_519, %swap3A_520], %swap3A_523 {strides = array<i32>} : memref<4x128xi32, #tpu.memory_space<vmem>>, vector<1x16xi32>,
          %get3A_524 = arith.index_cast %add3A_435 : i32 to index
          %get3A_525 = arith.constant 64 : index
          %get3A_526 = tpu.vector_load %arg7[%get3A_524, %get3A_525] {strides = array<i32>} : memref<80x128xi32, #tpu.memory_space<vmem>>, vector<1x16xi32>,
          %get3A_527 = vector.shape_cast %get3A_526 : vector<1x16xi32> to vector<16xi32>
          %and3A_528 = arith.constant 16383 : i32
          %and3A_529 = vector.broadcast %and3A_528 : i32 to vector<16xi32>
          %and3A_530 = arith.andi %get3A_527, %and3A_529 : vector<16xi32>
          %swap3A_531 = arith.constant 0 : i32
          %swap3A_532 = arith.index_cast %swap3A_531 : i32 to index
          %swap3A_533 = arith.constant 64 : index
          %swap3A_534 = tpu.vector_load %arg8[%swap3A_532, %swap3A_533] {strides = array<i32>} : memref<4x128xi32, #tpu.memory_space<vmem>>, vector<1x16xi32>,
          %swap3A_535 = vector.shape_cast %swap3A_534 : vector<1x16xi32> to vector<16xi32>
          %swap3A_536 = vector.shape_cast %and3A_530 : vector<16xi32> to vector<1x16xi32>
          tpu.vector_store %arg8[%swap3A_532, %swap3A_533], %swap3A_536 {strides = array<i32>} : memref<4x128xi32, #tpu.memory_space<vmem>>, vector<1x16xi32>,
          %shift_right_arithmetic3A_537 = arith.constant 14 : i32
          %shift_right_arithmetic3A_538 = vector.broadcast %shift_right_arithmetic3A_537 : i32 to vector<16xi32>
          %shift_right_arithmetic3A_539 = arith.shrsi %get3A_527, %shift_right_arithmetic3A_538 : vector<16xi32>
          %swap3A_540 = arith.constant 2 : i32
          %swap3A_541 = arith.index_cast %swap3A_540 : i32 to index
          %swap3A_542 = arith.constant 64 : index
          %swap3A_543 = tpu.vector_load %arg8[%swap3A_541, %swap3A_542] {strides = array<i32>} : memref<4x128xi32, #tpu.memory_space<vmem>>, vector<1x16xi32>,
          %swap3A_544 = vector.shape_cast %swap3A_543 : vector<1x16xi32> to vector<16xi32>
          %swap3A_545 = vector.shape_cast %shift_right_arithmetic3A_539 : vector<16xi32> to vector<1x16xi32>
          tpu.vector_store %arg8[%swap3A_541, %swap3A_542], %swap3A_545 {strides = array<i32>} : memref<4x128xi32, #tpu.memory_space<vmem>>, vector<1x16xi32>,
          %get3A_546 = arith.index_cast %add3A_435 : i32 to index
          %get3A_547 = arith.constant 80 : index
          %get3A_548 = tpu.vector_load %arg7[%get3A_546, %get3A_547] {strides = array<i32>} : memref<80x128xi32, #tpu.memory_space<vmem>>, vector<1x16xi32>,
          %get3A_549 = vector.shape_cast %get3A_548 : vector<1x16xi32> to vector<16xi32>
          %and3A_550 = arith.constant 16383 : i32
          %and3A_551 = vector.broadcast %and3A_550 : i32 to vector<16xi32>
          %and3A_552 = arith.andi %get3A_549, %and3A_551 : vector<16xi32>
          %swap3A_553 = arith.constant 0 : i32
          %swap3A_554 = arith.index_cast %swap3A_553 : i32 to index
          %swap3A_555 = arith.constant 80 : index
          %swap3A_556 = tpu.vector_load %arg8[%swap3A_554, %swap3A_555] {strides = array<i32>} : memref<4x128xi32, #tpu.memory_space<vmem>>, vector<1x16xi32>,
          %swap3A_557 = vector.shape_cast %swap3A_556 : vector<1x16xi32> to vector<16xi32>
          %swap3A_558 = vector.shape_cast %and3A_552 : vector<16xi32> to vector<1x16xi32>
          tpu.vector_store %arg8[%swap3A_554, %swap3A_555], %swap3A_558 {strides = array<i32>} : memref<4x128xi32, #tpu.memory_space<vmem>>, vector<1x16xi32>,
          %shift_right_arithmetic3A_559 = arith.constant 14 : i32
          %shift_right_arithmetic3A_560 = vector.broadcast %shift_right_arithmetic3A_559 : i32 to vector<16xi32>
          %shift_right_arithmetic3A_561 = arith.shrsi %get3A_549, %shift_right_arithmetic3A_560 : vector<16xi32>
          %swap3A_562 = arith.constant 2 : i32
          %swap3A_563 = arith.index_cast %swap3A_562 : i32 to index
          %swap3A_564 = arith.constant 80 : index
          %swap3A_565 = tpu.vector_load %arg8[%swap3A_563, %swap3A_564] {strides = array<i32>} : memref<4x128xi32, #tpu.memory_space<vmem>>, vector<1x16xi32>,
          %swap3A_566 = vector.shape_cast %swap3A_565 : vector<1x16xi32> to vector<16xi32>
          %swap3A_567 = vector.shape_cast %shift_right_arithmetic3A_561 : vector<16xi32> to vector<1x16xi32>
          tpu.vector_store %arg8[%swap3A_563, %swap3A_564], %swap3A_567 {strides = array<i32>} : memref<4x128xi32, #tpu.memory_space<vmem>>, vector<1x16xi32>,
          %get3A_568 = arith.index_cast %add3A_435 : i32 to index
          %get3A_569 = arith.constant 96 : index
          %get3A_570 = tpu.vector_load %arg7[%get3A_568, %get3A_569] {strides = array<i32>} : memref<80x128xi32, #tpu.memory_space<vmem>>, vector<1x16xi32>,
          %get3A_571 = vector.shape_cast %get3A_570 : vector<1x16xi32> to vector<16xi32>
          %and3A_572 = arith.constant 16383 : i32
          %and3A_573 = vector.broadcast %and3A_572 : i32 to vector<16xi32>
          %and3A_574 = arith.andi %get3A_571, %and3A_573 : vector<16xi32>
          %swap3A_575 = arith.constant 0 : i32
          %swap3A_576 = arith.index_cast %swap3A_575 : i32 to index
          %swap3A_577 = arith.constant 96 : index
          %swap3A_578 = tpu.vector_load %arg8[%swap3A_576, %swap3A_577] {strides = array<i32>} : memref<4x128xi32, #tpu.memory_space<vmem>>, vector<1x16xi32>,
          %swap3A_579 = vector.shape_cast %swap3A_578 : vector<1x16xi32> to vector<16xi32>
          %swap3A_580 = vector.shape_cast %and3A_574 : vector<16xi32> to vector<1x16xi32>
          tpu.vector_store %arg8[%swap3A_576, %swap3A_577], %swap3A_580 {strides = array<i32>} : memref<4x128xi32, #tpu.memory_space<vmem>>, vector<1x16xi32>,
          %shift_right_arithmetic3A_581 = arith.constant 14 : i32
          %shift_right_arithmetic3A_582 = vector.broadcast %shift_right_arithmetic3A_581 : i32 to vector<16xi32>
          %shift_right_arithmetic3A_583 = arith.shrsi %get3A_571, %shift_right_arithmetic3A_582 : vector<16xi32>
          %swap3A_584 = arith.constant 2 : i32
          %swap3A_585 = arith.index_cast %swap3A_584 : i32 to index
          %swap3A_586 = arith.constant 96 : index
          %swap3A_587 = tpu.vector_load %arg8[%swap3A_585, %swap3A_586] {strides = array<i32>} : memref<4x128xi32, #tpu.memory_space<vmem>>, vector<1x16xi32>,
          %swap3A_588 = vector.shape_cast %swap3A_587 : vector<1x16xi32> to vector<16xi32>
          %swap3A_589 = vector.shape_cast %shift_right_arithmetic3A_583 : vector<16xi32> to vector<1x16xi32>
          tpu.vector_store %arg8[%swap3A_585, %swap3A_586], %swap3A_589 {strides = array<i32>} : memref<4x128xi32, #tpu.memory_space<vmem>>, vector<1x16xi32>,
          %get3A_590 = arith.index_cast %add3A_435 : i32 to index
          %get3A_591 = arith.constant 112 : index
          %get3A_592 = tpu.vector_load %arg7[%get3A_590, %get3A_591] {strides = array<i32>} : memref<80x128xi32, #tpu.memory_space<vmem>>, vector<1x16xi32>,
          %get3A_593 = vector.shape_cast %get3A_592 : vector<1x16xi32> to vector<16xi32>
          %and3A_594 = arith.constant 16383 : i32
          %and3A_595 = vector.broadcast %and3A_594 : i32 to vector<16xi32>
          %and3A_596 = arith.andi %get3A_593, %and3A_595 : vector<16xi32>
          %swap3A_597 = arith.constant 0 : i32
          %swap3A_598 = arith.index_cast %swap3A_597 : i32 to index
          %swap3A_599 = arith.constant 112 : index
          %swap3A_600 = tpu.vector_load %arg8[%swap3A_598, %swap3A_599] {strides = array<i32>} : memref<4x128xi32, #tpu.memory_space<vmem>>, vector<1x16xi32>,
          %swap3A_601 = vector.shape_cast %swap3A_600 : vector<1x16xi32> to vector<16xi32>
          %swap3A_602 = vector.shape_cast %and3A_596 : vector<16xi32> to vector<1x16xi32>
          tpu.vector_store %arg8[%swap3A_598, %swap3A_599], %swap3A_602 {strides = array<i32>} : memref<4x128xi32, #tpu.memory_space<vmem>>, vector<1x16xi32>,
          %shift_right_arithmetic3A_603 = arith.constant 14 : i32
          %shift_right_arithmetic3A_604 = vector.broadcast %shift_right_arithmetic3A_603 : i32 to vector<16xi32>
          %shift_right_arithmetic3A_605 = arith.shrsi %get3A_593, %shift_right_arithmetic3A_604 : vector<16xi32>
          %swap3A_606 = arith.constant 2 : i32
          %swap3A_607 = arith.index_cast %swap3A_606 : i32 to index
          %swap3A_608 = arith.constant 112 : index
          %swap3A_609 = tpu.vector_load %arg8[%swap3A_607, %swap3A_608] {strides = array<i32>} : memref<4x128xi32, #tpu.memory_space<vmem>>, vector<1x16xi32>,
          %swap3A_610 = vector.shape_cast %swap3A_609 : vector<1x16xi32> to vector<16xi32>
          %swap3A_611 = vector.shape_cast %shift_right_arithmetic3A_605 : vector<16xi32> to vector<1x16xi32>
          tpu.vector_store %arg8[%swap3A_607, %swap3A_608], %swap3A_611 {strides = array<i32>} : memref<4x128xi32, #tpu.memory_space<vmem>>, vector<1x16xi32>,
          %dma_start3A_612 = arith.constant 0 : i32
          %dma_start3A_613 = arith.constant 0 : i32
          %dma_start3A_614 = tpu.memref_slice %arg8[%dma_start3A_612, %dma_start3A_613] : memref<4x128xi32, #tpu.memory_space<vmem>> -> memref<1x128xi32, #tpu.memory_space<vmem>>
          %dma_start3A_615 = tpu.memref_squeeze %dma_start3A_614 : memref<1x128xi32, #tpu.memory_space<vmem>> -> memref<128xi32, #tpu.memory_space<vmem>>
          %dma_start3A_616 = arith.constant 0 : i32
          %dma_start3A_617 = arith.constant 0 : i32
          %dma_start3A_618 = tpu.memref_slice %arg3[%dma_start3A_616, %dma_start3A_617] : memref<10240x128xf32, #tpu.memory_space<hbm>> -> memref<10240x128xf32, #tpu.memory_space<hbm>>
          tpu.enqueue_indirect_dma source(%dma_start3A_618 : memref<10240x128xf32, #tpu.memory_space<hbm>>) target(%arg9 : memref<128x128xf32, #tpu.memory_space<vmem>>) offsets(%dma_start3A_615 : memref<128xi32, #tpu.memory_space<vmem>>) semaphore(%arg11 : memref<!tpu.dma_semaphore, #tpu.memory_space<semaphore_mem>>)
        } else {
        }
        %dma_wait3A_425 = arith.constant 1 : i32
        %dma_wait3A_426 = arith.constant 0 : i32
        %dma_wait3A_427 = tpu.memref_slice %arg8[%dma_wait3A_425, %dma_wait3A_426] : memref<4x128xi32, #tpu.memory_space<vmem>> -> memref<1x128xi32, #tpu.memory_space<vmem>>
        %dma_wait3A_428 = tpu.memref_squeeze %dma_wait3A_427 : memref<1x128xi32, #tpu.memory_space<vmem>> -> memref<128xi32, #tpu.memory_space<vmem>>
        %dma_wait3A_429 = arith.constant 0 : i32
        %dma_wait3A_430 = arith.constant 0 : i32
        %dma_wait3A_431 = tpu.memref_slice %arg3[%dma_wait3A_429, %dma_wait3A_430] : memref<10240x128xf32, #tpu.memory_space<hbm>> -> memref<10240x128xf32, #tpu.memory_space<hbm>>
        tpu.wait_indirect_dma semaphore(%arg12 : memref<!tpu.dma_semaphore, #tpu.memory_space<semaphore_mem>>) src(%dma_wait3A_431 : memref<10240x128xf32, #tpu.memory_space<hbm>>) dst(%arg10 : memref<128x128xf32, #tpu.memory_space<vmem>>)
        %run_scoped3A_432 = arith.constant 3 : i32
        "tpu.region"() ({
          %run_scoped3A_434 = tpu.sem_alloc : memref<!tpu.dma_semaphore, #tpu.memory_space<semaphore_mem>>
          %dma_start3A_435 = arith.constant 0 : i32
          %dma_start3A_436 = tpu.memref_slice %arg8[%run_scoped3A_432, %dma_start3A_435] : memref<4x128xi32, #tpu.memory_space<vmem>> -> memref<1x128xi32, #tpu.memory_space<vmem>>
          %dma_start3A_437 = tpu.memref_squeeze %dma_start3A_436 : memref<1x128xi32, #tpu.memory_space<vmem>> -> memref<128xi32, #tpu.memory_space<vmem>>
          %dma_start3A_438 = arith.constant 0 : i32
          %dma_start3A_439 = arith.constant 0 : i32
          %dma_start3A_440 = tpu.memref_slice %arg13[%dma_start3A_438, %dma_start3A_439] : memref<10240x128xf32, #tpu.memory_space<vmem_shared>> -> memref<10240x128xf32, #tpu.memory_space<vmem_shared>>
          tpu.enqueue_indirect_dma source(%arg10 : memref<128x128xf32, #tpu.memory_space<vmem>>) target(%dma_start3A_440 : memref<10240x128xf32, #tpu.memory_space<vmem_shared>>) offsets(%dma_start3A_437 : memref<128xi32, #tpu.memory_space<vmem>>) semaphore(%run_scoped3A_434 : memref<!tpu.dma_semaphore, #tpu.memory_space<semaphore_mem>>) {add = true}
          %dma_wait3A_441 = arith.constant 0 : i32
          %dma_wait3A_442 = tpu.memref_slice %arg8[%run_scoped3A_432, %dma_wait3A_441] : memref<4x128xi32, #tpu.memory_space<vmem>> -> memref<1x128xi32, #tpu.memory_space<vmem>>
          %dma_wait3A_443 = tpu.memref_squeeze %dma_wait3A_442 : memref<1x128xi32, #tpu.memory_space<vmem>> -> memref<128xi32, #tpu.memory_space<vmem>>
          %dma_wait3A_444 = arith.constant 0 : i32
          %dma_wait3A_445 = arith.constant 0 : i32
          %dma_wait3A_446 = tpu.memref_slice %arg13[%dma_wait3A_444, %dma_wait3A_445] : memref<10240x128xf32, #tpu.memory_space<vmem_shared>> -> memref<10240x128xf32, #tpu.memory_space<vmem_shared>>
          tpu.wait_indirect_dma semaphore(%run_scoped3A_434 : memref<!tpu.dma_semaphore, #tpu.memory_space<semaphore_mem>>) src(%arg10 : memref<128x128xf32, #tpu.memory_space<vmem>>) dst(%dma_wait3A_446 : memref<10240x128xf32, #tpu.memory_space<vmem_shared>>)
          tpu.yield
        }) : () -> ()
        %scan3A_433 = arith.constant 0 : i32
        scf.yield %scan3A_433 : i32
      }
      %scan3A_226 = arith.constant 40 : i32
    } else {
    }
    %barrier3A_21 = arith.constant 0 : index
    tpu.barrier barrier_id(%barrier3A_21)
    %mul3A_22 = arith.constant 640 : i32
    %mul3A_23 = arith.muli %arg1, %mul3A_22 : i32
    %eq3A_24 = arith.constant 0 : i32
    %eq3A_25 = arith.cmpi eq, %arg0, %eq3A_24 : i32
    %convert_element_type3A_26 = arith.extui %eq3A_25 : i1 to i32
    %cond3A_27 = arith.constant 0 : i32
    %cond3A_28 = arith.cmpi ne, %convert_element_type3A_26, %cond3A_27 : i32
    scf.if %cond3A_28 {
      "tpu.region"() ({
        %run_scoped3A = tpu.sem_alloc : memref<!tpu.dma_semaphore, #tpu.memory_space<semaphore_mem>>
        %dma_start3A = arith.constant 0 : i32
        %dma_start3A_34 = tpu.memref_slice %arg5[%mul3A_23, %dma_start3A] : memref<10240x128xf32, #tpu.memory_space<hbm>> -> memref<640x128xf32, #tpu.memory_space<hbm>>
        %dma_start3A_35 = arith.constant 0 : i32
        %dma_start3A_36 = tpu.memref_slice %arg13[%mul3A_23, %dma_start3A_35] : memref<10240x128xf32, #tpu.memory_space<vmem_shared>> -> memref<640x128xf32, #tpu.memory_space<vmem_shared>>
        tpu.enqueue_dma source(%dma_start3A_36 : memref<640x128xf32, #tpu.memory_space<vmem_shared>>) target(%dma_start3A_34 : memref<640x128xf32, #tpu.memory_space<hbm>>) target_semaphore(%run_scoped3A : memref<!tpu.dma_semaphore, #tpu.memory_space<semaphore_mem>>)
        %dma_wait3A = arith.constant 0 : i32
        %dma_wait3A_37 = tpu.memref_slice %arg5[%mul3A_23, %dma_wait3A] : memref<10240x128xf32, #tpu.memory_space<hbm>> -> memref<640x128xf32, #tpu.memory_space<hbm>>
        %dma_wait3A_38 = arith.constant 0 : i32
        %dma_wait3A_39 = tpu.memref_slice %arg13[%mul3A_23, %dma_wait3A_38] : memref<10240x128xf32, #tpu.memory_space<vmem_shared>> -> memref<640x128xf32, #tpu.memory_space<vmem_shared>>
        tpu.wait_dma2 semaphore(%run_scoped3A : memref<!tpu.dma_semaphore, #tpu.memory_space<semaphore_mem>>) src(%dma_wait3A_39 : memref<640x128xf32, #tpu.memory_space<vmem_shared>>) dst(%dma_wait3A_37 : memref<640x128xf32, #tpu.memory_space<hbm>>)
        tpu.yield
      }) : () -> ()
    } else {
    }
    %eq3A_29 = arith.constant 1 : i32
    %eq3A_30 = arith.cmpi eq, %arg0, %eq3A_29 : i32
    %convert_element_type3A_31 = arith.extui %eq3A_30 : i1 to i32
    %cond3A_32 = arith.constant 0 : i32
    %cond3A_33 = arith.cmpi ne, %convert_element_type3A_31, %cond3A_32 : i32
    scf.if %cond3A_33 {
      "tpu.region"() ({
        %run_scoped3A = tpu.sem_alloc : memref<!tpu.dma_semaphore, #tpu.memory_space<semaphore_mem>>
        %dma_start3A = arith.constant 0 : i32
        %dma_start3A_34 = tpu.memref_slice %arg6[%mul3A_23, %dma_start3A] : memref<10240x128xf32, #tpu.memory_space<hbm>> -> memref<640x128xf32, #tpu.memory_space<hbm>>
        %dma_start3A_35 = arith.constant 0 : i32
        %dma_start3A_36 = tpu.memref_slice %arg13[%mul3A_23, %dma_start3A_35] : memref<10240x128xf32, #tpu.memory_space<vmem_shared>> -> memref<640x128xf32, #tpu.memory_space<vmem_shared>>
        tpu.enqueue_dma source(%dma_start3A_36 : memref<640x128xf32, #tpu.memory_space<vmem_shared>>) target(%dma_start3A_34 : memref<640x128xf32, #tpu.memory_space<hbm>>) target_semaphore(%run_scoped3A : memref<!tpu.dma_semaphore, #tpu.memory_space<semaphore_mem>>)
        %dma_wait3A = arith.constant 0 : i32
        %dma_wait3A_37 = tpu.memref_slice %arg6[%mul3A_23, %dma_wait3A] : memref<10240x128xf32, #tpu.memory_space<hbm>> -> memref<640x128xf32, #tpu.memory_space<hbm>>
        %dma_wait3A_38 = arith.constant 0 : i32
        %dma_wait3A_39 = tpu.memref_slice %arg13[%mul3A_23, %dma_wait3A_38] : memref<10240x128xf32, #tpu.memory_space<vmem_shared>> -> memref<640x128xf32, #tpu.memory_space<vmem_shared>>
        tpu.wait_dma2 semaphore(%run_scoped3A : memref<!tpu.dma_semaphore, #tpu.memory_space<semaphore_mem>>) src(%dma_wait3A_39 : memref<640x128xf32, #tpu.memory_space<vmem_shared>>) dst(%dma_wait3A_37 : memref<640x128xf32, #tpu.memory_space<hbm>>)
        tpu.yield
      }) : () -> ()
    } else {
    }
    return
  }
}

#map = affine_map<(d0, d1) -> (0, 0)>
module attributes {stable_mosaic.version = 14 : i64} {
  func.func @_scatter_body(%arg0: i32, %arg1: i32, %arg2: memref<10240x128xf32, #tpu.memory_space<hbm>>, %arg3: memref<10240x128xf32, #tpu.memory_space<hbm>>, %arg4: memref<1280x128xi32, #tpu.memory_space<hbm>>, %arg5: memref<10240x128xf32, #tpu.memory_space<hbm>>, %arg6: memref<10240x128xf32, #tpu.memory_space<hbm>>, %arg7: memref<80x128xi32, #tpu.memory_space<vmem>>, %arg8: memref<4x128xi32, #tpu.memory_space<vmem>>, %arg9: memref<128x128xf32, #tpu.memory_space<vmem>>, %arg10: memref<128x128xf32, #tpu.memory_space<vmem>>, %arg11: memref<!tpu.dma_semaphore, #tpu.memory_space<semaphore_mem>>, %arg12: memref<!tpu.dma_semaphore, #tpu.memory_space<semaphore_mem>>, %arg13: memref<10240x128xf32, #tpu.memory_space<vmem_shared>>) attributes {dimension_semantics = [#tpu.dimension_semantics<core_parallel>, #tpu.dimension_semantics<subcore_parallel>], iteration_bounds = array<i64: 2, 16>, scalar_prefetch = 0 : i64, scratch_operands = 7 : i64, tpu.core_type = #tpu.core_type<sc_vector_subcore>, window_params = [{transform_indices = #map}, {transform_indices = #map}, {transform_indices = #map}, {transform_indices = #map}, {transform_indices = #map}]} {
    %mul3A = arith.constant 80 : i32
    %mul3A_0 = arith.muli %arg1, %mul3A : i32
    "tpu.region"() ({
      %run_scoped3A = tpu.sem_alloc : memref<!tpu.dma_semaphore, #tpu.memory_space<semaphore_mem>>
      %dma_start3A = arith.constant 0 : i32
      %dma_start3A_34 = tpu.memref_slice %arg4[%mul3A_0, %dma_start3A] : memref<1280x128xi32, #tpu.memory_space<hbm>> -> memref<80x128xi32, #tpu.memory_space<hbm>>
      %dma_start3A_35 = arith.constant 0 : i32
      %dma_start3A_36 = tpu.memref_slice %arg4[%mul3A_0, %dma_start3A_35] : memref<1280x128xi32, #tpu.memory_space<hbm>> -> memref<80x128xi32, #tpu.memory_space<hbm>>
      tpu.enqueue_dma source(%dma_start3A_36 : memref<80x128xi32, #tpu.memory_space<hbm>>) target(%arg7 : memref<80x128xi32, #tpu.memory_space<vmem>>) target_semaphore(%run_scoped3A : memref<!tpu.dma_semaphore, #tpu.memory_space<semaphore_mem>>)
      %dma_wait3A = arith.constant 0 : i32
      %dma_wait3A_37 = tpu.memref_slice %arg4[%mul3A_0, %dma_wait3A] : memref<1280x128xi32, #tpu.memory_space<hbm>> -> memref<80x128xi32, #tpu.memory_space<hbm>>
      %dma_wait3A_38 = arith.constant 0 : i32
      %dma_wait3A_39 = tpu.memref_slice %arg4[%mul3A_0, %dma_wait3A_38] : memref<1280x128xi32, #tpu.memory_space<hbm>> -> memref<80x128xi32, #tpu.memory_space<hbm>>
      tpu.wait_dma2 semaphore(%run_scoped3A : memref<!tpu.dma_semaphore, #tpu.memory_space<semaphore_mem>>) src(%dma_wait3A_39 : memref<80x128xi32, #tpu.memory_space<hbm>>) dst(%arg7 : memref<80x128xi32, #tpu.memory_space<vmem>>)
      tpu.yield
    }) : () -> ()
    %scan3A = arith.constant 0 : i32
    %scan3A_1 = arith.constant 0 : i32
    %scan3A_2 = arith.constant 128 : i32
    %scan3A_3 = arith.addi %scan3A_1, %scan3A_2 : i32
    %scan3A_4 = arith.constant 1 : i32
    %scan3A_5 = scf.for %scan3A_34 = %scan3A_1 to %scan3A_3 step %scan3A_4 iter_args(%scan3A_35 = %scan3A) -> (i32)  : i32 {
      %broadcast_in_dim3A = arith.constant 0.000000e+00 : f32
      %broadcast_in_dim3A_36 = vector.broadcast %broadcast_in_dim3A : f32 to vector<16xf32>
      %swap3A = arith.index_cast %scan3A_34 : i32 to index
      %swap3A_37 = arith.constant 0 : index
      %swap3A_38 = tpu.vector_load %arg9[%swap3A, %swap3A_37] {strides = array<i32>} : memref<128x128xf32, #tpu.memory_space<vmem>>, vector<1x16xf32>,
      %swap3A_39 = vector.shape_cast %swap3A_38 : vector<1x16xf32> to vector<16xf32>
      %swap3A_40 = vector.shape_cast %broadcast_in_dim3A_36 : vector<16xf32> to vector<1x16xf32>
      tpu.vector_store %arg9[%swap3A, %swap3A_37], %swap3A_40 {strides = array<i32>} : memref<128x128xf32, #tpu.memory_space<vmem>>, vector<1x16xf32>,
      %broadcast_in_dim3A_41 = arith.constant 0.000000e+00 : f32
      %broadcast_in_dim3A_42 = vector.broadcast %broadcast_in_dim3A_41 : f32 to vector<16xf32>
      %swap3A_43 = arith.index_cast %scan3A_34 : i32 to index
      %swap3A_44 = arith.constant 16 : index
      %swap3A_45 = tpu.vector_load %arg9[%swap3A_43, %swap3A_44] {strides = array<i32>} : memref<128x128xf32, #tpu.memory_space<vmem>>, vector<1x16xf32>,
      %swap3A_46 = vector.shape_cast %swap3A_45 : vector<1x16xf32> to vector<16xf32>
      %swap3A_47 = vector.shape_cast %broadcast_in_dim3A_42 : vector<16xf32> to vector<1x16xf32>
      tpu.vector_store %arg9[%swap3A_43, %swap3A_44], %swap3A_47 {strides = array<i32>} : memref<128x128xf32, #tpu.memory_space<vmem>>, vector<1x16xf32>,
      %broadcast_in_dim3A_48 = arith.constant 0.000000e+00 : f32
      %broadcast_in_dim3A_49 = vector.broadcast %broadcast_in_dim3A_48 : f32 to vector<16xf32>
      %swap3A_50 = arith.index_cast %scan3A_34 : i32 to index
      %swap3A_51 = arith.constant 32 : index
      %swap3A_52 = tpu.vector_load %arg9[%swap3A_50, %swap3A_51] {strides = array<i32>} : memref<128x128xf32, #tpu.memory_space<vmem>>, vector<1x16xf32>,
      %swap3A_53 = vector.shape_cast %swap3A_52 : vector<1x16xf32> to vector<16xf32>
      %swap3A_54 = vector.shape_cast %broadcast_in_dim3A_49 : vector<16xf32> to vector<1x16xf32>
      tpu.vector_store %arg9[%swap3A_50, %swap3A_51], %swap3A_54 {strides = array<i32>} : memref<128x128xf32, #tpu.memory_space<vmem>>, vector<1x16xf32>,
      %broadcast_in_dim3A_55 = arith.constant 0.000000e+00 : f32
      %broadcast_in_dim3A_56 = vector.broadcast %broadcast_in_dim3A_55 : f32 to vector<16xf32>
      %swap3A_57 = arith.index_cast %scan3A_34 : i32 to index
      %swap3A_58 = arith.constant 48 : index
      %swap3A_59 = tpu.vector_load %arg9[%swap3A_57, %swap3A_58] {strides = array<i32>} : memref<128x128xf32, #tpu.memory_space<vmem>>, vector<1x16xf32>,
      %swap3A_60 = vector.shape_cast %swap3A_59 : vector<1x16xf32> to vector<16xf32>
      %swap3A_61 = vector.shape_cast %broadcast_in_dim3A_56 : vector<16xf32> to vector<1x16xf32>
      tpu.vector_store %arg9[%swap3A_57, %swap3A_58], %swap3A_61 {strides = array<i32>} : memref<128x128xf32, #tpu.memory_space<vmem>>, vector<1x16xf32>,
      %broadcast_in_dim3A_62 = arith.constant 0.000000e+00 : f32
      %broadcast_in_dim3A_63 = vector.broadcast %broadcast_in_dim3A_62 : f32 to vector<16xf32>
      %swap3A_64 = arith.index_cast %scan3A_34 : i32 to index
      %swap3A_65 = arith.constant 64 : index
      %swap3A_66 = tpu.vector_load %arg9[%swap3A_64, %swap3A_65] {strides = array<i32>} : memref<128x128xf32, #tpu.memory_space<vmem>>, vector<1x16xf32>,
      %swap3A_67 = vector.shape_cast %swap3A_66 : vector<1x16xf32> to vector<16xf32>
      %swap3A_68 = vector.shape_cast %broadcast_in_dim3A_63 : vector<16xf32> to vector<1x16xf32>
      tpu.vector_store %arg9[%swap3A_64, %swap3A_65], %swap3A_68 {strides = array<i32>} : memref<128x128xf32, #tpu.memory_space<vmem>>, vector<1x16xf32>,
      %broadcast_in_dim3A_69 = arith.constant 0.000000e+00 : f32
      %broadcast_in_dim3A_70 = vector.broadcast %broadcast_in_dim3A_69 : f32 to vector<16xf32>
      %swap3A_71 = arith.index_cast %scan3A_34 : i32 to index
      %swap3A_72 = arith.constant 80 : index
      %swap3A_73 = tpu.vector_load %arg9[%swap3A_71, %swap3A_72] {strides = array<i32>} : memref<128x128xf32, #tpu.memory_space<vmem>>, vector<1x16xf32>,
      %swap3A_74 = vector.shape_cast %swap3A_73 : vector<1x16xf32> to vector<16xf32>
      %swap3A_75 = vector.shape_cast %broadcast_in_dim3A_70 : vector<16xf32> to vector<1x16xf32>
      tpu.vector_store %arg9[%swap3A_71, %swap3A_72], %swap3A_75 {strides = array<i32>} : memref<128x128xf32, #tpu.memory_space<vmem>>, vector<1x16xf32>,
      %broadcast_in_dim3A_76 = arith.constant 0.000000e+00 : f32
      %broadcast_in_dim3A_77 = vector.broadcast %broadcast_in_dim3A_76 : f32 to vector<16xf32>
      %swap3A_78 = arith.index_cast %scan3A_34 : i32 to index
      %swap3A_79 = arith.constant 96 : index
      %swap3A_80 = tpu.vector_load %arg9[%swap3A_78, %swap3A_79] {strides = array<i32>} : memref<128x128xf32, #tpu.memory_space<vmem>>, vector<1x16xf32>,
      %swap3A_81 = vector.shape_cast %swap3A_80 : vector<1x16xf32> to vector<16xf32>
      %swap3A_82 = vector.shape_cast %broadcast_in_dim3A_77 : vector<16xf32> to vector<1x16xf32>
      tpu.vector_store %arg9[%swap3A_78, %swap3A_79], %swap3A_82 {strides = array<i32>} : memref<128x128xf32, #tpu.memory_space<vmem>>, vector<1x16xf32>,
      %broadcast_in_dim3A_83 = arith.constant 0.000000e+00 : f32
      %broadcast_in_dim3A_84 = vector.broadcast %broadcast_in_dim3A_83 : f32 to vector<16xf32>
      %swap3A_85 = arith.index_cast %scan3A_34 : i32 to index
      %swap3A_86 = arith.constant 112 : index
      %swap3A_87 = tpu.vector_load %arg9[%swap3A_85, %swap3A_86] {strides = array<i32>} : memref<128x128xf32, #tpu.memory_space<vmem>>, vector<1x16xf32>,
      %swap3A_88 = vector.shape_cast %swap3A_87 : vector<1x16xf32> to vector<16xf32>
      %swap3A_89 = vector.shape_cast %broadcast_in_dim3A_84 : vector<16xf32> to vector<1x16xf32>
      tpu.vector_store %arg9[%swap3A_85, %swap3A_86], %swap3A_89 {strides = array<i32>} : memref<128x128xf32, #tpu.memory_space<vmem>>, vector<1x16xf32>,
      %scan3A_90 = arith.constant 0 : i32
      scf.yield %scan3A_90 : i32
    }
    %scan3A_6 = arith.constant 128 : i32
    %scan3A_7 = arith.constant 0 : i32
    %scan3A_8 = arith.constant 0 : i32
    %scan3A_9 = arith.constant 5 : i32
    %scan3A_10 = arith.addi %scan3A_8, %scan3A_9 : i32
    %scan3A_11 = arith.constant 1 : i32
    %scan3A_12 = scf.for %scan3A_34 = %scan3A_8 to %scan3A_10 step %scan3A_11 iter_args(%scan3A_35 = %scan3A_7) -> (i32)  : i32 {
      %mul3A_36 = arith.constant 640 : i32
      %mul3A_37 = arith.muli %arg1, %mul3A_36 : i32
      %mul3A_38 = arith.constant 128 : i32
      %mul3A_39 = arith.muli %scan3A_34, %mul3A_38 : i32
      %add3A = arith.addi %mul3A_37, %mul3A_39 : i32
      "tpu.region"() ({
        %run_scoped3A = tpu.sem_alloc : memref<!tpu.dma_semaphore, #tpu.memory_space<semaphore_mem>>
        %dma_start3A = arith.constant 0 : i32
        %dma_start3A_41 = tpu.memref_slice %arg13[%add3A, %dma_start3A] : memref<10240x128xf32, #tpu.memory_space<vmem_shared>> -> memref<128x128xf32, #tpu.memory_space<vmem_shared>>
        %dma_start3A_42 = arith.constant 0 : i32
        %dma_start3A_43 = tpu.memref_slice %arg13[%add3A, %dma_start3A_42] : memref<10240x128xf32, #tpu.memory_space<vmem_shared>> -> memref<128x128xf32, #tpu.memory_space<vmem_shared>>
        tpu.enqueue_dma source(%arg9 : memref<128x128xf32, #tpu.memory_space<vmem>>) target(%dma_start3A_43 : memref<128x128xf32, #tpu.memory_space<vmem_shared>>) target_semaphore(%run_scoped3A : memref<!tpu.dma_semaphore, #tpu.memory_space<semaphore_mem>>)
        %dma_wait3A = arith.constant 0 : i32
        %dma_wait3A_44 = tpu.memref_slice %arg13[%add3A, %dma_wait3A] : memref<10240x128xf32, #tpu.memory_space<vmem_shared>> -> memref<128x128xf32, #tpu.memory_space<vmem_shared>>
        %dma_wait3A_45 = arith.constant 0 : i32
        %dma_wait3A_46 = tpu.memref_slice %arg13[%add3A, %dma_wait3A_45] : memref<10240x128xf32, #tpu.memory_space<vmem_shared>> -> memref<128x128xf32, #tpu.memory_space<vmem_shared>>
        tpu.wait_dma2 semaphore(%run_scoped3A : memref<!tpu.dma_semaphore, #tpu.memory_space<semaphore_mem>>) src(%arg9 : memref<128x128xf32, #tpu.memory_space<vmem>>) dst(%dma_wait3A_46 : memref<128x128xf32, #tpu.memory_space<vmem_shared>>)
        tpu.yield
      }) : () -> ()
      %scan3A_40 = arith.constant 0 : i32
      scf.yield %scan3A_40 : i32
    }
    %scan3A_13 = arith.constant 5 : i32
    %barrier3A = arith.constant 0 : index
    tpu.barrier barrier_id(%barrier3A)
    %eq3A = arith.constant 0 : i32
    %eq3A_14 = arith.cmpi eq, %arg0, %eq3A : i32
    %convert_element_type3A = arith.extui %eq3A_14 : i1 to i32
    %cond3A = arith.constant 0 : i32
    %cond3A_15 = arith.cmpi ne, %convert_element_type3A, %cond3A : i32
    scf.if %cond3A_15 {
      %get3A = arith.constant 0 : i32
      %get3A_34 = arith.index_cast %get3A : i32 to index
      %get3A_35 = arith.constant 0 : index
      %get3A_36 = tpu.vector_load %arg7[%get3A_34, %get3A_35] {strides = array<i32>} : memref<80x128xi32, #tpu.memory_space<vmem>>, vector<1x16xi32>,
      %get3A_37 = vector.shape_cast %get3A_36 : vector<1x16xi32> to vector<16xi32>
      %and3A = arith.constant 16383 : i32
      %and3A_38 = vector.broadcast %and3A : i32 to vector<16xi32>
      %and3A_39 = arith.andi %get3A_37, %and3A_38 : vector<16xi32>
      %swap3A = arith.constant 0 : i32
      %swap3A_40 = arith.index_cast %swap3A : i32 to index
      %swap3A_41 = arith.constant 0 : index
      %swap3A_42 = tpu.vector_load %arg8[%swap3A_40, %swap3A_41] {strides = array<i32>} : memref<4x128xi32, #tpu.memory_space<vmem>>, vector<1x16xi32>,
      %swap3A_43 = vector.shape_cast %swap3A_42 : vector<1x16xi32> to vector<16xi32>
      %swap3A_44 = vector.shape_cast %and3A_39 : vector<16xi32> to vector<1x16xi32>
      tpu.vector_store %arg8[%swap3A_40, %swap3A_41], %swap3A_44 {strides = array<i32>} : memref<4x128xi32, #tpu.memory_space<vmem>>, vector<1x16xi32>,
      %shift_right_arithmetic3A = arith.constant 14 : i32
      %shift_right_arithmetic3A_45 = vector.broadcast %shift_right_arithmetic3A : i32 to vector<16xi32>
      %shift_right_arithmetic3A_46 = arith.shrsi %get3A_37, %shift_right_arithmetic3A_45 : vector<16xi32>
      %swap3A_47 = arith.constant 2 : i32
      %swap3A_48 = arith.index_cast %swap3A_47 : i32 to index
      %swap3A_49 = arith.constant 0 : index
      %swap3A_50 = tpu.vector_load %arg8[%swap3A_48, %swap3A_49] {strides = array<i32>} : memref<4x128xi32, #tpu.memory_space<vmem>>, vector<1x16xi32>,
      %swap3A_51 = vector.shape_cast %swap3A_50 : vector<1x16xi32> to vector<16xi32>
      %swap3A_52 = vector.shape_cast %shift_right_arithmetic3A_46 : vector<16xi32> to vector<1x16xi32>
      tpu.vector_store %arg8[%swap3A_48, %swap3A_49], %swap3A_52 {strides = array<i32>} : memref<4x128xi32, #tpu.memory_space<vmem>>, vector<1x16xi32>,
      %get3A_53 = arith.constant 0 : i32
      %get3A_54 = arith.index_cast %get3A_53 : i32 to index
      %get3A_55 = arith.constant 16 : index
      %get3A_56 = tpu.vector_load %arg7[%get3A_54, %get3A_55] {strides = array<i32>} : memref<80x128xi32, #tpu.memory_space<vmem>>, vector<1x16xi32>,
      %get3A_57 = vector.shape_cast %get3A_56 : vector<1x16xi32> to vector<16xi32>
      %and3A_58 = arith.constant 16383 : i32
      %and3A_59 = vector.broadcast %and3A_58 : i32 to vector<16xi32>
      %and3A_60 = arith.andi %get3A_57, %and3A_59 : vector<16xi32>
      %swap3A_61 = arith.constant 0 : i32
      %swap3A_62 = arith.index_cast %swap3A_61 : i32 to index
      %swap3A_63 = arith.constant 16 : index
      %swap3A_64 = tpu.vector_load %arg8[%swap3A_62, %swap3A_63] {strides = array<i32>} : memref<4x128xi32, #tpu.memory_space<vmem>>, vector<1x16xi32>,
      %swap3A_65 = vector.shape_cast %swap3A_64 : vector<1x16xi32> to vector<16xi32>
      %swap3A_66 = vector.shape_cast %and3A_60 : vector<16xi32> to vector<1x16xi32>
      tpu.vector_store %arg8[%swap3A_62, %swap3A_63], %swap3A_66 {strides = array<i32>} : memref<4x128xi32, #tpu.memory_space<vmem>>, vector<1x16xi32>,
      %shift_right_arithmetic3A_67 = arith.constant 14 : i32
      %shift_right_arithmetic3A_68 = vector.broadcast %shift_right_arithmetic3A_67 : i32 to vector<16xi32>
      %shift_right_arithmetic3A_69 = arith.shrsi %get3A_57, %shift_right_arithmetic3A_68 : vector<16xi32>
      %swap3A_70 = arith.constant 2 : i32
      %swap3A_71 = arith.index_cast %swap3A_70 : i32 to index
      %swap3A_72 = arith.constant 16 : index
      %swap3A_73 = tpu.vector_load %arg8[%swap3A_71, %swap3A_72] {strides = array<i32>} : memref<4x128xi32, #tpu.memory_space<vmem>>, vector<1x16xi32>,
      %swap3A_74 = vector.shape_cast %swap3A_73 : vector<1x16xi32> to vector<16xi32>
      %swap3A_75 = vector.shape_cast %shift_right_arithmetic3A_69 : vector<16xi32> to vector<1x16xi32>
      tpu.vector_store %arg8[%swap3A_71, %swap3A_72], %swap3A_75 {strides = array<i32>} : memref<4x128xi32, #tpu.memory_space<vmem>>, vector<1x16xi32>,
      %get3A_76 = arith.constant 0 : i32
      %get3A_77 = arith.index_cast %get3A_76 : i32 to index
      %get3A_78 = arith.constant 32 : index
      %get3A_79 = tpu.vector_load %arg7[%get3A_77, %get3A_78] {strides = array<i32>} : memref<80x128xi32, #tpu.memory_space<vmem>>, vector<1x16xi32>,
      %get3A_80 = vector.shape_cast %get3A_79 : vector<1x16xi32> to vector<16xi32>
      %and3A_81 = arith.constant 16383 : i32
      %and3A_82 = vector.broadcast %and3A_81 : i32 to vector<16xi32>
      %and3A_83 = arith.andi %get3A_80, %and3A_82 : vector<16xi32>
      %swap3A_84 = arith.constant 0 : i32
      %swap3A_85 = arith.index_cast %swap3A_84 : i32 to index
      %swap3A_86 = arith.constant 32 : index
      %swap3A_87 = tpu.vector_load %arg8[%swap3A_85, %swap3A_86] {strides = array<i32>} : memref<4x128xi32, #tpu.memory_space<vmem>>, vector<1x16xi32>,
      %swap3A_88 = vector.shape_cast %swap3A_87 : vector<1x16xi32> to vector<16xi32>
      %swap3A_89 = vector.shape_cast %and3A_83 : vector<16xi32> to vector<1x16xi32>
      tpu.vector_store %arg8[%swap3A_85, %swap3A_86], %swap3A_89 {strides = array<i32>} : memref<4x128xi32, #tpu.memory_space<vmem>>, vector<1x16xi32>,
      %shift_right_arithmetic3A_90 = arith.constant 14 : i32
      %shift_right_arithmetic3A_91 = vector.broadcast %shift_right_arithmetic3A_90 : i32 to vector<16xi32>
      %shift_right_arithmetic3A_92 = arith.shrsi %get3A_80, %shift_right_arithmetic3A_91 : vector<16xi32>
      %swap3A_93 = arith.constant 2 : i32
      %swap3A_94 = arith.index_cast %swap3A_93 : i32 to index
      %swap3A_95 = arith.constant 32 : index
      %swap3A_96 = tpu.vector_load %arg8[%swap3A_94, %swap3A_95] {strides = array<i32>} : memref<4x128xi32, #tpu.memory_space<vmem>>, vector<1x16xi32>,
      %swap3A_97 = vector.shape_cast %swap3A_96 : vector<1x16xi32> to vector<16xi32>
      %swap3A_98 = vector.shape_cast %shift_right_arithmetic3A_92 : vector<16xi32> to vector<1x16xi32>
      tpu.vector_store %arg8[%swap3A_94, %swap3A_95], %swap3A_98 {strides = array<i32>} : memref<4x128xi32, #tpu.memory_space<vmem>>, vector<1x16xi32>,
      %get3A_99 = arith.constant 0 : i32
      %get3A_100 = arith.index_cast %get3A_99 : i32 to index
      %get3A_101 = arith.constant 48 : index
      %get3A_102 = tpu.vector_load %arg7[%get3A_100, %get3A_101] {strides = array<i32>} : memref<80x128xi32, #tpu.memory_space<vmem>>, vector<1x16xi32>,
      %get3A_103 = vector.shape_cast %get3A_102 : vector<1x16xi32> to vector<16xi32>
      %and3A_104 = arith.constant 16383 : i32
      %and3A_105 = vector.broadcast %and3A_104 : i32 to vector<16xi32>
      %and3A_106 = arith.andi %get3A_103, %and3A_105 : vector<16xi32>
      %swap3A_107 = arith.constant 0 : i32
      %swap3A_108 = arith.index_cast %swap3A_107 : i32 to index
      %swap3A_109 = arith.constant 48 : index
      %swap3A_110 = tpu.vector_load %arg8[%swap3A_108, %swap3A_109] {strides = array<i32>} : memref<4x128xi32, #tpu.memory_space<vmem>>, vector<1x16xi32>,
      %swap3A_111 = vector.shape_cast %swap3A_110 : vector<1x16xi32> to vector<16xi32>
      %swap3A_112 = vector.shape_cast %and3A_106 : vector<16xi32> to vector<1x16xi32>
      tpu.vector_store %arg8[%swap3A_108, %swap3A_109], %swap3A_112 {strides = array<i32>} : memref<4x128xi32, #tpu.memory_space<vmem>>, vector<1x16xi32>,
      %shift_right_arithmetic3A_113 = arith.constant 14 : i32
      %shift_right_arithmetic3A_114 = vector.broadcast %shift_right_arithmetic3A_113 : i32 to vector<16xi32>
      %shift_right_arithmetic3A_115 = arith.shrsi %get3A_103, %shift_right_arithmetic3A_114 : vector<16xi32>
      %swap3A_116 = arith.constant 2 : i32
      %swap3A_117 = arith.index_cast %swap3A_116 : i32 to index
      %swap3A_118 = arith.constant 48 : index
      %swap3A_119 = tpu.vector_load %arg8[%swap3A_117, %swap3A_118] {strides = array<i32>} : memref<4x128xi32, #tpu.memory_space<vmem>>, vector<1x16xi32>,
      %swap3A_120 = vector.shape_cast %swap3A_119 : vector<1x16xi32> to vector<16xi32>
      %swap3A_121 = vector.shape_cast %shift_right_arithmetic3A_115 : vector<16xi32> to vector<1x16xi32>
      tpu.vector_store %arg8[%swap3A_117, %swap3A_118], %swap3A_121 {strides = array<i32>} : memref<4x128xi32, #tpu.memory_space<vmem>>, vector<1x16xi32>,
      %get3A_122 = arith.constant 0 : i32
      %get3A_123 = arith.index_cast %get3A_122 : i32 to index
      %get3A_124 = arith.constant 64 : index
      %get3A_125 = tpu.vector_load %arg7[%get3A_123, %get3A_124] {strides = array<i32>} : memref<80x128xi32, #tpu.memory_space<vmem>>, vector<1x16xi32>,
      %get3A_126 = vector.shape_cast %get3A_125 : vector<1x16xi32> to vector<16xi32>
      %and3A_127 = arith.constant 16383 : i32
      %and3A_128 = vector.broadcast %and3A_127 : i32 to vector<16xi32>
      %and3A_129 = arith.andi %get3A_126, %and3A_128 : vector<16xi32>
      %swap3A_130 = arith.constant 0 : i32
      %swap3A_131 = arith.index_cast %swap3A_130 : i32 to index
      %swap3A_132 = arith.constant 64 : index
      %swap3A_133 = tpu.vector_load %arg8[%swap3A_131, %swap3A_132] {strides = array<i32>} : memref<4x128xi32, #tpu.memory_space<vmem>>, vector<1x16xi32>,
      %swap3A_134 = vector.shape_cast %swap3A_133 : vector<1x16xi32> to vector<16xi32>
      %swap3A_135 = vector.shape_cast %and3A_129 : vector<16xi32> to vector<1x16xi32>
      tpu.vector_store %arg8[%swap3A_131, %swap3A_132], %swap3A_135 {strides = array<i32>} : memref<4x128xi32, #tpu.memory_space<vmem>>, vector<1x16xi32>,
      %shift_right_arithmetic3A_136 = arith.constant 14 : i32
      %shift_right_arithmetic3A_137 = vector.broadcast %shift_right_arithmetic3A_136 : i32 to vector<16xi32>
      %shift_right_arithmetic3A_138 = arith.shrsi %get3A_126, %shift_right_arithmetic3A_137 : vector<16xi32>
      %swap3A_139 = arith.constant 2 : i32
      %swap3A_140 = arith.index_cast %swap3A_139 : i32 to index
      %swap3A_141 = arith.constant 64 : index
      %swap3A_142 = tpu.vector_load %arg8[%swap3A_140, %swap3A_141] {strides = array<i32>} : memref<4x128xi32, #tpu.memory_space<vmem>>, vector<1x16xi32>,
      %swap3A_143 = vector.shape_cast %swap3A_142 : vector<1x16xi32> to vector<16xi32>
      %swap3A_144 = vector.shape_cast %shift_right_arithmetic3A_138 : vector<16xi32> to vector<1x16xi32>
      tpu.vector_store %arg8[%swap3A_140, %swap3A_141], %swap3A_144 {strides = array<i32>} : memref<4x128xi32, #tpu.memory_space<vmem>>, vector<1x16xi32>,
      %get3A_145 = arith.constant 0 : i32
      %get3A_146 = arith.index_cast %get3A_145 : i32 to index
      %get3A_147 = arith.constant 80 : index
      %get3A_148 = tpu.vector_load %arg7[%get3A_146, %get3A_147] {strides = array<i32>} : memref<80x128xi32, #tpu.memory_space<vmem>>, vector<1x16xi32>,
      %get3A_149 = vector.shape_cast %get3A_148 : vector<1x16xi32> to vector<16xi32>
      %and3A_150 = arith.constant 16383 : i32
      %and3A_151 = vector.broadcast %and3A_150 : i32 to vector<16xi32>
      %and3A_152 = arith.andi %get3A_149, %and3A_151 : vector<16xi32>
      %swap3A_153 = arith.constant 0 : i32
      %swap3A_154 = arith.index_cast %swap3A_153 : i32 to index
      %swap3A_155 = arith.constant 80 : index
      %swap3A_156 = tpu.vector_load %arg8[%swap3A_154, %swap3A_155] {strides = array<i32>} : memref<4x128xi32, #tpu.memory_space<vmem>>, vector<1x16xi32>,
      %swap3A_157 = vector.shape_cast %swap3A_156 : vector<1x16xi32> to vector<16xi32>
      %swap3A_158 = vector.shape_cast %and3A_152 : vector<16xi32> to vector<1x16xi32>
      tpu.vector_store %arg8[%swap3A_154, %swap3A_155], %swap3A_158 {strides = array<i32>} : memref<4x128xi32, #tpu.memory_space<vmem>>, vector<1x16xi32>,
      %shift_right_arithmetic3A_159 = arith.constant 14 : i32
      %shift_right_arithmetic3A_160 = vector.broadcast %shift_right_arithmetic3A_159 : i32 to vector<16xi32>
      %shift_right_arithmetic3A_161 = arith.shrsi %get3A_149, %shift_right_arithmetic3A_160 : vector<16xi32>
      %swap3A_162 = arith.constant 2 : i32
      %swap3A_163 = arith.index_cast %swap3A_162 : i32 to index
      %swap3A_164 = arith.constant 80 : index
      %swap3A_165 = tpu.vector_load %arg8[%swap3A_163, %swap3A_164] {strides = array<i32>} : memref<4x128xi32, #tpu.memory_space<vmem>>, vector<1x16xi32>,
      %swap3A_166 = vector.shape_cast %swap3A_165 : vector<1x16xi32> to vector<16xi32>
      %swap3A_167 = vector.shape_cast %shift_right_arithmetic3A_161 : vector<16xi32> to vector<1x16xi32>
      tpu.vector_store %arg8[%swap3A_163, %swap3A_164], %swap3A_167 {strides = array<i32>} : memref<4x128xi32, #tpu.memory_space<vmem>>, vector<1x16xi32>,
      %get3A_168 = arith.constant 0 : i32
      %get3A_169 = arith.index_cast %get3A_168 : i32 to index
      %get3A_170 = arith.constant 96 : index
      %get3A_171 = tpu.vector_load %arg7[%get3A_169, %get3A_170] {strides = array<i32>} : memref<80x128xi32, #tpu.memory_space<vmem>>, vector<1x16xi32>,
      %get3A_172 = vector.shape_cast %get3A_171 : vector<1x16xi32> to vector<16xi32>
      %and3A_173 = arith.constant 16383 : i32
      %and3A_174 = vector.broadcast %and3A_173 : i32 to vector<16xi32>
      %and3A_175 = arith.andi %get3A_172, %and3A_174 : vector<16xi32>
      %swap3A_176 = arith.constant 0 : i32
      %swap3A_177 = arith.index_cast %swap3A_176 : i32 to index
      %swap3A_178 = arith.constant 96 : index
      %swap3A_179 = tpu.vector_load %arg8[%swap3A_177, %swap3A_178] {strides = array<i32>} : memref<4x128xi32, #tpu.memory_space<vmem>>, vector<1x16xi32>,
      %swap3A_180 = vector.shape_cast %swap3A_179 : vector<1x16xi32> to vector<16xi32>
      %swap3A_181 = vector.shape_cast %and3A_175 : vector<16xi32> to vector<1x16xi32>
      tpu.vector_store %arg8[%swap3A_177, %swap3A_178], %swap3A_181 {strides = array<i32>} : memref<4x128xi32, #tpu.memory_space<vmem>>, vector<1x16xi32>,
      %shift_right_arithmetic3A_182 = arith.constant 14 : i32
      %shift_right_arithmetic3A_183 = vector.broadcast %shift_right_arithmetic3A_182 : i32 to vector<16xi32>
      %shift_right_arithmetic3A_184 = arith.shrsi %get3A_172, %shift_right_arithmetic3A_183 : vector<16xi32>
      %swap3A_185 = arith.constant 2 : i32
      %swap3A_186 = arith.index_cast %swap3A_185 : i32 to index
      %swap3A_187 = arith.constant 96 : index
      %swap3A_188 = tpu.vector_load %arg8[%swap3A_186, %swap3A_187] {strides = array<i32>} : memref<4x128xi32, #tpu.memory_space<vmem>>, vector<1x16xi32>,
      %swap3A_189 = vector.shape_cast %swap3A_188 : vector<1x16xi32> to vector<16xi32>
      %swap3A_190 = vector.shape_cast %shift_right_arithmetic3A_184 : vector<16xi32> to vector<1x16xi32>
      tpu.vector_store %arg8[%swap3A_186, %swap3A_187], %swap3A_190 {strides = array<i32>} : memref<4x128xi32, #tpu.memory_space<vmem>>, vector<1x16xi32>,
      %get3A_191 = arith.constant 0 : i32
      %get3A_192 = arith.index_cast %get3A_191 : i32 to index
      %get3A_193 = arith.constant 112 : index
      %get3A_194 = tpu.vector_load %arg7[%get3A_192, %get3A_193] {strides = array<i32>} : memref<80x128xi32, #tpu.memory_space<vmem>>, vector<1x16xi32>,
      %get3A_195 = vector.shape_cast %get3A_194 : vector<1x16xi32> to vector<16xi32>
      %and3A_196 = arith.constant 16383 : i32
      %and3A_197 = vector.broadcast %and3A_196 : i32 to vector<16xi32>
      %and3A_198 = arith.andi %get3A_195, %and3A_197 : vector<16xi32>
      %swap3A_199 = arith.constant 0 : i32
      %swap3A_200 = arith.index_cast %swap3A_199 : i32 to index
      %swap3A_201 = arith.constant 112 : index
      %swap3A_202 = tpu.vector_load %arg8[%swap3A_200, %swap3A_201] {strides = array<i32>} : memref<4x128xi32, #tpu.memory_space<vmem>>, vector<1x16xi32>,
      %swap3A_203 = vector.shape_cast %swap3A_202 : vector<1x16xi32> to vector<16xi32>
      %swap3A_204 = vector.shape_cast %and3A_198 : vector<16xi32> to vector<1x16xi32>
      tpu.vector_store %arg8[%swap3A_200, %swap3A_201], %swap3A_204 {strides = array<i32>} : memref<4x128xi32, #tpu.memory_space<vmem>>, vector<1x16xi32>,
      %shift_right_arithmetic3A_205 = arith.constant 14 : i32
      %shift_right_arithmetic3A_206 = vector.broadcast %shift_right_arithmetic3A_205 : i32 to vector<16xi32>
      %shift_right_arithmetic3A_207 = arith.shrsi %get3A_195, %shift_right_arithmetic3A_206 : vector<16xi32>
      %swap3A_208 = arith.constant 2 : i32
      %swap3A_209 = arith.index_cast %swap3A_208 : i32 to index
      %swap3A_210 = arith.constant 112 : index
      %swap3A_211 = tpu.vector_load %arg8[%swap3A_209, %swap3A_210] {strides = array<i32>} : memref<4x128xi32, #tpu.memory_space<vmem>>, vector<1x16xi32>,
      %swap3A_212 = vector.shape_cast %swap3A_211 : vector<1x16xi32> to vector<16xi32>
      %swap3A_213 = vector.shape_cast %shift_right_arithmetic3A_207 : vector<16xi32> to vector<1x16xi32>
      tpu.vector_store %arg8[%swap3A_209, %swap3A_210], %swap3A_213 {strides = array<i32>} : memref<4x128xi32, #tpu.memory_space<vmem>>, vector<1x16xi32>,
      %dma_start3A = arith.constant 0 : i32
      %dma_start3A_214 = arith.constant 0 : i32
      %dma_start3A_215 = tpu.memref_slice %arg8[%dma_start3A, %dma_start3A_214] : memref<4x128xi32, #tpu.memory_space<vmem>> -> memref<1x128xi32, #tpu.memory_space<vmem>>
      %dma_start3A_216 = tpu.memref_squeeze %dma_start3A_215 : memref<1x128xi32, #tpu.memory_space<vmem>> -> memref<128xi32, #tpu.memory_space<vmem>>
      %dma_start3A_217 = arith.constant 0 : i32
      %dma_start3A_218 = arith.constant 0 : i32
      %dma_start3A_219 = tpu.memref_slice %arg2[%dma_start3A_217, %dma_start3A_218] : memref<10240x128xf32, #tpu.memory_space<hbm>> -> memref<10240x128xf32, #tpu.memory_space<hbm>>
      tpu.enqueue_indirect_dma source(%dma_start3A_219 : memref<10240x128xf32, #tpu.memory_space<hbm>>) target(%arg9 : memref<128x128xf32, #tpu.memory_space<vmem>>) offsets(%dma_start3A_216 : memref<128xi32, #tpu.memory_space<vmem>>) semaphore(%arg11 : memref<!tpu.dma_semaphore, #tpu.memory_space<semaphore_mem>>)
      %scan3A_220 = arith.constant 0 : i32
      %scan3A_221 = arith.constant 0 : i32
      %scan3A_222 = arith.constant 40 : i32
      %scan3A_223 = arith.addi %scan3A_221, %scan3A_222 : i32
      %scan3A_224 = arith.constant 1 : i32
      %scan3A_225 = scf.for %scan3A_227 = %scan3A_221 to %scan3A_223 step %scan3A_224 iter_args(%scan3A_228 = %scan3A_220) -> (i32)  : i32 {
        %mul3A_229 = arith.constant 2 : i32
        %mul3A_230 = arith.muli %scan3A_227, %mul3A_229 : i32
        %add3A = arith.constant 1 : i32
        %add3A_231 = arith.addi %mul3A_230, %add3A : i32
        %get3A_232 = arith.index_cast %add3A_231 : i32 to index
        %get3A_233 = arith.constant 0 : index
        %get3A_234 = tpu.vector_load %arg7[%get3A_232, %get3A_233] {strides = array<i32>} : memref<80x128xi32, #tpu.memory_space<vmem>>, vector<1x16xi32>,
        %get3A_235 = vector.shape_cast %get3A_234 : vector<1x16xi32> to vector<16xi32>
        %and3A_236 = arith.constant 16383 : i32
        %and3A_237 = vector.broadcast %and3A_236 : i32 to vector<16xi32>
        %and3A_238 = arith.andi %get3A_235, %and3A_237 : vector<16xi32>
        %swap3A_239 = arith.constant 1 : i32
        %swap3A_240 = arith.index_cast %swap3A_239 : i32 to index
        %swap3A_241 = arith.constant 0 : index
        %swap3A_242 = tpu.vector_load %arg8[%swap3A_240, %swap3A_241] {strides = array<i32>} : memref<4x128xi32, #tpu.memory_space<vmem>>, vector<1x16xi32>,
        %swap3A_243 = vector.shape_cast %swap3A_242 : vector<1x16xi32> to vector<16xi32>
        %swap3A_244 = vector.shape_cast %and3A_238 : vector<16xi32> to vector<1x16xi32>
        tpu.vector_store %arg8[%swap3A_240, %swap3A_241], %swap3A_244 {strides = array<i32>} : memref<4x128xi32, #tpu.memory_space<vmem>>, vector<1x16xi32>,
        %shift_right_arithmetic3A_245 = arith.constant 14 : i32
        %shift_right_arithmetic3A_246 = vector.broadcast %shift_right_arithmetic3A_245 : i32 to vector<16xi32>
        %shift_right_arithmetic3A_247 = arith.shrsi %get3A_235, %shift_right_arithmetic3A_246 : vector<16xi32>
        %swap3A_248 = arith.constant 3 : i32
        %swap3A_249 = arith.index_cast %swap3A_248 : i32 to index
        %swap3A_250 = arith.constant 0 : index
        %swap3A_251 = tpu.vector_load %arg8[%swap3A_249, %swap3A_250] {strides = array<i32>} : memref<4x128xi32, #tpu.memory_space<vmem>>, vector<1x16xi32>,
        %swap3A_252 = vector.shape_cast %swap3A_251 : vector<1x16xi32> to vector<16xi32>
        %swap3A_253 = vector.shape_cast %shift_right_arithmetic3A_247 : vector<16xi32> to vector<1x16xi32>
        tpu.vector_store %arg8[%swap3A_249, %swap3A_250], %swap3A_253 {strides = array<i32>} : memref<4x128xi32, #tpu.memory_space<vmem>>, vector<1x16xi32>,
        %get3A_254 = arith.index_cast %add3A_231 : i32 to index
        %get3A_255 = arith.constant 16 : index
        %get3A_256 = tpu.vector_load %arg7[%get3A_254, %get3A_255] {strides = array<i32>} : memref<80x128xi32, #tpu.memory_space<vmem>>, vector<1x16xi32>,
        %get3A_257 = vector.shape_cast %get3A_256 : vector<1x16xi32> to vector<16xi32>
        %and3A_258 = arith.constant 16383 : i32
        %and3A_259 = vector.broadcast %and3A_258 : i32 to vector<16xi32>
        %and3A_260 = arith.andi %get3A_257, %and3A_259 : vector<16xi32>
        %swap3A_261 = arith.constant 1 : i32
        %swap3A_262 = arith.index_cast %swap3A_261 : i32 to index
        %swap3A_263 = arith.constant 16 : index
        %swap3A_264 = tpu.vector_load %arg8[%swap3A_262, %swap3A_263] {strides = array<i32>} : memref<4x128xi32, #tpu.memory_space<vmem>>, vector<1x16xi32>,
        %swap3A_265 = vector.shape_cast %swap3A_264 : vector<1x16xi32> to vector<16xi32>
        %swap3A_266 = vector.shape_cast %and3A_260 : vector<16xi32> to vector<1x16xi32>
        tpu.vector_store %arg8[%swap3A_262, %swap3A_263], %swap3A_266 {strides = array<i32>} : memref<4x128xi32, #tpu.memory_space<vmem>>, vector<1x16xi32>,
        %shift_right_arithmetic3A_267 = arith.constant 14 : i32
        %shift_right_arithmetic3A_268 = vector.broadcast %shift_right_arithmetic3A_267 : i32 to vector<16xi32>
        %shift_right_arithmetic3A_269 = arith.shrsi %get3A_257, %shift_right_arithmetic3A_268 : vector<16xi32>
        %swap3A_270 = arith.constant 3 : i32
        %swap3A_271 = arith.index_cast %swap3A_270 : i32 to index
        %swap3A_272 = arith.constant 16 : index
        %swap3A_273 = tpu.vector_load %arg8[%swap3A_271, %swap3A_272] {strides = array<i32>} : memref<4x128xi32, #tpu.memory_space<vmem>>, vector<1x16xi32>,
        %swap3A_274 = vector.shape_cast %swap3A_273 : vector<1x16xi32> to vector<16xi32>
        %swap3A_275 = vector.shape_cast %shift_right_arithmetic3A_269 : vector<16xi32> to vector<1x16xi32>
        tpu.vector_store %arg8[%swap3A_271, %swap3A_272], %swap3A_275 {strides = array<i32>} : memref<4x128xi32, #tpu.memory_space<vmem>>, vector<1x16xi32>,
        %get3A_276 = arith.index_cast %add3A_231 : i32 to index
        %get3A_277 = arith.constant 32 : index
        %get3A_278 = tpu.vector_load %arg7[%get3A_276, %get3A_277] {strides = array<i32>} : memref<80x128xi32, #tpu.memory_space<vmem>>, vector<1x16xi32>,
        %get3A_279 = vector.shape_cast %get3A_278 : vector<1x16xi32> to vector<16xi32>
        %and3A_280 = arith.constant 16383 : i32
        %and3A_281 = vector.broadcast %and3A_280 : i32 to vector<16xi32>
        %and3A_282 = arith.andi %get3A_279, %and3A_281 : vector<16xi32>
        %swap3A_283 = arith.constant 1 : i32
        %swap3A_284 = arith.index_cast %swap3A_283 : i32 to index
        %swap3A_285 = arith.constant 32 : index
        %swap3A_286 = tpu.vector_load %arg8[%swap3A_284, %swap3A_285] {strides = array<i32>} : memref<4x128xi32, #tpu.memory_space<vmem>>, vector<1x16xi32>,
        %swap3A_287 = vector.shape_cast %swap3A_286 : vector<1x16xi32> to vector<16xi32>
        %swap3A_288 = vector.shape_cast %and3A_282 : vector<16xi32> to vector<1x16xi32>
        tpu.vector_store %arg8[%swap3A_284, %swap3A_285], %swap3A_288 {strides = array<i32>} : memref<4x128xi32, #tpu.memory_space<vmem>>, vector<1x16xi32>,
        %shift_right_arithmetic3A_289 = arith.constant 14 : i32
        %shift_right_arithmetic3A_290 = vector.broadcast %shift_right_arithmetic3A_289 : i32 to vector<16xi32>
        %shift_right_arithmetic3A_291 = arith.shrsi %get3A_279, %shift_right_arithmetic3A_290 : vector<16xi32>
        %swap3A_292 = arith.constant 3 : i32
        %swap3A_293 = arith.index_cast %swap3A_292 : i32 to index
        %swap3A_294 = arith.constant 32 : index
        %swap3A_295 = tpu.vector_load %arg8[%swap3A_293, %swap3A_294] {strides = array<i32>} : memref<4x128xi32, #tpu.memory_space<vmem>>, vector<1x16xi32>,
        %swap3A_296 = vector.shape_cast %swap3A_295 : vector<1x16xi32> to vector<16xi32>
        %swap3A_297 = vector.shape_cast %shift_right_arithmetic3A_291 : vector<16xi32> to vector<1x16xi32>
        tpu.vector_store %arg8[%swap3A_293, %swap3A_294], %swap3A_297 {strides = array<i32>} : memref<4x128xi32, #tpu.memory_space<vmem>>, vector<1x16xi32>,
        %get3A_298 = arith.index_cast %add3A_231 : i32 to index
        %get3A_299 = arith.constant 48 : index
        %get3A_300 = tpu.vector_load %arg7[%get3A_298, %get3A_299] {strides = array<i32>} : memref<80x128xi32, #tpu.memory_space<vmem>>, vector<1x16xi32>,
        %get3A_301 = vector.shape_cast %get3A_300 : vector<1x16xi32> to vector<16xi32>
        %and3A_302 = arith.constant 16383 : i32
        %and3A_303 = vector.broadcast %and3A_302 : i32 to vector<16xi32>
        %and3A_304 = arith.andi %get3A_301, %and3A_303 : vector<16xi32>
        %swap3A_305 = arith.constant 1 : i32
        %swap3A_306 = arith.index_cast %swap3A_305 : i32 to index
        %swap3A_307 = arith.constant 48 : index
        %swap3A_308 = tpu.vector_load %arg8[%swap3A_306, %swap3A_307] {strides = array<i32>} : memref<4x128xi32, #tpu.memory_space<vmem>>, vector<1x16xi32>,
        %swap3A_309 = vector.shape_cast %swap3A_308 : vector<1x16xi32> to vector<16xi32>
        %swap3A_310 = vector.shape_cast %and3A_304 : vector<16xi32> to vector<1x16xi32>
        tpu.vector_store %arg8[%swap3A_306, %swap3A_307], %swap3A_310 {strides = array<i32>} : memref<4x128xi32, #tpu.memory_space<vmem>>, vector<1x16xi32>,
        %shift_right_arithmetic3A_311 = arith.constant 14 : i32
        %shift_right_arithmetic3A_312 = vector.broadcast %shift_right_arithmetic3A_311 : i32 to vector<16xi32>
        %shift_right_arithmetic3A_313 = arith.shrsi %get3A_301, %shift_right_arithmetic3A_312 : vector<16xi32>
        %swap3A_314 = arith.constant 3 : i32
        %swap3A_315 = arith.index_cast %swap3A_314 : i32 to index
        %swap3A_316 = arith.constant 48 : index
        %swap3A_317 = tpu.vector_load %arg8[%swap3A_315, %swap3A_316] {strides = array<i32>} : memref<4x128xi32, #tpu.memory_space<vmem>>, vector<1x16xi32>,
        %swap3A_318 = vector.shape_cast %swap3A_317 : vector<1x16xi32> to vector<16xi32>
        %swap3A_319 = vector.shape_cast %shift_right_arithmetic3A_313 : vector<16xi32> to vector<1x16xi32>
        tpu.vector_store %arg8[%swap3A_315, %swap3A_316], %swap3A_319 {strides = array<i32>} : memref<4x128xi32, #tpu.memory_space<vmem>>, vector<1x16xi32>,
        %get3A_320 = arith.index_cast %add3A_231 : i32 to index
        %get3A_321 = arith.constant 64 : index
        %get3A_322 = tpu.vector_load %arg7[%get3A_320, %get3A_321] {strides = array<i32>} : memref<80x128xi32, #tpu.memory_space<vmem>>, vector<1x16xi32>,
        %get3A_323 = vector.shape_cast %get3A_322 : vector<1x16xi32> to vector<16xi32>
        %and3A_324 = arith.constant 16383 : i32
        %and3A_325 = vector.broadcast %and3A_324 : i32 to vector<16xi32>
        %and3A_326 = arith.andi %get3A_323, %and3A_325 : vector<16xi32>
        %swap3A_327 = arith.constant 1 : i32
        %swap3A_328 = arith.index_cast %swap3A_327 : i32 to index
        %swap3A_329 = arith.constant 64 : index
        %swap3A_330 = tpu.vector_load %arg8[%swap3A_328, %swap3A_329] {strides = array<i32>} : memref<4x128xi32, #tpu.memory_space<vmem>>, vector<1x16xi32>,
        %swap3A_331 = vector.shape_cast %swap3A_330 : vector<1x16xi32> to vector<16xi32>
        %swap3A_332 = vector.shape_cast %and3A_326 : vector<16xi32> to vector<1x16xi32>
        tpu.vector_store %arg8[%swap3A_328, %swap3A_329], %swap3A_332 {strides = array<i32>} : memref<4x128xi32, #tpu.memory_space<vmem>>, vector<1x16xi32>,
        %shift_right_arithmetic3A_333 = arith.constant 14 : i32
        %shift_right_arithmetic3A_334 = vector.broadcast %shift_right_arithmetic3A_333 : i32 to vector<16xi32>
        %shift_right_arithmetic3A_335 = arith.shrsi %get3A_323, %shift_right_arithmetic3A_334 : vector<16xi32>
        %swap3A_336 = arith.constant 3 : i32
        %swap3A_337 = arith.index_cast %swap3A_336 : i32 to index
        %swap3A_338 = arith.constant 64 : index
        %swap3A_339 = tpu.vector_load %arg8[%swap3A_337, %swap3A_338] {strides = array<i32>} : memref<4x128xi32, #tpu.memory_space<vmem>>, vector<1x16xi32>,
        %swap3A_340 = vector.shape_cast %swap3A_339 : vector<1x16xi32> to vector<16xi32>
        %swap3A_341 = vector.shape_cast %shift_right_arithmetic3A_335 : vector<16xi32> to vector<1x16xi32>
        tpu.vector_store %arg8[%swap3A_337, %swap3A_338], %swap3A_341 {strides = array<i32>} : memref<4x128xi32, #tpu.memory_space<vmem>>, vector<1x16xi32>,
        %get3A_342 = arith.index_cast %add3A_231 : i32 to index
        %get3A_343 = arith.constant 80 : index
        %get3A_344 = tpu.vector_load %arg7[%get3A_342, %get3A_343] {strides = array<i32>} : memref<80x128xi32, #tpu.memory_space<vmem>>, vector<1x16xi32>,
        %get3A_345 = vector.shape_cast %get3A_344 : vector<1x16xi32> to vector<16xi32>
        %and3A_346 = arith.constant 16383 : i32
        %and3A_347 = vector.broadcast %and3A_346 : i32 to vector<16xi32>
        %and3A_348 = arith.andi %get3A_345, %and3A_347 : vector<16xi32>
        %swap3A_349 = arith.constant 1 : i32
        %swap3A_350 = arith.index_cast %swap3A_349 : i32 to index
        %swap3A_351 = arith.constant 80 : index
        %swap3A_352 = tpu.vector_load %arg8[%swap3A_350, %swap3A_351] {strides = array<i32>} : memref<4x128xi32, #tpu.memory_space<vmem>>, vector<1x16xi32>,
        %swap3A_353 = vector.shape_cast %swap3A_352 : vector<1x16xi32> to vector<16xi32>
        %swap3A_354 = vector.shape_cast %and3A_348 : vector<16xi32> to vector<1x16xi32>
        tpu.vector_store %arg8[%swap3A_350, %swap3A_351], %swap3A_354 {strides = array<i32>} : memref<4x128xi32, #tpu.memory_space<vmem>>, vector<1x16xi32>,
        %shift_right_arithmetic3A_355 = arith.constant 14 : i32
        %shift_right_arithmetic3A_356 = vector.broadcast %shift_right_arithmetic3A_355 : i32 to vector<16xi32>
        %shift_right_arithmetic3A_357 = arith.shrsi %get3A_345, %shift_right_arithmetic3A_356 : vector<16xi32>
        %swap3A_358 = arith.constant 3 : i32
        %swap3A_359 = arith.index_cast %swap3A_358 : i32 to index
        %swap3A_360 = arith.constant 80 : index
        %swap3A_361 = tpu.vector_load %arg8[%swap3A_359, %swap3A_360] {strides = array<i32>} : memref<4x128xi32, #tpu.memory_space<vmem>>, vector<1x16xi32>,
        %swap3A_362 = vector.shape_cast %swap3A_361 : vector<1x16xi32> to vector<16xi32>
        %swap3A_363 = vector.shape_cast %shift_right_arithmetic3A_357 : vector<16xi32> to vector<1x16xi32>
        tpu.vector_store %arg8[%swap3A_359, %swap3A_360], %swap3A_363 {strides = array<i32>} : memref<4x128xi32, #tpu.memory_space<vmem>>, vector<1x16xi32>,
        %get3A_364 = arith.index_cast %add3A_231 : i32 to index
        %get3A_365 = arith.constant 96 : index
        %get3A_366 = tpu.vector_load %arg7[%get3A_364, %get3A_365] {strides = array<i32>} : memref<80x128xi32, #tpu.memory_space<vmem>>, vector<1x16xi32>,
        %get3A_367 = vector.shape_cast %get3A_366 : vector<1x16xi32> to vector<16xi32>
        %and3A_368 = arith.constant 16383 : i32
        %and3A_369 = vector.broadcast %and3A_368 : i32 to vector<16xi32>
        %and3A_370 = arith.andi %get3A_367, %and3A_369 : vector<16xi32>
        %swap3A_371 = arith.constant 1 : i32
        %swap3A_372 = arith.index_cast %swap3A_371 : i32 to index
        %swap3A_373 = arith.constant 96 : index
        %swap3A_374 = tpu.vector_load %arg8[%swap3A_372, %swap3A_373] {strides = array<i32>} : memref<4x128xi32, #tpu.memory_space<vmem>>, vector<1x16xi32>,
        %swap3A_375 = vector.shape_cast %swap3A_374 : vector<1x16xi32> to vector<16xi32>
        %swap3A_376 = vector.shape_cast %and3A_370 : vector<16xi32> to vector<1x16xi32>
        tpu.vector_store %arg8[%swap3A_372, %swap3A_373], %swap3A_376 {strides = array<i32>} : memref<4x128xi32, #tpu.memory_space<vmem>>, vector<1x16xi32>,
        %shift_right_arithmetic3A_377 = arith.constant 14 : i32
        %shift_right_arithmetic3A_378 = vector.broadcast %shift_right_arithmetic3A_377 : i32 to vector<16xi32>
        %shift_right_arithmetic3A_379 = arith.shrsi %get3A_367, %shift_right_arithmetic3A_378 : vector<16xi32>
        %swap3A_380 = arith.constant 3 : i32
        %swap3A_381 = arith.index_cast %swap3A_380 : i32 to index
        %swap3A_382 = arith.constant 96 : index
        %swap3A_383 = tpu.vector_load %arg8[%swap3A_381, %swap3A_382] {strides = array<i32>} : memref<4x128xi32, #tpu.memory_space<vmem>>, vector<1x16xi32>,
        %swap3A_384 = vector.shape_cast %swap3A_383 : vector<1x16xi32> to vector<16xi32>
        %swap3A_385 = vector.shape_cast %shift_right_arithmetic3A_379 : vector<16xi32> to vector<1x16xi32>
        tpu.vector_store %arg8[%swap3A_381, %swap3A_382], %swap3A_385 {strides = array<i32>} : memref<4x128xi32, #tpu.memory_space<vmem>>, vector<1x16xi32>,
        %get3A_386 = arith.index_cast %add3A_231 : i32 to index
        %get3A_387 = arith.constant 112 : index
        %get3A_388 = tpu.vector_load %arg7[%get3A_386, %get3A_387] {strides = array<i32>} : memref<80x128xi32, #tpu.memory_space<vmem>>, vector<1x16xi32>,
        %get3A_389 = vector.shape_cast %get3A_388 : vector<1x16xi32> to vector<16xi32>
        %and3A_390 = arith.constant 16383 : i32
        %and3A_391 = vector.broadcast %and3A_390 : i32 to vector<16xi32>
        %and3A_392 = arith.andi %get3A_389, %and3A_391 : vector<16xi32>
        %swap3A_393 = arith.constant 1 : i32
        %swap3A_394 = arith.index_cast %swap3A_393 : i32 to index
        %swap3A_395 = arith.constant 112 : index
        %swap3A_396 = tpu.vector_load %arg8[%swap3A_394, %swap3A_395] {strides = array<i32>} : memref<4x128xi32, #tpu.memory_space<vmem>>, vector<1x16xi32>,
        %swap3A_397 = vector.shape_cast %swap3A_396 : vector<1x16xi32> to vector<16xi32>
        %swap3A_398 = vector.shape_cast %and3A_392 : vector<16xi32> to vector<1x16xi32>
        tpu.vector_store %arg8[%swap3A_394, %swap3A_395], %swap3A_398 {strides = array<i32>} : memref<4x128xi32, #tpu.memory_space<vmem>>, vector<1x16xi32>,
        %shift_right_arithmetic3A_399 = arith.constant 14 : i32
        %shift_right_arithmetic3A_400 = vector.broadcast %shift_right_arithmetic3A_399 : i32 to vector<16xi32>
        %shift_right_arithmetic3A_401 = arith.shrsi %get3A_389, %shift_right_arithmetic3A_400 : vector<16xi32>
        %swap3A_402 = arith.constant 3 : i32
        %swap3A_403 = arith.index_cast %swap3A_402 : i32 to index
        %swap3A_404 = arith.constant 112 : index
        %swap3A_405 = tpu.vector_load %arg8[%swap3A_403, %swap3A_404] {strides = array<i32>} : memref<4x128xi32, #tpu.memory_space<vmem>>, vector<1x16xi32>,
        %swap3A_406 = vector.shape_cast %swap3A_405 : vector<1x16xi32> to vector<16xi32>
        %swap3A_407 = vector.shape_cast %shift_right_arithmetic3A_401 : vector<16xi32> to vector<1x16xi32>
        tpu.vector_store %arg8[%swap3A_403, %swap3A_404], %swap3A_407 {strides = array<i32>} : memref<4x128xi32, #tpu.memory_space<vmem>>, vector<1x16xi32>,
        %dma_start3A_408 = arith.constant 1 : i32
        %dma_start3A_409 = arith.constant 0 : i32
        %dma_start3A_410 = tpu.memref_slice %arg8[%dma_start3A_408, %dma_start3A_409] : memref<4x128xi32, #tpu.memory_space<vmem>> -> memref<1x128xi32, #tpu.memory_space<vmem>>
        %dma_start3A_411 = tpu.memref_squeeze %dma_start3A_410 : memref<1x128xi32, #tpu.memory_space<vmem>> -> memref<128xi32, #tpu.memory_space<vmem>>
        %dma_start3A_412 = arith.constant 0 : i32
        %dma_start3A_413 = arith.constant 0 : i32
        %dma_start3A_414 = tpu.memref_slice %arg2[%dma_start3A_412, %dma_start3A_413] : memref<10240x128xf32, #tpu.memory_space<hbm>> -> memref<10240x128xf32, #tpu.memory_space<hbm>>
        tpu.enqueue_indirect_dma source(%dma_start3A_414 : memref<10240x128xf32, #tpu.memory_space<hbm>>) target(%arg10 : memref<128x128xf32, #tpu.memory_space<vmem>>) offsets(%dma_start3A_411 : memref<128xi32, #tpu.memory_space<vmem>>) semaphore(%arg12 : memref<!tpu.dma_semaphore, #tpu.memory_space<semaphore_mem>>)
        %dma_wait3A = arith.constant 0 : i32
        %dma_wait3A_415 = arith.constant 0 : i32
        %dma_wait3A_416 = tpu.memref_slice %arg8[%dma_wait3A, %dma_wait3A_415] : memref<4x128xi32, #tpu.memory_space<vmem>> -> memref<1x128xi32, #tpu.memory_space<vmem>>
        %dma_wait3A_417 = tpu.memref_squeeze %dma_wait3A_416 : memref<1x128xi32, #tpu.memory_space<vmem>> -> memref<128xi32, #tpu.memory_space<vmem>>
        %dma_wait3A_418 = arith.constant 0 : i32
        %dma_wait3A_419 = arith.constant 0 : i32
        %dma_wait3A_420 = tpu.memref_slice %arg2[%dma_wait3A_418, %dma_wait3A_419] : memref<10240x128xf32, #tpu.memory_space<hbm>> -> memref<10240x128xf32, #tpu.memory_space<hbm>>
        tpu.wait_indirect_dma semaphore(%arg11 : memref<!tpu.dma_semaphore, #tpu.memory_space<semaphore_mem>>) src(%dma_wait3A_420 : memref<10240x128xf32, #tpu.memory_space<hbm>>) dst(%arg9 : memref<128x128xf32, #tpu.memory_space<vmem>>)
        %run_scoped3A = arith.constant 2 : i32
        "tpu.region"() ({
          %run_scoped3A_434 = tpu.sem_alloc : memref<!tpu.dma_semaphore, #tpu.memory_space<semaphore_mem>>
          %dma_start3A_435 = arith.constant 0 : i32
          %dma_start3A_436 = tpu.memref_slice %arg8[%run_scoped3A, %dma_start3A_435] : memref<4x128xi32, #tpu.memory_space<vmem>> -> memref<1x128xi32, #tpu.memory_space<vmem>>
          %dma_start3A_437 = tpu.memref_squeeze %dma_start3A_436 : memref<1x128xi32, #tpu.memory_space<vmem>> -> memref<128xi32, #tpu.memory_space<vmem>>
          %dma_start3A_438 = arith.constant 0 : i32
          %dma_start3A_439 = arith.constant 0 : i32
          %dma_start3A_440 = tpu.memref_slice %arg13[%dma_start3A_438, %dma_start3A_439] : memref<10240x128xf32, #tpu.memory_space<vmem_shared>> -> memref<10240x128xf32, #tpu.memory_space<vmem_shared>>
          tpu.enqueue_indirect_dma source(%arg9 : memref<128x128xf32, #tpu.memory_space<vmem>>) target(%dma_start3A_440 : memref<10240x128xf32, #tpu.memory_space<vmem_shared>>) offsets(%dma_start3A_437 : memref<128xi32, #tpu.memory_space<vmem>>) semaphore(%run_scoped3A_434 : memref<!tpu.dma_semaphore, #tpu.memory_space<semaphore_mem>>) {add = true}
          %dma_wait3A_441 = arith.constant 0 : i32
          %dma_wait3A_442 = tpu.memref_slice %arg8[%run_scoped3A, %dma_wait3A_441] : memref<4x128xi32, #tpu.memory_space<vmem>> -> memref<1x128xi32, #tpu.memory_space<vmem>>
          %dma_wait3A_443 = tpu.memref_squeeze %dma_wait3A_442 : memref<1x128xi32, #tpu.memory_space<vmem>> -> memref<128xi32, #tpu.memory_space<vmem>>
          %dma_wait3A_444 = arith.constant 0 : i32
          %dma_wait3A_445 = arith.constant 0 : i32
          %dma_wait3A_446 = tpu.memref_slice %arg13[%dma_wait3A_444, %dma_wait3A_445] : memref<10240x128xf32, #tpu.memory_space<vmem_shared>> -> memref<10240x128xf32, #tpu.memory_space<vmem_shared>>
          tpu.wait_indirect_dma semaphore(%run_scoped3A_434 : memref<!tpu.dma_semaphore, #tpu.memory_space<semaphore_mem>>) src(%arg9 : memref<128x128xf32, #tpu.memory_space<vmem>>) dst(%dma_wait3A_446 : memref<10240x128xf32, #tpu.memory_space<vmem_shared>>)
          tpu.yield
        }) : () -> ()
        %lt3A = arith.constant 39 : i32
        %lt3A_421 = arith.cmpi slt, %scan3A_227, %lt3A : i32
        %convert_element_type3A_422 = arith.extui %lt3A_421 : i1 to i32
        %cond3A_423 = arith.constant 0 : i32
        %cond3A_424 = arith.cmpi ne, %convert_element_type3A_422, %cond3A_423 : i32
        scf.if %cond3A_424 {
          %add3A_434 = arith.constant 2 : i32
          %add3A_435 = arith.addi %mul3A_230, %add3A_434 : i32
          %get3A_436 = arith.index_cast %add3A_435 : i32 to index
          %get3A_437 = arith.constant 0 : index
          %get3A_438 = tpu.vector_load %arg7[%get3A_436, %get3A_437] {strides = array<i32>} : memref<80x128xi32, #tpu.memory_space<vmem>>, vector<1x16xi32>,
          %get3A_439 = vector.shape_cast %get3A_438 : vector<1x16xi32> to vector<16xi32>
          %and3A_440 = arith.constant 16383 : i32
          %and3A_441 = vector.broadcast %and3A_440 : i32 to vector<16xi32>
          %and3A_442 = arith.andi %get3A_439, %and3A_441 : vector<16xi32>
          %swap3A_443 = arith.constant 0 : i32
          %swap3A_444 = arith.index_cast %swap3A_443 : i32 to index
          %swap3A_445 = arith.constant 0 : index
          %swap3A_446 = tpu.vector_load %arg8[%swap3A_444, %swap3A_445] {strides = array<i32>} : memref<4x128xi32, #tpu.memory_space<vmem>>, vector<1x16xi32>,
          %swap3A_447 = vector.shape_cast %swap3A_446 : vector<1x16xi32> to vector<16xi32>
          %swap3A_448 = vector.shape_cast %and3A_442 : vector<16xi32> to vector<1x16xi32>
          tpu.vector_store %arg8[%swap3A_444, %swap3A_445], %swap3A_448 {strides = array<i32>} : memref<4x128xi32, #tpu.memory_space<vmem>>, vector<1x16xi32>,
          %shift_right_arithmetic3A_449 = arith.constant 14 : i32
          %shift_right_arithmetic3A_450 = vector.broadcast %shift_right_arithmetic3A_449 : i32 to vector<16xi32>
          %shift_right_arithmetic3A_451 = arith.shrsi %get3A_439, %shift_right_arithmetic3A_450 : vector<16xi32>
          %swap3A_452 = arith.constant 2 : i32
          %swap3A_453 = arith.index_cast %swap3A_452 : i32 to index
          %swap3A_454 = arith.constant 0 : index
          %swap3A_455 = tpu.vector_load %arg8[%swap3A_453, %swap3A_454] {strides = array<i32>} : memref<4x128xi32, #tpu.memory_space<vmem>>, vector<1x16xi32>,
          %swap3A_456 = vector.shape_cast %swap3A_455 : vector<1x16xi32> to vector<16xi32>
          %swap3A_457 = vector.shape_cast %shift_right_arithmetic3A_451 : vector<16xi32> to vector<1x16xi32>
          tpu.vector_store %arg8[%swap3A_453, %swap3A_454], %swap3A_457 {strides = array<i32>} : memref<4x128xi32, #tpu.memory_space<vmem>>, vector<1x16xi32>,
          %get3A_458 = arith.index_cast %add3A_435 : i32 to index
          %get3A_459 = arith.constant 16 : index
          %get3A_460 = tpu.vector_load %arg7[%get3A_458, %get3A_459] {strides = array<i32>} : memref<80x128xi32, #tpu.memory_space<vmem>>, vector<1x16xi32>,
          %get3A_461 = vector.shape_cast %get3A_460 : vector<1x16xi32> to vector<16xi32>
          %and3A_462 = arith.constant 16383 : i32
          %and3A_463 = vector.broadcast %and3A_462 : i32 to vector<16xi32>
          %and3A_464 = arith.andi %get3A_461, %and3A_463 : vector<16xi32>
          %swap3A_465 = arith.constant 0 : i32
          %swap3A_466 = arith.index_cast %swap3A_465 : i32 to index
          %swap3A_467 = arith.constant 16 : index
          %swap3A_468 = tpu.vector_load %arg8[%swap3A_466, %swap3A_467] {strides = array<i32>} : memref<4x128xi32, #tpu.memory_space<vmem>>, vector<1x16xi32>,
          %swap3A_469 = vector.shape_cast %swap3A_468 : vector<1x16xi32> to vector<16xi32>
          %swap3A_470 = vector.shape_cast %and3A_464 : vector<16xi32> to vector<1x16xi32>
          tpu.vector_store %arg8[%swap3A_466, %swap3A_467], %swap3A_470 {strides = array<i32>} : memref<4x128xi32, #tpu.memory_space<vmem>>, vector<1x16xi32>,
          %shift_right_arithmetic3A_471 = arith.constant 14 : i32
          %shift_right_arithmetic3A_472 = vector.broadcast %shift_right_arithmetic3A_471 : i32 to vector<16xi32>
          %shift_right_arithmetic3A_473 = arith.shrsi %get3A_461, %shift_right_arithmetic3A_472 : vector<16xi32>
          %swap3A_474 = arith.constant 2 : i32
          %swap3A_475 = arith.index_cast %swap3A_474 : i32 to index
          %swap3A_476 = arith.constant 16 : index
          %swap3A_477 = tpu.vector_load %arg8[%swap3A_475, %swap3A_476] {strides = array<i32>} : memref<4x128xi32, #tpu.memory_space<vmem>>, vector<1x16xi32>,
          %swap3A_478 = vector.shape_cast %swap3A_477 : vector<1x16xi32> to vector<16xi32>
          %swap3A_479 = vector.shape_cast %shift_right_arithmetic3A_473 : vector<16xi32> to vector<1x16xi32>
          tpu.vector_store %arg8[%swap3A_475, %swap3A_476], %swap3A_479 {strides = array<i32>} : memref<4x128xi32, #tpu.memory_space<vmem>>, vector<1x16xi32>,
          %get3A_480 = arith.index_cast %add3A_435 : i32 to index
          %get3A_481 = arith.constant 32 : index
          %get3A_482 = tpu.vector_load %arg7[%get3A_480, %get3A_481] {strides = array<i32>} : memref<80x128xi32, #tpu.memory_space<vmem>>, vector<1x16xi32>,
          %get3A_483 = vector.shape_cast %get3A_482 : vector<1x16xi32> to vector<16xi32>
          %and3A_484 = arith.constant 16383 : i32
          %and3A_485 = vector.broadcast %and3A_484 : i32 to vector<16xi32>
          %and3A_486 = arith.andi %get3A_483, %and3A_485 : vector<16xi32>
          %swap3A_487 = arith.constant 0 : i32
          %swap3A_488 = arith.index_cast %swap3A_487 : i32 to index
          %swap3A_489 = arith.constant 32 : index
          %swap3A_490 = tpu.vector_load %arg8[%swap3A_488, %swap3A_489] {strides = array<i32>} : memref<4x128xi32, #tpu.memory_space<vmem>>, vector<1x16xi32>,
          %swap3A_491 = vector.shape_cast %swap3A_490 : vector<1x16xi32> to vector<16xi32>
          %swap3A_492 = vector.shape_cast %and3A_486 : vector<16xi32> to vector<1x16xi32>
          tpu.vector_store %arg8[%swap3A_488, %swap3A_489], %swap3A_492 {strides = array<i32>} : memref<4x128xi32, #tpu.memory_space<vmem>>, vector<1x16xi32>,
          %shift_right_arithmetic3A_493 = arith.constant 14 : i32
          %shift_right_arithmetic3A_494 = vector.broadcast %shift_right_arithmetic3A_493 : i32 to vector<16xi32>
          %shift_right_arithmetic3A_495 = arith.shrsi %get3A_483, %shift_right_arithmetic3A_494 : vector<16xi32>
          %swap3A_496 = arith.constant 2 : i32
          %swap3A_497 = arith.index_cast %swap3A_496 : i32 to index
          %swap3A_498 = arith.constant 32 : index
          %swap3A_499 = tpu.vector_load %arg8[%swap3A_497, %swap3A_498] {strides = array<i32>} : memref<4x128xi32, #tpu.memory_space<vmem>>, vector<1x16xi32>,
          %swap3A_500 = vector.shape_cast %swap3A_499 : vector<1x16xi32> to vector<16xi32>
          %swap3A_501 = vector.shape_cast %shift_right_arithmetic3A_495 : vector<16xi32> to vector<1x16xi32>
          tpu.vector_store %arg8[%swap3A_497, %swap3A_498], %swap3A_501 {strides = array<i32>} : memref<4x128xi32, #tpu.memory_space<vmem>>, vector<1x16xi32>,
          %get3A_502 = arith.index_cast %add3A_435 : i32 to index
          %get3A_503 = arith.constant 48 : index
          %get3A_504 = tpu.vector_load %arg7[%get3A_502, %get3A_503] {strides = array<i32>} : memref<80x128xi32, #tpu.memory_space<vmem>>, vector<1x16xi32>,
          %get3A_505 = vector.shape_cast %get3A_504 : vector<1x16xi32> to vector<16xi32>
          %and3A_506 = arith.constant 16383 : i32
          %and3A_507 = vector.broadcast %and3A_506 : i32 to vector<16xi32>
          %and3A_508 = arith.andi %get3A_505, %and3A_507 : vector<16xi32>
          %swap3A_509 = arith.constant 0 : i32
          %swap3A_510 = arith.index_cast %swap3A_509 : i32 to index
          %swap3A_511 = arith.constant 48 : index
          %swap3A_512 = tpu.vector_load %arg8[%swap3A_510, %swap3A_511] {strides = array<i32>} : memref<4x128xi32, #tpu.memory_space<vmem>>, vector<1x16xi32>,
          %swap3A_513 = vector.shape_cast %swap3A_512 : vector<1x16xi32> to vector<16xi32>
          %swap3A_514 = vector.shape_cast %and3A_508 : vector<16xi32> to vector<1x16xi32>
          tpu.vector_store %arg8[%swap3A_510, %swap3A_511], %swap3A_514 {strides = array<i32>} : memref<4x128xi32, #tpu.memory_space<vmem>>, vector<1x16xi32>,
          %shift_right_arithmetic3A_515 = arith.constant 14 : i32
          %shift_right_arithmetic3A_516 = vector.broadcast %shift_right_arithmetic3A_515 : i32 to vector<16xi32>
          %shift_right_arithmetic3A_517 = arith.shrsi %get3A_505, %shift_right_arithmetic3A_516 : vector<16xi32>
          %swap3A_518 = arith.constant 2 : i32
          %swap3A_519 = arith.index_cast %swap3A_518 : i32 to index
          %swap3A_520 = arith.constant 48 : index
          %swap3A_521 = tpu.vector_load %arg8[%swap3A_519, %swap3A_520] {strides = array<i32>} : memref<4x128xi32, #tpu.memory_space<vmem>>, vector<1x16xi32>,
          %swap3A_522 = vector.shape_cast %swap3A_521 : vector<1x16xi32> to vector<16xi32>
          %swap3A_523 = vector.shape_cast %shift_right_arithmetic3A_517 : vector<16xi32> to vector<1x16xi32>
          tpu.vector_store %arg8[%swap3A_519, %swap3A_520], %swap3A_523 {strides = array<i32>} : memref<4x128xi32, #tpu.memory_space<vmem>>, vector<1x16xi32>,
          %get3A_524 = arith.index_cast %add3A_435 : i32 to index
          %get3A_525 = arith.constant 64 : index
          %get3A_526 = tpu.vector_load %arg7[%get3A_524, %get3A_525] {strides = array<i32>} : memref<80x128xi32, #tpu.memory_space<vmem>>, vector<1x16xi32>,
          %get3A_527 = vector.shape_cast %get3A_526 : vector<1x16xi32> to vector<16xi32>
          %and3A_528 = arith.constant 16383 : i32
          %and3A_529 = vector.broadcast %and3A_528 : i32 to vector<16xi32>
          %and3A_530 = arith.andi %get3A_527, %and3A_529 : vector<16xi32>
          %swap3A_531 = arith.constant 0 : i32
          %swap3A_532 = arith.index_cast %swap3A_531 : i32 to index
          %swap3A_533 = arith.constant 64 : index
          %swap3A_534 = tpu.vector_load %arg8[%swap3A_532, %swap3A_533] {strides = array<i32>} : memref<4x128xi32, #tpu.memory_space<vmem>>, vector<1x16xi32>,
          %swap3A_535 = vector.shape_cast %swap3A_534 : vector<1x16xi32> to vector<16xi32>
          %swap3A_536 = vector.shape_cast %and3A_530 : vector<16xi32> to vector<1x16xi32>
          tpu.vector_store %arg8[%swap3A_532, %swap3A_533], %swap3A_536 {strides = array<i32>} : memref<4x128xi32, #tpu.memory_space<vmem>>, vector<1x16xi32>,
          %shift_right_arithmetic3A_537 = arith.constant 14 : i32
          %shift_right_arithmetic3A_538 = vector.broadcast %shift_right_arithmetic3A_537 : i32 to vector<16xi32>
          %shift_right_arithmetic3A_539 = arith.shrsi %get3A_527, %shift_right_arithmetic3A_538 : vector<16xi32>
          %swap3A_540 = arith.constant 2 : i32
          %swap3A_541 = arith.index_cast %swap3A_540 : i32 to index
          %swap3A_542 = arith.constant 64 : index
          %swap3A_543 = tpu.vector_load %arg8[%swap3A_541, %swap3A_542] {strides = array<i32>} : memref<4x128xi32, #tpu.memory_space<vmem>>, vector<1x16xi32>,
          %swap3A_544 = vector.shape_cast %swap3A_543 : vector<1x16xi32> to vector<16xi32>
          %swap3A_545 = vector.shape_cast %shift_right_arithmetic3A_539 : vector<16xi32> to vector<1x16xi32>
          tpu.vector_store %arg8[%swap3A_541, %swap3A_542], %swap3A_545 {strides = array<i32>} : memref<4x128xi32, #tpu.memory_space<vmem>>, vector<1x16xi32>,
          %get3A_546 = arith.index_cast %add3A_435 : i32 to index
          %get3A_547 = arith.constant 80 : index
          %get3A_548 = tpu.vector_load %arg7[%get3A_546, %get3A_547] {strides = array<i32>} : memref<80x128xi32, #tpu.memory_space<vmem>>, vector<1x16xi32>,
          %get3A_549 = vector.shape_cast %get3A_548 : vector<1x16xi32> to vector<16xi32>
          %and3A_550 = arith.constant 16383 : i32
          %and3A_551 = vector.broadcast %and3A_550 : i32 to vector<16xi32>
          %and3A_552 = arith.andi %get3A_549, %and3A_551 : vector<16xi32>
          %swap3A_553 = arith.constant 0 : i32
          %swap3A_554 = arith.index_cast %swap3A_553 : i32 to index
          %swap3A_555 = arith.constant 80 : index
          %swap3A_556 = tpu.vector_load %arg8[%swap3A_554, %swap3A_555] {strides = array<i32>} : memref<4x128xi32, #tpu.memory_space<vmem>>, vector<1x16xi32>,
          %swap3A_557 = vector.shape_cast %swap3A_556 : vector<1x16xi32> to vector<16xi32>
          %swap3A_558 = vector.shape_cast %and3A_552 : vector<16xi32> to vector<1x16xi32>
          tpu.vector_store %arg8[%swap3A_554, %swap3A_555], %swap3A_558 {strides = array<i32>} : memref<4x128xi32, #tpu.memory_space<vmem>>, vector<1x16xi32>,
          %shift_right_arithmetic3A_559 = arith.constant 14 : i32
          %shift_right_arithmetic3A_560 = vector.broadcast %shift_right_arithmetic3A_559 : i32 to vector<16xi32>
          %shift_right_arithmetic3A_561 = arith.shrsi %get3A_549, %shift_right_arithmetic3A_560 : vector<16xi32>
          %swap3A_562 = arith.constant 2 : i32
          %swap3A_563 = arith.index_cast %swap3A_562 : i32 to index
          %swap3A_564 = arith.constant 80 : index
          %swap3A_565 = tpu.vector_load %arg8[%swap3A_563, %swap3A_564] {strides = array<i32>} : memref<4x128xi32, #tpu.memory_space<vmem>>, vector<1x16xi32>,
          %swap3A_566 = vector.shape_cast %swap3A_565 : vector<1x16xi32> to vector<16xi32>
          %swap3A_567 = vector.shape_cast %shift_right_arithmetic3A_561 : vector<16xi32> to vector<1x16xi32>
          tpu.vector_store %arg8[%swap3A_563, %swap3A_564], %swap3A_567 {strides = array<i32>} : memref<4x128xi32, #tpu.memory_space<vmem>>, vector<1x16xi32>,
          %get3A_568 = arith.index_cast %add3A_435 : i32 to index
          %get3A_569 = arith.constant 96 : index
          %get3A_570 = tpu.vector_load %arg7[%get3A_568, %get3A_569] {strides = array<i32>} : memref<80x128xi32, #tpu.memory_space<vmem>>, vector<1x16xi32>,
          %get3A_571 = vector.shape_cast %get3A_570 : vector<1x16xi32> to vector<16xi32>
          %and3A_572 = arith.constant 16383 : i32
          %and3A_573 = vector.broadcast %and3A_572 : i32 to vector<16xi32>
          %and3A_574 = arith.andi %get3A_571, %and3A_573 : vector<16xi32>
          %swap3A_575 = arith.constant 0 : i32
          %swap3A_576 = arith.index_cast %swap3A_575 : i32 to index
          %swap3A_577 = arith.constant 96 : index
          %swap3A_578 = tpu.vector_load %arg8[%swap3A_576, %swap3A_577] {strides = array<i32>} : memref<4x128xi32, #tpu.memory_space<vmem>>, vector<1x16xi32>,
          %swap3A_579 = vector.shape_cast %swap3A_578 : vector<1x16xi32> to vector<16xi32>
          %swap3A_580 = vector.shape_cast %and3A_574 : vector<16xi32> to vector<1x16xi32>
          tpu.vector_store %arg8[%swap3A_576, %swap3A_577], %swap3A_580 {strides = array<i32>} : memref<4x128xi32, #tpu.memory_space<vmem>>, vector<1x16xi32>,
          %shift_right_arithmetic3A_581 = arith.constant 14 : i32
          %shift_right_arithmetic3A_582 = vector.broadcast %shift_right_arithmetic3A_581 : i32 to vector<16xi32>
          %shift_right_arithmetic3A_583 = arith.shrsi %get3A_571, %shift_right_arithmetic3A_582 : vector<16xi32>
          %swap3A_584 = arith.constant 2 : i32
          %swap3A_585 = arith.index_cast %swap3A_584 : i32 to index
          %swap3A_586 = arith.constant 96 : index
          %swap3A_587 = tpu.vector_load %arg8[%swap3A_585, %swap3A_586] {strides = array<i32>} : memref<4x128xi32, #tpu.memory_space<vmem>>, vector<1x16xi32>,
          %swap3A_588 = vector.shape_cast %swap3A_587 : vector<1x16xi32> to vector<16xi32>
          %swap3A_589 = vector.shape_cast %shift_right_arithmetic3A_583 : vector<16xi32> to vector<1x16xi32>
          tpu.vector_store %arg8[%swap3A_585, %swap3A_586], %swap3A_589 {strides = array<i32>} : memref<4x128xi32, #tpu.memory_space<vmem>>, vector<1x16xi32>,
          %get3A_590 = arith.index_cast %add3A_435 : i32 to index
          %get3A_591 = arith.constant 112 : index
          %get3A_592 = tpu.vector_load %arg7[%get3A_590, %get3A_591] {strides = array<i32>} : memref<80x128xi32, #tpu.memory_space<vmem>>, vector<1x16xi32>,
          %get3A_593 = vector.shape_cast %get3A_592 : vector<1x16xi32> to vector<16xi32>
          %and3A_594 = arith.constant 16383 : i32
          %and3A_595 = vector.broadcast %and3A_594 : i32 to vector<16xi32>
          %and3A_596 = arith.andi %get3A_593, %and3A_595 : vector<16xi32>
          %swap3A_597 = arith.constant 0 : i32
          %swap3A_598 = arith.index_cast %swap3A_597 : i32 to index
          %swap3A_599 = arith.constant 112 : index
          %swap3A_600 = tpu.vector_load %arg8[%swap3A_598, %swap3A_599] {strides = array<i32>} : memref<4x128xi32, #tpu.memory_space<vmem>>, vector<1x16xi32>,
          %swap3A_601 = vector.shape_cast %swap3A_600 : vector<1x16xi32> to vector<16xi32>
          %swap3A_602 = vector.shape_cast %and3A_596 : vector<16xi32> to vector<1x16xi32>
          tpu.vector_store %arg8[%swap3A_598, %swap3A_599], %swap3A_602 {strides = array<i32>} : memref<4x128xi32, #tpu.memory_space<vmem>>, vector<1x16xi32>,
          %shift_right_arithmetic3A_603 = arith.constant 14 : i32
          %shift_right_arithmetic3A_604 = vector.broadcast %shift_right_arithmetic3A_603 : i32 to vector<16xi32>
          %shift_right_arithmetic3A_605 = arith.shrsi %get3A_593, %shift_right_arithmetic3A_604 : vector<16xi32>
          %swap3A_606 = arith.constant 2 : i32
          %swap3A_607 = arith.index_cast %swap3A_606 : i32 to index
          %swap3A_608 = arith.constant 112 : index
          %swap3A_609 = tpu.vector_load %arg8[%swap3A_607, %swap3A_608] {strides = array<i32>} : memref<4x128xi32, #tpu.memory_space<vmem>>, vector<1x16xi32>,
          %swap3A_610 = vector.shape_cast %swap3A_609 : vector<1x16xi32> to vector<16xi32>
          %swap3A_611 = vector.shape_cast %shift_right_arithmetic3A_605 : vector<16xi32> to vector<1x16xi32>
          tpu.vector_store %arg8[%swap3A_607, %swap3A_608], %swap3A_611 {strides = array<i32>} : memref<4x128xi32, #tpu.memory_space<vmem>>, vector<1x16xi32>,
          %dma_start3A_612 = arith.constant 0 : i32
          %dma_start3A_613 = arith.constant 0 : i32
          %dma_start3A_614 = tpu.memref_slice %arg8[%dma_start3A_612, %dma_start3A_613] : memref<4x128xi32, #tpu.memory_space<vmem>> -> memref<1x128xi32, #tpu.memory_space<vmem>>
          %dma_start3A_615 = tpu.memref_squeeze %dma_start3A_614 : memref<1x128xi32, #tpu.memory_space<vmem>> -> memref<128xi32, #tpu.memory_space<vmem>>
          %dma_start3A_616 = arith.constant 0 : i32
          %dma_start3A_617 = arith.constant 0 : i32
          %dma_start3A_618 = tpu.memref_slice %arg2[%dma_start3A_616, %dma_start3A_617] : memref<10240x128xf32, #tpu.memory_space<hbm>> -> memref<10240x128xf32, #tpu.memory_space<hbm>>
          tpu.enqueue_indirect_dma source(%dma_start3A_618 : memref<10240x128xf32, #tpu.memory_space<hbm>>) target(%arg9 : memref<128x128xf32, #tpu.memory_space<vmem>>) offsets(%dma_start3A_615 : memref<128xi32, #tpu.memory_space<vmem>>) semaphore(%arg11 : memref<!tpu.dma_semaphore, #tpu.memory_space<semaphore_mem>>)
        } else {
        }
        %dma_wait3A_425 = arith.constant 1 : i32
        %dma_wait3A_426 = arith.constant 0 : i32
        %dma_wait3A_427 = tpu.memref_slice %arg8[%dma_wait3A_425, %dma_wait3A_426] : memref<4x128xi32, #tpu.memory_space<vmem>> -> memref<1x128xi32, #tpu.memory_space<vmem>>
        %dma_wait3A_428 = tpu.memref_squeeze %dma_wait3A_427 : memref<1x128xi32, #tpu.memory_space<vmem>> -> memref<128xi32, #tpu.memory_space<vmem>>
        %dma_wait3A_429 = arith.constant 0 : i32
        %dma_wait3A_430 = arith.constant 0 : i32
        %dma_wait3A_431 = tpu.memref_slice %arg2[%dma_wait3A_429, %dma_wait3A_430] : memref<10240x128xf32, #tpu.memory_space<hbm>> -> memref<10240x128xf32, #tpu.memory_space<hbm>>
        tpu.wait_indirect_dma semaphore(%arg12 : memref<!tpu.dma_semaphore, #tpu.memory_space<semaphore_mem>>) src(%dma_wait3A_431 : memref<10240x128xf32, #tpu.memory_space<hbm>>) dst(%arg10 : memref<128x128xf32, #tpu.memory_space<vmem>>)
        %run_scoped3A_432 = arith.constant 3 : i32
        "tpu.region"() ({
          %run_scoped3A_434 = tpu.sem_alloc : memref<!tpu.dma_semaphore, #tpu.memory_space<semaphore_mem>>
          %dma_start3A_435 = arith.constant 0 : i32
          %dma_start3A_436 = tpu.memref_slice %arg8[%run_scoped3A_432, %dma_start3A_435] : memref<4x128xi32, #tpu.memory_space<vmem>> -> memref<1x128xi32, #tpu.memory_space<vmem>>
          %dma_start3A_437 = tpu.memref_squeeze %dma_start3A_436 : memref<1x128xi32, #tpu.memory_space<vmem>> -> memref<128xi32, #tpu.memory_space<vmem>>
          %dma_start3A_438 = arith.constant 0 : i32
          %dma_start3A_439 = arith.constant 0 : i32
          %dma_start3A_440 = tpu.memref_slice %arg13[%dma_start3A_438, %dma_start3A_439] : memref<10240x128xf32, #tpu.memory_space<vmem_shared>> -> memref<10240x128xf32, #tpu.memory_space<vmem_shared>>
          tpu.enqueue_indirect_dma source(%arg10 : memref<128x128xf32, #tpu.memory_space<vmem>>) target(%dma_start3A_440 : memref<10240x128xf32, #tpu.memory_space<vmem_shared>>) offsets(%dma_start3A_437 : memref<128xi32, #tpu.memory_space<vmem>>) semaphore(%run_scoped3A_434 : memref<!tpu.dma_semaphore, #tpu.memory_space<semaphore_mem>>) {add = true}
          %dma_wait3A_441 = arith.constant 0 : i32
          %dma_wait3A_442 = tpu.memref_slice %arg8[%run_scoped3A_432, %dma_wait3A_441] : memref<4x128xi32, #tpu.memory_space<vmem>> -> memref<1x128xi32, #tpu.memory_space<vmem>>
          %dma_wait3A_443 = tpu.memref_squeeze %dma_wait3A_442 : memref<1x128xi32, #tpu.memory_space<vmem>> -> memref<128xi32, #tpu.memory_space<vmem>>
          %dma_wait3A_444 = arith.constant 0 : i32
          %dma_wait3A_445 = arith.constant 0 : i32
          %dma_wait3A_446 = tpu.memref_slice %arg13[%dma_wait3A_444, %dma_wait3A_445] : memref<10240x128xf32, #tpu.memory_space<vmem_shared>> -> memref<10240x128xf32, #tpu.memory_space<vmem_shared>>
          tpu.wait_indirect_dma semaphore(%run_scoped3A_434 : memref<!tpu.dma_semaphore, #tpu.memory_space<semaphore_mem>>) src(%arg10 : memref<128x128xf32, #tpu.memory_space<vmem>>) dst(%dma_wait3A_446 : memref<10240x128xf32, #tpu.memory_space<vmem_shared>>)
          tpu.yield
        }) : () -> ()
        %scan3A_433 = arith.constant 0 : i32
        scf.yield %scan3A_433 : i32
      }
      %scan3A_226 = arith.constant 40 : i32
    } else {
    }
    %eq3A_16 = arith.constant 1 : i32
    %eq3A_17 = arith.cmpi eq, %arg0, %eq3A_16 : i32
    %convert_element_type3A_18 = arith.extui %eq3A_17 : i1 to i32
    %cond3A_19 = arith.constant 0 : i32
    %cond3A_20 = arith.cmpi ne, %convert_element_type3A_18, %cond3A_19 : i32
    scf.if %cond3A_20 {
      %get3A = arith.constant 0 : i32
      %get3A_34 = arith.index_cast %get3A : i32 to index
      %get3A_35 = arith.constant 0 : index
      %get3A_36 = tpu.vector_load %arg7[%get3A_34, %get3A_35] {strides = array<i32>} : memref<80x128xi32, #tpu.memory_space<vmem>>, vector<1x16xi32>,
      %get3A_37 = vector.shape_cast %get3A_36 : vector<1x16xi32> to vector<16xi32>
      %and3A = arith.constant 16383 : i32
      %and3A_38 = vector.broadcast %and3A : i32 to vector<16xi32>
      %and3A_39 = arith.andi %get3A_37, %and3A_38 : vector<16xi32>
      %swap3A = arith.constant 0 : i32
      %swap3A_40 = arith.index_cast %swap3A : i32 to index
      %swap3A_41 = arith.constant 0 : index
      %swap3A_42 = tpu.vector_load %arg8[%swap3A_40, %swap3A_41] {strides = array<i32>} : memref<4x128xi32, #tpu.memory_space<vmem>>, vector<1x16xi32>,
      %swap3A_43 = vector.shape_cast %swap3A_42 : vector<1x16xi32> to vector<16xi32>
      %swap3A_44 = vector.shape_cast %and3A_39 : vector<16xi32> to vector<1x16xi32>
      tpu.vector_store %arg8[%swap3A_40, %swap3A_41], %swap3A_44 {strides = array<i32>} : memref<4x128xi32, #tpu.memory_space<vmem>>, vector<1x16xi32>,
      %shift_right_arithmetic3A = arith.constant 14 : i32
      %shift_right_arithmetic3A_45 = vector.broadcast %shift_right_arithmetic3A : i32 to vector<16xi32>
      %shift_right_arithmetic3A_46 = arith.shrsi %get3A_37, %shift_right_arithmetic3A_45 : vector<16xi32>
      %swap3A_47 = arith.constant 2 : i32
      %swap3A_48 = arith.index_cast %swap3A_47 : i32 to index
      %swap3A_49 = arith.constant 0 : index
      %swap3A_50 = tpu.vector_load %arg8[%swap3A_48, %swap3A_49] {strides = array<i32>} : memref<4x128xi32, #tpu.memory_space<vmem>>, vector<1x16xi32>,
      %swap3A_51 = vector.shape_cast %swap3A_50 : vector<1x16xi32> to vector<16xi32>
      %swap3A_52 = vector.shape_cast %shift_right_arithmetic3A_46 : vector<16xi32> to vector<1x16xi32>
      tpu.vector_store %arg8[%swap3A_48, %swap3A_49], %swap3A_52 {strides = array<i32>} : memref<4x128xi32, #tpu.memory_space<vmem>>, vector<1x16xi32>,
      %get3A_53 = arith.constant 0 : i32
      %get3A_54 = arith.index_cast %get3A_53 : i32 to index
      %get3A_55 = arith.constant 16 : index
      %get3A_56 = tpu.vector_load %arg7[%get3A_54, %get3A_55] {strides = array<i32>} : memref<80x128xi32, #tpu.memory_space<vmem>>, vector<1x16xi32>,
      %get3A_57 = vector.shape_cast %get3A_56 : vector<1x16xi32> to vector<16xi32>
      %and3A_58 = arith.constant 16383 : i32
      %and3A_59 = vector.broadcast %and3A_58 : i32 to vector<16xi32>
      %and3A_60 = arith.andi %get3A_57, %and3A_59 : vector<16xi32>
      %swap3A_61 = arith.constant 0 : i32
      %swap3A_62 = arith.index_cast %swap3A_61 : i32 to index
      %swap3A_63 = arith.constant 16 : index
      %swap3A_64 = tpu.vector_load %arg8[%swap3A_62, %swap3A_63] {strides = array<i32>} : memref<4x128xi32, #tpu.memory_space<vmem>>, vector<1x16xi32>,
      %swap3A_65 = vector.shape_cast %swap3A_64 : vector<1x16xi32> to vector<16xi32>
      %swap3A_66 = vector.shape_cast %and3A_60 : vector<16xi32> to vector<1x16xi32>
      tpu.vector_store %arg8[%swap3A_62, %swap3A_63], %swap3A_66 {strides = array<i32>} : memref<4x128xi32, #tpu.memory_space<vmem>>, vector<1x16xi32>,
      %shift_right_arithmetic3A_67 = arith.constant 14 : i32
      %shift_right_arithmetic3A_68 = vector.broadcast %shift_right_arithmetic3A_67 : i32 to vector<16xi32>
      %shift_right_arithmetic3A_69 = arith.shrsi %get3A_57, %shift_right_arithmetic3A_68 : vector<16xi32>
      %swap3A_70 = arith.constant 2 : i32
      %swap3A_71 = arith.index_cast %swap3A_70 : i32 to index
      %swap3A_72 = arith.constant 16 : index
      %swap3A_73 = tpu.vector_load %arg8[%swap3A_71, %swap3A_72] {strides = array<i32>} : memref<4x128xi32, #tpu.memory_space<vmem>>, vector<1x16xi32>,
      %swap3A_74 = vector.shape_cast %swap3A_73 : vector<1x16xi32> to vector<16xi32>
      %swap3A_75 = vector.shape_cast %shift_right_arithmetic3A_69 : vector<16xi32> to vector<1x16xi32>
      tpu.vector_store %arg8[%swap3A_71, %swap3A_72], %swap3A_75 {strides = array<i32>} : memref<4x128xi32, #tpu.memory_space<vmem>>, vector<1x16xi32>,
      %get3A_76 = arith.constant 0 : i32
      %get3A_77 = arith.index_cast %get3A_76 : i32 to index
      %get3A_78 = arith.constant 32 : index
      %get3A_79 = tpu.vector_load %arg7[%get3A_77, %get3A_78] {strides = array<i32>} : memref<80x128xi32, #tpu.memory_space<vmem>>, vector<1x16xi32>,
      %get3A_80 = vector.shape_cast %get3A_79 : vector<1x16xi32> to vector<16xi32>
      %and3A_81 = arith.constant 16383 : i32
      %and3A_82 = vector.broadcast %and3A_81 : i32 to vector<16xi32>
      %and3A_83 = arith.andi %get3A_80, %and3A_82 : vector<16xi32>
      %swap3A_84 = arith.constant 0 : i32
      %swap3A_85 = arith.index_cast %swap3A_84 : i32 to index
      %swap3A_86 = arith.constant 32 : index
      %swap3A_87 = tpu.vector_load %arg8[%swap3A_85, %swap3A_86] {strides = array<i32>} : memref<4x128xi32, #tpu.memory_space<vmem>>, vector<1x16xi32>,
      %swap3A_88 = vector.shape_cast %swap3A_87 : vector<1x16xi32> to vector<16xi32>
      %swap3A_89 = vector.shape_cast %and3A_83 : vector<16xi32> to vector<1x16xi32>
      tpu.vector_store %arg8[%swap3A_85, %swap3A_86], %swap3A_89 {strides = array<i32>} : memref<4x128xi32, #tpu.memory_space<vmem>>, vector<1x16xi32>,
      %shift_right_arithmetic3A_90 = arith.constant 14 : i32
      %shift_right_arithmetic3A_91 = vector.broadcast %shift_right_arithmetic3A_90 : i32 to vector<16xi32>
      %shift_right_arithmetic3A_92 = arith.shrsi %get3A_80, %shift_right_arithmetic3A_91 : vector<16xi32>
      %swap3A_93 = arith.constant 2 : i32
      %swap3A_94 = arith.index_cast %swap3A_93 : i32 to index
      %swap3A_95 = arith.constant 32 : index
      %swap3A_96 = tpu.vector_load %arg8[%swap3A_94, %swap3A_95] {strides = array<i32>} : memref<4x128xi32, #tpu.memory_space<vmem>>, vector<1x16xi32>,
      %swap3A_97 = vector.shape_cast %swap3A_96 : vector<1x16xi32> to vector<16xi32>
      %swap3A_98 = vector.shape_cast %shift_right_arithmetic3A_92 : vector<16xi32> to vector<1x16xi32>
      tpu.vector_store %arg8[%swap3A_94, %swap3A_95], %swap3A_98 {strides = array<i32>} : memref<4x128xi32, #tpu.memory_space<vmem>>, vector<1x16xi32>,
      %get3A_99 = arith.constant 0 : i32
      %get3A_100 = arith.index_cast %get3A_99 : i32 to index
      %get3A_101 = arith.constant 48 : index
      %get3A_102 = tpu.vector_load %arg7[%get3A_100, %get3A_101] {strides = array<i32>} : memref<80x128xi32, #tpu.memory_space<vmem>>, vector<1x16xi32>,
      %get3A_103 = vector.shape_cast %get3A_102 : vector<1x16xi32> to vector<16xi32>
      %and3A_104 = arith.constant 16383 : i32
      %and3A_105 = vector.broadcast %and3A_104 : i32 to vector<16xi32>
      %and3A_106 = arith.andi %get3A_103, %and3A_105 : vector<16xi32>
      %swap3A_107 = arith.constant 0 : i32
      %swap3A_108 = arith.index_cast %swap3A_107 : i32 to index
      %swap3A_109 = arith.constant 48 : index
      %swap3A_110 = tpu.vector_load %arg8[%swap3A_108, %swap3A_109] {strides = array<i32>} : memref<4x128xi32, #tpu.memory_space<vmem>>, vector<1x16xi32>,
      %swap3A_111 = vector.shape_cast %swap3A_110 : vector<1x16xi32> to vector<16xi32>
      %swap3A_112 = vector.shape_cast %and3A_106 : vector<16xi32> to vector<1x16xi32>
      tpu.vector_store %arg8[%swap3A_108, %swap3A_109], %swap3A_112 {strides = array<i32>} : memref<4x128xi32, #tpu.memory_space<vmem>>, vector<1x16xi32>,
      %shift_right_arithmetic3A_113 = arith.constant 14 : i32
      %shift_right_arithmetic3A_114 = vector.broadcast %shift_right_arithmetic3A_113 : i32 to vector<16xi32>
      %shift_right_arithmetic3A_115 = arith.shrsi %get3A_103, %shift_right_arithmetic3A_114 : vector<16xi32>
      %swap3A_116 = arith.constant 2 : i32
      %swap3A_117 = arith.index_cast %swap3A_116 : i32 to index
      %swap3A_118 = arith.constant 48 : index
      %swap3A_119 = tpu.vector_load %arg8[%swap3A_117, %swap3A_118] {strides = array<i32>} : memref<4x128xi32, #tpu.memory_space<vmem>>, vector<1x16xi32>,
      %swap3A_120 = vector.shape_cast %swap3A_119 : vector<1x16xi32> to vector<16xi32>
      %swap3A_121 = vector.shape_cast %shift_right_arithmetic3A_115 : vector<16xi32> to vector<1x16xi32>
      tpu.vector_store %arg8[%swap3A_117, %swap3A_118], %swap3A_121 {strides = array<i32>} : memref<4x128xi32, #tpu.memory_space<vmem>>, vector<1x16xi32>,
      %get3A_122 = arith.constant 0 : i32
      %get3A_123 = arith.index_cast %get3A_122 : i32 to index
      %get3A_124 = arith.constant 64 : index
      %get3A_125 = tpu.vector_load %arg7[%get3A_123, %get3A_124] {strides = array<i32>} : memref<80x128xi32, #tpu.memory_space<vmem>>, vector<1x16xi32>,
      %get3A_126 = vector.shape_cast %get3A_125 : vector<1x16xi32> to vector<16xi32>
      %and3A_127 = arith.constant 16383 : i32
      %and3A_128 = vector.broadcast %and3A_127 : i32 to vector<16xi32>
      %and3A_129 = arith.andi %get3A_126, %and3A_128 : vector<16xi32>
      %swap3A_130 = arith.constant 0 : i32
      %swap3A_131 = arith.index_cast %swap3A_130 : i32 to index
      %swap3A_132 = arith.constant 64 : index
      %swap3A_133 = tpu.vector_load %arg8[%swap3A_131, %swap3A_132] {strides = array<i32>} : memref<4x128xi32, #tpu.memory_space<vmem>>, vector<1x16xi32>,
      %swap3A_134 = vector.shape_cast %swap3A_133 : vector<1x16xi32> to vector<16xi32>
      %swap3A_135 = vector.shape_cast %and3A_129 : vector<16xi32> to vector<1x16xi32>
      tpu.vector_store %arg8[%swap3A_131, %swap3A_132], %swap3A_135 {strides = array<i32>} : memref<4x128xi32, #tpu.memory_space<vmem>>, vector<1x16xi32>,
      %shift_right_arithmetic3A_136 = arith.constant 14 : i32
      %shift_right_arithmetic3A_137 = vector.broadcast %shift_right_arithmetic3A_136 : i32 to vector<16xi32>
      %shift_right_arithmetic3A_138 = arith.shrsi %get3A_126, %shift_right_arithmetic3A_137 : vector<16xi32>
      %swap3A_139 = arith.constant 2 : i32
      %swap3A_140 = arith.index_cast %swap3A_139 : i32 to index
      %swap3A_141 = arith.constant 64 : index
      %swap3A_142 = tpu.vector_load %arg8[%swap3A_140, %swap3A_141] {strides = array<i32>} : memref<4x128xi32, #tpu.memory_space<vmem>>, vector<1x16xi32>,
      %swap3A_143 = vector.shape_cast %swap3A_142 : vector<1x16xi32> to vector<16xi32>
      %swap3A_144 = vector.shape_cast %shift_right_arithmetic3A_138 : vector<16xi32> to vector<1x16xi32>
      tpu.vector_store %arg8[%swap3A_140, %swap3A_141], %swap3A_144 {strides = array<i32>} : memref<4x128xi32, #tpu.memory_space<vmem>>, vector<1x16xi32>,
      %get3A_145 = arith.constant 0 : i32
      %get3A_146 = arith.index_cast %get3A_145 : i32 to index
      %get3A_147 = arith.constant 80 : index
      %get3A_148 = tpu.vector_load %arg7[%get3A_146, %get3A_147] {strides = array<i32>} : memref<80x128xi32, #tpu.memory_space<vmem>>, vector<1x16xi32>,
      %get3A_149 = vector.shape_cast %get3A_148 : vector<1x16xi32> to vector<16xi32>
      %and3A_150 = arith.constant 16383 : i32
      %and3A_151 = vector.broadcast %and3A_150 : i32 to vector<16xi32>
      %and3A_152 = arith.andi %get3A_149, %and3A_151 : vector<16xi32>
      %swap3A_153 = arith.constant 0 : i32
      %swap3A_154 = arith.index_cast %swap3A_153 : i32 to index
      %swap3A_155 = arith.constant 80 : index
      %swap3A_156 = tpu.vector_load %arg8[%swap3A_154, %swap3A_155] {strides = array<i32>} : memref<4x128xi32, #tpu.memory_space<vmem>>, vector<1x16xi32>,
      %swap3A_157 = vector.shape_cast %swap3A_156 : vector<1x16xi32> to vector<16xi32>
      %swap3A_158 = vector.shape_cast %and3A_152 : vector<16xi32> to vector<1x16xi32>
      tpu.vector_store %arg8[%swap3A_154, %swap3A_155], %swap3A_158 {strides = array<i32>} : memref<4x128xi32, #tpu.memory_space<vmem>>, vector<1x16xi32>,
      %shift_right_arithmetic3A_159 = arith.constant 14 : i32
      %shift_right_arithmetic3A_160 = vector.broadcast %shift_right_arithmetic3A_159 : i32 to vector<16xi32>
      %shift_right_arithmetic3A_161 = arith.shrsi %get3A_149, %shift_right_arithmetic3A_160 : vector<16xi32>
      %swap3A_162 = arith.constant 2 : i32
      %swap3A_163 = arith.index_cast %swap3A_162 : i32 to index
      %swap3A_164 = arith.constant 80 : index
      %swap3A_165 = tpu.vector_load %arg8[%swap3A_163, %swap3A_164] {strides = array<i32>} : memref<4x128xi32, #tpu.memory_space<vmem>>, vector<1x16xi32>,
      %swap3A_166 = vector.shape_cast %swap3A_165 : vector<1x16xi32> to vector<16xi32>
      %swap3A_167 = vector.shape_cast %shift_right_arithmetic3A_161 : vector<16xi32> to vector<1x16xi32>
      tpu.vector_store %arg8[%swap3A_163, %swap3A_164], %swap3A_167 {strides = array<i32>} : memref<4x128xi32, #tpu.memory_space<vmem>>, vector<1x16xi32>,
      %get3A_168 = arith.constant 0 : i32
      %get3A_169 = arith.index_cast %get3A_168 : i32 to index
      %get3A_170 = arith.constant 96 : index
      %get3A_171 = tpu.vector_load %arg7[%get3A_169, %get3A_170] {strides = array<i32>} : memref<80x128xi32, #tpu.memory_space<vmem>>, vector<1x16xi32>,
      %get3A_172 = vector.shape_cast %get3A_171 : vector<1x16xi32> to vector<16xi32>
      %and3A_173 = arith.constant 16383 : i32
      %and3A_174 = vector.broadcast %and3A_173 : i32 to vector<16xi32>
      %and3A_175 = arith.andi %get3A_172, %and3A_174 : vector<16xi32>
      %swap3A_176 = arith.constant 0 : i32
      %swap3A_177 = arith.index_cast %swap3A_176 : i32 to index
      %swap3A_178 = arith.constant 96 : index
      %swap3A_179 = tpu.vector_load %arg8[%swap3A_177, %swap3A_178] {strides = array<i32>} : memref<4x128xi32, #tpu.memory_space<vmem>>, vector<1x16xi32>,
      %swap3A_180 = vector.shape_cast %swap3A_179 : vector<1x16xi32> to vector<16xi32>
      %swap3A_181 = vector.shape_cast %and3A_175 : vector<16xi32> to vector<1x16xi32>
      tpu.vector_store %arg8[%swap3A_177, %swap3A_178], %swap3A_181 {strides = array<i32>} : memref<4x128xi32, #tpu.memory_space<vmem>>, vector<1x16xi32>,
      %shift_right_arithmetic3A_182 = arith.constant 14 : i32
      %shift_right_arithmetic3A_183 = vector.broadcast %shift_right_arithmetic3A_182 : i32 to vector<16xi32>
      %shift_right_arithmetic3A_184 = arith.shrsi %get3A_172, %shift_right_arithmetic3A_183 : vector<16xi32>
      %swap3A_185 = arith.constant 2 : i32
      %swap3A_186 = arith.index_cast %swap3A_185 : i32 to index
      %swap3A_187 = arith.constant 96 : index
      %swap3A_188 = tpu.vector_load %arg8[%swap3A_186, %swap3A_187] {strides = array<i32>} : memref<4x128xi32, #tpu.memory_space<vmem>>, vector<1x16xi32>,
      %swap3A_189 = vector.shape_cast %swap3A_188 : vector<1x16xi32> to vector<16xi32>
      %swap3A_190 = vector.shape_cast %shift_right_arithmetic3A_184 : vector<16xi32> to vector<1x16xi32>
      tpu.vector_store %arg8[%swap3A_186, %swap3A_187], %swap3A_190 {strides = array<i32>} : memref<4x128xi32, #tpu.memory_space<vmem>>, vector<1x16xi32>,
      %get3A_191 = arith.constant 0 : i32
      %get3A_192 = arith.index_cast %get3A_191 : i32 to index
      %get3A_193 = arith.constant 112 : index
      %get3A_194 = tpu.vector_load %arg7[%get3A_192, %get3A_193] {strides = array<i32>} : memref<80x128xi32, #tpu.memory_space<vmem>>, vector<1x16xi32>,
      %get3A_195 = vector.shape_cast %get3A_194 : vector<1x16xi32> to vector<16xi32>
      %and3A_196 = arith.constant 16383 : i32
      %and3A_197 = vector.broadcast %and3A_196 : i32 to vector<16xi32>
      %and3A_198 = arith.andi %get3A_195, %and3A_197 : vector<16xi32>
      %swap3A_199 = arith.constant 0 : i32
      %swap3A_200 = arith.index_cast %swap3A_199 : i32 to index
      %swap3A_201 = arith.constant 112 : index
      %swap3A_202 = tpu.vector_load %arg8[%swap3A_200, %swap3A_201] {strides = array<i32>} : memref<4x128xi32, #tpu.memory_space<vmem>>, vector<1x16xi32>,
      %swap3A_203 = vector.shape_cast %swap3A_202 : vector<1x16xi32> to vector<16xi32>
      %swap3A_204 = vector.shape_cast %and3A_198 : vector<16xi32> to vector<1x16xi32>
      tpu.vector_store %arg8[%swap3A_200, %swap3A_201], %swap3A_204 {strides = array<i32>} : memref<4x128xi32, #tpu.memory_space<vmem>>, vector<1x16xi32>,
      %shift_right_arithmetic3A_205 = arith.constant 14 : i32
      %shift_right_arithmetic3A_206 = vector.broadcast %shift_right_arithmetic3A_205 : i32 to vector<16xi32>
      %shift_right_arithmetic3A_207 = arith.shrsi %get3A_195, %shift_right_arithmetic3A_206 : vector<16xi32>
      %swap3A_208 = arith.constant 2 : i32
      %swap3A_209 = arith.index_cast %swap3A_208 : i32 to index
      %swap3A_210 = arith.constant 112 : index
      %swap3A_211 = tpu.vector_load %arg8[%swap3A_209, %swap3A_210] {strides = array<i32>} : memref<4x128xi32, #tpu.memory_space<vmem>>, vector<1x16xi32>,
      %swap3A_212 = vector.shape_cast %swap3A_211 : vector<1x16xi32> to vector<16xi32>
      %swap3A_213 = vector.shape_cast %shift_right_arithmetic3A_207 : vector<16xi32> to vector<1x16xi32>
      tpu.vector_store %arg8[%swap3A_209, %swap3A_210], %swap3A_213 {strides = array<i32>} : memref<4x128xi32, #tpu.memory_space<vmem>>, vector<1x16xi32>,
      %dma_start3A = arith.constant 0 : i32
      %dma_start3A_214 = arith.constant 0 : i32
      %dma_start3A_215 = tpu.memref_slice %arg8[%dma_start3A, %dma_start3A_214] : memref<4x128xi32, #tpu.memory_space<vmem>> -> memref<1x128xi32, #tpu.memory_space<vmem>>
      %dma_start3A_216 = tpu.memref_squeeze %dma_start3A_215 : memref<1x128xi32, #tpu.memory_space<vmem>> -> memref<128xi32, #tpu.memory_space<vmem>>
      %dma_start3A_217 = arith.constant 0 : i32
      %dma_start3A_218 = arith.constant 0 : i32
      %dma_start3A_219 = tpu.memref_slice %arg3[%dma_start3A_217, %dma_start3A_218] : memref<10240x128xf32, #tpu.memory_space<hbm>> -> memref<10240x128xf32, #tpu.memory_space<hbm>>
      tpu.enqueue_indirect_dma source(%dma_start3A_219 : memref<10240x128xf32, #tpu.memory_space<hbm>>) target(%arg9 : memref<128x128xf32, #tpu.memory_space<vmem>>) offsets(%dma_start3A_216 : memref<128xi32, #tpu.memory_space<vmem>>) semaphore(%arg11 : memref<!tpu.dma_semaphore, #tpu.memory_space<semaphore_mem>>)
      %scan3A_220 = arith.constant 0 : i32
      %scan3A_221 = arith.constant 0 : i32
      %scan3A_222 = arith.constant 40 : i32
      %scan3A_223 = arith.addi %scan3A_221, %scan3A_222 : i32
      %scan3A_224 = arith.constant 1 : i32
      %scan3A_225 = scf.for %scan3A_227 = %scan3A_221 to %scan3A_223 step %scan3A_224 iter_args(%scan3A_228 = %scan3A_220) -> (i32)  : i32 {
        %mul3A_229 = arith.constant 2 : i32
        %mul3A_230 = arith.muli %scan3A_227, %mul3A_229 : i32
        %add3A = arith.constant 1 : i32
        %add3A_231 = arith.addi %mul3A_230, %add3A : i32
        %get3A_232 = arith.index_cast %add3A_231 : i32 to index
        %get3A_233 = arith.constant 0 : index
        %get3A_234 = tpu.vector_load %arg7[%get3A_232, %get3A_233] {strides = array<i32>} : memref<80x128xi32, #tpu.memory_space<vmem>>, vector<1x16xi32>,
        %get3A_235 = vector.shape_cast %get3A_234 : vector<1x16xi32> to vector<16xi32>
        %and3A_236 = arith.constant 16383 : i32
        %and3A_237 = vector.broadcast %and3A_236 : i32 to vector<16xi32>
        %and3A_238 = arith.andi %get3A_235, %and3A_237 : vector<16xi32>
        %swap3A_239 = arith.constant 1 : i32
        %swap3A_240 = arith.index_cast %swap3A_239 : i32 to index
        %swap3A_241 = arith.constant 0 : index
        %swap3A_242 = tpu.vector_load %arg8[%swap3A_240, %swap3A_241] {strides = array<i32>} : memref<4x128xi32, #tpu.memory_space<vmem>>, vector<1x16xi32>,
        %swap3A_243 = vector.shape_cast %swap3A_242 : vector<1x16xi32> to vector<16xi32>
        %swap3A_244 = vector.shape_cast %and3A_238 : vector<16xi32> to vector<1x16xi32>
        tpu.vector_store %arg8[%swap3A_240, %swap3A_241], %swap3A_244 {strides = array<i32>} : memref<4x128xi32, #tpu.memory_space<vmem>>, vector<1x16xi32>,
        %shift_right_arithmetic3A_245 = arith.constant 14 : i32
        %shift_right_arithmetic3A_246 = vector.broadcast %shift_right_arithmetic3A_245 : i32 to vector<16xi32>
        %shift_right_arithmetic3A_247 = arith.shrsi %get3A_235, %shift_right_arithmetic3A_246 : vector<16xi32>
        %swap3A_248 = arith.constant 3 : i32
        %swap3A_249 = arith.index_cast %swap3A_248 : i32 to index
        %swap3A_250 = arith.constant 0 : index
        %swap3A_251 = tpu.vector_load %arg8[%swap3A_249, %swap3A_250] {strides = array<i32>} : memref<4x128xi32, #tpu.memory_space<vmem>>, vector<1x16xi32>,
        %swap3A_252 = vector.shape_cast %swap3A_251 : vector<1x16xi32> to vector<16xi32>
        %swap3A_253 = vector.shape_cast %shift_right_arithmetic3A_247 : vector<16xi32> to vector<1x16xi32>
        tpu.vector_store %arg8[%swap3A_249, %swap3A_250], %swap3A_253 {strides = array<i32>} : memref<4x128xi32, #tpu.memory_space<vmem>>, vector<1x16xi32>,
        %get3A_254 = arith.index_cast %add3A_231 : i32 to index
        %get3A_255 = arith.constant 16 : index
        %get3A_256 = tpu.vector_load %arg7[%get3A_254, %get3A_255] {strides = array<i32>} : memref<80x128xi32, #tpu.memory_space<vmem>>, vector<1x16xi32>,
        %get3A_257 = vector.shape_cast %get3A_256 : vector<1x16xi32> to vector<16xi32>
        %and3A_258 = arith.constant 16383 : i32
        %and3A_259 = vector.broadcast %and3A_258 : i32 to vector<16xi32>
        %and3A_260 = arith.andi %get3A_257, %and3A_259 : vector<16xi32>
        %swap3A_261 = arith.constant 1 : i32
        %swap3A_262 = arith.index_cast %swap3A_261 : i32 to index
        %swap3A_263 = arith.constant 16 : index
        %swap3A_264 = tpu.vector_load %arg8[%swap3A_262, %swap3A_263] {strides = array<i32>} : memref<4x128xi32, #tpu.memory_space<vmem>>, vector<1x16xi32>,
        %swap3A_265 = vector.shape_cast %swap3A_264 : vector<1x16xi32> to vector<16xi32>
        %swap3A_266 = vector.shape_cast %and3A_260 : vector<16xi32> to vector<1x16xi32>
        tpu.vector_store %arg8[%swap3A_262, %swap3A_263], %swap3A_266 {strides = array<i32>} : memref<4x128xi32, #tpu.memory_space<vmem>>, vector<1x16xi32>,
        %shift_right_arithmetic3A_267 = arith.constant 14 : i32
        %shift_right_arithmetic3A_268 = vector.broadcast %shift_right_arithmetic3A_267 : i32 to vector<16xi32>
        %shift_right_arithmetic3A_269 = arith.shrsi %get3A_257, %shift_right_arithmetic3A_268 : vector<16xi32>
        %swap3A_270 = arith.constant 3 : i32
        %swap3A_271 = arith.index_cast %swap3A_270 : i32 to index
        %swap3A_272 = arith.constant 16 : index
        %swap3A_273 = tpu.vector_load %arg8[%swap3A_271, %swap3A_272] {strides = array<i32>} : memref<4x128xi32, #tpu.memory_space<vmem>>, vector<1x16xi32>,
        %swap3A_274 = vector.shape_cast %swap3A_273 : vector<1x16xi32> to vector<16xi32>
        %swap3A_275 = vector.shape_cast %shift_right_arithmetic3A_269 : vector<16xi32> to vector<1x16xi32>
        tpu.vector_store %arg8[%swap3A_271, %swap3A_272], %swap3A_275 {strides = array<i32>} : memref<4x128xi32, #tpu.memory_space<vmem>>, vector<1x16xi32>,
        %get3A_276 = arith.index_cast %add3A_231 : i32 to index
        %get3A_277 = arith.constant 32 : index
        %get3A_278 = tpu.vector_load %arg7[%get3A_276, %get3A_277] {strides = array<i32>} : memref<80x128xi32, #tpu.memory_space<vmem>>, vector<1x16xi32>,
        %get3A_279 = vector.shape_cast %get3A_278 : vector<1x16xi32> to vector<16xi32>
        %and3A_280 = arith.constant 16383 : i32
        %and3A_281 = vector.broadcast %and3A_280 : i32 to vector<16xi32>
        %and3A_282 = arith.andi %get3A_279, %and3A_281 : vector<16xi32>
        %swap3A_283 = arith.constant 1 : i32
        %swap3A_284 = arith.index_cast %swap3A_283 : i32 to index
        %swap3A_285 = arith.constant 32 : index
        %swap3A_286 = tpu.vector_load %arg8[%swap3A_284, %swap3A_285] {strides = array<i32>} : memref<4x128xi32, #tpu.memory_space<vmem>>, vector<1x16xi32>,
        %swap3A_287 = vector.shape_cast %swap3A_286 : vector<1x16xi32> to vector<16xi32>
        %swap3A_288 = vector.shape_cast %and3A_282 : vector<16xi32> to vector<1x16xi32>
        tpu.vector_store %arg8[%swap3A_284, %swap3A_285], %swap3A_288 {strides = array<i32>} : memref<4x128xi32, #tpu.memory_space<vmem>>, vector<1x16xi32>,
        %shift_right_arithmetic3A_289 = arith.constant 14 : i32
        %shift_right_arithmetic3A_290 = vector.broadcast %shift_right_arithmetic3A_289 : i32 to vector<16xi32>
        %shift_right_arithmetic3A_291 = arith.shrsi %get3A_279, %shift_right_arithmetic3A_290 : vector<16xi32>
        %swap3A_292 = arith.constant 3 : i32
        %swap3A_293 = arith.index_cast %swap3A_292 : i32 to index
        %swap3A_294 = arith.constant 32 : index
        %swap3A_295 = tpu.vector_load %arg8[%swap3A_293, %swap3A_294] {strides = array<i32>} : memref<4x128xi32, #tpu.memory_space<vmem>>, vector<1x16xi32>,
        %swap3A_296 = vector.shape_cast %swap3A_295 : vector<1x16xi32> to vector<16xi32>
        %swap3A_297 = vector.shape_cast %shift_right_arithmetic3A_291 : vector<16xi32> to vector<1x16xi32>
        tpu.vector_store %arg8[%swap3A_293, %swap3A_294], %swap3A_297 {strides = array<i32>} : memref<4x128xi32, #tpu.memory_space<vmem>>, vector<1x16xi32>,
        %get3A_298 = arith.index_cast %add3A_231 : i32 to index
        %get3A_299 = arith.constant 48 : index
        %get3A_300 = tpu.vector_load %arg7[%get3A_298, %get3A_299] {strides = array<i32>} : memref<80x128xi32, #tpu.memory_space<vmem>>, vector<1x16xi32>,
        %get3A_301 = vector.shape_cast %get3A_300 : vector<1x16xi32> to vector<16xi32>
        %and3A_302 = arith.constant 16383 : i32
        %and3A_303 = vector.broadcast %and3A_302 : i32 to vector<16xi32>
        %and3A_304 = arith.andi %get3A_301, %and3A_303 : vector<16xi32>
        %swap3A_305 = arith.constant 1 : i32
        %swap3A_306 = arith.index_cast %swap3A_305 : i32 to index
        %swap3A_307 = arith.constant 48 : index
        %swap3A_308 = tpu.vector_load %arg8[%swap3A_306, %swap3A_307] {strides = array<i32>} : memref<4x128xi32, #tpu.memory_space<vmem>>, vector<1x16xi32>,
        %swap3A_309 = vector.shape_cast %swap3A_308 : vector<1x16xi32> to vector<16xi32>
        %swap3A_310 = vector.shape_cast %and3A_304 : vector<16xi32> to vector<1x16xi32>
        tpu.vector_store %arg8[%swap3A_306, %swap3A_307], %swap3A_310 {strides = array<i32>} : memref<4x128xi32, #tpu.memory_space<vmem>>, vector<1x16xi32>,
        %shift_right_arithmetic3A_311 = arith.constant 14 : i32
        %shift_right_arithmetic3A_312 = vector.broadcast %shift_right_arithmetic3A_311 : i32 to vector<16xi32>
        %shift_right_arithmetic3A_313 = arith.shrsi %get3A_301, %shift_right_arithmetic3A_312 : vector<16xi32>
        %swap3A_314 = arith.constant 3 : i32
        %swap3A_315 = arith.index_cast %swap3A_314 : i32 to index
        %swap3A_316 = arith.constant 48 : index
        %swap3A_317 = tpu.vector_load %arg8[%swap3A_315, %swap3A_316] {strides = array<i32>} : memref<4x128xi32, #tpu.memory_space<vmem>>, vector<1x16xi32>,
        %swap3A_318 = vector.shape_cast %swap3A_317 : vector<1x16xi32> to vector<16xi32>
        %swap3A_319 = vector.shape_cast %shift_right_arithmetic3A_313 : vector<16xi32> to vector<1x16xi32>
        tpu.vector_store %arg8[%swap3A_315, %swap3A_316], %swap3A_319 {strides = array<i32>} : memref<4x128xi32, #tpu.memory_space<vmem>>, vector<1x16xi32>,
        %get3A_320 = arith.index_cast %add3A_231 : i32 to index
        %get3A_321 = arith.constant 64 : index
        %get3A_322 = tpu.vector_load %arg7[%get3A_320, %get3A_321] {strides = array<i32>} : memref<80x128xi32, #tpu.memory_space<vmem>>, vector<1x16xi32>,
        %get3A_323 = vector.shape_cast %get3A_322 : vector<1x16xi32> to vector<16xi32>
        %and3A_324 = arith.constant 16383 : i32
        %and3A_325 = vector.broadcast %and3A_324 : i32 to vector<16xi32>
        %and3A_326 = arith.andi %get3A_323, %and3A_325 : vector<16xi32>
        %swap3A_327 = arith.constant 1 : i32
        %swap3A_328 = arith.index_cast %swap3A_327 : i32 to index
        %swap3A_329 = arith.constant 64 : index
        %swap3A_330 = tpu.vector_load %arg8[%swap3A_328, %swap3A_329] {strides = array<i32>} : memref<4x128xi32, #tpu.memory_space<vmem>>, vector<1x16xi32>,
        %swap3A_331 = vector.shape_cast %swap3A_330 : vector<1x16xi32> to vector<16xi32>
        %swap3A_332 = vector.shape_cast %and3A_326 : vector<16xi32> to vector<1x16xi32>
        tpu.vector_store %arg8[%swap3A_328, %swap3A_329], %swap3A_332 {strides = array<i32>} : memref<4x128xi32, #tpu.memory_space<vmem>>, vector<1x16xi32>,
        %shift_right_arithmetic3A_333 = arith.constant 14 : i32
        %shift_right_arithmetic3A_334 = vector.broadcast %shift_right_arithmetic3A_333 : i32 to vector<16xi32>
        %shift_right_arithmetic3A_335 = arith.shrsi %get3A_323, %shift_right_arithmetic3A_334 : vector<16xi32>
        %swap3A_336 = arith.constant 3 : i32
        %swap3A_337 = arith.index_cast %swap3A_336 : i32 to index
        %swap3A_338 = arith.constant 64 : index
        %swap3A_339 = tpu.vector_load %arg8[%swap3A_337, %swap3A_338] {strides = array<i32>} : memref<4x128xi32, #tpu.memory_space<vmem>>, vector<1x16xi32>,
        %swap3A_340 = vector.shape_cast %swap3A_339 : vector<1x16xi32> to vector<16xi32>
        %swap3A_341 = vector.shape_cast %shift_right_arithmetic3A_335 : vector<16xi32> to vector<1x16xi32>
        tpu.vector_store %arg8[%swap3A_337, %swap3A_338], %swap3A_341 {strides = array<i32>} : memref<4x128xi32, #tpu.memory_space<vmem>>, vector<1x16xi32>,
        %get3A_342 = arith.index_cast %add3A_231 : i32 to index
        %get3A_343 = arith.constant 80 : index
        %get3A_344 = tpu.vector_load %arg7[%get3A_342, %get3A_343] {strides = array<i32>} : memref<80x128xi32, #tpu.memory_space<vmem>>, vector<1x16xi32>,
        %get3A_345 = vector.shape_cast %get3A_344 : vector<1x16xi32> to vector<16xi32>
        %and3A_346 = arith.constant 16383 : i32
        %and3A_347 = vector.broadcast %and3A_346 : i32 to vector<16xi32>
        %and3A_348 = arith.andi %get3A_345, %and3A_347 : vector<16xi32>
        %swap3A_349 = arith.constant 1 : i32
        %swap3A_350 = arith.index_cast %swap3A_349 : i32 to index
        %swap3A_351 = arith.constant 80 : index
        %swap3A_352 = tpu.vector_load %arg8[%swap3A_350, %swap3A_351] {strides = array<i32>} : memref<4x128xi32, #tpu.memory_space<vmem>>, vector<1x16xi32>,
        %swap3A_353 = vector.shape_cast %swap3A_352 : vector<1x16xi32> to vector<16xi32>
        %swap3A_354 = vector.shape_cast %and3A_348 : vector<16xi32> to vector<1x16xi32>
        tpu.vector_store %arg8[%swap3A_350, %swap3A_351], %swap3A_354 {strides = array<i32>} : memref<4x128xi32, #tpu.memory_space<vmem>>, vector<1x16xi32>,
        %shift_right_arithmetic3A_355 = arith.constant 14 : i32
        %shift_right_arithmetic3A_356 = vector.broadcast %shift_right_arithmetic3A_355 : i32 to vector<16xi32>
        %shift_right_arithmetic3A_357 = arith.shrsi %get3A_345, %shift_right_arithmetic3A_356 : vector<16xi32>
        %swap3A_358 = arith.constant 3 : i32
        %swap3A_359 = arith.index_cast %swap3A_358 : i32 to index
        %swap3A_360 = arith.constant 80 : index
        %swap3A_361 = tpu.vector_load %arg8[%swap3A_359, %swap3A_360] {strides = array<i32>} : memref<4x128xi32, #tpu.memory_space<vmem>>, vector<1x16xi32>,
        %swap3A_362 = vector.shape_cast %swap3A_361 : vector<1x16xi32> to vector<16xi32>
        %swap3A_363 = vector.shape_cast %shift_right_arithmetic3A_357 : vector<16xi32> to vector<1x16xi32>
        tpu.vector_store %arg8[%swap3A_359, %swap3A_360], %swap3A_363 {strides = array<i32>} : memref<4x128xi32, #tpu.memory_space<vmem>>, vector<1x16xi32>,
        %get3A_364 = arith.index_cast %add3A_231 : i32 to index
        %get3A_365 = arith.constant 96 : index
        %get3A_366 = tpu.vector_load %arg7[%get3A_364, %get3A_365] {strides = array<i32>} : memref<80x128xi32, #tpu.memory_space<vmem>>, vector<1x16xi32>,
        %get3A_367 = vector.shape_cast %get3A_366 : vector<1x16xi32> to vector<16xi32>
        %and3A_368 = arith.constant 16383 : i32
        %and3A_369 = vector.broadcast %and3A_368 : i32 to vector<16xi32>
        %and3A_370 = arith.andi %get3A_367, %and3A_369 : vector<16xi32>
        %swap3A_371 = arith.constant 1 : i32
        %swap3A_372 = arith.index_cast %swap3A_371 : i32 to index
        %swap3A_373 = arith.constant 96 : index
        %swap3A_374 = tpu.vector_load %arg8[%swap3A_372, %swap3A_373] {strides = array<i32>} : memref<4x128xi32, #tpu.memory_space<vmem>>, vector<1x16xi32>,
        %swap3A_375 = vector.shape_cast %swap3A_374 : vector<1x16xi32> to vector<16xi32>
        %swap3A_376 = vector.shape_cast %and3A_370 : vector<16xi32> to vector<1x16xi32>
        tpu.vector_store %arg8[%swap3A_372, %swap3A_373], %swap3A_376 {strides = array<i32>} : memref<4x128xi32, #tpu.memory_space<vmem>>, vector<1x16xi32>,
        %shift_right_arithmetic3A_377 = arith.constant 14 : i32
        %shift_right_arithmetic3A_378 = vector.broadcast %shift_right_arithmetic3A_377 : i32 to vector<16xi32>
        %shift_right_arithmetic3A_379 = arith.shrsi %get3A_367, %shift_right_arithmetic3A_378 : vector<16xi32>
        %swap3A_380 = arith.constant 3 : i32
        %swap3A_381 = arith.index_cast %swap3A_380 : i32 to index
        %swap3A_382 = arith.constant 96 : index
        %swap3A_383 = tpu.vector_load %arg8[%swap3A_381, %swap3A_382] {strides = array<i32>} : memref<4x128xi32, #tpu.memory_space<vmem>>, vector<1x16xi32>,
        %swap3A_384 = vector.shape_cast %swap3A_383 : vector<1x16xi32> to vector<16xi32>
        %swap3A_385 = vector.shape_cast %shift_right_arithmetic3A_379 : vector<16xi32> to vector<1x16xi32>
        tpu.vector_store %arg8[%swap3A_381, %swap3A_382], %swap3A_385 {strides = array<i32>} : memref<4x128xi32, #tpu.memory_space<vmem>>, vector<1x16xi32>,
        %get3A_386 = arith.index_cast %add3A_231 : i32 to index
        %get3A_387 = arith.constant 112 : index
        %get3A_388 = tpu.vector_load %arg7[%get3A_386, %get3A_387] {strides = array<i32>} : memref<80x128xi32, #tpu.memory_space<vmem>>, vector<1x16xi32>,
        %get3A_389 = vector.shape_cast %get3A_388 : vector<1x16xi32> to vector<16xi32>
        %and3A_390 = arith.constant 16383 : i32
        %and3A_391 = vector.broadcast %and3A_390 : i32 to vector<16xi32>
        %and3A_392 = arith.andi %get3A_389, %and3A_391 : vector<16xi32>
        %swap3A_393 = arith.constant 1 : i32
        %swap3A_394 = arith.index_cast %swap3A_393 : i32 to index
        %swap3A_395 = arith.constant 112 : index
        %swap3A_396 = tpu.vector_load %arg8[%swap3A_394, %swap3A_395] {strides = array<i32>} : memref<4x128xi32, #tpu.memory_space<vmem>>, vector<1x16xi32>,
        %swap3A_397 = vector.shape_cast %swap3A_396 : vector<1x16xi32> to vector<16xi32>
        %swap3A_398 = vector.shape_cast %and3A_392 : vector<16xi32> to vector<1x16xi32>
        tpu.vector_store %arg8[%swap3A_394, %swap3A_395], %swap3A_398 {strides = array<i32>} : memref<4x128xi32, #tpu.memory_space<vmem>>, vector<1x16xi32>,
        %shift_right_arithmetic3A_399 = arith.constant 14 : i32
        %shift_right_arithmetic3A_400 = vector.broadcast %shift_right_arithmetic3A_399 : i32 to vector<16xi32>
        %shift_right_arithmetic3A_401 = arith.shrsi %get3A_389, %shift_right_arithmetic3A_400 : vector<16xi32>
        %swap3A_402 = arith.constant 3 : i32
        %swap3A_403 = arith.index_cast %swap3A_402 : i32 to index
        %swap3A_404 = arith.constant 112 : index
        %swap3A_405 = tpu.vector_load %arg8[%swap3A_403, %swap3A_404] {strides = array<i32>} : memref<4x128xi32, #tpu.memory_space<vmem>>, vector<1x16xi32>,
        %swap3A_406 = vector.shape_cast %swap3A_405 : vector<1x16xi32> to vector<16xi32>
        %swap3A_407 = vector.shape_cast %shift_right_arithmetic3A_401 : vector<16xi32> to vector<1x16xi32>
        tpu.vector_store %arg8[%swap3A_403, %swap3A_404], %swap3A_407 {strides = array<i32>} : memref<4x128xi32, #tpu.memory_space<vmem>>, vector<1x16xi32>,
        %dma_start3A_408 = arith.constant 1 : i32
        %dma_start3A_409 = arith.constant 0 : i32
        %dma_start3A_410 = tpu.memref_slice %arg8[%dma_start3A_408, %dma_start3A_409] : memref<4x128xi32, #tpu.memory_space<vmem>> -> memref<1x128xi32, #tpu.memory_space<vmem>>
        %dma_start3A_411 = tpu.memref_squeeze %dma_start3A_410 : memref<1x128xi32, #tpu.memory_space<vmem>> -> memref<128xi32, #tpu.memory_space<vmem>>
        %dma_start3A_412 = arith.constant 0 : i32
        %dma_start3A_413 = arith.constant 0 : i32
        %dma_start3A_414 = tpu.memref_slice %arg3[%dma_start3A_412, %dma_start3A_413] : memref<10240x128xf32, #tpu.memory_space<hbm>> -> memref<10240x128xf32, #tpu.memory_space<hbm>>
        tpu.enqueue_indirect_dma source(%dma_start3A_414 : memref<10240x128xf32, #tpu.memory_space<hbm>>) target(%arg10 : memref<128x128xf32, #tpu.memory_space<vmem>>) offsets(%dma_start3A_411 : memref<128xi32, #tpu.memory_space<vmem>>) semaphore(%arg12 : memref<!tpu.dma_semaphore, #tpu.memory_space<semaphore_mem>>)
        %dma_wait3A = arith.constant 0 : i32
        %dma_wait3A_415 = arith.constant 0 : i32
        %dma_wait3A_416 = tpu.memref_slice %arg8[%dma_wait3A, %dma_wait3A_415] : memref<4x128xi32, #tpu.memory_space<vmem>> -> memref<1x128xi32, #tpu.memory_space<vmem>>
        %dma_wait3A_417 = tpu.memref_squeeze %dma_wait3A_416 : memref<1x128xi32, #tpu.memory_space<vmem>> -> memref<128xi32, #tpu.memory_space<vmem>>
        %dma_wait3A_418 = arith.constant 0 : i32
        %dma_wait3A_419 = arith.constant 0 : i32
        %dma_wait3A_420 = tpu.memref_slice %arg3[%dma_wait3A_418, %dma_wait3A_419] : memref<10240x128xf32, #tpu.memory_space<hbm>> -> memref<10240x128xf32, #tpu.memory_space<hbm>>
        tpu.wait_indirect_dma semaphore(%arg11 : memref<!tpu.dma_semaphore, #tpu.memory_space<semaphore_mem>>) src(%dma_wait3A_420 : memref<10240x128xf32, #tpu.memory_space<hbm>>) dst(%arg9 : memref<128x128xf32, #tpu.memory_space<vmem>>)
        %run_scoped3A = arith.constant 2 : i32
        "tpu.region"() ({
          %run_scoped3A_434 = tpu.sem_alloc : memref<!tpu.dma_semaphore, #tpu.memory_space<semaphore_mem>>
          %dma_start3A_435 = arith.constant 0 : i32
          %dma_start3A_436 = tpu.memref_slice %arg8[%run_scoped3A, %dma_start3A_435] : memref<4x128xi32, #tpu.memory_space<vmem>> -> memref<1x128xi32, #tpu.memory_space<vmem>>
          %dma_start3A_437 = tpu.memref_squeeze %dma_start3A_436 : memref<1x128xi32, #tpu.memory_space<vmem>> -> memref<128xi32, #tpu.memory_space<vmem>>
          %dma_start3A_438 = arith.constant 0 : i32
          %dma_start3A_439 = arith.constant 0 : i32
          %dma_start3A_440 = tpu.memref_slice %arg13[%dma_start3A_438, %dma_start3A_439] : memref<10240x128xf32, #tpu.memory_space<vmem_shared>> -> memref<10240x128xf32, #tpu.memory_space<vmem_shared>>
          tpu.enqueue_indirect_dma source(%arg9 : memref<128x128xf32, #tpu.memory_space<vmem>>) target(%dma_start3A_440 : memref<10240x128xf32, #tpu.memory_space<vmem_shared>>) offsets(%dma_start3A_437 : memref<128xi32, #tpu.memory_space<vmem>>) semaphore(%run_scoped3A_434 : memref<!tpu.dma_semaphore, #tpu.memory_space<semaphore_mem>>) {add = true}
          %dma_wait3A_441 = arith.constant 0 : i32
          %dma_wait3A_442 = tpu.memref_slice %arg8[%run_scoped3A, %dma_wait3A_441] : memref<4x128xi32, #tpu.memory_space<vmem>> -> memref<1x128xi32, #tpu.memory_space<vmem>>
          %dma_wait3A_443 = tpu.memref_squeeze %dma_wait3A_442 : memref<1x128xi32, #tpu.memory_space<vmem>> -> memref<128xi32, #tpu.memory_space<vmem>>
          %dma_wait3A_444 = arith.constant 0 : i32
          %dma_wait3A_445 = arith.constant 0 : i32
          %dma_wait3A_446 = tpu.memref_slice %arg13[%dma_wait3A_444, %dma_wait3A_445] : memref<10240x128xf32, #tpu.memory_space<vmem_shared>> -> memref<10240x128xf32, #tpu.memory_space<vmem_shared>>
          tpu.wait_indirect_dma semaphore(%run_scoped3A_434 : memref<!tpu.dma_semaphore, #tpu.memory_space<semaphore_mem>>) src(%arg9 : memref<128x128xf32, #tpu.memory_space<vmem>>) dst(%dma_wait3A_446 : memref<10240x128xf32, #tpu.memory_space<vmem_shared>>)
          tpu.yield
        }) : () -> ()
        %lt3A = arith.constant 39 : i32
        %lt3A_421 = arith.cmpi slt, %scan3A_227, %lt3A : i32
        %convert_element_type3A_422 = arith.extui %lt3A_421 : i1 to i32
        %cond3A_423 = arith.constant 0 : i32
        %cond3A_424 = arith.cmpi ne, %convert_element_type3A_422, %cond3A_423 : i32
        scf.if %cond3A_424 {
          %add3A_434 = arith.constant 2 : i32
          %add3A_435 = arith.addi %mul3A_230, %add3A_434 : i32
          %get3A_436 = arith.index_cast %add3A_435 : i32 to index
          %get3A_437 = arith.constant 0 : index
          %get3A_438 = tpu.vector_load %arg7[%get3A_436, %get3A_437] {strides = array<i32>} : memref<80x128xi32, #tpu.memory_space<vmem>>, vector<1x16xi32>,
          %get3A_439 = vector.shape_cast %get3A_438 : vector<1x16xi32> to vector<16xi32>
          %and3A_440 = arith.constant 16383 : i32
          %and3A_441 = vector.broadcast %and3A_440 : i32 to vector<16xi32>
          %and3A_442 = arith.andi %get3A_439, %and3A_441 : vector<16xi32>
          %swap3A_443 = arith.constant 0 : i32
          %swap3A_444 = arith.index_cast %swap3A_443 : i32 to index
          %swap3A_445 = arith.constant 0 : index
          %swap3A_446 = tpu.vector_load %arg8[%swap3A_444, %swap3A_445] {strides = array<i32>} : memref<4x128xi32, #tpu.memory_space<vmem>>, vector<1x16xi32>,
          %swap3A_447 = vector.shape_cast %swap3A_446 : vector<1x16xi32> to vector<16xi32>
          %swap3A_448 = vector.shape_cast %and3A_442 : vector<16xi32> to vector<1x16xi32>
          tpu.vector_store %arg8[%swap3A_444, %swap3A_445], %swap3A_448 {strides = array<i32>} : memref<4x128xi32, #tpu.memory_space<vmem>>, vector<1x16xi32>,
          %shift_right_arithmetic3A_449 = arith.constant 14 : i32
          %shift_right_arithmetic3A_450 = vector.broadcast %shift_right_arithmetic3A_449 : i32 to vector<16xi32>
          %shift_right_arithmetic3A_451 = arith.shrsi %get3A_439, %shift_right_arithmetic3A_450 : vector<16xi32>
          %swap3A_452 = arith.constant 2 : i32
          %swap3A_453 = arith.index_cast %swap3A_452 : i32 to index
          %swap3A_454 = arith.constant 0 : index
          %swap3A_455 = tpu.vector_load %arg8[%swap3A_453, %swap3A_454] {strides = array<i32>} : memref<4x128xi32, #tpu.memory_space<vmem>>, vector<1x16xi32>,
          %swap3A_456 = vector.shape_cast %swap3A_455 : vector<1x16xi32> to vector<16xi32>
          %swap3A_457 = vector.shape_cast %shift_right_arithmetic3A_451 : vector<16xi32> to vector<1x16xi32>
          tpu.vector_store %arg8[%swap3A_453, %swap3A_454], %swap3A_457 {strides = array<i32>} : memref<4x128xi32, #tpu.memory_space<vmem>>, vector<1x16xi32>,
          %get3A_458 = arith.index_cast %add3A_435 : i32 to index
          %get3A_459 = arith.constant 16 : index
          %get3A_460 = tpu.vector_load %arg7[%get3A_458, %get3A_459] {strides = array<i32>} : memref<80x128xi32, #tpu.memory_space<vmem>>, vector<1x16xi32>,
          %get3A_461 = vector.shape_cast %get3A_460 : vector<1x16xi32> to vector<16xi32>
          %and3A_462 = arith.constant 16383 : i32
          %and3A_463 = vector.broadcast %and3A_462 : i32 to vector<16xi32>
          %and3A_464 = arith.andi %get3A_461, %and3A_463 : vector<16xi32>
          %swap3A_465 = arith.constant 0 : i32
          %swap3A_466 = arith.index_cast %swap3A_465 : i32 to index
          %swap3A_467 = arith.constant 16 : index
          %swap3A_468 = tpu.vector_load %arg8[%swap3A_466, %swap3A_467] {strides = array<i32>} : memref<4x128xi32, #tpu.memory_space<vmem>>, vector<1x16xi32>,
          %swap3A_469 = vector.shape_cast %swap3A_468 : vector<1x16xi32> to vector<16xi32>
          %swap3A_470 = vector.shape_cast %and3A_464 : vector<16xi32> to vector<1x16xi32>
          tpu.vector_store %arg8[%swap3A_466, %swap3A_467], %swap3A_470 {strides = array<i32>} : memref<4x128xi32, #tpu.memory_space<vmem>>, vector<1x16xi32>,
          %shift_right_arithmetic3A_471 = arith.constant 14 : i32
          %shift_right_arithmetic3A_472 = vector.broadcast %shift_right_arithmetic3A_471 : i32 to vector<16xi32>
          %shift_right_arithmetic3A_473 = arith.shrsi %get3A_461, %shift_right_arithmetic3A_472 : vector<16xi32>
          %swap3A_474 = arith.constant 2 : i32
          %swap3A_475 = arith.index_cast %swap3A_474 : i32 to index
          %swap3A_476 = arith.constant 16 : index
          %swap3A_477 = tpu.vector_load %arg8[%swap3A_475, %swap3A_476] {strides = array<i32>} : memref<4x128xi32, #tpu.memory_space<vmem>>, vector<1x16xi32>,
          %swap3A_478 = vector.shape_cast %swap3A_477 : vector<1x16xi32> to vector<16xi32>
          %swap3A_479 = vector.shape_cast %shift_right_arithmetic3A_473 : vector<16xi32> to vector<1x16xi32>
          tpu.vector_store %arg8[%swap3A_475, %swap3A_476], %swap3A_479 {strides = array<i32>} : memref<4x128xi32, #tpu.memory_space<vmem>>, vector<1x16xi32>,
          %get3A_480 = arith.index_cast %add3A_435 : i32 to index
          %get3A_481 = arith.constant 32 : index
          %get3A_482 = tpu.vector_load %arg7[%get3A_480, %get3A_481] {strides = array<i32>} : memref<80x128xi32, #tpu.memory_space<vmem>>, vector<1x16xi32>,
          %get3A_483 = vector.shape_cast %get3A_482 : vector<1x16xi32> to vector<16xi32>
          %and3A_484 = arith.constant 16383 : i32
          %and3A_485 = vector.broadcast %and3A_484 : i32 to vector<16xi32>
          %and3A_486 = arith.andi %get3A_483, %and3A_485 : vector<16xi32>
          %swap3A_487 = arith.constant 0 : i32
          %swap3A_488 = arith.index_cast %swap3A_487 : i32 to index
          %swap3A_489 = arith.constant 32 : index
          %swap3A_490 = tpu.vector_load %arg8[%swap3A_488, %swap3A_489] {strides = array<i32>} : memref<4x128xi32, #tpu.memory_space<vmem>>, vector<1x16xi32>,
          %swap3A_491 = vector.shape_cast %swap3A_490 : vector<1x16xi32> to vector<16xi32>
          %swap3A_492 = vector.shape_cast %and3A_486 : vector<16xi32> to vector<1x16xi32>
          tpu.vector_store %arg8[%swap3A_488, %swap3A_489], %swap3A_492 {strides = array<i32>} : memref<4x128xi32, #tpu.memory_space<vmem>>, vector<1x16xi32>,
          %shift_right_arithmetic3A_493 = arith.constant 14 : i32
          %shift_right_arithmetic3A_494 = vector.broadcast %shift_right_arithmetic3A_493 : i32 to vector<16xi32>
          %shift_right_arithmetic3A_495 = arith.shrsi %get3A_483, %shift_right_arithmetic3A_494 : vector<16xi32>
          %swap3A_496 = arith.constant 2 : i32
          %swap3A_497 = arith.index_cast %swap3A_496 : i32 to index
          %swap3A_498 = arith.constant 32 : index
          %swap3A_499 = tpu.vector_load %arg8[%swap3A_497, %swap3A_498] {strides = array<i32>} : memref<4x128xi32, #tpu.memory_space<vmem>>, vector<1x16xi32>,
          %swap3A_500 = vector.shape_cast %swap3A_499 : vector<1x16xi32> to vector<16xi32>
          %swap3A_501 = vector.shape_cast %shift_right_arithmetic3A_495 : vector<16xi32> to vector<1x16xi32>
          tpu.vector_store %arg8[%swap3A_497, %swap3A_498], %swap3A_501 {strides = array<i32>} : memref<4x128xi32, #tpu.memory_space<vmem>>, vector<1x16xi32>,
          %get3A_502 = arith.index_cast %add3A_435 : i32 to index
          %get3A_503 = arith.constant 48 : index
          %get3A_504 = tpu.vector_load %arg7[%get3A_502, %get3A_503] {strides = array<i32>} : memref<80x128xi32, #tpu.memory_space<vmem>>, vector<1x16xi32>,
          %get3A_505 = vector.shape_cast %get3A_504 : vector<1x16xi32> to vector<16xi32>
          %and3A_506 = arith.constant 16383 : i32
          %and3A_507 = vector.broadcast %and3A_506 : i32 to vector<16xi32>
          %and3A_508 = arith.andi %get3A_505, %and3A_507 : vector<16xi32>
          %swap3A_509 = arith.constant 0 : i32
          %swap3A_510 = arith.index_cast %swap3A_509 : i32 to index
          %swap3A_511 = arith.constant 48 : index
          %swap3A_512 = tpu.vector_load %arg8[%swap3A_510, %swap3A_511] {strides = array<i32>} : memref<4x128xi32, #tpu.memory_space<vmem>>, vector<1x16xi32>,
          %swap3A_513 = vector.shape_cast %swap3A_512 : vector<1x16xi32> to vector<16xi32>
          %swap3A_514 = vector.shape_cast %and3A_508 : vector<16xi32> to vector<1x16xi32>
          tpu.vector_store %arg8[%swap3A_510, %swap3A_511], %swap3A_514 {strides = array<i32>} : memref<4x128xi32, #tpu.memory_space<vmem>>, vector<1x16xi32>,
          %shift_right_arithmetic3A_515 = arith.constant 14 : i32
          %shift_right_arithmetic3A_516 = vector.broadcast %shift_right_arithmetic3A_515 : i32 to vector<16xi32>
          %shift_right_arithmetic3A_517 = arith.shrsi %get3A_505, %shift_right_arithmetic3A_516 : vector<16xi32>
          %swap3A_518 = arith.constant 2 : i32
          %swap3A_519 = arith.index_cast %swap3A_518 : i32 to index
          %swap3A_520 = arith.constant 48 : index
          %swap3A_521 = tpu.vector_load %arg8[%swap3A_519, %swap3A_520] {strides = array<i32>} : memref<4x128xi32, #tpu.memory_space<vmem>>, vector<1x16xi32>,
          %swap3A_522 = vector.shape_cast %swap3A_521 : vector<1x16xi32> to vector<16xi32>
          %swap3A_523 = vector.shape_cast %shift_right_arithmetic3A_517 : vector<16xi32> to vector<1x16xi32>
          tpu.vector_store %arg8[%swap3A_519, %swap3A_520], %swap3A_523 {strides = array<i32>} : memref<4x128xi32, #tpu.memory_space<vmem>>, vector<1x16xi32>,
          %get3A_524 = arith.index_cast %add3A_435 : i32 to index
          %get3A_525 = arith.constant 64 : index
          %get3A_526 = tpu.vector_load %arg7[%get3A_524, %get3A_525] {strides = array<i32>} : memref<80x128xi32, #tpu.memory_space<vmem>>, vector<1x16xi32>,
          %get3A_527 = vector.shape_cast %get3A_526 : vector<1x16xi32> to vector<16xi32>
          %and3A_528 = arith.constant 16383 : i32
          %and3A_529 = vector.broadcast %and3A_528 : i32 to vector<16xi32>
          %and3A_530 = arith.andi %get3A_527, %and3A_529 : vector<16xi32>
          %swap3A_531 = arith.constant 0 : i32
          %swap3A_532 = arith.index_cast %swap3A_531 : i32 to index
          %swap3A_533 = arith.constant 64 : index
          %swap3A_534 = tpu.vector_load %arg8[%swap3A_532, %swap3A_533] {strides = array<i32>} : memref<4x128xi32, #tpu.memory_space<vmem>>, vector<1x16xi32>,
          %swap3A_535 = vector.shape_cast %swap3A_534 : vector<1x16xi32> to vector<16xi32>
          %swap3A_536 = vector.shape_cast %and3A_530 : vector<16xi32> to vector<1x16xi32>
          tpu.vector_store %arg8[%swap3A_532, %swap3A_533], %swap3A_536 {strides = array<i32>} : memref<4x128xi32, #tpu.memory_space<vmem>>, vector<1x16xi32>,
          %shift_right_arithmetic3A_537 = arith.constant 14 : i32
          %shift_right_arithmetic3A_538 = vector.broadcast %shift_right_arithmetic3A_537 : i32 to vector<16xi32>
          %shift_right_arithmetic3A_539 = arith.shrsi %get3A_527, %shift_right_arithmetic3A_538 : vector<16xi32>
          %swap3A_540 = arith.constant 2 : i32
          %swap3A_541 = arith.index_cast %swap3A_540 : i32 to index
          %swap3A_542 = arith.constant 64 : index
          %swap3A_543 = tpu.vector_load %arg8[%swap3A_541, %swap3A_542] {strides = array<i32>} : memref<4x128xi32, #tpu.memory_space<vmem>>, vector<1x16xi32>,
          %swap3A_544 = vector.shape_cast %swap3A_543 : vector<1x16xi32> to vector<16xi32>
          %swap3A_545 = vector.shape_cast %shift_right_arithmetic3A_539 : vector<16xi32> to vector<1x16xi32>
          tpu.vector_store %arg8[%swap3A_541, %swap3A_542], %swap3A_545 {strides = array<i32>} : memref<4x128xi32, #tpu.memory_space<vmem>>, vector<1x16xi32>,
          %get3A_546 = arith.index_cast %add3A_435 : i32 to index
          %get3A_547 = arith.constant 80 : index
          %get3A_548 = tpu.vector_load %arg7[%get3A_546, %get3A_547] {strides = array<i32>} : memref<80x128xi32, #tpu.memory_space<vmem>>, vector<1x16xi32>,
          %get3A_549 = vector.shape_cast %get3A_548 : vector<1x16xi32> to vector<16xi32>
          %and3A_550 = arith.constant 16383 : i32
          %and3A_551 = vector.broadcast %and3A_550 : i32 to vector<16xi32>
          %and3A_552 = arith.andi %get3A_549, %and3A_551 : vector<16xi32>
          %swap3A_553 = arith.constant 0 : i32
          %swap3A_554 = arith.index_cast %swap3A_553 : i32 to index
          %swap3A_555 = arith.constant 80 : index
          %swap3A_556 = tpu.vector_load %arg8[%swap3A_554, %swap3A_555] {strides = array<i32>} : memref<4x128xi32, #tpu.memory_space<vmem>>, vector<1x16xi32>,
          %swap3A_557 = vector.shape_cast %swap3A_556 : vector<1x16xi32> to vector<16xi32>
          %swap3A_558 = vector.shape_cast %and3A_552 : vector<16xi32> to vector<1x16xi32>
          tpu.vector_store %arg8[%swap3A_554, %swap3A_555], %swap3A_558 {strides = array<i32>} : memref<4x128xi32, #tpu.memory_space<vmem>>, vector<1x16xi32>,
          %shift_right_arithmetic3A_559 = arith.constant 14 : i32
          %shift_right_arithmetic3A_560 = vector.broadcast %shift_right_arithmetic3A_559 : i32 to vector<16xi32>
          %shift_right_arithmetic3A_561 = arith.shrsi %get3A_549, %shift_right_arithmetic3A_560 : vector<16xi32>
          %swap3A_562 = arith.constant 2 : i32
          %swap3A_563 = arith.index_cast %swap3A_562 : i32 to index
          %swap3A_564 = arith.constant 80 : index
          %swap3A_565 = tpu.vector_load %arg8[%swap3A_563, %swap3A_564] {strides = array<i32>} : memref<4x128xi32, #tpu.memory_space<vmem>>, vector<1x16xi32>,
          %swap3A_566 = vector.shape_cast %swap3A_565 : vector<1x16xi32> to vector<16xi32>
          %swap3A_567 = vector.shape_cast %shift_right_arithmetic3A_561 : vector<16xi32> to vector<1x16xi32>
          tpu.vector_store %arg8[%swap3A_563, %swap3A_564], %swap3A_567 {strides = array<i32>} : memref<4x128xi32, #tpu.memory_space<vmem>>, vector<1x16xi32>,
          %get3A_568 = arith.index_cast %add3A_435 : i32 to index
          %get3A_569 = arith.constant 96 : index
          %get3A_570 = tpu.vector_load %arg7[%get3A_568, %get3A_569] {strides = array<i32>} : memref<80x128xi32, #tpu.memory_space<vmem>>, vector<1x16xi32>,
          %get3A_571 = vector.shape_cast %get3A_570 : vector<1x16xi32> to vector<16xi32>
          %and3A_572 = arith.constant 16383 : i32
          %and3A_573 = vector.broadcast %and3A_572 : i32 to vector<16xi32>
          %and3A_574 = arith.andi %get3A_571, %and3A_573 : vector<16xi32>
          %swap3A_575 = arith.constant 0 : i32
          %swap3A_576 = arith.index_cast %swap3A_575 : i32 to index
          %swap3A_577 = arith.constant 96 : index
          %swap3A_578 = tpu.vector_load %arg8[%swap3A_576, %swap3A_577] {strides = array<i32>} : memref<4x128xi32, #tpu.memory_space<vmem>>, vector<1x16xi32>,
          %swap3A_579 = vector.shape_cast %swap3A_578 : vector<1x16xi32> to vector<16xi32>
          %swap3A_580 = vector.shape_cast %and3A_574 : vector<16xi32> to vector<1x16xi32>
          tpu.vector_store %arg8[%swap3A_576, %swap3A_577], %swap3A_580 {strides = array<i32>} : memref<4x128xi32, #tpu.memory_space<vmem>>, vector<1x16xi32>,
          %shift_right_arithmetic3A_581 = arith.constant 14 : i32
          %shift_right_arithmetic3A_582 = vector.broadcast %shift_right_arithmetic3A_581 : i32 to vector<16xi32>
          %shift_right_arithmetic3A_583 = arith.shrsi %get3A_571, %shift_right_arithmetic3A_582 : vector<16xi32>
          %swap3A_584 = arith.constant 2 : i32
          %swap3A_585 = arith.index_cast %swap3A_584 : i32 to index
          %swap3A_586 = arith.constant 96 : index
          %swap3A_587 = tpu.vector_load %arg8[%swap3A_585, %swap3A_586] {strides = array<i32>} : memref<4x128xi32, #tpu.memory_space<vmem>>, vector<1x16xi32>,
          %swap3A_588 = vector.shape_cast %swap3A_587 : vector<1x16xi32> to vector<16xi32>
          %swap3A_589 = vector.shape_cast %shift_right_arithmetic3A_583 : vector<16xi32> to vector<1x16xi32>
          tpu.vector_store %arg8[%swap3A_585, %swap3A_586], %swap3A_589 {strides = array<i32>} : memref<4x128xi32, #tpu.memory_space<vmem>>, vector<1x16xi32>,
          %get3A_590 = arith.index_cast %add3A_435 : i32 to index
          %get3A_591 = arith.constant 112 : index
          %get3A_592 = tpu.vector_load %arg7[%get3A_590, %get3A_591] {strides = array<i32>} : memref<80x128xi32, #tpu.memory_space<vmem>>, vector<1x16xi32>,
          %get3A_593 = vector.shape_cast %get3A_592 : vector<1x16xi32> to vector<16xi32>
          %and3A_594 = arith.constant 16383 : i32
          %and3A_595 = vector.broadcast %and3A_594 : i32 to vector<16xi32>
          %and3A_596 = arith.andi %get3A_593, %and3A_595 : vector<16xi32>
          %swap3A_597 = arith.constant 0 : i32
          %swap3A_598 = arith.index_cast %swap3A_597 : i32 to index
          %swap3A_599 = arith.constant 112 : index
          %swap3A_600 = tpu.vector_load %arg8[%swap3A_598, %swap3A_599] {strides = array<i32>} : memref<4x128xi32, #tpu.memory_space<vmem>>, vector<1x16xi32>,
          %swap3A_601 = vector.shape_cast %swap3A_600 : vector<1x16xi32> to vector<16xi32>
          %swap3A_602 = vector.shape_cast %and3A_596 : vector<16xi32> to vector<1x16xi32>
          tpu.vector_store %arg8[%swap3A_598, %swap3A_599], %swap3A_602 {strides = array<i32>} : memref<4x128xi32, #tpu.memory_space<vmem>>, vector<1x16xi32>,
          %shift_right_arithmetic3A_603 = arith.constant 14 : i32
          %shift_right_arithmetic3A_604 = vector.broadcast %shift_right_arithmetic3A_603 : i32 to vector<16xi32>
          %shift_right_arithmetic3A_605 = arith.shrsi %get3A_593, %shift_right_arithmetic3A_604 : vector<16xi32>
          %swap3A_606 = arith.constant 2 : i32
          %swap3A_607 = arith.index_cast %swap3A_606 : i32 to index
          %swap3A_608 = arith.constant 112 : index
          %swap3A_609 = tpu.vector_load %arg8[%swap3A_607, %swap3A_608] {strides = array<i32>} : memref<4x128xi32, #tpu.memory_space<vmem>>, vector<1x16xi32>,
          %swap3A_610 = vector.shape_cast %swap3A_609 : vector<1x16xi32> to vector<16xi32>
          %swap3A_611 = vector.shape_cast %shift_right_arithmetic3A_605 : vector<16xi32> to vector<1x16xi32>
          tpu.vector_store %arg8[%swap3A_607, %swap3A_608], %swap3A_611 {strides = array<i32>} : memref<4x128xi32, #tpu.memory_space<vmem>>, vector<1x16xi32>,
          %dma_start3A_612 = arith.constant 0 : i32
          %dma_start3A_613 = arith.constant 0 : i32
          %dma_start3A_614 = tpu.memref_slice %arg8[%dma_start3A_612, %dma_start3A_613] : memref<4x128xi32, #tpu.memory_space<vmem>> -> memref<1x128xi32, #tpu.memory_space<vmem>>
          %dma_start3A_615 = tpu.memref_squeeze %dma_start3A_614 : memref<1x128xi32, #tpu.memory_space<vmem>> -> memref<128xi32, #tpu.memory_space<vmem>>
          %dma_start3A_616 = arith.constant 0 : i32
          %dma_start3A_617 = arith.constant 0 : i32
          %dma_start3A_618 = tpu.memref_slice %arg3[%dma_start3A_616, %dma_start3A_617] : memref<10240x128xf32, #tpu.memory_space<hbm>> -> memref<10240x128xf32, #tpu.memory_space<hbm>>
          tpu.enqueue_indirect_dma source(%dma_start3A_618 : memref<10240x128xf32, #tpu.memory_space<hbm>>) target(%arg9 : memref<128x128xf32, #tpu.memory_space<vmem>>) offsets(%dma_start3A_615 : memref<128xi32, #tpu.memory_space<vmem>>) semaphore(%arg11 : memref<!tpu.dma_semaphore, #tpu.memory_space<semaphore_mem>>)
        } else {
        }
        %dma_wait3A_425 = arith.constant 1 : i32
        %dma_wait3A_426 = arith.constant 0 : i32
        %dma_wait3A_427 = tpu.memref_slice %arg8[%dma_wait3A_425, %dma_wait3A_426] : memref<4x128xi32, #tpu.memory_space<vmem>> -> memref<1x128xi32, #tpu.memory_space<vmem>>
        %dma_wait3A_428 = tpu.memref_squeeze %dma_wait3A_427 : memref<1x128xi32, #tpu.memory_space<vmem>> -> memref<128xi32, #tpu.memory_space<vmem>>
        %dma_wait3A_429 = arith.constant 0 : i32
        %dma_wait3A_430 = arith.constant 0 : i32
        %dma_wait3A_431 = tpu.memref_slice %arg3[%dma_wait3A_429, %dma_wait3A_430] : memref<10240x128xf32, #tpu.memory_space<hbm>> -> memref<10240x128xf32, #tpu.memory_space<hbm>>
        tpu.wait_indirect_dma semaphore(%arg12 : memref<!tpu.dma_semaphore, #tpu.memory_space<semaphore_mem>>) src(%dma_wait3A_431 : memref<10240x128xf32, #tpu.memory_space<hbm>>) dst(%arg10 : memref<128x128xf32, #tpu.memory_space<vmem>>)
        %run_scoped3A_432 = arith.constant 3 : i32
        "tpu.region"() ({
          %run_scoped3A_434 = tpu.sem_alloc : memref<!tpu.dma_semaphore, #tpu.memory_space<semaphore_mem>>
          %dma_start3A_435 = arith.constant 0 : i32
          %dma_start3A_436 = tpu.memref_slice %arg8[%run_scoped3A_432, %dma_start3A_435] : memref<4x128xi32, #tpu.memory_space<vmem>> -> memref<1x128xi32, #tpu.memory_space<vmem>>
          %dma_start3A_437 = tpu.memref_squeeze %dma_start3A_436 : memref<1x128xi32, #tpu.memory_space<vmem>> -> memref<128xi32, #tpu.memory_space<vmem>>
          %dma_start3A_438 = arith.constant 0 : i32
          %dma_start3A_439 = arith.constant 0 : i32
          %dma_start3A_440 = tpu.memref_slice %arg13[%dma_start3A_438, %dma_start3A_439] : memref<10240x128xf32, #tpu.memory_space<vmem_shared>> -> memref<10240x128xf32, #tpu.memory_space<vmem_shared>>
          tpu.enqueue_indirect_dma source(%arg10 : memref<128x128xf32, #tpu.memory_space<vmem>>) target(%dma_start3A_440 : memref<10240x128xf32, #tpu.memory_space<vmem_shared>>) offsets(%dma_start3A_437 : memref<128xi32, #tpu.memory_space<vmem>>) semaphore(%run_scoped3A_434 : memref<!tpu.dma_semaphore, #tpu.memory_space<semaphore_mem>>) {add = true}
          %dma_wait3A_441 = arith.constant 0 : i32
          %dma_wait3A_442 = tpu.memref_slice %arg8[%run_scoped3A_432, %dma_wait3A_441] : memref<4x128xi32, #tpu.memory_space<vmem>> -> memref<1x128xi32, #tpu.memory_space<vmem>>
          %dma_wait3A_443 = tpu.memref_squeeze %dma_wait3A_442 : memref<1x128xi32, #tpu.memory_space<vmem>> -> memref<128xi32, #tpu.memory_space<vmem>>
          %dma_wait3A_444 = arith.constant 0 : i32
          %dma_wait3A_445 = arith.constant 0 : i32
          %dma_wait3A_446 = tpu.memref_slice %arg13[%dma_wait3A_444, %dma_wait3A_445] : memref<10240x128xf32, #tpu.memory_space<vmem_shared>> -> memref<10240x128xf32, #tpu.memory_space<vmem_shared>>
          tpu.wait_indirect_dma semaphore(%run_scoped3A_434 : memref<!tpu.dma_semaphore, #tpu.memory_space<semaphore_mem>>) src(%arg10 : memref<128x128xf32, #tpu.memory_space<vmem>>) dst(%dma_wait3A_446 : memref<10240x128xf32, #tpu.memory_space<vmem_shared>>)
          tpu.yield
        }) : () -> ()
        %scan3A_433 = arith.constant 0 : i32
        scf.yield %scan3A_433 : i32
      }
      %scan3A_226 = arith.constant 40 : i32
    } else {
    }
    %barrier3A_21 = arith.constant 0 : index
    tpu.barrier barrier_id(%barrier3A_21)
    %mul3A_22 = arith.constant 640 : i32
    %mul3A_23 = arith.muli %arg1, %mul3A_22 : i32
    %eq3A_24 = arith.constant 0 : i32
    %eq3A_25 = arith.cmpi eq, %arg0, %eq3A_24 : i32
    %convert_element_type3A_26 = arith.extui %eq3A_25 : i1 to i32
    %cond3A_27 = arith.constant 0 : i32
    %cond3A_28 = arith.cmpi ne, %convert_element_type3A_26, %cond3A_27 : i32
    scf.if %cond3A_28 {
      "tpu.region"() ({
        %run_scoped3A = tpu.sem_alloc : memref<!tpu.dma_semaphore, #tpu.memory_space<semaphore_mem>>
        %dma_start3A = arith.constant 0 : i32
        %dma_start3A_34 = tpu.memref_slice %arg5[%mul3A_23, %dma_start3A] : memref<10240x128xf32, #tpu.memory_space<hbm>> -> memref<640x128xf32, #tpu.memory_space<hbm>>
        %dma_start3A_35 = arith.constant 0 : i32
        %dma_start3A_36 = tpu.memref_slice %arg13[%mul3A_23, %dma_start3A_35] : memref<10240x128xf32, #tpu.memory_space<vmem_shared>> -> memref<640x128xf32, #tpu.memory_space<vmem_shared>>
        tpu.enqueue_dma source(%dma_start3A_36 : memref<640x128xf32, #tpu.memory_space<vmem_shared>>) target(%dma_start3A_34 : memref<640x128xf32, #tpu.memory_space<hbm>>) target_semaphore(%run_scoped3A : memref<!tpu.dma_semaphore, #tpu.memory_space<semaphore_mem>>)
        %dma_wait3A = arith.constant 0 : i32
        %dma_wait3A_37 = tpu.memref_slice %arg5[%mul3A_23, %dma_wait3A] : memref<10240x128xf32, #tpu.memory_space<hbm>> -> memref<640x128xf32, #tpu.memory_space<hbm>>
        %dma_wait3A_38 = arith.constant 0 : i32
        %dma_wait3A_39 = tpu.memref_slice %arg13[%mul3A_23, %dma_wait3A_38] : memref<10240x128xf32, #tpu.memory_space<vmem_shared>> -> memref<640x128xf32, #tpu.memory_space<vmem_shared>>
        tpu.wait_dma2 semaphore(%run_scoped3A : memref<!tpu.dma_semaphore, #tpu.memory_space<semaphore_mem>>) src(%dma_wait3A_39 : memref<640x128xf32, #tpu.memory_space<vmem_shared>>) dst(%dma_wait3A_37 : memref<640x128xf32, #tpu.memory_space<hbm>>)
        tpu.yield
      }) : () -> ()
    } else {
    }
    %eq3A_29 = arith.constant 1 : i32
    %eq3A_30 = arith.cmpi eq, %arg0, %eq3A_29 : i32
    %convert_element_type3A_31 = arith.extui %eq3A_30 : i1 to i32
    %cond3A_32 = arith.constant 0 : i32
    %cond3A_33 = arith.cmpi ne, %convert_element_type3A_31, %cond3A_32 : i32
    scf.if %cond3A_33 {
      "tpu.region"() ({
        %run_scoped3A = tpu.sem_alloc : memref<!tpu.dma_semaphore, #tpu.memory_space<semaphore_mem>>
        %dma_start3A = arith.constant 0 : i32
        %dma_start3A_34 = tpu.memref_slice %arg6[%mul3A_23, %dma_start3A] : memref<10240x128xf32, #tpu.memory_space<hbm>> -> memref<640x128xf32, #tpu.memory_space<hbm>>
        %dma_start3A_35 = arith.constant 0 : i32
        %dma_start3A_36 = tpu.memref_slice %arg13[%mul3A_23, %dma_start3A_35] : memref<10240x128xf32, #tpu.memory_space<vmem_shared>> -> memref<640x128xf32, #tpu.memory_space<vmem_shared>>
        tpu.enqueue_dma source(%dma_start3A_36 : memref<640x128xf32, #tpu.memory_space<vmem_shared>>) target(%dma_start3A_34 : memref<640x128xf32, #tpu.memory_space<hbm>>) target_semaphore(%run_scoped3A : memref<!tpu.dma_semaphore, #tpu.memory_space<semaphore_mem>>)
        %dma_wait3A = arith.constant 0 : i32
        %dma_wait3A_37 = tpu.memref_slice %arg6[%mul3A_23, %dma_wait3A] : memref<10240x128xf32, #tpu.memory_space<hbm>> -> memref<640x128xf32, #tpu.memory_space<hbm>>
        %dma_wait3A_38 = arith.constant 0 : i32
        %dma_wait3A_39 = tpu.memref_slice %arg13[%mul3A_23, %dma_wait3A_38] : memref<10240x128xf32, #tpu.memory_space<vmem_shared>> -> memref<640x128xf32, #tpu.memory_space<vmem_shared>>
        tpu.wait_dma2 semaphore(%run_scoped3A : memref<!tpu.dma_semaphore, #tpu.memory_space<semaphore_mem>>) src(%dma_wait3A_39 : memref<640x128xf32, #tpu.memory_space<vmem_shared>>) dst(%dma_wait3A_37 : memref<640x128xf32, #tpu.memory_space<hbm>>)
        tpu.yield
      }) : () -> ()
    } else {
    }
    return
  }
}

module attributes {stable_mosaic.version = 14 : i64} {
  func.func @_dense1_body(%arg0: i32, %arg1: memref<512x256xf32, #tpu.memory_space<vmem>>, %arg2: memref<256x256xf32, #tpu.memory_space<vmem>>, %arg3: memref<512x128xf32, #tpu.memory_space<vmem>>, %arg4: memref<512x128xf32, #tpu.memory_space<vmem>>, %arg5: memref<512x128xf32, #tpu.memory_space<vmem>>, %arg6: memref<512x128xf32, #tpu.memory_space<vmem>>) attributes {dimension_semantics = [#tpu.dimension_semantics<arbitrary>], iteration_bounds = array<i64: 20>, scalar_prefetch = 0 : i64, scratch_operands = 0 : i64, tpu.core_type = #tpu.core_type<tc>, window_params = [{transform_indices = @transform_0, window_bounds = array<i64: 512, 256>}, {pipeline_mode = #tpu.pipeline_mode<synchronous>, transform_indices = @transform_1, window_bounds = array<i64: 256, 256>}, {transform_indices = @transform_2, window_bounds = array<i64: 512, 128>}, {transform_indices = @transform_3, window_bounds = array<i64: 512, 128>}, {transform_indices = @transform_4, window_bounds = array<i64: 512, 128>}, {transform_indices = @transform_5, window_bounds = array<i64: 512, 128>}]} {
    %get3A = arith.constant 0 : index
    %get3A_0 = arith.constant 0 : index
    %get3A_1 = vector.load %arg3[%get3A, %get3A_0] : memref<512x128xf32, #tpu.memory_space<vmem>>, vector<512x1xf32>
    %add3A = arith.constant 1.000000e+00 : f32
    %add3A_2 = vector.broadcast %add3A : f32 to vector<512x1xf32>
    %add3A_3 = arith.addf %add3A_2, %get3A_1 : vector<512x1xf32>
    %get3A_4 = arith.constant 0 : index
    %get3A_5 = arith.constant 0 : index
    %get3A_6 = vector.load %arg4[%get3A_4, %get3A_5] : memref<512x128xf32, #tpu.memory_space<vmem>>, vector<512x1xf32>
    %add3A_7 = arith.addf %add3A_3, %get3A_6 : vector<512x1xf32>
    %rsqrt3A = math.rsqrt %add3A_7 : vector<512x1xf32>
    %get3A_8 = arith.constant 0 : index
    %get3A_9 = arith.constant 0 : index
    %get3A_10 = vector.load %arg1[%get3A_8, %get3A_9] : memref<512x256xf32, #tpu.memory_space<vmem>>, vector<512x256xf32>
    %get3A_11 = arith.constant 0 : index
    %get3A_12 = arith.constant 0 : index
    %get3A_13 = vector.load %arg2[%get3A_11, %get3A_12] : memref<256x256xf32, #tpu.memory_space<vmem>>, vector<256x256xf32>
    %dot_general3A = arith.constant dense<0.000000e+00> : vector<512x256xf32>
    %dot_general3A_14 = tpu.matmul %get3A_10, %get3A_13, %dot_general3A {dimension_numbers = #tpu.dot_dimension_numbers<[1], [0], [0], [1], [0, 0, 1, 1], [], []>, precision = #tpu.contract_precision<fp32>, transpose_lhs_hint = false} : vector<512x256xf32>, vector<256x256xf32>, vector<512x256xf32> -> vector<512x256xf32>
    %mul3A = vector.broadcast %rsqrt3A : vector<512x1xf32> to vector<512x256xf32>
    %mul3A_15 = arith.mulf %dot_general3A_14, %mul3A : vector<512x256xf32>
    %slice3A = vector.extract_strided_slice %mul3A_15 {offsets = [0, 0], sizes = [512, 128], strides = [1, 1]} : vector<512x256xf32> to vector<512x128xf32>
    %swap3A = arith.constant 0 : index
    %swap3A_16 = arith.constant 0 : index
    %swap3A_17 = vector.load %arg5[%swap3A, %swap3A_16] : memref<512x128xf32, #tpu.memory_space<vmem>>, vector<512x128xf32>
    tpu.vector_store %arg5[%swap3A, %swap3A_16], %slice3A {strides = array<i32>} : memref<512x128xf32, #tpu.memory_space<vmem>>, vector<512x128xf32>,
    %slice3A_18 = vector.extract_strided_slice %mul3A_15 {offsets = [0, 128], sizes = [512, 128], strides = [1, 1]} : vector<512x256xf32> to vector<512x128xf32>
    %swap3A_19 = arith.constant 0 : index
    %swap3A_20 = arith.constant 0 : index
    %swap3A_21 = vector.load %arg6[%swap3A_19, %swap3A_20] : memref<512x128xf32, #tpu.memory_space<vmem>>, vector<512x128xf32>
    tpu.vector_store %arg6[%swap3A_19, %swap3A_20], %slice3A_18 {strides = array<i32>} : memref<512x128xf32, #tpu.memory_space<vmem>>, vector<512x128xf32>,
    return
  }
  func.func @transform_0(%arg0: i32) -> (i32, i32) {
    %c0_i32 = arith.constant 0 : i32
    %c0_i32_0 = arith.constant 0 : i32
    return %arg0, %c0_i32 : i32, i32
  }
  func.func @transform_1(%arg0: i32) -> (i32, i32) {
    %c0_i32 = arith.constant 0 : i32
    %c0_i32_0 = arith.constant 0 : i32
    %c0_i32_1 = arith.constant 0 : i32
    return %c0_i32, %c0_i32_0 : i32, i32
  }
  func.func @transform_2(%arg0: i32) -> (i32, i32) {
    %c0_i32 = arith.constant 0 : i32
    %c0_i32_0 = arith.constant 0 : i32
    return %arg0, %c0_i32 : i32, i32
  }
  func.func @transform_3(%arg0: i32) -> (i32, i32) {
    %c0_i32 = arith.constant 0 : i32
    %c0_i32_0 = arith.constant 0 : i32
    return %arg0, %c0_i32 : i32, i32
  }
  func.func @transform_4(%arg0: i32) -> (i32, i32) {
    %c0_i32 = arith.constant 0 : i32
    %c0_i32_0 = arith.constant 0 : i32
    return %arg0, %c0_i32 : i32, i32
  }
  func.func @transform_5(%arg0: i32) -> (i32, i32) {
    %c0_i32 = arith.constant 0 : i32
    %c0_i32_0 = arith.constant 0 : i32
    return %arg0, %c0_i32 : i32, i32
  }
}

module attributes {stable_mosaic.version = 14 : i64} {
  func.func @_dense2_body(%arg0: i32, %arg1: memref<512x128xf32, #tpu.memory_space<vmem>>, %arg2: memref<512x128xf32, #tpu.memory_space<vmem>>, %arg3: memref<512x128xf32, #tpu.memory_space<vmem>>, %arg4: memref<512x128xf32, #tpu.memory_space<vmem>>, %arg5: memref<512x128xf32, #tpu.memory_space<vmem>>, %arg6: memref<512x128xf32, #tpu.memory_space<vmem>>, %arg7: memref<1x256xf32, #tpu.memory_space<vmem>>, %arg8: memref<256x256xf32, #tpu.memory_space<vmem>>, %arg9: memref<512x128xf32, #tpu.memory_space<vmem>>, %arg10: memref<512x128xf32, #tpu.memory_space<vmem>>) attributes {dimension_semantics = [#tpu.dimension_semantics<arbitrary>], iteration_bounds = array<i64: 20>, scalar_prefetch = 0 : i64, scratch_operands = 0 : i64, tpu.core_type = #tpu.core_type<tc>, window_params = [{transform_indices = @transform_0, window_bounds = array<i64: 512, 128>}, {transform_indices = @transform_1, window_bounds = array<i64: 512, 128>}, {transform_indices = @transform_2, window_bounds = array<i64: 512, 128>}, {transform_indices = @transform_3, window_bounds = array<i64: 512, 128>}, {transform_indices = @transform_4, window_bounds = array<i64: 512, 128>}, {transform_indices = @transform_5, window_bounds = array<i64: 512, 128>}, {pipeline_mode = #tpu.pipeline_mode<synchronous>, transform_indices = @transform_6, window_bounds = array<i64: 1, 256>}, {pipeline_mode = #tpu.pipeline_mode<synchronous>, transform_indices = @transform_7, window_bounds = array<i64: 256, 256>}, {transform_indices = @transform_8, window_bounds = array<i64: 512, 128>}, {transform_indices = @transform_9, window_bounds = array<i64: 512, 128>}]} {
    %get3A = arith.constant 0 : index
    %get3A_0 = arith.constant 0 : index
    %get3A_1 = vector.load %arg5[%get3A, %get3A_0] : memref<512x128xf32, #tpu.memory_space<vmem>>, vector<512x1xf32>
    %add3A = arith.constant 1.000000e+00 : f32
    %add3A_2 = vector.broadcast %add3A : f32 to vector<512x1xf32>
    %add3A_3 = arith.addf %add3A_2, %get3A_1 : vector<512x1xf32>
    %get3A_4 = arith.constant 0 : index
    %get3A_5 = arith.constant 0 : index
    %get3A_6 = vector.load %arg6[%get3A_4, %get3A_5] : memref<512x128xf32, #tpu.memory_space<vmem>>, vector<512x1xf32>
    %add3A_7 = arith.addf %add3A_3, %get3A_6 : vector<512x1xf32>
    %rsqrt3A = math.rsqrt %add3A_7 : vector<512x1xf32>
    %get3A_8 = arith.constant 0 : index
    %get3A_9 = arith.constant 0 : index
    %get3A_10 = vector.load %arg1[%get3A_8, %get3A_9] : memref<512x128xf32, #tpu.memory_space<vmem>>, vector<512x128xf32>
    %get3A_11 = arith.constant 0 : index
    %get3A_12 = arith.constant 0 : index
    %get3A_13 = vector.load %arg3[%get3A_11, %get3A_12] : memref<512x128xf32, #tpu.memory_space<vmem>>, vector<512x128xf32>
    %add3A_14 = arith.addf %get3A_10, %get3A_13 : vector<512x128xf32>
    %get3A_15 = arith.constant 0 : index
    %get3A_16 = arith.constant 0 : index
    %get3A_17 = vector.load %arg2[%get3A_15, %get3A_16] : memref<512x128xf32, #tpu.memory_space<vmem>>, vector<512x128xf32>
    %get3A_18 = arith.constant 0 : index
    %get3A_19 = arith.constant 0 : index
    %get3A_20 = vector.load %arg4[%get3A_18, %get3A_19] : memref<512x128xf32, #tpu.memory_space<vmem>>, vector<512x128xf32>
    %add3A_21 = arith.addf %get3A_17, %get3A_20 : vector<512x128xf32>
    %concatenate3A = tpu.concatenate %add3A_14, %add3A_21 in 1 : vector<512x128xf32>, vector<512x128xf32> -> vector<512x256xf32>
    %mul3A = vector.broadcast %rsqrt3A : vector<512x1xf32> to vector<512x256xf32>
    %mul3A_22 = arith.mulf %concatenate3A, %mul3A : vector<512x256xf32>
    %get3A_23 = arith.constant 0 : index
    %get3A_24 = arith.constant 0 : index
    %get3A_25 = vector.load %arg7[%get3A_23, %get3A_24] : memref<1x256xf32, #tpu.memory_space<vmem>>, vector<1x256xf32>
    %add3A_26 = vector.broadcast %get3A_25 : vector<1x256xf32> to vector<512x256xf32>
    %add3A_27 = arith.addf %mul3A_22, %add3A_26 : vector<512x256xf32>
    %max3A = arith.constant 0.000000e+00 : f32
    %max3A_28 = vector.broadcast %max3A : f32 to vector<512x256xf32>
    %max3A_29 = arith.maximumf %add3A_27, %max3A_28 : vector<512x256xf32>
    %get3A_30 = arith.constant 0 : index
    %get3A_31 = arith.constant 0 : index
    %get3A_32 = vector.load %arg8[%get3A_30, %get3A_31] : memref<256x256xf32, #tpu.memory_space<vmem>>, vector<256x256xf32>
    %dot_general3A = arith.constant dense<0.000000e+00> : vector<512x256xf32>
    %dot_general3A_33 = tpu.matmul %max3A_29, %get3A_32, %dot_general3A {dimension_numbers = #tpu.dot_dimension_numbers<[1], [0], [0], [1], [0, 0, 1, 1], [], []>, precision = #tpu.contract_precision<fp32>, transpose_lhs_hint = false} : vector<512x256xf32>, vector<256x256xf32>, vector<512x256xf32> -> vector<512x256xf32>
    %mul3A_34 = vector.broadcast %rsqrt3A : vector<512x1xf32> to vector<512x256xf32>
    %mul3A_35 = arith.mulf %dot_general3A_33, %mul3A_34 : vector<512x256xf32>
    %slice3A = vector.extract_strided_slice %mul3A_35 {offsets = [0, 0], sizes = [512, 128], strides = [1, 1]} : vector<512x256xf32> to vector<512x128xf32>
    %swap3A = arith.constant 0 : index
    %swap3A_36 = arith.constant 0 : index
    %swap3A_37 = vector.load %arg9[%swap3A, %swap3A_36] : memref<512x128xf32, #tpu.memory_space<vmem>>, vector<512x128xf32>
    tpu.vector_store %arg9[%swap3A, %swap3A_36], %slice3A {strides = array<i32>} : memref<512x128xf32, #tpu.memory_space<vmem>>, vector<512x128xf32>,
    %slice3A_38 = vector.extract_strided_slice %mul3A_35 {offsets = [0, 128], sizes = [512, 128], strides = [1, 1]} : vector<512x256xf32> to vector<512x128xf32>
    %swap3A_39 = arith.constant 0 : index
    %swap3A_40 = arith.constant 0 : index
    %swap3A_41 = vector.load %arg10[%swap3A_39, %swap3A_40] : memref<512x128xf32, #tpu.memory_space<vmem>>, vector<512x128xf32>
    tpu.vector_store %arg10[%swap3A_39, %swap3A_40], %slice3A_38 {strides = array<i32>} : memref<512x128xf32, #tpu.memory_space<vmem>>, vector<512x128xf32>,
    return
  }
  func.func @transform_0(%arg0: i32) -> (i32, i32) {
    %c0_i32 = arith.constant 0 : i32
    %c0_i32_0 = arith.constant 0 : i32
    return %arg0, %c0_i32 : i32, i32
  }
  func.func @transform_1(%arg0: i32) -> (i32, i32) {
    %c0_i32 = arith.constant 0 : i32
    %c0_i32_0 = arith.constant 0 : i32
    return %arg0, %c0_i32 : i32, i32
  }
  func.func @transform_2(%arg0: i32) -> (i32, i32) {
    %c0_i32 = arith.constant 0 : i32
    %c0_i32_0 = arith.constant 0 : i32
    return %arg0, %c0_i32 : i32, i32
  }
  func.func @transform_3(%arg0: i32) -> (i32, i32) {
    %c0_i32 = arith.constant 0 : i32
    %c0_i32_0 = arith.constant 0 : i32
    return %arg0, %c0_i32 : i32, i32
  }
  func.func @transform_4(%arg0: i32) -> (i32, i32) {
    %c0_i32 = arith.constant 0 : i32
    %c0_i32_0 = arith.constant 0 : i32
    return %arg0, %c0_i32 : i32, i32
  }
  func.func @transform_5(%arg0: i32) -> (i32, i32) {
    %c0_i32 = arith.constant 0 : i32
    %c0_i32_0 = arith.constant 0 : i32
    return %arg0, %c0_i32 : i32, i32
  }
  func.func @transform_6(%arg0: i32) -> (i32, i32) {
    %c0_i32 = arith.constant 0 : i32
    %c0_i32_0 = arith.constant 0 : i32
    %c0_i32_1 = arith.constant 0 : i32
    return %c0_i32, %c0_i32_0 : i32, i32
  }
  func.func @transform_7(%arg0: i32) -> (i32, i32) {
    %c0_i32 = arith.constant 0 : i32
    %c0_i32_0 = arith.constant 0 : i32
    %c0_i32_1 = arith.constant 0 : i32
    return %c0_i32, %c0_i32_0 : i32, i32
  }
  func.func @transform_8(%arg0: i32) -> (i32, i32) {
    %c0_i32 = arith.constant 0 : i32
    %c0_i32_0 = arith.constant 0 : i32
    return %arg0, %c0_i32 : i32, i32
  }
  func.func @transform_9(%arg0: i32) -> (i32, i32) {
    %c0_i32 = arith.constant 0 : i32
    %c0_i32_0 = arith.constant 0 : i32
    return %arg0, %c0_i32 : i32, i32
  }
}

module attributes {stable_mosaic.version = 14 : i64} {
  func.func @_readout_body(%arg0: i32, %arg1: memref<512x128xf32, #tpu.memory_space<vmem>>, %arg2: memref<512x128xf32, #tpu.memory_space<vmem>>, %arg3: memref<512x128xf32, #tpu.memory_space<vmem>>, %arg4: memref<512x128xf32, #tpu.memory_space<vmem>>, %arg5: memref<512x128xf32, #tpu.memory_space<vmem>>, %arg6: memref<512x128xf32, #tpu.memory_space<vmem>>, %arg7: memref<1x256xf32, #tpu.memory_space<vmem>>, %arg8: memref<256x256xf32, #tpu.memory_space<vmem>>, %arg9: memref<1x256xf32, #tpu.memory_space<vmem>>, %arg10: memref<256x256xf32, #tpu.memory_space<vmem>>, %arg11: memref<1x256xf32, #tpu.memory_space<vmem>>, %arg12: memref<256x1xf32, #tpu.memory_space<vmem>>, %arg13: memref<1x1xf32, #tpu.memory_space<vmem>>, %arg14: memref<1x1xf32, #tpu.memory_space<vmem>>, %arg15: memref<1x256xf32, #tpu.memory_space<vmem>>) attributes {dimension_semantics = [#tpu.dimension_semantics<arbitrary>], iteration_bounds = array<i64: 20>, scalar_prefetch = 0 : i64, scratch_operands = 1 : i64, tpu.core_type = #tpu.core_type<tc>, window_params = [{transform_indices = @transform_0, window_bounds = array<i64: 512, 128>}, {transform_indices = @transform_1, window_bounds = array<i64: 512, 128>}, {transform_indices = @transform_2, window_bounds = array<i64: 512, 128>}, {transform_indices = @transform_3, window_bounds = array<i64: 512, 128>}, {transform_indices = @transform_4, window_bounds = array<i64: 512, 128>}, {transform_indices = @transform_5, window_bounds = array<i64: 512, 128>}, {pipeline_mode = #tpu.pipeline_mode<synchronous>, transform_indices = @transform_6, window_bounds = array<i64: 1, 256>}, {pipeline_mode = #tpu.pipeline_mode<synchronous>, transform_indices = @transform_7, window_bounds = array<i64: 256, 256>}, {pipeline_mode = #tpu.pipeline_mode<synchronous>, transform_indices = @transform_8, window_bounds = array<i64: 1, 256>}, {pipeline_mode = #tpu.pipeline_mode<synchronous>, transform_indices = @transform_9, window_bounds = array<i64: 256, 256>}, {pipeline_mode = #tpu.pipeline_mode<synchronous>, transform_indices = @transform_10, window_bounds = array<i64: 1, 256>}, {pipeline_mode = #tpu.pipeline_mode<synchronous>, transform_indices = @transform_11, window_bounds = array<i64: 256, 1>}, {pipeline_mode = #tpu.pipeline_mode<synchronous>, transform_indices = @transform_12, window_bounds = array<i64: 1, 1>}, {pipeline_mode = #tpu.pipeline_mode<synchronous>, transform_indices = @transform_13, window_bounds = array<i64: 1, 1>}]} {
    %get3A = arith.constant 0 : index
    %get3A_0 = arith.constant 0 : index
    %get3A_1 = vector.load %arg5[%get3A, %get3A_0] : memref<512x128xf32, #tpu.memory_space<vmem>>, vector<512x1xf32>
    %add3A = arith.constant 1.000000e+00 : f32
    %add3A_2 = vector.broadcast %add3A : f32 to vector<512x1xf32>
    %add3A_3 = arith.addf %add3A_2, %get3A_1 : vector<512x1xf32>
    %get3A_4 = arith.constant 0 : index
    %get3A_5 = arith.constant 0 : index
    %get3A_6 = vector.load %arg6[%get3A_4, %get3A_5] : memref<512x128xf32, #tpu.memory_space<vmem>>, vector<512x1xf32>
    %add3A_7 = arith.addf %add3A_3, %get3A_6 : vector<512x1xf32>
    %rsqrt3A = math.rsqrt %add3A_7 : vector<512x1xf32>
    %get3A_8 = arith.constant 0 : index
    %get3A_9 = arith.constant 0 : index
    %get3A_10 = vector.load %arg1[%get3A_8, %get3A_9] : memref<512x128xf32, #tpu.memory_space<vmem>>, vector<512x128xf32>
    %get3A_11 = arith.constant 0 : index
    %get3A_12 = arith.constant 0 : index
    %get3A_13 = vector.load %arg3[%get3A_11, %get3A_12] : memref<512x128xf32, #tpu.memory_space<vmem>>, vector<512x128xf32>
    %add3A_14 = arith.addf %get3A_10, %get3A_13 : vector<512x128xf32>
    %get3A_15 = arith.constant 0 : index
    %get3A_16 = arith.constant 0 : index
    %get3A_17 = vector.load %arg2[%get3A_15, %get3A_16] : memref<512x128xf32, #tpu.memory_space<vmem>>, vector<512x128xf32>
    %get3A_18 = arith.constant 0 : index
    %get3A_19 = arith.constant 0 : index
    %get3A_20 = vector.load %arg4[%get3A_18, %get3A_19] : memref<512x128xf32, #tpu.memory_space<vmem>>, vector<512x128xf32>
    %add3A_21 = arith.addf %get3A_17, %get3A_20 : vector<512x128xf32>
    %concatenate3A = tpu.concatenate %add3A_14, %add3A_21 in 1 : vector<512x128xf32>, vector<512x128xf32> -> vector<512x256xf32>
    %mul3A = vector.broadcast %rsqrt3A : vector<512x1xf32> to vector<512x256xf32>
    %mul3A_22 = arith.mulf %concatenate3A, %mul3A : vector<512x256xf32>
    %get3A_23 = arith.constant 0 : index
    %get3A_24 = arith.constant 0 : index
    %get3A_25 = vector.load %arg7[%get3A_23, %get3A_24] : memref<1x256xf32, #tpu.memory_space<vmem>>, vector<1x256xf32>
    %add3A_26 = vector.broadcast %get3A_25 : vector<1x256xf32> to vector<512x256xf32>
    %add3A_27 = arith.addf %mul3A_22, %add3A_26 : vector<512x256xf32>
    %max3A = arith.constant 0.000000e+00 : f32
    %max3A_28 = vector.broadcast %max3A : f32 to vector<512x256xf32>
    %max3A_29 = arith.maximumf %add3A_27, %max3A_28 : vector<512x256xf32>
    %iota3A = tpu.iota {dimensions = array<i32: 0>} : vector<512x256xi32>
    %mul3A_30 = arith.constant 512 : i32
    %mul3A_31 = arith.muli %arg0, %mul3A_30 : i32
    %add3A_32 = vector.broadcast %mul3A_31 : i32 to vector<512x256xi32>
    %add3A_33 = arith.addi %iota3A, %add3A_32 : vector<512x256xi32>
    %lt3A = arith.constant 10000 : i32
    %lt3A_34 = vector.broadcast %lt3A : i32 to vector<512x256xi32>
    %lt3A_35 = arith.cmpi slt, %add3A_33, %lt3A_34 : vector<512x256xi32>
    %jit3A = arith.constant 0.000000e+00 : f32
    %broadcast_in_dim3A = vector.broadcast %jit3A : f32 to vector<512x256xf32>
    %select_n3A = arith.select %lt3A_35, %max3A_29, %broadcast_in_dim3A : vector<512x256xi1>, vector<512x256xf32>
    %reduce_sum3A = arith.constant dense<0.000000e+00> : vector<256xf32>
    %reduce_sum3A_36 = vector.multi_reduction <add>, %select_n3A, %reduce_sum3A [0] : vector<512x256xf32> to vector<256xf32>
    %broadcast_in_dim3A_37 = vector.shape_cast %reduce_sum3A_36 : vector<256xf32> to vector<1x256xf32>
    %eq3A = arith.constant 0 : i32
    %eq3A_38 = arith.cmpi eq, %arg0, %eq3A : i32
    %convert_element_type3A = arith.extui %eq3A_38 : i1 to i32
    %cond3A = arith.constant 0 : i32
    %cond3A_39 = arith.cmpi ne, %convert_element_type3A, %cond3A : i32
    scf.if %cond3A_39 {
      %swap3A = arith.constant 0 : index
      %swap3A_49 = arith.constant 0 : index
      %swap3A_50 = vector.load %arg15[%swap3A, %swap3A_49] : memref<1x256xf32, #tpu.memory_space<vmem>>, vector<1x256xf32>
      tpu.vector_store %arg15[%swap3A, %swap3A_49], %broadcast_in_dim3A_37 {strides = array<i32>} : memref<1x256xf32, #tpu.memory_space<vmem>>, vector<1x256xf32>,
    } else {
    }
    %gt3A = arith.constant 0 : i32
    %gt3A_40 = arith.cmpi sgt, %arg0, %gt3A : i32
    %convert_element_type3A_41 = arith.extui %gt3A_40 : i1 to i32
    %cond3A_42 = arith.constant 0 : i32
    %cond3A_43 = arith.cmpi ne, %convert_element_type3A_41, %cond3A_42 : i32
    scf.if %cond3A_43 {
      %get3A_49 = arith.constant 0 : index
      %get3A_50 = arith.constant 0 : index
      %get3A_51 = vector.load %arg15[%get3A_49, %get3A_50] : memref<1x256xf32, #tpu.memory_space<vmem>>, vector<1x256xf32>
      %add3A_52 = arith.addf %get3A_51, %broadcast_in_dim3A_37 : vector<1x256xf32>
      %swap3A = arith.constant 0 : index
      %swap3A_53 = arith.constant 0 : index
      %swap3A_54 = vector.load %arg15[%swap3A, %swap3A_53] : memref<1x256xf32, #tpu.memory_space<vmem>>, vector<1x256xf32>
      tpu.vector_store %arg15[%swap3A, %swap3A_53], %add3A_52 {strides = array<i32>} : memref<1x256xf32, #tpu.memory_space<vmem>>, vector<1x256xf32>,
    } else {
    }
    %eq3A_44 = arith.constant 19 : i32
    %eq3A_45 = arith.cmpi eq, %arg0, %eq3A_44 : i32
    %convert_element_type3A_46 = arith.extui %eq3A_45 : i1 to i32
    %cond3A_47 = arith.constant 0 : i32
    %cond3A_48 = arith.cmpi ne, %convert_element_type3A_46, %cond3A_47 : i32
    scf.if %cond3A_48 {
      %get3A_49 = arith.constant 0 : index
      %get3A_50 = arith.constant 0 : index
      %get3A_51 = vector.load %arg15[%get3A_49, %get3A_50] : memref<1x256xf32, #tpu.memory_space<vmem>>, vector<1x256xf32>
      %mul3A_52 = arith.constant 9.99999974E-5 : f32
      %mul3A_53 = vector.broadcast %mul3A_52 : f32 to vector<1x256xf32>
      %mul3A_54 = arith.mulf %get3A_51, %mul3A_53 : vector<1x256xf32>
      %get3A_55 = arith.constant 0 : index
      %get3A_56 = arith.constant 0 : index
      %get3A_57 = vector.load %arg8[%get3A_55, %get3A_56] : memref<256x256xf32, #tpu.memory_space<vmem>>, vector<256x256xf32>
      %dot_general3A = arith.constant dense<0.000000e+00> : vector<1x256xf32>
      %dot_general3A_58 = tpu.matmul %mul3A_54, %get3A_57, %dot_general3A {dimension_numbers = #tpu.dot_dimension_numbers<[1], [0], [0], [1], [0, 0, 1, 1], [], []>, precision = #tpu.contract_precision<fp32>, transpose_lhs_hint = false} : vector<1x256xf32>, vector<256x256xf32>, vector<1x256xf32> -> vector<1x256xf32>
      %get3A_59 = arith.constant 0 : index
      %get3A_60 = arith.constant 0 : index
      %get3A_61 = vector.load %arg9[%get3A_59, %get3A_60] : memref<1x256xf32, #tpu.memory_space<vmem>>, vector<1x256xf32>
      %add3A_62 = arith.addf %dot_general3A_58, %get3A_61 : vector<1x256xf32>
      %max3A_63 = arith.constant 0.000000e+00 : f32
      %max3A_64 = vector.broadcast %max3A_63 : f32 to vector<1x256xf32>
      %max3A_65 = arith.maximumf %add3A_62, %max3A_64 : vector<1x256xf32>
      %get3A_66 = arith.constant 0 : index
      %get3A_67 = arith.constant 0 : index
      %get3A_68 = vector.load %arg10[%get3A_66, %get3A_67] : memref<256x256xf32, #tpu.memory_space<vmem>>, vector<256x256xf32>
      %dot_general3A_69 = arith.constant dense<0.000000e+00> : vector<1x256xf32>
      %dot_general3A_70 = tpu.matmul %max3A_65, %get3A_68, %dot_general3A_69 {dimension_numbers = #tpu.dot_dimension_numbers<[1], [0], [0], [1], [0, 0, 1, 1], [], []>, precision = #tpu.contract_precision<fp32>, transpose_lhs_hint = false} : vector<1x256xf32>, vector<256x256xf32>, vector<1x256xf32> -> vector<1x256xf32>
      %get3A_71 = arith.constant 0 : index
      %get3A_72 = arith.constant 0 : index
      %get3A_73 = vector.load %arg11[%get3A_71, %get3A_72] : memref<1x256xf32, #tpu.memory_space<vmem>>, vector<1x256xf32>
      %add3A_74 = arith.addf %dot_general3A_70, %get3A_73 : vector<1x256xf32>
      %max3A_75 = arith.constant 0.000000e+00 : f32
      %max3A_76 = vector.broadcast %max3A_75 : f32 to vector<1x256xf32>
      %max3A_77 = arith.maximumf %add3A_74, %max3A_76 : vector<1x256xf32>
      %get3A_78 = arith.constant 0 : index
      %get3A_79 = arith.constant 0 : index
      %get3A_80 = vector.load %arg12[%get3A_78, %get3A_79] : memref<256x1xf32, #tpu.memory_space<vmem>>, vector<256x1xf32>
      %dot_general3A_81 = arith.constant dense<0.000000e+00> : vector<1x1xf32>
      %dot_general3A_82 = tpu.matmul %max3A_77, %get3A_80, %dot_general3A_81 {dimension_numbers = #tpu.dot_dimension_numbers<[1], [0], [0], [1], [0, 0, 1, 1], [], []>, precision = #tpu.contract_precision<fp32>, transpose_lhs_hint = false} : vector<1x256xf32>, vector<256x1xf32>, vector<1x1xf32> -> vector<1x1xf32>
      %get3A_83 = arith.constant 0 : index
      %get3A_84 = arith.constant 0 : index
      %get3A_85 = vector.load %arg13[%get3A_83, %get3A_84] : memref<1x1xf32, #tpu.memory_space<vmem>>, vector<1x1xf32>
      %add3A_86 = arith.addf %dot_general3A_82, %get3A_85 : vector<1x1xf32>
      %swap3A = arith.constant 0 : index
      %swap3A_87 = arith.constant 0 : index
      %swap3A_88 = vector.load %arg14[%swap3A, %swap3A_87] : memref<1x1xf32, #tpu.memory_space<vmem>>, vector<1x1xf32>
      tpu.vector_store %arg14[%swap3A, %swap3A_87], %add3A_86 {strides = array<i32>} : memref<1x1xf32, #tpu.memory_space<vmem>>, vector<1x1xf32>,
    } else {
    }
    return
  }
  func.func @transform_0(%arg0: i32) -> (i32, i32) {
    %c0_i32 = arith.constant 0 : i32
    %c0_i32_0 = arith.constant 0 : i32
    return %arg0, %c0_i32 : i32, i32
  }
  func.func @transform_1(%arg0: i32) -> (i32, i32) {
    %c0_i32 = arith.constant 0 : i32
    %c0_i32_0 = arith.constant 0 : i32
    return %arg0, %c0_i32 : i32, i32
  }
  func.func @transform_2(%arg0: i32) -> (i32, i32) {
    %c0_i32 = arith.constant 0 : i32
    %c0_i32_0 = arith.constant 0 : i32
    return %arg0, %c0_i32 : i32, i32
  }
  func.func @transform_3(%arg0: i32) -> (i32, i32) {
    %c0_i32 = arith.constant 0 : i32
    %c0_i32_0 = arith.constant 0 : i32
    return %arg0, %c0_i32 : i32, i32
  }
  func.func @transform_4(%arg0: i32) -> (i32, i32) {
    %c0_i32 = arith.constant 0 : i32
    %c0_i32_0 = arith.constant 0 : i32
    return %arg0, %c0_i32 : i32, i32
  }
  func.func @transform_5(%arg0: i32) -> (i32, i32) {
    %c0_i32 = arith.constant 0 : i32
    %c0_i32_0 = arith.constant 0 : i32
    return %arg0, %c0_i32 : i32, i32
  }
  func.func @transform_6(%arg0: i32) -> (i32, i32) {
    %c0_i32 = arith.constant 0 : i32
    %c0_i32_0 = arith.constant 0 : i32
    %c0_i32_1 = arith.constant 0 : i32
    return %c0_i32, %c0_i32_0 : i32, i32
  }
  func.func @transform_7(%arg0: i32) -> (i32, i32) {
    %c0_i32 = arith.constant 0 : i32
    %c0_i32_0 = arith.constant 0 : i32
    %c0_i32_1 = arith.constant 0 : i32
    return %c0_i32, %c0_i32_0 : i32, i32
  }
  func.func @transform_8(%arg0: i32) -> (i32, i32) {
    %c0_i32 = arith.constant 0 : i32
    %c0_i32_0 = arith.constant 0 : i32
    %c0_i32_1 = arith.constant 0 : i32
    return %c0_i32, %c0_i32_0 : i32, i32
  }
  func.func @transform_9(%arg0: i32) -> (i32, i32) {
    %c0_i32 = arith.constant 0 : i32
    %c0_i32_0 = arith.constant 0 : i32
    %c0_i32_1 = arith.constant 0 : i32
    return %c0_i32, %c0_i32_0 : i32, i32
  }
  func.func @transform_10(%arg0: i32) -> (i32, i32) {
    %c0_i32 = arith.constant 0 : i32
    %c0_i32_0 = arith.constant 0 : i32
    %c0_i32_1 = arith.constant 0 : i32
    return %c0_i32, %c0_i32_0 : i32, i32
  }
  func.func @transform_11(%arg0: i32) -> (i32, i32) {
    %c0_i32 = arith.constant 0 : i32
    %c0_i32_0 = arith.constant 0 : i32
    %c0_i32_1 = arith.constant 0 : i32
    return %c0_i32, %c0_i32_0 : i32, i32
  }
  func.func @transform_12(%arg0: i32) -> (i32, i32) {
    %c0_i32 = arith.constant 0 : i32
    %c0_i32_0 = arith.constant 0 : i32
    %c0_i32_1 = arith.constant 0 : i32
    return %c0_i32, %c0_i32_0 : i32, i32
  }
  func.func @transform_13(%arg0: i32) -> (i32, i32) {
    %c0_i32 = arith.constant 0 : i32
    %c0_i32_0 = arith.constant 0 : i32
    %c0_i32_1 = arith.constant 0 : i32
    return %c0_i32, %c0_i32_0 : i32, i32
  }
}

</mosaic_0001>

<sc_bundles>
// kernel: kernel.11.cloned.1.call-start
scs
__scs_entry_jumppad:
0x0: {  	(pc) =	sbr.rel $0x88, $3  }
0x1: {  	(tag) =	ssettag $0x0;
	lr =	simm.s32 $0x1  }
0x2: {  	[smem:$0x3F95] =	sst lr;
	_ =	strace $0xD0000000  }
0x3: {  	_ = 	snop  }
0x4: {  	_ = 	snop  }
0x5: {  	_ = 	snop  }
0x6: {  	_ = 	snop  }
0x7: {  	_ = 	snop  }
__scs_overlays_trampoline_lowered:
0x8: {  	[smem:$0x3FA4] =	sst s0  }
0x9: {  	[smem:$0x3FA5] =	sst s1  }
0xa: {  	[smem:$0x3FA6] =	sst s2  }
0xb: {  	[smem:$0x3FA7] =	sst s3  }
0xc: {  	[smem:$0x3FA8] =	sst s4  }
0xd: {  	[smem:$0x3FA9] =	sst s5  }
0xe: {  	[smem:$0x3FAA] =	sst s6  }
0xf: {  	[smem:$0x3FAB] =	sst s7  }
0x10: {  	[smem:$0x3FAC] =	sst s8  }
0x11: {  	[smem:$0x3FAD] =	sst s9;
	s0 =	simm.s32 @!p0 $0x0  }
0x12: {  	s1 =	sld [smem:$0x3F93];
	s0 =	simm.s32 @p0 $0x1  }
0x13: {  	[smem:$0x3FAE] =	sst s0;
	s0 =	simm.s32 @!p1 $0x0  }
0x14: {  	s2 =	sld [smem:$0x3F92];
	s0 =	simm.s32 @p1 $0x1  }
0x15: {  	[smem:$0x3FAF] =	sst s0;
	s0 =	simm.s32 @!p2 $0x0  }
0x16: {  	s3 =	sld [smem:$0x3FDB];
	s0 =	simm.s32 @p2 $0x1  }
0x17: {  	s4 =	simm.s32 $0x1BF5;
	[smem:$0x3FB1] =	sst s0  }
0x18: {  	s0 =	sld [smem:$0x3F94];
	_ =	swait.ge [sflag:s4], $0x0  }
0x19: {  	s7 =	sld [smem:$0x3F95]  }
0x1a: {  	s8 =	sadd.s32 $0xFFFFE003, lr  }
0x1b: {  	s9 =	sadd.s32 $0xFFFFFEF7, lr;
	s5 =	simm.s32 $0xFFFFFFFF;
	p2 =	slt.u32 s8, $0xFFFFF086  }
0x1c: {  	p1 =	slt.u32 s9, $0xF7A;
	s5 =	simm.s32 @!p2 $0x0  }
0x1d: {  	s5 =	simm.s32 @p1 $0x1;
	p0 =	seq.s32 s7, s2  }
0x1e: {  	s7 =	smul.u32 @!p0 $0xF7A, s2;
	p2 =	seq.s32 @!p0 s5, $0x0  }
0x1f: {  	s9 =	smul.u32 $0xF7A, s1;
	s8 =	simm.s32 @!p0 $0x1BF5;
	p2 =	por !p2, p0  }
0x20: {  	[sflag:s8] =	ssyncset.s32 @!p0 $0xFFFFF086;
	s6 =	sadd.s32 @!p0 s3, s7;
	s7 =	simm.s32 @!p0 $0x108  }
0x21: {  	s3 =	sadd.s32 s3, s9;
	s6 =	sadd.s32 @!p0 $0x88, s6;
	s7 =	simm.s32 @p2 $0x1082  }
0x22: {  	[simem:s7], [sflag:s8] =	dma.local @!p0 [hbm:s6], $0xF7A  }
0x23: {  	s9 =	sor.u32 $0xD0000000, s2;
	s6 =	simm.s32 $0x108;
	_ =	swait.ge @!p0 [sflag:s8], $0x0  }
0x24: {  	s3 =	sadd.s32 $0x88, s3;
	s6 =	simm.s32 @!p1 $0x1082;
	[sflag:s4] =	ssyncset.s32 $0xFFFFF086  }
0x25: {  	[simem:s6], [sflag:s4] =	dma.local [hbm:s3], $0xF7A  }
0x26: {  	[smem:$0x3F95] =	sst s1;
	(tag) =	ssettag s2;
	_ =	strace s9  }
0x27: {  	s1 =	sld [smem:$0x3FA5]  }
0x28: {  	s2 =	sld [smem:$0x3FA6]  }
0x29: {  	s4 =	sld [smem:$0x3FA8]  }
0x2a: {  	p0 =	seq.s32 s5, $0x0;
	s5 =	sld [smem:$0x3FA9]  }
0x2b: {  	s6 =	sld [smem:$0x3FAA]  }
0x2c: {  	s7 =	sld [smem:$0x3FAB]  }
0x2d: {  	s3 =	simm.s32 $0x108;
	s8 =	sld [smem:$0x3FAC]  }
0x2e: {  	s3 =	simm.s32 @!p0 $0x1082;
	s9 =	sld [smem:$0x3FAD]  }
0x2f: {  	lr =	sadd.s32 s0, s3;
	s0 =	sld [smem:$0x3FA4]  }
0x30: {  	s3 =	sld [smem:$0x3FA7]  }
0x31: {  	[smem:$0x3FB0] =	sst s10  }
0x32: {  	s10 =	sld [smem:$0x3FAE];
	_ =	sdelay $0x3  }
0x33: {  	p0 =	seq.s32 s10, $0x1;
	s10 =	sld [smem:$0x3FB0];
	_ =	sdelay $0x3  }
0x34: {  	[smem:$0x3FB0] =	sst s10  }
0x35: {  	s10 =	sld [smem:$0x3FAF];
	_ =	sdelay $0x3  }
0x36: {  	p1 =	seq.s32 s10, $0x1;
	s10 =	sld [smem:$0x3FB0];
	_ =	sdelay $0x3  }
0x37: {  	[smem:$0x3FB0] =	sst s10  }
0x38: {  	s10 =	sld [smem:$0x3FB1]  }
0x39: {  	_ = 	snop;
	(pc) =	sbr.ind lr, $3  }
0x3a: {  	_ = 	snop  }
0x3b: {  	_ = 	snop  }
0x3c: {  	p2 =	seq.s32 s10, $0x1;
	s10 =	sld [smem:$0x3FB0]  }
0x3d: {  	_ =	shalt  }
0x3e: {  	_ =	shalt  }
0x3f: {  	_ =	shalt  }
0x40: {  	_ =	shalt  }
0x41: {  	_ =	shalt  }
0x42: {  	_ =	shalt  }
0x43: {  	_ =	shalt  }
0x44: {  	_ =	shalt  }
0x45: {  	_ =	shalt  }
0x46: {  	_ =	shalt  }
0x47: {  	_ =	shalt  }
0x48: {  	_ =	shalt  }
0x49: {  	_ =	shalt  }
0x4a: {  	_ =	shalt  }
0x4b: {  	_ =	shalt  }
0x4c: {  	_ =	shalt  }
0x4d: {  	_ =	shalt  }
0x4e: {  	_ =	shalt  }
0x4f: {  	_ =	shalt  }
0x50: {  	_ =	shalt  }
0x51: {  	_ =	shalt  }
0x52: {  	_ =	shalt  }
0x53: {  	_ =	shalt  }
0x54: {  	_ =	shalt  }
0x55: {  	_ =	shalt  }
0x56: {  	_ =	shalt  }
0x57: {  	_ =	shalt  }
0x58: {  	_ =	shalt  }
0x59: {  	_ =	shalt  }
0x5a: {  	_ =	shalt  }
0x5b: {  	_ =	shalt  }
0x5c: {  	_ =	shalt  }
0x5d: {  	_ =	shalt  }
0x5e: {  	_ =	shalt  }
0x5f: {  	_ =	shalt  }
0x60: {  	_ =	shalt  }
0x61: {  	_ =	shalt  }
0x62: {  	_ =	shalt  }
0x63: {  	_ =	shalt  }
0x64: {  	_ =	shalt  }
0x65: {  	_ =	shalt  }
0x66: {  	_ =	shalt  }
0x67: {  	_ =	shalt  }
0x68: {  	_ =	shalt  }
0x69: {  	_ =	shalt  }
0x6a: {  	_ =	shalt  }
0x6b: {  	_ =	shalt  }
0x6c: {  	_ =	shalt  }
0x6d: {  	_ =	shalt  }
0x6e: {  	_ =	shalt  }
0x6f: {  	_ =	shalt  }
0x70: {  	_ =	shalt  }
0x71: {  	_ =	shalt  }
0x72: {  	_ =	shalt  }
0x73: {  	_ =	shalt  }
0x74: {  	_ =	shalt  }
0x75: {  	_ =	shalt  }
0x76: {  	_ =	shalt  }
0x77: {  	_ =	shalt  }
0x78: {  	_ =	shalt  }
0x79: {  	_ =	shalt  }
0x7a: {  	_ =	shalt  }
0x7b: {  	_ =	shalt  }
0x7c: {  	_ =	shalt  }
0x7d: {  	_ =	shalt  }
0x7e: {  	_ =	shalt  }
0x7f: {  	_ =	shalt  }
0x80: {  	_ =	shalt  }
0x81: {  	_ =	shalt  }
0x82: {  	_ =	shalt  }
0x83: {  	_ =	shalt  }
0x84: {  	_ =	shalt  }
0x85: {  	_ =	shalt  }
0x86: {  	_ =	shalt  }
0x87: {  	_ =	shalt  }
.Lfunc_end0:
.L_simem_size_0:
called_computation.1_lowered:
.L_overlay_start_0:
0x88: {  	s2 =	sld [smem:$0x3FD9]  }
0x89: {  	s3 =	sld [smem:$0x3FFE];
	_ =	sdelay $0x1  }
0x8a: {  	s1 =	srdreg.scid  }
0x8b: {  	s0 =	sand.u32 $0x1, s1  }
0x8c: {  	s16 =	sshll.u32 s0, $0xA;
	s2 =	sadd.s32 s3, s2  }
0x8d: {  	s2 =	sadd.s32 s2, s16  }
0x8e: {  	[smem:$0x3FBC] =	sst s2  }
0x8f: {  	_ = 	snop  }
0x90: {  	(tm) =	ssettm $0x1  }
0x91: {  	s17 =	sld [smem:$0x3FFB];
	_ =	sdelay $0x3  }
0x92: {  	_ =	strace s17  }
0x93: {  	s2 =	sld [smem:$0x3FFC];
	_ =	sdelay $0x3  }
0x94: {  	_ =	strace s2  }
0x95: {  	s2 =	sld [smem:$0x3FFD];
	_ =	sdelay $0x3  }
0x96: {  	_ =	strace s2  }
0x97: {  	_ =	strace $0x8FFFFFFF  }
0x98: {  	s18 =	sld [smem:$0x3FDB];
	_ =	sdelay $0x1  }
0x99: {  	s19 =	simm.s32 $_scs_section_size  }
0x9a: {  	s4 =	simm.s32 $_size__tile_overlayer_lowered;
	s5 =	simm.s32 $_tile_overlayer_lowered  }
0x9b: {  	s22 =	simm.s32 $0x1BFF;
	s21 =	sshll.u32 s5, $0x1;
	s2 =	sadd.s32 s19, s18  }
0x9c: {  	s6 =	simm.s32 $0x0;
	s20 =	sshll.u32 s4, $0x1;
	s4 =	sadd.s32 s21, s2  }
0x9d: {  	[timem:s6], [sflag:s22] =	dma.local [hbm:s4], s20  }
0x9e: {  	_ =	swait.ge [sflag:s22], s20  }
0x9f: {  	s3 =	ssub.s32 $0x0, s20;
	[sflag:s22] =	ssyncset.done $0x0  }
0xa0: {  	[sflag:s22] =	ssyncadd.s32 s3;
	_ =	sdelay $0x1  }
0xa1: {  	s23 =	simm.s32 $0x1B8B  }
0xa2: {  	_ =	swait.ge [sflag:s23], $0x1  }
0xa3: {  	[sflag:s23] =	ssyncset.done $0x0  }
0xa4: {  	s25 =	simm.s32 $0x1B8E;
	s24 =	sld [smem:$0x3FFE];
	[sflag:s23] =	ssyncadd.s32 $0xFFFFFFFF  }
0xa5: {  	s26 =	simm.s32 $execute0_lowered;
	[smem:$0x3FD2] =	sst s25  }
0xa6: {  	s4 =	sshll.u32 s26, $0x1;
	_ =	strace $0x80000049;
	[dreg:$0x1] =	wrdreg $0xFFFFFFFF  }
0xa7: {  	s28 =	simm.s32 $_size_execute0_lowered;
	s2 =	sadd.s32 s2, s4;
	[dreg:$0x0] =	wrdreg $0x0  }
0xa8: {  	s4 =	sshll.u32 s28, $0x1;
	[dreg:$0x2] =	wrdreg s2  }
0xa9: {  	[dreg:$0x3] =	wrdreg s4  }
0xaa: {  	[dreg:$0x4] =	wrdreg $0xC0  }
0xab: {  	_ =	task [dreg:s6], $0x5FFFF  }
0xac: {  	[dreg:$0x1] =	wrdreg $0xFFFFFFFF  }
0xad: {  	[dreg:$0x0] =	wrdreg $0x60  }
0xae: {  	[dreg:$0x2] =	wrdreg s24  }
0xaf: {  	[dreg:$0x3] =	wrdreg $0xAA000  }
0xb0: {  	[dreg:$0x4] =	wrdreg $0x9  }
0xb1: {  	_ =	task.clear_ibuf [dreg:s6], $0x5FFFF;
	_ =	strace $0x90000049  }
0xb2: {  	s29 =	simm.s32 $0x9;
	_ =	strace $0x8000004B  }
0xb3: {  	_ =	swait.ge [sflag:s29], $0x1  }
0xb4: {  	[sflag:s29] =	ssyncadd.s32 $0xFFFFFFFF  }
0xb5: {  	_ =	strace $0x9000004B  }
0xb6: {  	_ =	sfence  }
0xb7: {  	s30 =	sld [smem:$0x0];
	_ =	sdelay $0x2  }
0xb8: {  	s31 =	sshll.u32 s1, $0xD;
	s1 =	sshrl.u32 s1, $0x2  }
0xb9: {  	s3 =	sand.u32 $0x4000, s31;
	s1 =	sadd.s32 s1, s30  }
0xba: {  	s0 =	sor.u32 s3, s0;
	s1 =	sshll.u32 s1, $0x11  }
0xbb: {  	s0 =	sor.u32 s1, s0  }
0xbc: {  	s0 =	sadd.s32 $0x8F2B, s0  }
0xbd: {  	[sflag:s0] =	ssyncadd.remote.s32 $0x1  }
0xbe: {  	_ =	sfence.sel $0xFFFF  }
0xbf: {  	[dreg:$0x0] =	wrdreg $0xFFFFFFFF;
	(pc) =	sbr.abs _section_cstart, $3  }
0xc0: {  	[dreg:$0x1] =	wrdreg $0xFFFFFFFF  }
0xc1: {  	_ =	task.clear_ibuf [dreg:s6], $0x2FFFF;
	_ =	strace $0x9FFFFFFF  }
0xc2: {  	(tm) =	ssettm $0x7FFFFFFF  }
0xc3: {  	_ =	shalt  }
tec
execute0_lowered:
.L_overlay_start_1:
0x0: {  	(tag) =	ssettag $0x1  }
0x1: {  	s0 =	rddreg [dreg:$0x0]  }
0x2: {  	s1 =	rddreg [dreg:$0x1];
	s2 =	simm.s32 $0x0;
	s6 =	srdreg.scid  }
0x3: {  	s16 =	simm.s32 $0x3;
	s18 =	simm.s32 $0x80;
	s19 =	simm.s32 $0x2800  }
0x4: {  	s20 =	simm.s32 $0x2880;
	s21 =	simm.s32 $0x6A00;
	s22 =	simm.s32 $0x1  }
0x5: {  	s23 =	simm.s32 $0x2900;
	s24 =	simm.s32 $0x2;
	s25 =	simm.s32 $0x2980  }
0x6: {  	s26 =	simm.s32 $0x0;
	[smem:$0x7FF] =	sst s2;
	s2 =	stileid.u32  }
0x7: {  	s4 =	sadd.s32 $0x58E00, s0;
	s5 =	sadd.s32 $0x80E00, s0;
	s17 =	sand.u32 $0x1, s6  }
0x8: {  	s6 =	sadd.s32 $0xA8E00, s0;
	s7 =	sadd.s32 $0xD0E00, s0;
	s3 =	smul.u32 $0x500, s2  }
0x9: {  	_ =	strace $0x8000004A;
	s8 =	smul.u32 $0x50000, s2;
	s9 =	ssub.s32 $0x2, s17  }
.Ltmp0:
0xa: {  	p0 =	sne.s32 s17, $0x0;
	s17 =	simm.s32 $0x2A00;
	(pc) =	sbr.rel .LBB2_1-.Ltmp0, $4  }
0xb: {  	s31 =	sshrl.u32 s9, $0x1;
	s3 =	sadd.s32 s3, s0;
	s10 =	sshrl.u32 s8, $0x2  }
0xc: {  	s0 =	ssub.s32 s9, s31;
	s8 =	sadd.s32 $0x3E00, s3;
	s9 =	sadd.s32 s10, s1  }
0xd: {  	s10 =	smul.u32 $0x2800, s2;
	s11 =	smax.u32 s0, $0x1;
	s12 =	sadd.s32 $0x4000, s9  }
0xe: {  	v0 =	vimm.f32 $0.0e+00;
	s13 =	sadd.s32 $0x8000, s9;
	s14 =	sadd.s32 $0xC000, s9;
	s15 =	sadd.s32 $0x10000, s9  }
.LBB2_9:
0xf: {  	[tilespmem:$0x2960] =	vst @!p2 v1  }
0x10: {  	v1 =	vld @!p2 [tilespmem:s29+$0x170];
	_ =	sdelay $0x4  }
0x11: {  	v2 =	vand.u32 @!p2 $0x3FFF, v1  }
0x12: {  	v1 =	vshra.s32 @!p2 v1, $0xE;
	[tilespmem:$0x2870] =	vst @!p2 v2  }
0x13: {  	[tilespmem:$0x2970] =	vst @!p2 v1  }
0x14: {  	[tilespmem:s3], [sflag:$0x1] =	stream.indirect.gather @!p2 [hbm4b:s5+s31], $0x80, s0, s31, $0xb8;
	[tilespmem:$0x1EA00] =	vst v63  }
0x15: {  	_ =	swait.ge [sflag:s24], $0x4000  }
0x16: {  	[sflag:s24] =	ssyncset.done $0x0  }
0x17: {  	[sflag:s24] =	ssyncadd.s32 $0xFFFFC000  }
0x18: {  	[spmem:s1] =	stream.indirect.scatter.add.f32 [tilespmem:s21], [sflag:$0x3], $0x80, s25, s18, $0xb8;
	[tilespmem:$0x1EA00] =	vst v63  }
0x19: {  	_ =	swait.ge [sflag:s16], $0x4000  }
0x1a: {  	[sflag:s16] =	ssyncset.done $0x0  }
0x1b: {  	s0 =	smov.u32 s7;
	[sflag:s16] =	ssyncadd.s32 $0xFFFFC000  }
.LBB2_10:
0x1c: {  	s0 =	sadd.s32 s0, s10;
	s26 =	sadd.s32 $0x1, s26  }
0x1d: {  	s3 =	sshll.u32 s2, $0x6;
	[bflag:$0x0] =	sbarrier.arrive $0xFFFF;
	p1 =	sne.s32 s26, s11  }
.Ltmp1:
0x1e: {  	s28 =	sshrl.u32 s9, $0x3;
	s3 =	sor.u32 $0x1C03, s3;
	(pc) =	sbr.rel @!p1 .LBB2_11-.Ltmp1, $4  }
0x1f: {  	[hbm:s0], [sflag:s3] =	dma.local [spmem:s28], $0x2800  }
0x20: {  	_ =	swait.ge [sflag:s16], $0x2800  }
0x21: {  	[sflag:s16] =	ssyncset.done $0x0  }
0x22: {  	[sflag:s16] =	ssyncadd.s32 $0xFFFFD800  }
.LBB2_1:
0x23: {  	s0 =	simm.s32 $0x0  }
0x24: {  	[tilespmem:s0], [sflag:$0x3] =	stream.linear.gather [hbm4b:s8+s0], $0x2800, $0x38;
	[tilespmem:$0x1EA00] =	vst v63  }
0x25: {  	_ =	swait.ge [sflag:s16], $0x2800  }
0x26: {  	[sflag:s16] =	ssyncset.done $0x0  }
0x27: {  	s3 =	simm.s32 $0x200;
	s0 =	simm.s32 $0x0;
	[sflag:s16] =	ssyncadd.s32 $0xFFFFD800  }
.LBB2_2:
0x28: {  	p1 =	sne.s32 s3, $0xFE00;
	[tilespmem:s0+$0x2A70] =	vst v0  }
0x29: {  	[tilespmem:s0+$0x2A00] =	vst v0  }
0x2a: {  	[tilespmem:s0+$0x2A10] =	vst v0  }
.Ltmp2:
0x2b: {  	[tilespmem:s0+$0x2A20] =	vst v0;
	(pc) =	sbr.rel @p1 .LBB2_2-.Ltmp2, $4  }
0x2c: {  	[tilespmem:s0+$0x2A30] =	vst v0  }
0x2d: {  	[tilespmem:s0+$0x2A40] =	vst v0  }
0x2e: {  	[tilespmem:s0+$0x2A50] =	vst v0  }
0x2f: {  	[tilespmem:s0+$0x2A60] =	vst v0;
	s0 =	sshra.s32 s3, $0x2;
	s3 =	sadd.s32 $0x200, s3  }
0x30: {  	[tilespmem:s0+$0x2A70] =	vst v0  }
0x31: {  	[tilespmem:s0+$0x2A00] =	vst v0  }
0x32: {  	[tilespmem:s0+$0x2A10] =	vst v0  }
0x33: {  	[tilespmem:s0+$0x2A20] =	vst v0  }
0x34: {  	[tilespmem:s0+$0x2A30] =	vst v0  }
0x35: {  	[tilespmem:s0+$0x2A40] =	vst v0  }
0x36: {  	[tilespmem:s0+$0x2A50] =	vst v0  }
0x37: {  	[tilespmem:s0+$0x2A60] =	vst v0  }
0x38: {  	[spmem:s9] =	stream.linear.scatter [tilespmem:s17], [sflag:$0x3], $0x4000, $0x38;
	[tilespmem:$0x1EA00] =	vst v63  }
0x39: {  	_ =	swait.ge [sflag:s16], $0x4000  }
0x3a: {  	[sflag:s16] =	ssyncset.done $0x0  }
0x3b: {  	[sflag:s16] =	ssyncadd.s32 $0xFFFFC000  }
0x3c: {  	[spmem:s12] =	stream.linear.scatter [tilespmem:s17], [sflag:$0x3], $0x4000, $0x38;
	[tilespmem:$0x1EA00] =	vst v63  }
0x3d: {  	_ =	swait.ge [sflag:s16], $0x4000  }
0x3e: {  	[sflag:s16] =	ssyncset.done $0x0  }
0x3f: {  	[sflag:s16] =	ssyncadd.s32 $0xFFFFC000  }
0x40: {  	[spmem:s13] =	stream.linear.scatter [tilespmem:s17], [sflag:$0x3], $0x4000, $0x38;
	[tilespmem:$0x1EA00] =	vst v63  }
0x41: {  	_ =	swait.ge [sflag:s16], $0x4000  }
0x42: {  	[sflag:s16] =	ssyncset.done $0x0  }
0x43: {  	[sflag:s16] =	ssyncadd.s32 $0xFFFFC000  }
0x44: {  	[spmem:s14] =	stream.linear.scatter [tilespmem:s17], [sflag:$0x3], $0x4000, $0x38;
	[tilespmem:$0x1EA00] =	vst v63  }
0x45: {  	_ =	swait.ge [sflag:s16], $0x4000  }
0x46: {  	[sflag:s16] =	ssyncset.done $0x0  }
0x47: {  	[sflag:s16] =	ssyncadd.s32 $0xFFFFC000  }
0x48: {  	[spmem:s15] =	stream.linear.scatter [tilespmem:s17], [sflag:$0x3], $0x4000, $0x38;
	[tilespmem:$0x1EA00] =	vst v63  }
0x49: {  	_ =	swait.ge [sflag:s16], $0x4000  }
0x4a: {  	[sflag:s16] =	ssyncset.done $0x0  }
0x4b: {  	[sflag:s16] =	ssyncadd.s32 $0xFFFFC000  }
0x4c: {  	[bflag:$0x0] =	sbarrier.arrive $0xFFFF  }
0x4d: {  	v1 =	vld [tilespmem:$0x0];
	_ =	sdelay $0x1  }
0x4e: {  	v2 =	vld [tilespmem:$0x10];
	_ =	sdelay $0x1  }
0x4f: {  	v3 =	vld [tilespmem:$0x20]  }
0x50: {  	v4 =	vand.u32 $0x3FFF, v1  }
0x51: {  	v62 =	vld [tilespmem:$0x30];
	v1 =	vshra.s32 v1, $0xE;
	[tilespmem:$0x2800] =	vst v4  }
0x52: {  	[tilespmem:$0x2900] =	vst v1;
	v1 =	vand.u32 $0x3FFF, v2  }
0x53: {  	[tilespmem:$0x2810] =	vst v1;
	v1 =	vshra.s32 v2, $0xE;
	v2 =	vld [tilespmem:$0x40]  }
0x54: {  	[tilespmem:$0x2910] =	vst v1;
	v1 =	vand.u32 $0x3FFF, v3  }
0x55: {  	[tilespmem:$0x2820] =	vst v1;
	v1 =	vshra.s32 v3, $0xE;
	v3 =	vld [tilespmem:$0x50]  }
0x56: {  	[tilespmem:$0x2920] =	vst v1;
	v1 =	vand.u32 $0x3FFF, v62  }
0x57: {  	v63 =	vld [tilespmem:$0x60];
	[tilespmem:$0x2830] =	vst v1;
	v1 =	vshra.s32 v62, $0xE  }
0x58: {  	[tilespmem:$0x2930] =	vst v1;
	v1 =	vand.u32 $0x3FFF, v2  }
0x59: {  	[tilespmem:$0x2840] =	vst v1;
	v1 =	vshra.s32 v2, $0xE;
	v2 =	vld [tilespmem:$0x70]  }
0x5a: {  	[tilespmem:$0x2940] =	vst v1;
	v1 =	vand.u32 $0x3FFF, v3  }
0x5b: {  	[tilespmem:$0x2850] =	vst v1;
	v1 =	vshra.s32 v3, $0xE  }
.Ltmp3:
0x5c: {  	[tilespmem:$0x2950] =	vst v1;
	v1 =	vand.u32 $0x3FFF, v63;
	(pc) =	sbr.rel @p0 .LBB2_7-.Ltmp3, $4  }
0x5d: {  	[tilespmem:$0x2860] =	vst v1;
	v1 =	vshra.s32 v63, $0xE  }
0x5e: {  	[tilespmem:$0x2960] =	vst v1;
	v1 =	vand.u32 $0x3FFF, v2  }
0x5f: {  	[tilespmem:$0x2870] =	vst v1;
	v1 =	vshra.s32 v2, $0xE  }
0x60: {  	[tilespmem:$0x2970] =	vst v1  }
0x61: {  	[tilespmem:s17], [sflag:$0x1] =	stream.indirect.gather [hbm4b:s4+s18], $0x80, s19, s18, $0xb8;
	[tilespmem:$0x1EA00] =	vst v63  }
0x62: {  	s0 =	simm.s32 $0x0  }
0x63: {  	v1 =	vld [tilespmem:s0+$0x80];
	_ =	sdelay $0x4  }
0x64: {  	v2 =	vand.u32 $0x3FFF, v1  }
0x65: {  	v1 =	vshra.s32 v1, $0xE;
	[tilespmem:$0x2880] =	vst v2  }
0x66: {  	[tilespmem:$0x2980] =	vst v1  }
0x67: {  	v1 =	vld [tilespmem:s0+$0x90];
	_ =	sdelay $0x4  }
0x68: {  	v2 =	vand.u32 $0x3FFF, v1  }
0x69: {  	v1 =	vshra.s32 v1, $0xE;
	[tilespmem:$0x2890] =	vst v2  }
0x6a: {  	[tilespmem:$0x2990] =	vst v1  }
0x6b: {  	v1 =	vld [tilespmem:s0+$0xA0];
	_ =	sdelay $0x4  }
0x6c: {  	v2 =	vand.u32 $0x3FFF, v1  }
0x6d: {  	v1 =	vshra.s32 v1, $0xE;
	[tilespmem:$0x28A0] =	vst v2  }
0x6e: {  	[tilespmem:$0x29A0] =	vst v1  }
0x6f: {  	v1 =	vld [tilespmem:s0+$0xB0];
	_ =	sdelay $0x4  }
0x70: {  	v2 =	vand.u32 $0x3FFF, v1  }
0x71: {  	v1 =	vshra.s32 v1, $0xE;
	[tilespmem:$0x28B0] =	vst v2  }
0x72: {  	[tilespmem:$0x29B0] =	vst v1  }
0x73: {  	v1 =	vld [tilespmem:s0+$0xC0];
	_ =	sdelay $0x4  }
0x74: {  	v2 =	vand.u32 $0x3FFF, v1  }
0x75: {  	v1 =	vshra.s32 v1, $0xE;
	[tilespmem:$0x28C0] =	vst v2  }
0x76: {  	[tilespmem:$0x29C0] =	vst v1  }
0x77: {  	v1 =	vld [tilespmem:s0+$0xD0];
	_ =	sdelay $0x4  }
0x78: {  	v2 =	vand.u32 $0x3FFF, v1  }
0x79: {  	v1 =	vshra.s32 v1, $0xE;
	[tilespmem:$0x28D0] =	vst v2  }
0x7a: {  	[tilespmem:$0x29D0] =	vst v1  }
0x7b: {  	v1 =	vld [tilespmem:s0+$0xE0];
	_ =	sdelay $0x4  }
0x7c: {  	v2 =	vand.u32 $0x3FFF, v1  }
0x7d: {  	v1 =	vshra.s32 v1, $0xE;
	[tilespmem:$0x28E0] =	vst v2  }
0x7e: {  	[tilespmem:$0x29E0] =	vst v1  }
0x7f: {  	v1 =	vld [tilespmem:s0+$0xF0];
	_ =	sdelay $0x4  }
0x80: {  	v2 =	vand.u32 $0x3FFF, v1  }
0x81: {  	v1 =	vshra.s32 v1, $0xE;
	[tilespmem:$0x28F0] =	vst v2  }
0x82: {  	[tilespmem:$0x29F0] =	vst v1  }
0x83: {  	[tilespmem:s21], [sflag:$0x2] =	stream.indirect.gather [hbm4b:s4+s18], $0x80, s20, s18, $0xb8;
	[tilespmem:$0x1EA00] =	vst v63  }
0x84: {  	_ =	swait.ge [sflag:s22], $0x4000  }
0x85: {  	[sflag:s22] =	ssyncset.done $0x0  }
0x86: {  	[sflag:s22] =	ssyncadd.s32 $0xFFFFC000  }
0x87: {  	[spmem:s1] =	stream.indirect.scatter.add.f32 [tilespmem:s17], [sflag:$0x3], $0x80, s23, s18, $0xb8;
	[tilespmem:$0x1EA00] =	vst v63  }
0x88: {  	_ =	swait.ge [sflag:s16], $0x4000  }
0x89: {  	p2 =	por $0x0, $0x0;
	[sflag:s16] =	ssyncset.done $0x0  }
0x8a: {  	s29 =	simm.s32 @!p2 $0x0;
	[sflag:s16] =	ssyncadd.s32 $0xFFFFC000  }
0x8b: {  	v1 =	vld @!p2 [tilespmem:s29+$0x100];
	_ =	sdelay $0x4  }
0x8c: {  	v2 =	vand.u32 @!p2 $0x3FFF, v1  }
0x8d: {  	v1 =	vshra.s32 @!p2 v1, $0xE;
	[tilespmem:$0x2800] =	vst @!p2 v2  }
0x8e: {  	[tilespmem:$0x2900] =	vst @!p2 v1  }
0x8f: {  	v1 =	vld @!p2 [tilespmem:s29+$0x110];
	_ =	sdelay $0x4  }
0x90: {  	v2 =	vand.u32 @!p2 $0x3FFF, v1  }
0x91: {  	v1 =	vshra.s32 @!p2 v1, $0xE;
	[tilespmem:$0x2810] =	vst @!p2 v2  }
0x92: {  	[tilespmem:$0x2910] =	vst @!p2 v1  }
0x93: {  	v1 =	vld @!p2 [tilespmem:s29+$0x120];
	_ =	sdelay $0x4  }
0x94: {  	v2 =	vand.u32 @!p2 $0x3FFF, v1  }
0x95: {  	v1 =	vshra.s32 @!p2 v1, $0xE;
	[tilespmem:$0x2820] =	vst @!p2 v2  }
0x96: {  	[tilespmem:$0x2920] =	vst @!p2 v1  }
0x97: {  	v1 =	vld @!p2 [tilespmem:s29+$0x130];
	_ =	sdelay $0x4  }
0x98: {  	v2 =	vand.u32 @!p2 $0x3FFF, v1  }
0x99: {  	v1 =	vshra.s32 @!p2 v1, $0xE;
	[tilespmem:$0x2830] =	vst @!p2 v2  }
0x9a: {  	[tilespmem:$0x2930] =	vst @!p2 v1  }
0x9b: {  	v1 =	vld @!p2 [tilespmem:s29+$0x140];
	_ =	sdelay $0x4  }
0x9c: {  	v2 =	vand.u32 @!p2 $0x3FFF, v1  }
0x9d: {  	v1 =	vshra.s32 @!p2 v1, $0xE;
	[tilespmem:$0x2840] =	vst @!p2 v2  }
0x9e: {  	[tilespmem:$0x2940] =	vst @!p2 v1  }
0x9f: {  	v1 =	vld @!p2 [tilespmem:s29+$0x150];
	_ =	sdelay $0x4  }
0xa0: {  	v2 =	vand.u32 @!p2 $0x3FFF, v1  }
0xa1: {  	v1 =	vshra.s32 @!p2 v1, $0xE;
	[tilespmem:$0x2850] =	vst @!p2 v2  }
0xa2: {  	[tilespmem:$0x2950] =	vst @!p2 v1  }
0xa3: {  	v1 =	vld @!p2 [tilespmem:s29+$0x160];
	_ =	sdelay $0x4  }
0xa4: {  	s28 =	simm.s32 $0x400;
	v2 =	vand.u32 @!p2 $0x3FFF, v1  }
0xa5: {  	s31 =	simm.s32 @!p2 $0x80;
	s3 =	simm.s32 @!p2 $0x2A00;
	s0 =	simm.s32 @!p2 $0x2800;
	v1 =	vshra.s32 @!p2 v1, $0xE;
	[tilespmem:$0x2860] =	vst @!p2 v2  }
.LBB2_5:
0xa6: {  	[tilespmem:$0x2960] =	vst @!p2 v1;
	s30 =	smov.u32 s28;
	s28 =	sadd.s32 $0x400, s28  }
0xa7: {  	p1 =	seq.s32 s28, $0xA000;
	v1 =	vld @!p2 [tilespmem:s29+$0x170];
	_ =	sdelay $0x4  }
0xa8: {  	v2 =	vand.u32 @!p2 $0x3FFF, v1;
	v1 =	vshra.s32 @!p2 v1, $0xE  }
0xa9: {  	[tilespmem:$0x2870] =	vst @!p2 v2  }
0xaa: {  	[tilespmem:$0x2970] =	vst @!p2 v1  }
0xab: {  	[tilespmem:s3], [sflag:$0x1] =	stream.indirect.gather @!p2 [hbm4b:s4+s31], $0x80, s0, s31, $0xb8;
	[tilespmem:$0x1EA00] =	vst v63  }
0xac: {  	_ =	swait.ge [sflag:s24], $0x4000  }
0xad: {  	[sflag:s24] =	ssyncset.done $0x0  }
0xae: {  	[sflag:s24] =	ssyncadd.s32 $0xFFFFC000  }
0xaf: {  	[spmem:s1] =	stream.indirect.scatter.add.f32 [tilespmem:s21], [sflag:$0x3], $0x80, s25, s18, $0xb8;
	[tilespmem:$0x1EA00] =	vst v63  }
0xb0: {  	_ =	swait.ge [sflag:s16], $0x4000  }
0xb1: {  	[sflag:s16] =	ssyncset.done $0x0  }
0xb2: {  	s29 =	sshra.s32 s30, $0x2;
	[sflag:s16] =	ssyncadd.s32 $0xFFFFC000  }
0xb3: {  	v1 =	vld [tilespmem:s29+$0x80];
	_ =	sdelay $0x4  }
0xb4: {  	v2 =	vand.u32 $0x3FFF, v1;
	v1 =	vshra.s32 v1, $0xE  }
0xb5: {  	[tilespmem:$0x2880] =	vst v2  }
0xb6: {  	[tilespmem:$0x2980] =	vst v1  }
0xb7: {  	v1 =	vld [tilespmem:s29+$0x90];
	_ =	sdelay $0x4  }
0xb8: {  	v2 =	vand.u32 $0x3FFF, v1;
	v1 =	vshra.s32 v1, $0xE  }
0xb9: {  	[tilespmem:$0x2890] =	vst v2  }
0xba: {  	[tilespmem:$0x2990] =	vst v1  }
0xbb: {  	v1 =	vld [tilespmem:s29+$0xA0];
	_ =	sdelay $0x4  }
0xbc: {  	v2 =	vand.u32 $0x3FFF, v1;
	v1 =	vshra.s32 v1, $0xE  }
0xbd: {  	[tilespmem:$0x28A0] =	vst v2  }
0xbe: {  	[tilespmem:$0x29A0] =	vst v1  }
0xbf: {  	v1 =	vld [tilespmem:s29+$0xB0];
	_ =	sdelay $0x4  }
0xc0: {  	v2 =	vand.u32 $0x3FFF, v1;
	v1 =	vshra.s32 v1, $0xE  }
0xc1: {  	[tilespmem:$0x28B0] =	vst v2  }
0xc2: {  	[tilespmem:$0x29B0] =	vst v1  }
0xc3: {  	v1 =	vld [tilespmem:s29+$0xC0];
	_ =	sdelay $0x4  }
0xc4: {  	v2 =	vand.u32 $0x3FFF, v1;
	v1 =	vshra.s32 v1, $0xE  }
0xc5: {  	[tilespmem:$0x28C0] =	vst v2  }
0xc6: {  	[tilespmem:$0x29C0] =	vst v1  }
0xc7: {  	v1 =	vld [tilespmem:s29+$0xD0];
	_ =	sdelay $0x4  }
0xc8: {  	v2 =	vand.u32 $0x3FFF, v1;
	v1 =	vshra.s32 v1, $0xE  }
0xc9: {  	[tilespmem:$0x28D0] =	vst v2  }
0xca: {  	[tilespmem:$0x29D0] =	vst v1  }
0xcb: {  	v1 =	vld [tilespmem:s29+$0xE0];
	_ =	sdelay $0x4  }
0xcc: {  	v2 =	vand.u32 $0x3FFF, v1;
	v1 =	vshra.s32 v1, $0xE  }
0xcd: {  	[tilespmem:$0x28E0] =	vst v2  }
0xce: {  	[tilespmem:$0x29E0] =	vst v1  }
0xcf: {  	v1 =	vld [tilespmem:s29+$0xF0];
	_ =	sdelay $0x4  }
0xd0: {  	v2 =	vand.u32 $0x3FFF, v1;
	v1 =	vshra.s32 v1, $0xE  }
0xd1: {  	p2 =	seq.s32 s30, $0x9C00;
	[tilespmem:$0x28F0] =	vst v2  }
0xd2: {  	s29 =	sshra.s32 @!p2 s30, $0x2;
	[tilespmem:$0x29F0] =	vst v1  }
0xd3: {  	[tilespmem:s21], [sflag:$0x2] =	stream.indirect.gather [hbm4b:s4+s18], $0x80, s20, s18, $0xb8;
	[tilespmem:$0x1EA00] =	vst v63  }
0xd4: {  	_ =	swait.ge [sflag:s22], $0x4000  }
0xd5: {  	[sflag:s22] =	ssyncset.done $0x0  }
0xd6: {  	[sflag:s22] =	ssyncadd.s32 $0xFFFFC000  }
0xd7: {  	[spmem:s1] =	stream.indirect.scatter.add.f32 [tilespmem:s17], [sflag:$0x3], $0x80, s23, s18, $0xb8;
	[tilespmem:$0x1EA00] =	vst v63  }
0xd8: {  	_ =	swait.ge [sflag:s16], $0x4000  }
0xd9: {  	[sflag:s16] =	ssyncset.done $0x0  }
0xda: {  	[sflag:s16] =	ssyncadd.s32 $0xFFFFC000  }
0xdb: {  	v1 =	vld @!p2 [tilespmem:s29+$0x100];
	_ =	sdelay $0x4  }
0xdc: {  	v2 =	vand.u32 @!p2 $0x3FFF, v1;
	v1 =	vshra.s32 @!p2 v1, $0xE  }
0xdd: {  	[tilespmem:$0x2800] =	vst @!p2 v2  }
0xde: {  	[tilespmem:$0x2900] =	vst @!p2 v1  }
0xdf: {  	v1 =	vld @!p2 [tilespmem:s29+$0x110];
	_ =	sdelay $0x4  }
0xe0: {  	v2 =	vand.u32 @!p2 $0x3FFF, v1;
	v1 =	vshra.s32 @!p2 v1, $0xE  }
0xe1: {  	[tilespmem:$0x2810] =	vst @!p2 v2  }
0xe2: {  	[tilespmem:$0x2910] =	vst @!p2 v1  }
0xe3: {  	v1 =	vld @!p2 [tilespmem:s29+$0x120];
	_ =	sdelay $0x4  }
0xe4: {  	v2 =	vand.u32 @!p2 $0x3FFF, v1;
	v1 =	vshra.s32 @!p2 v1, $0xE  }
0xe5: {  	[tilespmem:$0x2820] =	vst @!p2 v2  }
0xe6: {  	[tilespmem:$0x2920] =	vst @!p2 v1  }
0xe7: {  	v1 =	vld @!p2 [tilespmem:s29+$0x130];
	_ =	sdelay $0x4  }
0xe8: {  	v2 =	vand.u32 @!p2 $0x3FFF, v1;
	v1 =	vshra.s32 @!p2 v1, $0xE  }
0xe9: {  	[tilespmem:$0x2830] =	vst @!p2 v2  }
0xea: {  	[tilespmem:$0x2930] =	vst @!p2 v1  }
0xeb: {  	v1 =	vld @!p2 [tilespmem:s29+$0x140];
	_ =	sdelay $0x4  }
0xec: {  	v2 =	vand.u32 @!p2 $0x3FFF, v1;
	v1 =	vshra.s32 @!p2 v1, $0xE  }
0xed: {  	[tilespmem:$0x2840] =	vst @!p2 v2  }
0xee: {  	[tilespmem:$0x2940] =	vst @!p2 v1  }
0xef: {  	v1 =	vld @!p2 [tilespmem:s29+$0x150];
	_ =	sdelay $0x4  }
0xf0: {  	v2 =	vand.u32 @!p2 $0x3FFF, v1;
	v1 =	vshra.s32 @!p2 v1, $0xE  }
0xf1: {  	[tilespmem:$0x2850] =	vst @!p2 v2  }
0xf2: {  	s31 =	simm.s32 @!p2 $0x80;
	s0 =	simm.s32 @!p2 $0x2800;
	s3 =	simm.s32 @!p2 $0x2A00;
	[tilespmem:$0x2950] =	vst @!p2 v1  }
0xf3: {  	v1 =	vld @!p2 [tilespmem:s29+$0x160];
	_ =	sdelay $0x1  }
.Ltmp4:
0xf4: {  	(pc) =	sbr.rel @!p1 .LBB2_5-.Ltmp4, $3  }
0xf5: {  	_ =	sdelay $0x1  }
0xf6: {  	v2 =	vand.u32 @!p2 $0x3FFF, v1;
	v1 =	vshra.s32 @!p2 v1, $0xE  }
0xf7: {  	[tilespmem:$0x2860] =	vst @!p2 v2  }
0xf8: {  	[tilespmem:$0x2960] =	vst @!p2 v1  }
0xf9: {  	v1 =	vld @!p2 [tilespmem:s29+$0x170];
	_ =	sdelay $0x4  }
0xfa: {  	v2 =	vand.u32 @!p2 $0x3FFF, v1  }
0xfb: {  	v1 =	vshra.s32 @!p2 v1, $0xE;
	[tilespmem:$0x2870] =	vst @!p2 v2  }
0xfc: {  	[tilespmem:$0x2970] =	vst @!p2 v1  }
0xfd: {  	[tilespmem:s3], [sflag:$0x1] =	stream.indirect.gather @!p2 [hbm4b:s4+s31], $0x80, s0, s31, $0xb8;
	[tilespmem:$0x1EA00] =	vst v63  }
0xfe: {  	_ =	swait.ge [sflag:s24], $0x4000  }
0xff: {  	[sflag:s24] =	ssyncset.done $0x0  }
.Ltmp5:
0x100: {  	[sflag:s24] =	ssyncadd.s32 $0xFFFFC000;
	(pc) =	sbr.rel .LBB2_10-.Ltmp5, $4  }
0x101: {  	[spmem:s1] =	stream.indirect.scatter.add.f32 [tilespmem:s21], [sflag:$0x3], $0x80, s25, s18, $0xb8;
	[tilespmem:$0x1EA00] =	vst v63  }
0x102: {  	_ =	swait.ge [sflag:s16], $0x4000  }
0x103: {  	[sflag:s16] =	ssyncset.done $0x0  }
0x104: {  	s0 =	smov.u32 s6;
	[sflag:s16] =	ssyncadd.s32 $0xFFFFC000  }
.LBB2_7:
0x105: {  	[tilespmem:s17], [sflag:$0x1] =	stream.indirect.gather [hbm4b:s5+s18], $0x80, s19, s18, $0xb8;
	[tilespmem:$0x1EA00] =	vst v63  }
0x106: {  	s0 =	simm.s32 $0x0  }
0x107: {  	v1 =	vld [tilespmem:s0+$0x80];
	_ =	sdelay $0x4  }
0x108: {  	v2 =	vand.u32 $0x3FFF, v1  }
0x109: {  	v1 =	vshra.s32 v1, $0xE;
	[tilespmem:$0x2880] =	vst v2  }
0x10a: {  	[tilespmem:$0x2980] =	vst v1  }
0x10b: {  	v1 =	vld [tilespmem:s0+$0x90];
	_ =	sdelay $0x4  }
0x10c: {  	v2 =	vand.u32 $0x3FFF, v1  }
0x10d: {  	v1 =	vshra.s32 v1, $0xE;
	[tilespmem:$0x2890] =	vst v2  }
0x10e: {  	[tilespmem:$0x2990] =	vst v1  }
0x10f: {  	v1 =	vld [tilespmem:s0+$0xA0];
	_ =	sdelay $0x4  }
0x110: {  	v2 =	vand.u32 $0x3FFF, v1  }
0x111: {  	v1 =	vshra.s32 v1, $0xE;
	[tilespmem:$0x28A0] =	vst v2  }
0x112: {  	[tilespmem:$0x29A0] =	vst v1  }
0x113: {  	v1 =	vld [tilespmem:s0+$0xB0];
	_ =	sdelay $0x4  }
0x114: {  	v2 =	vand.u32 $0x3FFF, v1  }
0x115: {  	v1 =	vshra.s32 v1, $0xE;
	[tilespmem:$0x28B0] =	vst v2  }
0x116: {  	[tilespmem:$0x29B0] =	vst v1  }
0x117: {  	v1 =	vld [tilespmem:s0+$0xC0];
	_ =	sdelay $0x4  }
0x118: {  	v2 =	vand.u32 $0x3FFF, v1  }
0x119: {  	v1 =	vshra.s32 v1, $0xE;
	[tilespmem:$0x28C0] =	vst v2  }
0x11a: {  	[tilespmem:$0x29C0] =	vst v1  }
0x11b: {  	v1 =	vld [tilespmem:s0+$0xD0];
	_ =	sdelay $0x4  }
0x11c: {  	v2 =	vand.u32 $0x3FFF, v1  }
0x11d: {  	v1 =	vshra.s32 v1, $0xE;
	[tilespmem:$0x28D0] =	vst v2  }
0x11e: {  	[tilespmem:$0x29D0] =	vst v1  }
0x11f: {  	v1 =	vld [tilespmem:s0+$0xE0];
	_ =	sdelay $0x4  }
0x120: {  	v2 =	vand.u32 $0x3FFF, v1  }
0x121: {  	v1 =	vshra.s32 v1, $0xE;
	[tilespmem:$0x28E0] =	vst v2  }
0x122: {  	[tilespmem:$0x29E0] =	vst v1  }
0x123: {  	v1 =	vld [tilespmem:s0+$0xF0];
	_ =	sdelay $0x4  }
0x124: {  	v2 =	vand.u32 $0x3FFF, v1  }
0x125: {  	v1 =	vshra.s32 v1, $0xE;
	[tilespmem:$0x28F0] =	vst v2  }
0x126: {  	[tilespmem:$0x29F0] =	vst v1  }
0x127: {  	[tilespmem:s21], [sflag:$0x2] =	stream.indirect.gather [hbm4b:s5+s18], $0x80, s20, s18, $0xb8;
	[tilespmem:$0x1EA00] =	vst v63  }
0x128: {  	_ =	swait.ge [sflag:s22], $0x4000  }
0x129: {  	[sflag:s22] =	ssyncset.done $0x0  }
0x12a: {  	[sflag:s22] =	ssyncadd.s32 $0xFFFFC000  }
0x12b: {  	[spmem:s1] =	stream.indirect.scatter.add.f32 [tilespmem:s17], [sflag:$0x3], $0x80, s23, s18, $0xb8;
	[tilespmem:$0x1EA00] =	vst v63  }
0x12c: {  	_ =	swait.ge [sflag:s16], $0x4000  }
0x12d: {  	p2 =	por $0x0, $0x0;
	[sflag:s16] =	ssyncset.done $0x0  }
0x12e: {  	s29 =	simm.s32 @!p2 $0x0;
	[sflag:s16] =	ssyncadd.s32 $0xFFFFC000  }
0x12f: {  	v1 =	vld @!p2 [tilespmem:s29+$0x100];
	_ =	sdelay $0x4  }
0x130: {  	v2 =	vand.u32 @!p2 $0x3FFF, v1  }
0x131: {  	v1 =	vshra.s32 @!p2 v1, $0xE;
	[tilespmem:$0x2800] =	vst @!p2 v2  }
0x132: {  	[tilespmem:$0x2900] =	vst @!p2 v1  }
0x133: {  	v1 =	vld @!p2 [tilespmem:s29+$0x110];
	_ =	sdelay $0x4  }
0x134: {  	v2 =	vand.u32 @!p2 $0x3FFF, v1  }
0x135: {  	v1 =	vshra.s32 @!p2 v1, $0xE;
	[tilespmem:$0x2810] =	vst @!p2 v2  }
0x136: {  	[tilespmem:$0x2910] =	vst @!p2 v1  }
0x137: {  	v1 =	vld @!p2 [tilespmem:s29+$0x120];
	_ =	sdelay $0x4  }
0x138: {  	v2 =	vand.u32 @!p2 $0x3FFF, v1  }
0x139: {  	v1 =	vshra.s32 @!p2 v1, $0xE;
	[tilespmem:$0x2820] =	vst @!p2 v2  }
0x13a: {  	[tilespmem:$0x2920] =	vst @!p2 v1  }
0x13b: {  	v1 =	vld @!p2 [tilespmem:s29+$0x130];
	_ =	sdelay $0x4  }
0x13c: {  	v2 =	vand.u32 @!p2 $0x3FFF, v1  }
0x13d: {  	v1 =	vshra.s32 @!p2 v1, $0xE;
	[tilespmem:$0x2830] =	vst @!p2 v2  }
0x13e: {  	[tilespmem:$0x2930] =	vst @!p2 v1  }
0x13f: {  	v1 =	vld @!p2 [tilespmem:s29+$0x140];
	_ =	sdelay $0x4  }
0x140: {  	v2 =	vand.u32 @!p2 $0x3FFF, v1  }
0x141: {  	v1 =	vshra.s32 @!p2 v1, $0xE;
	[tilespmem:$0x2840] =	vst @!p2 v2  }
0x142: {  	[tilespmem:$0x2940] =	vst @!p2 v1  }
0x143: {  	v1 =	vld @!p2 [tilespmem:s29+$0x150];
	_ =	sdelay $0x4  }
0x144: {  	v2 =	vand.u32 @!p2 $0x3FFF, v1  }
0x145: {  	v1 =	vshra.s32 @!p2 v1, $0xE;
	[tilespmem:$0x2850] =	vst @!p2 v2  }
0x146: {  	[tilespmem:$0x2950] =	vst @!p2 v1  }
0x147: {  	v1 =	vld @!p2 [tilespmem:s29+$0x160];
	_ =	sdelay $0x4  }
0x148: {  	s28 =	simm.s32 $0x400;
	v2 =	vand.u32 @!p2 $0x3FFF, v1  }
0x149: {  	s31 =	simm.s32 @!p2 $0x80;
	s3 =	simm.s32 @!p2 $0x2A00;
	s0 =	simm.s32 @!p2 $0x2800;
	v1 =	vshra.s32 @!p2 v1, $0xE;
	[tilespmem:$0x2860] =	vst @!p2 v2  }
.LBB2_8:
0x14a: {  	[tilespmem:$0x2960] =	vst @!p2 v1;
	s30 =	smov.u32 s28;
	s28 =	sadd.s32 $0x400, s28  }
0x14b: {  	p1 =	sne.s32 s28, $0xA000;
	v1 =	vld @!p2 [tilespmem:s29+$0x170];
	_ =	sdelay $0x4  }
0x14c: {  	v2 =	vand.u32 @!p2 $0x3FFF, v1;
	v1 =	vshra.s32 @!p2 v1, $0xE  }
0x14d: {  	[tilespmem:$0x2870] =	vst @!p2 v2  }
0x14e: {  	[tilespmem:$0x2970] =	vst @!p2 v1  }
0x14f: {  	[tilespmem:s3], [sflag:$0x1] =	stream.indirect.gather @!p2 [hbm4b:s5+s31], $0x80, s0, s31, $0xb8;
	[tilespmem:$0x1EA00] =	vst v63  }
0x150: {  	_ =	swait.ge [sflag:s24], $0x4000  }
0x151: {  	[sflag:s24] =	ssyncset.done $0x0  }
0x152: {  	[sflag:s24] =	ssyncadd.s32 $0xFFFFC000  }
0x153: {  	[spmem:s1] =	stream.indirect.scatter.add.f32 [tilespmem:s21], [sflag:$0x3], $0x80, s25, s18, $0xb8;
	[tilespmem:$0x1EA00] =	vst v63  }
0x154: {  	_ =	swait.ge [sflag:s16], $0x4000  }
0x155: {  	[sflag:s16] =	ssyncset.done $0x0  }
0x156: {  	s29 =	sshra.s32 s30, $0x2;
	[sflag:s16] =	ssyncadd.s32 $0xFFFFC000  }
0x157: {  	v1 =	vld [tilespmem:s29+$0x80];
	_ =	sdelay $0x4  }
0x158: {  	v2 =	vand.u32 $0x3FFF, v1;
	v1 =	vshra.s32 v1, $0xE  }
0x159: {  	[tilespmem:$0x2880] =	vst v2  }
0x15a: {  	[tilespmem:$0x2980] =	vst v1  }
0x15b: {  	v1 =	vld [tilespmem:s29+$0x90];
	_ =	sdelay $0x4  }
0x15c: {  	v2 =	vand.u32 $0x3FFF, v1;
	v1 =	vshra.s32 v1, $0xE  }
0x15d: {  	[tilespmem:$0x2890] =	vst v2  }
0x15e: {  	[tilespmem:$0x2990] =	vst v1  }
0x15f: {  	v1 =	vld [tilespmem:s29+$0xA0];
	_ =	sdelay $0x4  }
0x160: {  	v2 =	vand.u32 $0x3FFF, v1;
	v1 =	vshra.s32 v1, $0xE  }
0x161: {  	[tilespmem:$0x28A0] =	vst v2  }
0x162: {  	[tilespmem:$0x29A0] =	vst v1  }
0x163: {  	v1 =	vld [tilespmem:s29+$0xB0];
	_ =	sdelay $0x4  }
0x164: {  	v2 =	vand.u32 $0x3FFF, v1;
	v1 =	vshra.s32 v1, $0xE  }
0x165: {  	[tilespmem:$0x28B0] =	vst v2  }
0x166: {  	[tilespmem:$0x29B0] =	vst v1  }
0x167: {  	v1 =	vld [tilespmem:s29+$0xC0];
	_ =	sdelay $0x4  }
0x168: {  	v2 =	vand.u32 $0x3FFF, v1;
	v1 =	vshra.s32 v1, $0xE  }
0x169: {  	[tilespmem:$0x28C0] =	vst v2  }
0x16a: {  	[tilespmem:$0x29C0] =	vst v1  }
0x16b: {  	v1 =	vld [tilespmem:s29+$0xD0];
	_ =	sdelay $0x4  }
0x16c: {  	v2 =	vand.u32 $0x3FFF, v1;
	v1 =	vshra.s32 v1, $0xE  }
0x16d: {  	[tilespmem:$0x28D0] =	vst v2  }
0x16e: {  	[tilespmem:$0x29D0] =	vst v1  }
0x16f: {  	v1 =	vld [tilespmem:s29+$0xE0];
	_ =	sdelay $0x4  }
0x170: {  	v2 =	vand.u32 $0x3FFF, v1;
	v1 =	vshra.s32 v1, $0xE  }
0x171: {  	[tilespmem:$0x28E0] =	vst v2  }
0x172: {  	[tilespmem:$0x29E0] =	vst v1  }
0x173: {  	v1 =	vld [tilespmem:s29+$0xF0];
	_ =	sdelay $0x4  }
0x174: {  	v2 =	vand.u32 $0x3FFF, v1;
	v1 =	vshra.s32 v1, $0xE  }
0x175: {  	p2 =	seq.s32 s30, $0x9C00;
	[tilespmem:$0x28F0] =	vst v2  }
0x176: {  	s29 =	sshra.s32 @!p2 s30, $0x2;
	[tilespmem:$0x29F0] =	vst v1  }
0x177: {  	[tilespmem:s21], [sflag:$0x2] =	stream.indirect.gather [hbm4b:s5+s18], $0x80, s20, s18, $0xb8;
	[tilespmem:$0x1EA00] =	vst v63  }
0x178: {  	_ =	swait.ge [sflag:s22], $0x4000  }
0x179: {  	[sflag:s22] =	ssyncset.done $0x0  }
0x17a: {  	[sflag:s22] =	ssyncadd.s32 $0xFFFFC000  }
0x17b: {  	[spmem:s1] =	stream.indirect.scatter.add.f32 [tilespmem:s17], [sflag:$0x3], $0x80, s23, s18, $0xb8;
	[tilespmem:$0x1EA00] =	vst v63  }
0x17c: {  	_ =	swait.ge [sflag:s16], $0x4000  }
0x17d: {  	[sflag:s16] =	ssyncset.done $0x0  }
0x17e: {  	[sflag:s16] =	ssyncadd.s32 $0xFFFFC000  }
0x17f: {  	v1 =	vld @!p2 [tilespmem:s29+$0x100];
	_ =	sdelay $0x4  }
0x180: {  	v2 =	vand.u32 @!p2 $0x3FFF, v1;
	v1 =	vshra.s32 @!p2 v1, $0xE  }
0x181: {  	[tilespmem:$0x2800] =	vst @!p2 v2  }
0x182: {  	[tilespmem:$0x2900] =	vst @!p2 v1  }
0x183: {  	v1 =	vld @!p2 [tilespmem:s29+$0x110];
	_ =	sdelay $0x4  }
0x184: {  	v2 =	vand.u32 @!p2 $0x3FFF, v1;
	v1 =	vshra.s32 @!p2 v1, $0xE  }
0x185: {  	[tilespmem:$0x2810] =	vst @!p2 v2  }
0x186: {  	[tilespmem:$0x2910] =	vst @!p2 v1  }
0x187: {  	v1 =	vld @!p2 [tilespmem:s29+$0x120];
	_ =	sdelay $0x4  }
0x188: {  	v2 =	vand.u32 @!p2 $0x3FFF, v1;
	v1 =	vshra.s32 @!p2 v1, $0xE  }
0x189: {  	[tilespmem:$0x2820] =	vst @!p2 v2  }
0x18a: {  	[tilespmem:$0x2920] =	vst @!p2 v1  }
0x18b: {  	v1 =	vld @!p2 [tilespmem:s29+$0x130];
	_ =	sdelay $0x4  }
0x18c: {  	v2 =	vand.u32 @!p2 $0x3FFF, v1;
	v1 =	vshra.s32 @!p2 v1, $0xE  }
0x18d: {  	[tilespmem:$0x2830] =	vst @!p2 v2  }
0x18e: {  	[tilespmem:$0x2930] =	vst @!p2 v1  }
0x18f: {  	v1 =	vld @!p2 [tilespmem:s29+$0x140];
	_ =	sdelay $0x4  }
0x190: {  	v2 =	vand.u32 @!p2 $0x3FFF, v1;
	v1 =	vshra.s32 @!p2 v1, $0xE  }
0x191: {  	[tilespmem:$0x2840] =	vst @!p2 v2  }
0x192: {  	[tilespmem:$0x2940] =	vst @!p2 v1  }
0x193: {  	v1 =	vld @!p2 [tilespmem:s29+$0x150];
	_ =	sdelay $0x4  }
0x194: {  	v2 =	vand.u32 @!p2 $0x3FFF, v1;
	v1 =	vshra.s32 @!p2 v1, $0xE  }
0x195: {  	[tilespmem:$0x2850] =	vst @!p2 v2  }
0x196: {  	s31 =	simm.s32 @!p2 $0x80;
	s0 =	simm.s32 @!p2 $0x2800;
	s3 =	simm.s32 @!p2 $0x2A00;
	[tilespmem:$0x2950] =	vst @!p2 v1  }
0x197: {  	v1 =	vld @!p2 [tilespmem:s29+$0x160];
	_ =	sdelay $0x1  }
.Ltmp6:
0x198: {  	(pc) =	sbr.rel @p1 .LBB2_8-.Ltmp6, $3  }
0x199: {  	_ =	sdelay $0x1  }
0x19a: {  	v2 =	vand.u32 @!p2 $0x3FFF, v1;
	v1 =	vshra.s32 @!p2 v1, $0xE  }
0x19b: {  	[tilespmem:$0x2860] =	vst @!p2 v2  }
.Ltmp7:
0x19c: {  	_ = 	snop;
	(pc) =	sbr.rel .LBB2_9-.Ltmp7, $1  }
0x19d: {  	_ =	sdelay $0x3  }
.LBB2_11:
0x19e: {  	_ =	sfence.sel $0x180000  }
0x19f: {  	[bflag:$0x0] =	sbarrier.arrive $0xFFFF  }
0x1a0: {  	_ =	strace $0x9000004A  }
0x1a1: {  	[bflag:$0x2] =	sbarrier.arrive $0xFFFF  }
0x1a2: {  	p0 =	sne.s32 s2, $0x0;
	s0 =	rddreg [dreg:$0x2]  }
0x1a3: {  	s0 =	sadd.s32 @!p0 $0x100000, s0  }
0x1a4: {  	[sflag:s0] =	ssyncadd.tile.s32 @!p0 $0x1;
	_ =	shalt  }
.Lfunc_end2:
_tile_overlayer_lowered:
.L_overlay_start_2:
0x1a5: {  	(tag) =	ssettag $0x2  }
0x1a6: {  	s0 =	rddreg [dreg:$0x0];
	s2 =	stileid.u32  }
0x1a7: {  	s1 =	rddreg [dreg:$0x1];
	p0 =	sne.s32 s2, $0x0  }
0x1a8: {  	s3 =	rddreg [dreg:$0x2];
	[bflag:$0x3] =	sbarrier.arrive $0xFFFF;
	s2 =	simm.s32 @!p0 $0x1C03  }
0x1a9: {  	[timem:s3], [sflag:s2] =	dma.local @!p0 [hbm:s0], s1  }
0x1aa: {  	s0 =	simm.s32 @!p0 $0x3  }
0x1ab: {  	_ =	swait.ge @!p0 [sflag:s0], s1  }
0x1ac: {  	s1 =	ssub.s32 @!p0 $0x0, s1;
	[sflag:s0] =	ssyncset.done @!p0 $0x0  }
0x1ad: {  	[sflag:s0] =	ssyncadd.s32 @!p0 s1  }
0x1ae: {  	[bflag:$0x3] =	sbarrier.arrive $0xFFFF  }
0x1af: {  	_ =	shalt  }

// kernel: kernel.14.cloned.1.call-start
scs
__scs_entry_jumppad:
0x0: {  	(pc) =	sbr.rel $0x88, $3  }
0x1: {  	(tag) =	ssettag $0x0;
	lr =	simm.s32 $0x1  }
0x2: {  	[smem:$0x3F95] =	sst lr;
	_ =	strace $0xD0000000  }
0x3: {  	_ = 	snop  }
0x4: {  	_ = 	snop  }
0x5: {  	_ = 	snop  }
0x6: {  	_ = 	snop  }
0x7: {  	_ = 	snop  }
__scs_overlays_trampoline_lowered:
0x8: {  	[smem:$0x3FA4] =	sst s0  }
0x9: {  	[smem:$0x3FA5] =	sst s1  }
0xa: {  	[smem:$0x3FA6] =	sst s2  }
0xb: {  	[smem:$0x3FA7] =	sst s3  }
0xc: {  	[smem:$0x3FA8] =	sst s4  }
0xd: {  	[smem:$0x3FA9] =	sst s5  }
0xe: {  	[smem:$0x3FAA] =	sst s6  }
0xf: {  	[smem:$0x3FAB] =	sst s7  }
0x10: {  	[smem:$0x3FAC] =	sst s8  }
0x11: {  	[smem:$0x3FAD] =	sst s9;
	s0 =	simm.s32 @!p0 $0x0  }
0x12: {  	s1 =	sld [smem:$0x3F93];
	s0 =	simm.s32 @p0 $0x1  }
0x13: {  	[smem:$0x3FAE] =	sst s0;
	s0 =	simm.s32 @!p1 $0x0  }
0x14: {  	s2 =	sld [smem:$0x3F92];
	s0 =	simm.s32 @p1 $0x1  }
0x15: {  	[smem:$0x3FAF] =	sst s0;
	s0 =	simm.s32 @!p2 $0x0  }
0x16: {  	s3 =	sld [smem:$0x3FDB];
	s0 =	simm.s32 @p2 $0x1  }
0x17: {  	s4 =	simm.s32 $0x1BF5;
	[smem:$0x3FB1] =	sst s0  }
0x18: {  	s0 =	sld [smem:$0x3F94];
	_ =	swait.ge [sflag:s4], $0x0  }
0x19: {  	s7 =	sld [smem:$0x3F95]  }
0x1a: {  	s8 =	sadd.s32 $0xFFFFE003, lr  }
0x1b: {  	s9 =	sadd.s32 $0xFFFFFEF7, lr;
	s5 =	simm.s32 $0xFFFFFFFF;
	p2 =	slt.u32 s8, $0xFFFFF086  }
0x1c: {  	p1 =	slt.u32 s9, $0xF7A;
	s5 =	simm.s32 @!p2 $0x0  }
0x1d: {  	s5 =	simm.s32 @p1 $0x1;
	p0 =	seq.s32 s7, s2  }
0x1e: {  	s7 =	smul.u32 @!p0 $0xF7A, s2;
	p2 =	seq.s32 @!p0 s5, $0x0  }
0x1f: {  	s9 =	smul.u32 $0xF7A, s1;
	s8 =	simm.s32 @!p0 $0x1BF5;
	p2 =	por !p2, p0  }
0x20: {  	[sflag:s8] =	ssyncset.s32 @!p0 $0xFFFFF086;
	s6 =	sadd.s32 @!p0 s3, s7;
	s7 =	simm.s32 @!p0 $0x108  }
0x21: {  	s3 =	sadd.s32 s3, s9;
	s6 =	sadd.s32 @!p0 $0x88, s6;
	s7 =	simm.s32 @p2 $0x1082  }
0x22: {  	[simem:s7], [sflag:s8] =	dma.local @!p0 [hbm:s6], $0xF7A  }
0x23: {  	s9 =	sor.u32 $0xD0000000, s2;
	s6 =	simm.s32 $0x108;
	_ =	swait.ge @!p0 [sflag:s8], $0x0  }
0x24: {  	s3 =	sadd.s32 $0x88, s3;
	s6 =	simm.s32 @!p1 $0x1082;
	[sflag:s4] =	ssyncset.s32 $0xFFFFF086  }
0x25: {  	[simem:s6], [sflag:s4] =	dma.local [hbm:s3], $0xF7A  }
0x26: {  	[smem:$0x3F95] =	sst s1;
	(tag) =	ssettag s2;
	_ =	strace s9  }
0x27: {  	s1 =	sld [smem:$0x3FA5]  }
0x28: {  	s2 =	sld [smem:$0x3FA6]  }
0x29: {  	s4 =	sld [smem:$0x3FA8]  }
0x2a: {  	p0 =	seq.s32 s5, $0x0;
	s5 =	sld [smem:$0x3FA9]  }
0x2b: {  	s6 =	sld [smem:$0x3FAA]  }
0x2c: {  	s7 =	sld [smem:$0x3FAB]  }
0x2d: {  	s3 =	simm.s32 $0x108;
	s8 =	sld [smem:$0x3FAC]  }
0x2e: {  	s3 =	simm.s32 @!p0 $0x1082;
	s9 =	sld [smem:$0x3FAD]  }
0x2f: {  	lr =	sadd.s32 s0, s3;
	s0 =	sld [smem:$0x3FA4]  }
0x30: {  	s3 =	sld [smem:$0x3FA7]  }
0x31: {  	[smem:$0x3FB0] =	sst s10  }
0x32: {  	s10 =	sld [smem:$0x3FAE];
	_ =	sdelay $0x3  }
0x33: {  	p0 =	seq.s32 s10, $0x1;
	s10 =	sld [smem:$0x3FB0];
	_ =	sdelay $0x3  }
0x34: {  	[smem:$0x3FB0] =	sst s10  }
0x35: {  	s10 =	sld [smem:$0x3FAF];
	_ =	sdelay $0x3  }
0x36: {  	p1 =	seq.s32 s10, $0x1;
	s10 =	sld [smem:$0x3FB0];
	_ =	sdelay $0x3  }
0x37: {  	[smem:$0x3FB0] =	sst s10  }
0x38: {  	s10 =	sld [smem:$0x3FB1]  }
0x39: {  	_ = 	snop;
	(pc) =	sbr.ind lr, $3  }
0x3a: {  	_ = 	snop  }
0x3b: {  	_ = 	snop  }
0x3c: {  	p2 =	seq.s32 s10, $0x1;
	s10 =	sld [smem:$0x3FB0]  }
0x3d: {  	_ =	shalt  }
0x3e: {  	_ =	shalt  }
0x3f: {  	_ =	shalt  }
0x40: {  	_ =	shalt  }
0x41: {  	_ =	shalt  }
0x42: {  	_ =	shalt  }
0x43: {  	_ =	shalt  }
0x44: {  	_ =	shalt  }
0x45: {  	_ =	shalt  }
0x46: {  	_ =	shalt  }
0x47: {  	_ =	shalt  }
0x48: {  	_ =	shalt  }
0x49: {  	_ =	shalt  }
0x4a: {  	_ =	shalt  }
0x4b: {  	_ =	shalt  }
0x4c: {  	_ =	shalt  }
0x4d: {  	_ =	shalt  }
0x4e: {  	_ =	shalt  }
0x4f: {  	_ =	shalt  }
0x50: {  	_ =	shalt  }
0x51: {  	_ =	shalt  }
0x52: {  	_ =	shalt  }
0x53: {  	_ =	shalt  }
0x54: {  	_ =	shalt  }
0x55: {  	_ =	shalt  }
0x56: {  	_ =	shalt  }
0x57: {  	_ =	shalt  }
0x58: {  	_ =	shalt  }
0x59: {  	_ =	shalt  }
0x5a: {  	_ =	shalt  }
0x5b: {  	_ =	shalt  }
0x5c: {  	_ =	shalt  }
0x5d: {  	_ =	shalt  }
0x5e: {  	_ =	shalt  }
0x5f: {  	_ =	shalt  }
0x60: {  	_ =	shalt  }
0x61: {  	_ =	shalt  }
0x62: {  	_ =	shalt  }
0x63: {  	_ =	shalt  }
0x64: {  	_ =	shalt  }
0x65: {  	_ =	shalt  }
0x66: {  	_ =	shalt  }
0x67: {  	_ =	shalt  }
0x68: {  	_ =	shalt  }
0x69: {  	_ =	shalt  }
0x6a: {  	_ =	shalt  }
0x6b: {  	_ =	shalt  }
0x6c: {  	_ =	shalt  }
0x6d: {  	_ =	shalt  }
0x6e: {  	_ =	shalt  }
0x6f: {  	_ =	shalt  }
0x70: {  	_ =	shalt  }
0x71: {  	_ =	shalt  }
0x72: {  	_ =	shalt  }
0x73: {  	_ =	shalt  }
0x74: {  	_ =	shalt  }
0x75: {  	_ =	shalt  }
0x76: {  	_ =	shalt  }
0x77: {  	_ =	shalt  }
0x78: {  	_ =	shalt  }
0x79: {  	_ =	shalt  }
0x7a: {  	_ =	shalt  }
0x7b: {  	_ =	shalt  }
0x7c: {  	_ =	shalt  }
0x7d: {  	_ =	shalt  }
0x7e: {  	_ =	shalt  }
0x7f: {  	_ =	shalt  }
0x80: {  	_ =	shalt  }
0x81: {  	_ =	shalt  }
0x82: {  	_ =	shalt  }
0x83: {  	_ =	shalt  }
0x84: {  	_ =	shalt  }
0x85: {  	_ =	shalt  }
0x86: {  	_ =	shalt  }
0x87: {  	_ =	shalt  }
.Lfunc_end0:
.L_simem_size_0:
called_computation.2_lowered:
.L_overlay_start_0:
0x88: {  	s2 =	sld [smem:$0x3FD9]  }
0x89: {  	s3 =	sld [smem:$0x3FFE];
	_ =	sdelay $0x1  }
0x8a: {  	s1 =	srdreg.scid  }
0x8b: {  	s0 =	sand.u32 $0x1, s1  }
0x8c: {  	s16 =	sshll.u32 s0, $0xA;
	s2 =	sadd.s32 s3, s2  }
0x8d: {  	s2 =	sadd.s32 s2, s16  }
0x8e: {  	[smem:$0x3FBC] =	sst s2  }
0x8f: {  	_ = 	snop  }
0x90: {  	(tm) =	ssettm $0x1  }
0x91: {  	s17 =	sld [smem:$0x3FFB];
	_ =	sdelay $0x3  }
0x92: {  	_ =	strace s17  }
0x93: {  	s2 =	sld [smem:$0x3FFC];
	_ =	sdelay $0x3  }
0x94: {  	_ =	strace s2  }
0x95: {  	s2 =	sld [smem:$0x3FFD];
	_ =	sdelay $0x3  }
0x96: {  	_ =	strace s2  }
0x97: {  	_ =	strace $0x8FFFFFFF  }
0x98: {  	s18 =	sld [smem:$0x3FDB];
	_ =	sdelay $0x1  }
0x99: {  	s19 =	simm.s32 $_scs_section_size  }
0x9a: {  	s4 =	simm.s32 $_size__tile_overlayer_lowered;
	s5 =	simm.s32 $_tile_overlayer_lowered  }
0x9b: {  	s22 =	simm.s32 $0x1BFF;
	s21 =	sshll.u32 s5, $0x1;
	s2 =	sadd.s32 s19, s18  }
0x9c: {  	s6 =	simm.s32 $0x0;
	s20 =	sshll.u32 s4, $0x1;
	s4 =	sadd.s32 s21, s2  }
0x9d: {  	[timem:s6], [sflag:s22] =	dma.local [hbm:s4], s20  }
0x9e: {  	_ =	swait.ge [sflag:s22], s20  }
0x9f: {  	s3 =	ssub.s32 $0x0, s20;
	[sflag:s22] =	ssyncset.done $0x0  }
0xa0: {  	[sflag:s22] =	ssyncadd.s32 s3;
	_ =	sdelay $0x1  }
0xa1: {  	s23 =	simm.s32 $0x1B8B  }
0xa2: {  	_ =	swait.ge [sflag:s23], $0x1  }
0xa3: {  	[sflag:s23] =	ssyncset.done $0x0  }
0xa4: {  	s25 =	simm.s32 $0x1B8E;
	s24 =	sld [smem:$0x3FFE];
	[sflag:s23] =	ssyncadd.s32 $0xFFFFFFFF  }
0xa5: {  	s26 =	simm.s32 $execute0_lowered;
	[smem:$0x3FD2] =	sst s25  }
0xa6: {  	s4 =	sshll.u32 s26, $0x1;
	_ =	strace $0x8000004C;
	[dreg:$0x1] =	wrdreg $0xFFFFFFFF  }
0xa7: {  	s28 =	simm.s32 $_size_execute0_lowered;
	s2 =	sadd.s32 s2, s4;
	[dreg:$0x0] =	wrdreg $0x0  }
0xa8: {  	s4 =	sshll.u32 s28, $0x1;
	[dreg:$0x2] =	wrdreg s2  }
0xa9: {  	[dreg:$0x3] =	wrdreg s4  }
0xaa: {  	[dreg:$0x4] =	wrdreg $0xC0  }
0xab: {  	_ =	task [dreg:s6], $0x5FFFF  }
0xac: {  	[dreg:$0x1] =	wrdreg $0xFFFFFFFF  }
0xad: {  	[dreg:$0x0] =	wrdreg $0x60  }
0xae: {  	[dreg:$0x2] =	wrdreg s24  }
0xaf: {  	[dreg:$0x3] =	wrdreg $0xAA000  }
0xb0: {  	[dreg:$0x4] =	wrdreg $0x9  }
0xb1: {  	_ =	task.clear_ibuf [dreg:s6], $0x5FFFF;
	_ =	strace $0x9000004C  }
0xb2: {  	s29 =	simm.s32 $0x9;
	_ =	strace $0x8000004E  }
0xb3: {  	_ =	swait.ge [sflag:s29], $0x1  }
0xb4: {  	[sflag:s29] =	ssyncadd.s32 $0xFFFFFFFF  }
0xb5: {  	_ =	strace $0x9000004E  }
0xb6: {  	_ =	sfence  }
0xb7: {  	s30 =	sld [smem:$0x0];
	_ =	sdelay $0x2  }
0xb8: {  	s31 =	sshll.u32 s1, $0xD;
	s1 =	sshrl.u32 s1, $0x2  }
0xb9: {  	s3 =	sand.u32 $0x4000, s31;
	s1 =	sadd.s32 s1, s30  }
0xba: {  	s0 =	sor.u32 s3, s0;
	s1 =	sshll.u32 s1, $0x11  }
0xbb: {  	s0 =	sor.u32 s1, s0  }
0xbc: {  	s0 =	sadd.s32 $0x8F2B, s0  }
0xbd: {  	[sflag:s0] =	ssyncadd.remote.s32 $0x1  }
0xbe: {  	_ =	sfence.sel $0xFFFF  }
0xbf: {  	[dreg:$0x0] =	wrdreg $0xFFFFFFFF;
	(pc) =	sbr.abs _section_cstart, $3  }
0xc0: {  	[dreg:$0x1] =	wrdreg $0xFFFFFFFF  }
0xc1: {  	_ =	task.clear_ibuf [dreg:s6], $0x2FFFF;
	_ =	strace $0x9FFFFFFF  }
0xc2: {  	(tm) =	ssettm $0x7FFFFFFF  }
0xc3: {  	_ =	shalt  }
tec
execute0_lowered:
.L_overlay_start_1:
0x0: {  	(tag) =	ssettag $0x1  }
0x1: {  	s0 =	rddreg [dreg:$0x0]  }
0x2: {  	s1 =	rddreg [dreg:$0x1];
	s2 =	simm.s32 $0x0;
	s6 =	srdreg.scid  }
0x3: {  	s16 =	simm.s32 $0x3;
	s18 =	simm.s32 $0x80;
	s19 =	simm.s32 $0x2800  }
0x4: {  	s20 =	simm.s32 $0x2880;
	s21 =	simm.s32 $0x6A00;
	s22 =	simm.s32 $0x1  }
0x5: {  	s23 =	simm.s32 $0x2900;
	s24 =	simm.s32 $0x2;
	s25 =	simm.s32 $0x2980  }
0x6: {  	s26 =	simm.s32 $0x0;
	[smem:$0x7FF] =	sst s2;
	s2 =	stileid.u32  }
0x7: {  	s4 =	sadd.s32 $0x58E00, s0;
	s5 =	sadd.s32 $0x80E00, s0;
	s17 =	sand.u32 $0x1, s6  }
0x8: {  	s6 =	sadd.s32 $0xA8E00, s0;
	s7 =	sadd.s32 $0xD0E00, s0;
	s3 =	smul.u32 $0x500, s2  }
0x9: {  	_ =	strace $0x8000004D;
	s8 =	smul.u32 $0x50000, s2;
	s9 =	ssub.s32 $0x2, s17  }
.Ltmp0:
0xa: {  	p0 =	sne.s32 s17, $0x0;
	s17 =	simm.s32 $0x2A00;
	(pc) =	sbr.rel .LBB2_1-.Ltmp0, $4  }
0xb: {  	s31 =	sshrl.u32 s9, $0x1;
	s3 =	sadd.s32 s3, s0;
	s10 =	sshrl.u32 s8, $0x2  }
0xc: {  	s0 =	ssub.s32 s9, s31;
	s8 =	sadd.s32 $0x3E00, s3;
	s9 =	sadd.s32 s10, s1  }
0xd: {  	s10 =	smul.u32 $0x2800, s2;
	s11 =	smax.u32 s0, $0x1;
	s12 =	sadd.s32 $0x4000, s9  }
0xe: {  	v0 =	vimm.f32 $0.0e+00;
	s13 =	sadd.s32 $0x8000, s9;
	s14 =	sadd.s32 $0xC000, s9;
	s15 =	sadd.s32 $0x10000, s9  }
.LBB2_9:
0xf: {  	[tilespmem:$0x2960] =	vst @!p2 v1  }
0x10: {  	v1 =	vld @!p2 [tilespmem:s29+$0x170];
	_ =	sdelay $0x4  }
0x11: {  	v2 =	vand.u32 @!p2 $0x3FFF, v1  }
0x12: {  	v1 =	vshra.s32 @!p2 v1, $0xE;
	[tilespmem:$0x2870] =	vst @!p2 v2  }
0x13: {  	[tilespmem:$0x2970] =	vst @!p2 v1  }
0x14: {  	[tilespmem:s3], [sflag:$0x1] =	stream.indirect.gather @!p2 [hbm4b:s5+s31], $0x80, s0, s31, $0xb8;
	[tilespmem:$0x1EA00] =	vst v63  }
0x15: {  	_ =	swait.ge [sflag:s24], $0x4000  }
0x16: {  	[sflag:s24] =	ssyncset.done $0x0  }
0x17: {  	[sflag:s24] =	ssyncadd.s32 $0xFFFFC000  }
0x18: {  	[spmem:s1] =	stream.indirect.scatter.add.f32 [tilespmem:s21], [sflag:$0x3], $0x80, s25, s18, $0xb8;
	[tilespmem:$0x1EA00] =	vst v63  }
0x19: {  	_ =	swait.ge [sflag:s16], $0x4000  }
0x1a: {  	[sflag:s16] =	ssyncset.done $0x0  }
0x1b: {  	s0 =	smov.u32 s7;
	[sflag:s16] =	ssyncadd.s32 $0xFFFFC000  }
.LBB2_10:
0x1c: {  	s0 =	sadd.s32 s0, s10;
	s26 =	sadd.s32 $0x1, s26  }
0x1d: {  	s3 =	sshll.u32 s2, $0x6;
	[bflag:$0x0] =	sbarrier.arrive $0xFFFF;
	p1 =	sne.s32 s26, s11  }
.Ltmp1:
0x1e: {  	s28 =	sshrl.u32 s9, $0x3;
	s3 =	sor.u32 $0x1C03, s3;
	(pc) =	sbr.rel @!p1 .LBB2_11-.Ltmp1, $4  }
0x1f: {  	[hbm:s0], [sflag:s3] =	dma.local [spmem:s28], $0x2800  }
0x20: {  	_ =	swait.ge [sflag:s16], $0x2800  }
0x21: {  	[sflag:s16] =	ssyncset.done $0x0  }
0x22: {  	[sflag:s16] =	ssyncadd.s32 $0xFFFFD800  }
.LBB2_1:
0x23: {  	s0 =	simm.s32 $0x0  }
0x24: {  	[tilespmem:s0], [sflag:$0x3] =	stream.linear.gather [hbm4b:s8+s0], $0x2800, $0x38;
	[tilespmem:$0x1EA00] =	vst v63  }
0x25: {  	_ =	swait.ge [sflag:s16], $0x2800  }
0x26: {  	[sflag:s16] =	ssyncset.done $0x0  }
0x27: {  	s3 =	simm.s32 $0x200;
	s0 =	simm.s32 $0x0;
	[sflag:s16] =	ssyncadd.s32 $0xFFFFD800  }
.LBB2_2:
0x28: {  	p1 =	sne.s32 s3, $0xFE00;
	[tilespmem:s0+$0x2A70] =	vst v0  }
0x29: {  	[tilespmem:s0+$0x2A00] =	vst v0  }
0x2a: {  	[tilespmem:s0+$0x2A10] =	vst v0  }
.Ltmp2:
0x2b: {  	[tilespmem:s0+$0x2A20] =	vst v0;
	(pc) =	sbr.rel @p1 .LBB2_2-.Ltmp2, $4  }
0x2c: {  	[tilespmem:s0+$0x2A30] =	vst v0  }
0x2d: {  	[tilespmem:s0+$0x2A40] =	vst v0  }
0x2e: {  	[tilespmem:s0+$0x2A50] =	vst v0  }
0x2f: {  	[tilespmem:s0+$0x2A60] =	vst v0;
	s0 =	sshra.s32 s3, $0x2;
	s3 =	sadd.s32 $0x200, s3  }
0x30: {  	[tilespmem:s0+$0x2A70] =	vst v0  }
0x31: {  	[tilespmem:s0+$0x2A00] =	vst v0  }
0x32: {  	[tilespmem:s0+$0x2A10] =	vst v0  }
0x33: {  	[tilespmem:s0+$0x2A20] =	vst v0  }
0x34: {  	[tilespmem:s0+$0x2A30] =	vst v0  }
0x35: {  	[tilespmem:s0+$0x2A40] =	vst v0  }
0x36: {  	[tilespmem:s0+$0x2A50] =	vst v0  }
0x37: {  	[tilespmem:s0+$0x2A60] =	vst v0  }
0x38: {  	[spmem:s9] =	stream.linear.scatter [tilespmem:s17], [sflag:$0x3], $0x4000, $0x38;
	[tilespmem:$0x1EA00] =	vst v63  }
0x39: {  	_ =	swait.ge [sflag:s16], $0x4000  }
0x3a: {  	[sflag:s16] =	ssyncset.done $0x0  }
0x3b: {  	[sflag:s16] =	ssyncadd.s32 $0xFFFFC000  }
0x3c: {  	[spmem:s12] =	stream.linear.scatter [tilespmem:s17], [sflag:$0x3], $0x4000, $0x38;
	[tilespmem:$0x1EA00] =	vst v63  }
0x3d: {  	_ =	swait.ge [sflag:s16], $0x4000  }
0x3e: {  	[sflag:s16] =	ssyncset.done $0x0  }
0x3f: {  	[sflag:s16] =	ssyncadd.s32 $0xFFFFC000  }
0x40: {  	[spmem:s13] =	stream.linear.scatter [tilespmem:s17], [sflag:$0x3], $0x4000, $0x38;
	[tilespmem:$0x1EA00] =	vst v63  }
0x41: {  	_ =	swait.ge [sflag:s16], $0x4000  }
0x42: {  	[sflag:s16] =	ssyncset.done $0x0  }
0x43: {  	[sflag:s16] =	ssyncadd.s32 $0xFFFFC000  }
0x44: {  	[spmem:s14] =	stream.linear.scatter [tilespmem:s17], [sflag:$0x3], $0x4000, $0x38;
	[tilespmem:$0x1EA00] =	vst v63  }
0x45: {  	_ =	swait.ge [sflag:s16], $0x4000  }
0x46: {  	[sflag:s16] =	ssyncset.done $0x0  }
0x47: {  	[sflag:s16] =	ssyncadd.s32 $0xFFFFC000  }
0x48: {  	[spmem:s15] =	stream.linear.scatter [tilespmem:s17], [sflag:$0x3], $0x4000, $0x38;
	[tilespmem:$0x1EA00] =	vst v63  }
0x49: {  	_ =	swait.ge [sflag:s16], $0x4000  }
0x4a: {  	[sflag:s16] =	ssyncset.done $0x0  }
0x4b: {  	[sflag:s16] =	ssyncadd.s32 $0xFFFFC000  }
0x4c: {  	[bflag:$0x0] =	sbarrier.arrive $0xFFFF  }
0x4d: {  	v1 =	vld [tilespmem:$0x0];
	_ =	sdelay $0x1  }
0x4e: {  	v2 =	vld [tilespmem:$0x10];
	_ =	sdelay $0x1  }
0x4f: {  	v3 =	vld [tilespmem:$0x20]  }
0x50: {  	v4 =	vand.u32 $0x3FFF, v1  }
0x51: {  	v62 =	vld [tilespmem:$0x30];
	v1 =	vshra.s32 v1, $0xE;
	[tilespmem:$0x2800] =	vst v4  }
0x52: {  	[tilespmem:$0x2900] =	vst v1;
	v1 =	vand.u32 $0x3FFF, v2  }
0x53: {  	[tilespmem:$0x2810] =	vst v1;
	v1 =	vshra.s32 v2, $0xE;
	v2 =	vld [tilespmem:$0x40]  }
0x54: {  	[tilespmem:$0x2910] =	vst v1;
	v1 =	vand.u32 $0x3FFF, v3  }
0x55: {  	[tilespmem:$0x2820] =	vst v1;
	v1 =	vshra.s32 v3, $0xE;
	v3 =	vld [tilespmem:$0x50]  }
0x56: {  	[tilespmem:$0x2920] =	vst v1;
	v1 =	vand.u32 $0x3FFF, v62  }
0x57: {  	v63 =	vld [tilespmem:$0x60];
	[tilespmem:$0x2830] =	vst v1;
	v1 =	vshra.s32 v62, $0xE  }
0x58: {  	[tilespmem:$0x2930] =	vst v1;
	v1 =	vand.u32 $0x3FFF, v2  }
0x59: {  	[tilespmem:$0x2840] =	vst v1;
	v1 =	vshra.s32 v2, $0xE;
	v2 =	vld [tilespmem:$0x70]  }
0x5a: {  	[tilespmem:$0x2940] =	vst v1;
	v1 =	vand.u32 $0x3FFF, v3  }
0x5b: {  	[tilespmem:$0x2850] =	vst v1;
	v1 =	vshra.s32 v3, $0xE  }
.Ltmp3:
0x5c: {  	[tilespmem:$0x2950] =	vst v1;
	v1 =	vand.u32 $0x3FFF, v63;
	(pc) =	sbr.rel @p0 .LBB2_7-.Ltmp3, $4  }
0x5d: {  	[tilespmem:$0x2860] =	vst v1;
	v1 =	vshra.s32 v63, $0xE  }
0x5e: {  	[tilespmem:$0x2960] =	vst v1;
	v1 =	vand.u32 $0x3FFF, v2  }
0x5f: {  	[tilespmem:$0x2870] =	vst v1;
	v1 =	vshra.s32 v2, $0xE  }
0x60: {  	[tilespmem:$0x2970] =	vst v1  }
0x61: {  	[tilespmem:s17], [sflag:$0x1] =	stream.indirect.gather [hbm4b:s4+s18], $0x80, s19, s18, $0xb8;
	[tilespmem:$0x1EA00] =	vst v63  }
0x62: {  	s0 =	simm.s32 $0x0  }
0x63: {  	v1 =	vld [tilespmem:s0+$0x80];
	_ =	sdelay $0x4  }
0x64: {  	v2 =	vand.u32 $0x3FFF, v1  }
0x65: {  	v1 =	vshra.s32 v1, $0xE;
	[tilespmem:$0x2880] =	vst v2  }
0x66: {  	[tilespmem:$0x2980] =	vst v1  }
0x67: {  	v1 =	vld [tilespmem:s0+$0x90];
	_ =	sdelay $0x4  }
0x68: {  	v2 =	vand.u32 $0x3FFF, v1  }
0x69: {  	v1 =	vshra.s32 v1, $0xE;
	[tilespmem:$0x2890] =	vst v2  }
0x6a: {  	[tilespmem:$0x2990] =	vst v1  }
0x6b: {  	v1 =	vld [tilespmem:s0+$0xA0];
	_ =	sdelay $0x4  }
0x6c: {  	v2 =	vand.u32 $0x3FFF, v1  }
0x6d: {  	v1 =	vshra.s32 v1, $0xE;
	[tilespmem:$0x28A0] =	vst v2  }
0x6e: {  	[tilespmem:$0x29A0] =	vst v1  }
0x6f: {  	v1 =	vld [tilespmem:s0+$0xB0];
	_ =	sdelay $0x4  }
0x70: {  	v2 =	vand.u32 $0x3FFF, v1  }
0x71: {  	v1 =	vshra.s32 v1, $0xE;
	[tilespmem:$0x28B0] =	vst v2  }
0x72: {  	[tilespmem:$0x29B0] =	vst v1  }
0x73: {  	v1 =	vld [tilespmem:s0+$0xC0];
	_ =	sdelay $0x4  }
0x74: {  	v2 =	vand.u32 $0x3FFF, v1  }
0x75: {  	v1 =	vshra.s32 v1, $0xE;
	[tilespmem:$0x28C0] =	vst v2  }
0x76: {  	[tilespmem:$0x29C0] =	vst v1  }
0x77: {  	v1 =	vld [tilespmem:s0+$0xD0];
	_ =	sdelay $0x4  }
0x78: {  	v2 =	vand.u32 $0x3FFF, v1  }
0x79: {  	v1 =	vshra.s32 v1, $0xE;
	[tilespmem:$0x28D0] =	vst v2  }
0x7a: {  	[tilespmem:$0x29D0] =	vst v1  }
0x7b: {  	v1 =	vld [tilespmem:s0+$0xE0];
	_ =	sdelay $0x4  }
0x7c: {  	v2 =	vand.u32 $0x3FFF, v1  }
0x7d: {  	v1 =	vshra.s32 v1, $0xE;
	[tilespmem:$0x28E0] =	vst v2  }
0x7e: {  	[tilespmem:$0x29E0] =	vst v1  }
0x7f: {  	v1 =	vld [tilespmem:s0+$0xF0];
	_ =	sdelay $0x4  }
0x80: {  	v2 =	vand.u32 $0x3FFF, v1  }
0x81: {  	v1 =	vshra.s32 v1, $0xE;
	[tilespmem:$0x28F0] =	vst v2  }
0x82: {  	[tilespmem:$0x29F0] =	vst v1  }
0x83: {  	[tilespmem:s21], [sflag:$0x2] =	stream.indirect.gather [hbm4b:s4+s18], $0x80, s20, s18, $0xb8;
	[tilespmem:$0x1EA00] =	vst v63  }
0x84: {  	_ =	swait.ge [sflag:s22], $0x4000  }
0x85: {  	[sflag:s22] =	ssyncset.done $0x0  }
0x86: {  	[sflag:s22] =	ssyncadd.s32 $0xFFFFC000  }
0x87: {  	[spmem:s1] =	stream.indirect.scatter.add.f32 [tilespmem:s17], [sflag:$0x3], $0x80, s23, s18, $0xb8;
	[tilespmem:$0x1EA00] =	vst v63  }
0x88: {  	_ =	swait.ge [sflag:s16], $0x4000  }
0x89: {  	p2 =	por $0x0, $0x0;
	[sflag:s16] =	ssyncset.done $0x0  }
0x8a: {  	s29 =	simm.s32 @!p2 $0x0;
	[sflag:s16] =	ssyncadd.s32 $0xFFFFC000  }
0x8b: {  	v1 =	vld @!p2 [tilespmem:s29+$0x100];
	_ =	sdelay $0x4  }
0x8c: {  	v2 =	vand.u32 @!p2 $0x3FFF, v1  }
0x8d: {  	v1 =	vshra.s32 @!p2 v1, $0xE;
	[tilespmem:$0x2800] =	vst @!p2 v2  }
0x8e: {  	[tilespmem:$0x2900] =	vst @!p2 v1  }
0x8f: {  	v1 =	vld @!p2 [tilespmem:s29+$0x110];
	_ =	sdelay $0x4  }
0x90: {  	v2 =	vand.u32 @!p2 $0x3FFF, v1  }
0x91: {  	v1 =	vshra.s32 @!p2 v1, $0xE;
	[tilespmem:$0x2810] =	vst @!p2 v2  }
0x92: {  	[tilespmem:$0x2910] =	vst @!p2 v1  }
0x93: {  	v1 =	vld @!p2 [tilespmem:s29+$0x120];
	_ =	sdelay $0x4  }
0x94: {  	v2 =	vand.u32 @!p2 $0x3FFF, v1  }
0x95: {  	v1 =	vshra.s32 @!p2 v1, $0xE;
	[tilespmem:$0x2820] =	vst @!p2 v2  }
0x96: {  	[tilespmem:$0x2920] =	vst @!p2 v1  }
0x97: {  	v1 =	vld @!p2 [tilespmem:s29+$0x130];
	_ =	sdelay $0x4  }
0x98: {  	v2 =	vand.u32 @!p2 $0x3FFF, v1  }
0x99: {  	v1 =	vshra.s32 @!p2 v1, $0xE;
	[tilespmem:$0x2830] =	vst @!p2 v2  }
0x9a: {  	[tilespmem:$0x2930] =	vst @!p2 v1  }
0x9b: {  	v1 =	vld @!p2 [tilespmem:s29+$0x140];
	_ =	sdelay $0x4  }
0x9c: {  	v2 =	vand.u32 @!p2 $0x3FFF, v1  }
0x9d: {  	v1 =	vshra.s32 @!p2 v1, $0xE;
	[tilespmem:$0x2840] =	vst @!p2 v2  }
0x9e: {  	[tilespmem:$0x2940] =	vst @!p2 v1  }
0x9f: {  	v1 =	vld @!p2 [tilespmem:s29+$0x150];
	_ =	sdelay $0x4  }
0xa0: {  	v2 =	vand.u32 @!p2 $0x3FFF, v1  }
0xa1: {  	v1 =	vshra.s32 @!p2 v1, $0xE;
	[tilespmem:$0x2850] =	vst @!p2 v2  }
0xa2: {  	[tilespmem:$0x2950] =	vst @!p2 v1  }
0xa3: {  	v1 =	vld @!p2 [tilespmem:s29+$0x160];
	_ =	sdelay $0x4  }
0xa4: {  	s28 =	simm.s32 $0x400;
	v2 =	vand.u32 @!p2 $0x3FFF, v1  }
0xa5: {  	s31 =	simm.s32 @!p2 $0x80;
	s3 =	simm.s32 @!p2 $0x2A00;
	s0 =	simm.s32 @!p2 $0x2800;
	v1 =	vshra.s32 @!p2 v1, $0xE;
	[tilespmem:$0x2860] =	vst @!p2 v2  }
.LBB2_5:
0xa6: {  	[tilespmem:$0x2960] =	vst @!p2 v1;
	s30 =	smov.u32 s28;
	s28 =	sadd.s32 $0x400, s28  }
0xa7: {  	p1 =	seq.s32 s28, $0xA000;
	v1 =	vld @!p2 [tilespmem:s29+$0x170];
	_ =	sdelay $0x4  }
0xa8: {  	v2 =	vand.u32 @!p2 $0x3FFF, v1;
	v1 =	vshra.s32 @!p2 v1, $0xE  }
0xa9: {  	[tilespmem:$0x2870] =	vst @!p2 v2  }
0xaa: {  	[tilespmem:$0x2970] =	vst @!p2 v1  }
0xab: {  	[tilespmem:s3], [sflag:$0x1] =	stream.indirect.gather @!p2 [hbm4b:s4+s31], $0x80, s0, s31, $0xb8;
	[tilespmem:$0x1EA00] =	vst v63  }
0xac: {  	_ =	swait.ge [sflag:s24], $0x4000  }
0xad: {  	[sflag:s24] =	ssyncset.done $0x0  }
0xae: {  	[sflag:s24] =	ssyncadd.s32 $0xFFFFC000  }
0xaf: {  	[spmem:s1] =	stream.indirect.scatter.add.f32 [tilespmem:s21], [sflag:$0x3], $0x80, s25, s18, $0xb8;
	[tilespmem:$0x1EA00] =	vst v63  }
0xb0: {  	_ =	swait.ge [sflag:s16], $0x4000  }
0xb1: {  	[sflag:s16] =	ssyncset.done $0x0  }
0xb2: {  	s29 =	sshra.s32 s30, $0x2;
	[sflag:s16] =	ssyncadd.s32 $0xFFFFC000  }
0xb3: {  	v1 =	vld [tilespmem:s29+$0x80];
	_ =	sdelay $0x4  }
0xb4: {  	v2 =	vand.u32 $0x3FFF, v1;
	v1 =	vshra.s32 v1, $0xE  }
0xb5: {  	[tilespmem:$0x2880] =	vst v2  }
0xb6: {  	[tilespmem:$0x2980] =	vst v1  }
0xb7: {  	v1 =	vld [tilespmem:s29+$0x90];
	_ =	sdelay $0x4  }
0xb8: {  	v2 =	vand.u32 $0x3FFF, v1;
	v1 =	vshra.s32 v1, $0xE  }
0xb9: {  	[tilespmem:$0x2890] =	vst v2  }
0xba: {  	[tilespmem:$0x2990] =	vst v1  }
0xbb: {  	v1 =	vld [tilespmem:s29+$0xA0];
	_ =	sdelay $0x4  }
0xbc: {  	v2 =	vand.u32 $0x3FFF, v1;
	v1 =	vshra.s32 v1, $0xE  }
0xbd: {  	[tilespmem:$0x28A0] =	vst v2  }
0xbe: {  	[tilespmem:$0x29A0] =	vst v1  }
0xbf: {  	v1 =	vld [tilespmem:s29+$0xB0];
	_ =	sdelay $0x4  }
0xc0: {  	v2 =	vand.u32 $0x3FFF, v1;
	v1 =	vshra.s32 v1, $0xE  }
0xc1: {  	[tilespmem:$0x28B0] =	vst v2  }
0xc2: {  	[tilespmem:$0x29B0] =	vst v1  }
0xc3: {  	v1 =	vld [tilespmem:s29+$0xC0];
	_ =	sdelay $0x4  }
0xc4: {  	v2 =	vand.u32 $0x3FFF, v1;
	v1 =	vshra.s32 v1, $0xE  }
0xc5: {  	[tilespmem:$0x28C0] =	vst v2  }
0xc6: {  	[tilespmem:$0x29C0] =	vst v1  }
0xc7: {  	v1 =	vld [tilespmem:s29+$0xD0];
	_ =	sdelay $0x4  }
0xc8: {  	v2 =	vand.u32 $0x3FFF, v1;
	v1 =	vshra.s32 v1, $0xE  }
0xc9: {  	[tilespmem:$0x28D0] =	vst v2  }
0xca: {  	[tilespmem:$0x29D0] =	vst v1  }
0xcb: {  	v1 =	vld [tilespmem:s29+$0xE0];
	_ =	sdelay $0x4  }
0xcc: {  	v2 =	vand.u32 $0x3FFF, v1;
	v1 =	vshra.s32 v1, $0xE  }
0xcd: {  	[tilespmem:$0x28E0] =	vst v2  }
0xce: {  	[tilespmem:$0x29E0] =	vst v1  }
0xcf: {  	v1 =	vld [tilespmem:s29+$0xF0];
	_ =	sdelay $0x4  }
0xd0: {  	v2 =	vand.u32 $0x3FFF, v1;
	v1 =	vshra.s32 v1, $0xE  }
0xd1: {  	p2 =	seq.s32 s30, $0x9C00;
	[tilespmem:$0x28F0] =	vst v2  }
0xd2: {  	s29 =	sshra.s32 @!p2 s30, $0x2;
	[tilespmem:$0x29F0] =	vst v1  }
0xd3: {  	[tilespmem:s21], [sflag:$0x2] =	stream.indirect.gather [hbm4b:s4+s18], $0x80, s20, s18, $0xb8;
	[tilespmem:$0x1EA00] =	vst v63  }
0xd4: {  	_ =	swait.ge [sflag:s22], $0x4000  }
0xd5: {  	[sflag:s22] =	ssyncset.done $0x0  }
0xd6: {  	[sflag:s22] =	ssyncadd.s32 $0xFFFFC000  }
0xd7: {  	[spmem:s1] =	stream.indirect.scatter.add.f32 [tilespmem:s17], [sflag:$0x3], $0x80, s23, s18, $0xb8;
	[tilespmem:$0x1EA00] =	vst v63  }
0xd8: {  	_ =	swait.ge [sflag:s16], $0x4000  }
0xd9: {  	[sflag:s16] =	ssyncset.done $0x0  }
0xda: {  	[sflag:s16] =	ssyncadd.s32 $0xFFFFC000  }
0xdb: {  	v1 =	vld @!p2 [tilespmem:s29+$0x100];
	_ =	sdelay $0x4  }
0xdc: {  	v2 =	vand.u32 @!p2 $0x3FFF, v1;
	v1 =	vshra.s32 @!p2 v1, $0xE  }
0xdd: {  	[tilespmem:$0x2800] =	vst @!p2 v2  }
0xde: {  	[tilespmem:$0x2900] =	vst @!p2 v1  }
0xdf: {  	v1 =	vld @!p2 [tilespmem:s29+$0x110];
	_ =	sdelay $0x4  }
0xe0: {  	v2 =	vand.u32 @!p2 $0x3FFF, v1;
	v1 =	vshra.s32 @!p2 v1, $0xE  }
0xe1: {  	[tilespmem:$0x2810] =	vst @!p2 v2  }
0xe2: {  	[tilespmem:$0x2910] =	vst @!p2 v1  }
0xe3: {  	v1 =	vld @!p2 [tilespmem:s29+$0x120];
	_ =	sdelay $0x4  }
0xe4: {  	v2 =	vand.u32 @!p2 $0x3FFF, v1;
	v1 =	vshra.s32 @!p2 v1, $0xE  }
0xe5: {  	[tilespmem:$0x2820] =	vst @!p2 v2  }
0xe6: {  	[tilespmem:$0x2920] =	vst @!p2 v1  }
0xe7: {  	v1 =	vld @!p2 [tilespmem:s29+$0x130];
	_ =	sdelay $0x4  }
0xe8: {  	v2 =	vand.u32 @!p2 $0x3FFF, v1;
	v1 =	vshra.s32 @!p2 v1, $0xE  }
0xe9: {  	[tilespmem:$0x2830] =	vst @!p2 v2  }
0xea: {  	[tilespmem:$0x2930] =	vst @!p2 v1  }
0xeb: {  	v1 =	vld @!p2 [tilespmem:s29+$0x140];
	_ =	sdelay $0x4  }
0xec: {  	v2 =	vand.u32 @!p2 $0x3FFF, v1;
	v1 =	vshra.s32 @!p2 v1, $0xE  }
0xed: {  	[tilespmem:$0x2840] =	vst @!p2 v2  }
0xee: {  	[tilespmem:$0x2940] =	vst @!p2 v1  }
0xef: {  	v1 =	vld @!p2 [tilespmem:s29+$0x150];
	_ =	sdelay $0x4  }
0xf0: {  	v2 =	vand.u32 @!p2 $0x3FFF, v1;
	v1 =	vshra.s32 @!p2 v1, $0xE  }
0xf1: {  	[tilespmem:$0x2850] =	vst @!p2 v2  }
0xf2: {  	s31 =	simm.s32 @!p2 $0x80;
	s0 =	simm.s32 @!p2 $0x2800;
	s3 =	simm.s32 @!p2 $0x2A00;
	[tilespmem:$0x2950] =	vst @!p2 v1  }
0xf3: {  	v1 =	vld @!p2 [tilespmem:s29+$0x160];
	_ =	sdelay $0x1  }
.Ltmp4:
0xf4: {  	(pc) =	sbr.rel @!p1 .LBB2_5-.Ltmp4, $3  }
0xf5: {  	_ =	sdelay $0x1  }
0xf6: {  	v2 =	vand.u32 @!p2 $0x3FFF, v1;
	v1 =	vshra.s32 @!p2 v1, $0xE  }
0xf7: {  	[tilespmem:$0x2860] =	vst @!p2 v2  }
0xf8: {  	[tilespmem:$0x2960] =	vst @!p2 v1  }
0xf9: {  	v1 =	vld @!p2 [tilespmem:s29+$0x170];
	_ =	sdelay $0x4  }
0xfa: {  	v2 =	vand.u32 @!p2 $0x3FFF, v1  }
0xfb: {  	v1 =	vshra.s32 @!p2 v1, $0xE;
	[tilespmem:$0x2870] =	vst @!p2 v2  }
0xfc: {  	[tilespmem:$0x2970] =	vst @!p2 v1  }
0xfd: {  	[tilespmem:s3], [sflag:$0x1] =	stream.indirect.gather @!p2 [hbm4b:s4+s31], $0x80, s0, s31, $0xb8;
	[tilespmem:$0x1EA00] =	vst v63  }
0xfe: {  	_ =	swait.ge [sflag:s24], $0x4000  }
0xff: {  	[sflag:s24] =	ssyncset.done $0x0  }
.Ltmp5:
0x100: {  	[sflag:s24] =	ssyncadd.s32 $0xFFFFC000;
	(pc) =	sbr.rel .LBB2_10-.Ltmp5, $4  }
0x101: {  	[spmem:s1] =	stream.indirect.scatter.add.f32 [tilespmem:s21], [sflag:$0x3], $0x80, s25, s18, $0xb8;
	[tilespmem:$0x1EA00] =	vst v63  }
0x102: {  	_ =	swait.ge [sflag:s16], $0x4000  }
0x103: {  	[sflag:s16] =	ssyncset.done $0x0  }
0x104: {  	s0 =	smov.u32 s6;
	[sflag:s16] =	ssyncadd.s32 $0xFFFFC000  }
.LBB2_7:
0x105: {  	[tilespmem:s17], [sflag:$0x1] =	stream.indirect.gather [hbm4b:s5+s18], $0x80, s19, s18, $0xb8;
	[tilespmem:$0x1EA00] =	vst v63  }
0x106: {  	s0 =	simm.s32 $0x0  }
0x107: {  	v1 =	vld [tilespmem:s0+$0x80];
	_ =	sdelay $0x4  }
0x108: {  	v2 =	vand.u32 $0x3FFF, v1  }
0x109: {  	v1 =	vshra.s32 v1, $0xE;
	[tilespmem:$0x2880] =	vst v2  }
0x10a: {  	[tilespmem:$0x2980] =	vst v1  }
0x10b: {  	v1 =	vld [tilespmem:s0+$0x90];
	_ =	sdelay $0x4  }
0x10c: {  	v2 =	vand.u32 $0x3FFF, v1  }
0x10d: {  	v1 =	vshra.s32 v1, $0xE;
	[tilespmem:$0x2890] =	vst v2  }
0x10e: {  	[tilespmem:$0x2990] =	vst v1  }
0x10f: {  	v1 =	vld [tilespmem:s0+$0xA0];
	_ =	sdelay $0x4  }
0x110: {  	v2 =	vand.u32 $0x3FFF, v1  }
0x111: {  	v1 =	vshra.s32 v1, $0xE;
	[tilespmem:$0x28A0] =	vst v2  }
0x112: {  	[tilespmem:$0x29A0] =	vst v1  }
0x113: {  	v1 =	vld [tilespmem:s0+$0xB0];
	_ =	sdelay $0x4  }
0x114: {  	v2 =	vand.u32 $0x3FFF, v1  }
0x115: {  	v1 =	vshra.s32 v1, $0xE;
	[tilespmem:$0x28B0] =	vst v2  }
0x116: {  	[tilespmem:$0x29B0] =	vst v1  }
0x117: {  	v1 =	vld [tilespmem:s0+$0xC0];
	_ =	sdelay $0x4  }
0x118: {  	v2 =	vand.u32 $0x3FFF, v1  }
0x119: {  	v1 =	vshra.s32 v1, $0xE;
	[tilespmem:$0x28C0] =	vst v2  }
0x11a: {  	[tilespmem:$0x29C0] =	vst v1  }
0x11b: {  	v1 =	vld [tilespmem:s0+$0xD0];
	_ =	sdelay $0x4  }
0x11c: {  	v2 =	vand.u32 $0x3FFF, v1  }
0x11d: {  	v1 =	vshra.s32 v1, $0xE;
	[tilespmem:$0x28D0] =	vst v2  }
0x11e: {  	[tilespmem:$0x29D0] =	vst v1  }
0x11f: {  	v1 =	vld [tilespmem:s0+$0xE0];
	_ =	sdelay $0x4  }
0x120: {  	v2 =	vand.u32 $0x3FFF, v1  }
0x121: {  	v1 =	vshra.s32 v1, $0xE;
	[tilespmem:$0x28E0] =	vst v2  }
0x122: {  	[tilespmem:$0x29E0] =	vst v1  }
0x123: {  	v1 =	vld [tilespmem:s0+$0xF0];
	_ =	sdelay $0x4  }
0x124: {  	v2 =	vand.u32 $0x3FFF, v1  }
0x125: {  	v1 =	vshra.s32 v1, $0xE;
	[tilespmem:$0x28F0] =	vst v2  }
0x126: {  	[tilespmem:$0x29F0] =	vst v1  }
0x127: {  	[tilespmem:s21], [sflag:$0x2] =	stream.indirect.gather [hbm4b:s5+s18], $0x80, s20, s18, $0xb8;
	[tilespmem:$0x1EA00] =	vst v63  }
0x128: {  	_ =	swait.ge [sflag:s22], $0x4000  }
0x129: {  	[sflag:s22] =	ssyncset.done $0x0  }
0x12a: {  	[sflag:s22] =	ssyncadd.s32 $0xFFFFC000  }
0x12b: {  	[spmem:s1] =	stream.indirect.scatter.add.f32 [tilespmem:s17], [sflag:$0x3], $0x80, s23, s18, $0xb8;
	[tilespmem:$0x1EA00] =	vst v63  }
0x12c: {  	_ =	swait.ge [sflag:s16], $0x4000  }
0x12d: {  	p2 =	por $0x0, $0x0;
	[sflag:s16] =	ssyncset.done $0x0  }
0x12e: {  	s29 =	simm.s32 @!p2 $0x0;
	[sflag:s16] =	ssyncadd.s32 $0xFFFFC000  }
0x12f: {  	v1 =	vld @!p2 [tilespmem:s29+$0x100];
	_ =	sdelay $0x4  }
0x130: {  	v2 =	vand.u32 @!p2 $0x3FFF, v1  }
0x131: {  	v1 =	vshra.s32 @!p2 v1, $0xE;
	[tilespmem:$0x2800] =	vst @!p2 v2  }
0x132: {  	[tilespmem:$0x2900] =	vst @!p2 v1  }
0x133: {  	v1 =	vld @!p2 [tilespmem:s29+$0x110];
	_ =	sdelay $0x4  }
0x134: {  	v2 =	vand.u32 @!p2 $0x3FFF, v1  }
0x135: {  	v1 =	vshra.s32 @!p2 v1, $0xE;
	[tilespmem:$0x2810] =	vst @!p2 v2  }
0x136: {  	[tilespmem:$0x2910] =	vst @!p2 v1  }
0x137: {  	v1 =	vld @!p2 [tilespmem:s29+$0x120];
	_ =	sdelay $0x4  }
0x138: {  	v2 =	vand.u32 @!p2 $0x3FFF, v1  }
0x139: {  	v1 =	vshra.s32 @!p2 v1, $0xE;
	[tilespmem:$0x2820] =	vst @!p2 v2  }
0x13a: {  	[tilespmem:$0x2920] =	vst @!p2 v1  }
0x13b: {  	v1 =	vld @!p2 [tilespmem:s29+$0x130];
	_ =	sdelay $0x4  }
0x13c: {  	v2 =	vand.u32 @!p2 $0x3FFF, v1  }
0x13d: {  	v1 =	vshra.s32 @!p2 v1, $0xE;
	[tilespmem:$0x2830] =	vst @!p2 v2  }
0x13e: {  	[tilespmem:$0x2930] =	vst @!p2 v1  }
0x13f: {  	v1 =	vld @!p2 [tilespmem:s29+$0x140];
	_ =	sdelay $0x4  }
0x140: {  	v2 =	vand.u32 @!p2 $0x3FFF, v1  }
0x141: {  	v1 =	vshra.s32 @!p2 v1, $0xE;
	[tilespmem:$0x2840] =	vst @!p2 v2  }
0x142: {  	[tilespmem:$0x2940] =	vst @!p2 v1  }
0x143: {  	v1 =	vld @!p2 [tilespmem:s29+$0x150];
	_ =	sdelay $0x4  }
0x144: {  	v2 =	vand.u32 @!p2 $0x3FFF, v1  }
0x145: {  	v1 =	vshra.s32 @!p2 v1, $0xE;
	[tilespmem:$0x2850] =	vst @!p2 v2  }
0x146: {  	[tilespmem:$0x2950] =	vst @!p2 v1  }
0x147: {  	v1 =	vld @!p2 [tilespmem:s29+$0x160];
	_ =	sdelay $0x4  }
0x148: {  	s28 =	simm.s32 $0x400;
	v2 =	vand.u32 @!p2 $0x3FFF, v1  }
0x149: {  	s31 =	simm.s32 @!p2 $0x80;
	s3 =	simm.s32 @!p2 $0x2A00;
	s0 =	simm.s32 @!p2 $0x2800;
	v1 =	vshra.s32 @!p2 v1, $0xE;
	[tilespmem:$0x2860] =	vst @!p2 v2  }
.LBB2_8:
0x14a: {  	[tilespmem:$0x2960] =	vst @!p2 v1;
	s30 =	smov.u32 s28;
	s28 =	sadd.s32 $0x400, s28  }
0x14b: {  	p1 =	sne.s32 s28, $0xA000;
	v1 =	vld @!p2 [tilespmem:s29+$0x170];
	_ =	sdelay $0x4  }
0x14c: {  	v2 =	vand.u32 @!p2 $0x3FFF, v1;
	v1 =	vshra.s32 @!p2 v1, $0xE  }
0x14d: {  	[tilespmem:$0x2870] =	vst @!p2 v2  }
0x14e: {  	[tilespmem:$0x2970] =	vst @!p2 v1  }
0x14f: {  	[tilespmem:s3], [sflag:$0x1] =	stream.indirect.gather @!p2 [hbm4b:s5+s31], $0x80, s0, s31, $0xb8;
	[tilespmem:$0x1EA00] =	vst v63  }
0x150: {  	_ =	swait.ge [sflag:s24], $0x4000  }
0x151: {  	[sflag:s24] =	ssyncset.done $0x0  }
0x152: {  	[sflag:s24] =	ssyncadd.s32 $0xFFFFC000  }
0x153: {  	[spmem:s1] =	stream.indirect.scatter.add.f32 [tilespmem:s21], [sflag:$0x3], $0x80, s25, s18, $0xb8;
	[tilespmem:$0x1EA00] =	vst v63  }
0x154: {  	_ =	swait.ge [sflag:s16], $0x4000  }
0x155: {  	[sflag:s16] =	ssyncset.done $0x0  }
0x156: {  	s29 =	sshra.s32 s30, $0x2;
	[sflag:s16] =	ssyncadd.s32 $0xFFFFC000  }
0x157: {  	v1 =	vld [tilespmem:s29+$0x80];
	_ =	sdelay $0x4  }
0x158: {  	v2 =	vand.u32 $0x3FFF, v1;
	v1 =	vshra.s32 v1, $0xE  }
0x159: {  	[tilespmem:$0x2880] =	vst v2  }
0x15a: {  	[tilespmem:$0x2980] =	vst v1  }
0x15b: {  	v1 =	vld [tilespmem:s29+$0x90];
	_ =	sdelay $0x4  }
0x15c: {  	v2 =	vand.u32 $0x3FFF, v1;
	v1 =	vshra.s32 v1, $0xE  }
0x15d: {  	[tilespmem:$0x2890] =	vst v2  }
0x15e: {  	[tilespmem:$0x2990] =	vst v1  }
0x15f: {  	v1 =	vld [tilespmem:s29+$0xA0];
	_ =	sdelay $0x4  }
0x160: {  	v2 =	vand.u32 $0x3FFF, v1;
	v1 =	vshra.s32 v1, $0xE  }
0x161: {  	[tilespmem:$0x28A0] =	vst v2  }
0x162: {  	[tilespmem:$0x29A0] =	vst v1  }
0x163: {  	v1 =	vld [tilespmem:s29+$0xB0];
	_ =	sdelay $0x4  }
0x164: {  	v2 =	vand.u32 $0x3FFF, v1;
	v1 =	vshra.s32 v1, $0xE  }
0x165: {  	[tilespmem:$0x28B0] =	vst v2  }
0x166: {  	[tilespmem:$0x29B0] =	vst v1  }
0x167: {  	v1 =	vld [tilespmem:s29+$0xC0];
	_ =	sdelay $0x4  }
0x168: {  	v2 =	vand.u32 $0x3FFF, v1;
	v1 =	vshra.s32 v1, $0xE  }
0x169: {  	[tilespmem:$0x28C0] =	vst v2  }
0x16a: {  	[tilespmem:$0x29C0] =	vst v1  }
0x16b: {  	v1 =	vld [tilespmem:s29+$0xD0];
	_ =	sdelay $0x4  }
0x16c: {  	v2 =	vand.u32 $0x3FFF, v1;
	v1 =	vshra.s32 v1, $0xE  }
0x16d: {  	[tilespmem:$0x28D0] =	vst v2  }
0x16e: {  	[tilespmem:$0x29D0] =	vst v1  }
0x16f: {  	v1 =	vld [tilespmem:s29+$0xE0];
	_ =	sdelay $0x4  }
0x170: {  	v2 =	vand.u32 $0x3FFF, v1;
	v1 =	vshra.s32 v1, $0xE  }
0x171: {  	[tilespmem:$0x28E0] =	vst v2  }
0x172: {  	[tilespmem:$0x29E0] =	vst v1  }
0x173: {  	v1 =	vld [tilespmem:s29+$0xF0];
	_ =	sdelay $0x4  }
0x174: {  	v2 =	vand.u32 $0x3FFF, v1;
	v1 =	vshra.s32 v1, $0xE  }
0x175: {  	p2 =	seq.s32 s30, $0x9C00;
	[tilespmem:$0x28F0] =	vst v2  }
0x176: {  	s29 =	sshra.s32 @!p2 s30, $0x2;
	[tilespmem:$0x29F0] =	vst v1  }
0x177: {  	[tilespmem:s21], [sflag:$0x2] =	stream.indirect.gather [hbm4b:s5+s18], $0x80, s20, s18, $0xb8;
	[tilespmem:$0x1EA00] =	vst v63  }
0x178: {  	_ =	swait.ge [sflag:s22], $0x4000  }
0x179: {  	[sflag:s22] =	ssyncset.done $0x0  }
0x17a: {  	[sflag:s22] =	ssyncadd.s32 $0xFFFFC000  }
0x17b: {  	[spmem:s1] =	stream.indirect.scatter.add.f32 [tilespmem:s17], [sflag:$0x3], $0x80, s23, s18, $0xb8;
	[tilespmem:$0x1EA00] =	vst v63  }
0x17c: {  	_ =	swait.ge [sflag:s16], $0x4000  }
0x17d: {  	[sflag:s16] =	ssyncset.done $0x0  }
0x17e: {  	[sflag:s16] =	ssyncadd.s32 $0xFFFFC000  }
0x17f: {  	v1 =	vld @!p2 [tilespmem:s29+$0x100];
	_ =	sdelay $0x4  }
0x180: {  	v2 =	vand.u32 @!p2 $0x3FFF, v1;
	v1 =	vshra.s32 @!p2 v1, $0xE  }
0x181: {  	[tilespmem:$0x2800] =	vst @!p2 v2  }
0x182: {  	[tilespmem:$0x2900] =	vst @!p2 v1  }
0x183: {  	v1 =	vld @!p2 [tilespmem:s29+$0x110];
	_ =	sdelay $0x4  }
0x184: {  	v2 =	vand.u32 @!p2 $0x3FFF, v1;
	v1 =	vshra.s32 @!p2 v1, $0xE  }
0x185: {  	[tilespmem:$0x2810] =	vst @!p2 v2  }
0x186: {  	[tilespmem:$0x2910] =	vst @!p2 v1  }
0x187: {  	v1 =	vld @!p2 [tilespmem:s29+$0x120];
	_ =	sdelay $0x4  }
0x188: {  	v2 =	vand.u32 @!p2 $0x3FFF, v1;
	v1 =	vshra.s32 @!p2 v1, $0xE  }
0x189: {  	[tilespmem:$0x2820] =	vst @!p2 v2  }
0x18a: {  	[tilespmem:$0x2920] =	vst @!p2 v1  }
0x18b: {  	v1 =	vld @!p2 [tilespmem:s29+$0x130];
	_ =	sdelay $0x4  }
0x18c: {  	v2 =	vand.u32 @!p2 $0x3FFF, v1;
	v1 =	vshra.s32 @!p2 v1, $0xE  }
0x18d: {  	[tilespmem:$0x2830] =	vst @!p2 v2  }
0x18e: {  	[tilespmem:$0x2930] =	vst @!p2 v1  }
0x18f: {  	v1 =	vld @!p2 [tilespmem:s29+$0x140];
	_ =	sdelay $0x4  }
0x190: {  	v2 =	vand.u32 @!p2 $0x3FFF, v1;
	v1 =	vshra.s32 @!p2 v1, $0xE  }
0x191: {  	[tilespmem:$0x2840] =	vst @!p2 v2  }
0x192: {  	[tilespmem:$0x2940] =	vst @!p2 v1  }
0x193: {  	v1 =	vld @!p2 [tilespmem:s29+$0x150];
	_ =	sdelay $0x4  }
0x194: {  	v2 =	vand.u32 @!p2 $0x3FFF, v1;
	v1 =	vshra.s32 @!p2 v1, $0xE  }
0x195: {  	[tilespmem:$0x2850] =	vst @!p2 v2  }
0x196: {  	s31 =	simm.s32 @!p2 $0x80;
	s0 =	simm.s32 @!p2 $0x2800;
	s3 =	simm.s32 @!p2 $0x2A00;
	[tilespmem:$0x2950] =	vst @!p2 v1  }
0x197: {  	v1 =	vld @!p2 [tilespmem:s29+$0x160];
	_ =	sdelay $0x1  }
.Ltmp6:
0x198: {  	(pc) =	sbr.rel @p1 .LBB2_8-.Ltmp6, $3  }
0x199: {  	_ =	sdelay $0x1  }
0x19a: {  	v2 =	vand.u32 @!p2 $0x3FFF, v1;
	v1 =	vshra.s32 @!p2 v1, $0xE  }
0x19b: {  	[tilespmem:$0x2860] =	vst @!p2 v2  }
.Ltmp7:
0x19c: {  	_ = 	snop;
	(pc) =	sbr.rel .LBB2_9-.Ltmp7, $1  }
0x19d: {  	_ =	sdelay $0x3  }
.LBB2_11:
0x19e: {  	_ =	sfence.sel $0x180000  }
0x19f: {  	[bflag:$0x0] =	sbarrier.arrive $0xFFFF  }
0x1a0: {  	_ =	strace $0x9000004D  }
0x1a1: {  	[bflag:$0x2] =	sbarrier.arrive $0xFFFF  }
0x1a2: {  	p0 =	sne.s32 s2, $0x0;
	s0 =	rddreg [dreg:$0x2]  }
0x1a3: {  	s0 =	sadd.s32 @!p0 $0x100000, s0  }
0x1a4: {  	[sflag:s0] =	ssyncadd.tile.s32 @!p0 $0x1;
	_ =	shalt  }
.Lfunc_end2:
_tile_overlayer_lowered:
.L_overlay_start_2:
0x1a5: {  	(tag) =	ssettag $0x2  }
0x1a6: {  	s0 =	rddreg [dreg:$0x0];
	s2 =	stileid.u32  }
0x1a7: {  	s1 =	rddreg [dreg:$0x1];
	p0 =	sne.s32 s2, $0x0  }
0x1a8: {  	s3 =	rddreg [dreg:$0x2];
	[bflag:$0x3] =	sbarrier.arrive $0xFFFF;
	s2 =	simm.s32 @!p0 $0x1C03  }
0x1a9: {  	[timem:s3], [sflag:s2] =	dma.local @!p0 [hbm:s0], s1  }
0x1aa: {  	s0 =	simm.s32 @!p0 $0x3  }
0x1ab: {  	_ =	swait.ge @!p0 [sflag:s0], s1  }
0x1ac: {  	s1 =	ssub.s32 @!p0 $0x0, s1;
	[sflag:s0] =	ssyncset.done @!p0 $0x0  }
0x1ad: {  	[sflag:s0] =	ssyncadd.s32 @!p0 s1  }
0x1ae: {  	[bflag:$0x3] =	sbarrier.arrive $0xFFFF  }
0x1af: {  	_ =	shalt  }

// kernel: kernel.8.cloned.1.call-start
scs
__scs_entry_jumppad:
0x0: {  	(pc) =	sbr.rel $0x88, $3  }
0x1: {  	(tag) =	ssettag $0x0;
	lr =	simm.s32 $0x1  }
0x2: {  	[smem:$0x3F95] =	sst lr;
	_ =	strace $0xD0000000  }
0x3: {  	_ = 	snop  }
0x4: {  	_ = 	snop  }
0x5: {  	_ = 	snop  }
0x6: {  	_ = 	snop  }
0x7: {  	_ = 	snop  }
__scs_overlays_trampoline_lowered:
0x8: {  	[smem:$0x3FA4] =	sst s0  }
0x9: {  	[smem:$0x3FA5] =	sst s1  }
0xa: {  	[smem:$0x3FA6] =	sst s2  }
0xb: {  	[smem:$0x3FA7] =	sst s3  }
0xc: {  	[smem:$0x3FA8] =	sst s4  }
0xd: {  	[smem:$0x3FA9] =	sst s5  }
0xe: {  	[smem:$0x3FAA] =	sst s6  }
0xf: {  	[smem:$0x3FAB] =	sst s7  }
0x10: {  	[smem:$0x3FAC] =	sst s8  }
0x11: {  	[smem:$0x3FAD] =	sst s9;
	s0 =	simm.s32 @!p0 $0x0  }
0x12: {  	s1 =	sld [smem:$0x3F93];
	s0 =	simm.s32 @p0 $0x1  }
0x13: {  	[smem:$0x3FAE] =	sst s0;
	s0 =	simm.s32 @!p1 $0x0  }
0x14: {  	s2 =	sld [smem:$0x3F92];
	s0 =	simm.s32 @p1 $0x1  }
0x15: {  	[smem:$0x3FAF] =	sst s0;
	s0 =	simm.s32 @!p2 $0x0  }
0x16: {  	s3 =	sld [smem:$0x3FDB];
	s0 =	simm.s32 @p2 $0x1  }
0x17: {  	s4 =	simm.s32 $0x1BF5;
	[smem:$0x3FB1] =	sst s0  }
0x18: {  	s0 =	sld [smem:$0x3F94];
	_ =	swait.ge [sflag:s4], $0x0  }
0x19: {  	s7 =	sld [smem:$0x3F95]  }
0x1a: {  	s8 =	sadd.s32 $0xFFFFE003, lr  }
0x1b: {  	s9 =	sadd.s32 $0xFFFFFEF7, lr;
	s5 =	simm.s32 $0xFFFFFFFF;
	p2 =	slt.u32 s8, $0xFFFFF086  }
0x1c: {  	p1 =	slt.u32 s9, $0xF7A;
	s5 =	simm.s32 @!p2 $0x0  }
0x1d: {  	s5 =	simm.s32 @p1 $0x1;
	p0 =	seq.s32 s7, s2  }
0x1e: {  	s7 =	smul.u32 @!p0 $0xF7A, s2;
	p2 =	seq.s32 @!p0 s5, $0x0  }
0x1f: {  	s9 =	smul.u32 $0xF7A, s1;
	s8 =	simm.s32 @!p0 $0x1BF5;
	p2 =	por !p2, p0  }
0x20: {  	[sflag:s8] =	ssyncset.s32 @!p0 $0xFFFFF086;
	s6 =	sadd.s32 @!p0 s3, s7;
	s7 =	simm.s32 @!p0 $0x108  }
0x21: {  	s3 =	sadd.s32 s3, s9;
	s6 =	sadd.s32 @!p0 $0x88, s6;
	s7 =	simm.s32 @p2 $0x1082  }
0x22: {  	[simem:s7], [sflag:s8] =	dma.local @!p0 [hbm:s6], $0xF7A  }
0x23: {  	s9 =	sor.u32 $0xD0000000, s2;
	s6 =	simm.s32 $0x108;
	_ =	swait.ge @!p0 [sflag:s8], $0x0  }
0x24: {  	s3 =	sadd.s32 $0x88, s3;
	s6 =	simm.s32 @!p1 $0x1082;
	[sflag:s4] =	ssyncset.s32 $0xFFFFF086  }
0x25: {  	[simem:s6], [sflag:s4] =	dma.local [hbm:s3], $0xF7A  }
0x26: {  	[smem:$0x3F95] =	sst s1;
	(tag) =	ssettag s2;
	_ =	strace s9  }
0x27: {  	s1 =	sld [smem:$0x3FA5]  }
0x28: {  	s2 =	sld [smem:$0x3FA6]  }
0x29: {  	s4 =	sld [smem:$0x3FA8]  }
0x2a: {  	p0 =	seq.s32 s5, $0x0;
	s5 =	sld [smem:$0x3FA9]  }
0x2b: {  	s6 =	sld [smem:$0x3FAA]  }
0x2c: {  	s7 =	sld [smem:$0x3FAB]  }
0x2d: {  	s3 =	simm.s32 $0x108;
	s8 =	sld [smem:$0x3FAC]  }
0x2e: {  	s3 =	simm.s32 @!p0 $0x1082;
	s9 =	sld [smem:$0x3FAD]  }
0x2f: {  	lr =	sadd.s32 s0, s3;
	s0 =	sld [smem:$0x3FA4]  }
0x30: {  	s3 =	sld [smem:$0x3FA7]  }
0x31: {  	[smem:$0x3FB0] =	sst s10  }
0x32: {  	s10 =	sld [smem:$0x3FAE];
	_ =	sdelay $0x3  }
0x33: {  	p0 =	seq.s32 s10, $0x1;
	s10 =	sld [smem:$0x3FB0];
	_ =	sdelay $0x3  }
0x34: {  	[smem:$0x3FB0] =	sst s10  }
0x35: {  	s10 =	sld [smem:$0x3FAF];
	_ =	sdelay $0x3  }
0x36: {  	p1 =	seq.s32 s10, $0x1;
	s10 =	sld [smem:$0x3FB0];
	_ =	sdelay $0x3  }
0x37: {  	[smem:$0x3FB0] =	sst s10  }
0x38: {  	s10 =	sld [smem:$0x3FB1]  }
0x39: {  	_ = 	snop;
	(pc) =	sbr.ind lr, $3  }
0x3a: {  	_ = 	snop  }
0x3b: {  	_ = 	snop  }
0x3c: {  	p2 =	seq.s32 s10, $0x1;
	s10 =	sld [smem:$0x3FB0]  }
0x3d: {  	_ =	shalt  }
0x3e: {  	_ =	shalt  }
0x3f: {  	_ =	shalt  }
0x40: {  	_ =	shalt  }
0x41: {  	_ =	shalt  }
0x42: {  	_ =	shalt  }
0x43: {  	_ =	shalt  }
0x44: {  	_ =	shalt  }
0x45: {  	_ =	shalt  }
0x46: {  	_ =	shalt  }
0x47: {  	_ =	shalt  }
0x48: {  	_ =	shalt  }
0x49: {  	_ =	shalt  }
0x4a: {  	_ =	shalt  }
0x4b: {  	_ =	shalt  }
0x4c: {  	_ =	shalt  }
0x4d: {  	_ =	shalt  }
0x4e: {  	_ =	shalt  }
0x4f: {  	_ =	shalt  }
0x50: {  	_ =	shalt  }
0x51: {  	_ =	shalt  }
0x52: {  	_ =	shalt  }
0x53: {  	_ =	shalt  }
0x54: {  	_ =	shalt  }
0x55: {  	_ =	shalt  }
0x56: {  	_ =	shalt  }
0x57: {  	_ =	shalt  }
0x58: {  	_ =	shalt  }
0x59: {  	_ =	shalt  }
0x5a: {  	_ =	shalt  }
0x5b: {  	_ =	shalt  }
0x5c: {  	_ =	shalt  }
0x5d: {  	_ =	shalt  }
0x5e: {  	_ =	shalt  }
0x5f: {  	_ =	shalt  }
0x60: {  	_ =	shalt  }
0x61: {  	_ =	shalt  }
0x62: {  	_ =	shalt  }
0x63: {  	_ =	shalt  }
0x64: {  	_ =	shalt  }
0x65: {  	_ =	shalt  }
0x66: {  	_ =	shalt  }
0x67: {  	_ =	shalt  }
0x68: {  	_ =	shalt  }
0x69: {  	_ =	shalt  }
0x6a: {  	_ =	shalt  }
0x6b: {  	_ =	shalt  }
0x6c: {  	_ =	shalt  }
0x6d: {  	_ =	shalt  }
0x6e: {  	_ =	shalt  }
0x6f: {  	_ =	shalt  }
0x70: {  	_ =	shalt  }
0x71: {  	_ =	shalt  }
0x72: {  	_ =	shalt  }
0x73: {  	_ =	shalt  }
0x74: {  	_ =	shalt  }
0x75: {  	_ =	shalt  }
0x76: {  	_ =	shalt  }
0x77: {  	_ =	shalt  }
0x78: {  	_ =	shalt  }
0x79: {  	_ =	shalt  }
0x7a: {  	_ =	shalt  }
0x7b: {  	_ =	shalt  }
0x7c: {  	_ =	shalt  }
0x7d: {  	_ =	shalt  }
0x7e: {  	_ =	shalt  }
0x7f: {  	_ =	shalt  }
0x80: {  	_ =	shalt  }
0x81: {  	_ =	shalt  }
0x82: {  	_ =	shalt  }
0x83: {  	_ =	shalt  }
0x84: {  	_ =	shalt  }
0x85: {  	_ =	shalt  }
0x86: {  	_ =	shalt  }
0x87: {  	_ =	shalt  }
.Lfunc_end0:
.L_simem_size_0:
called_computation_lowered:
.L_overlay_start_0:
0x88: {  	s2 =	sld [smem:$0x3FD9]  }
0x89: {  	s3 =	sld [smem:$0x3FFE];
	_ =	sdelay $0x1  }
0x8a: {  	s1 =	srdreg.scid  }
0x8b: {  	s0 =	sand.u32 $0x1, s1  }
0x8c: {  	s16 =	sshll.u32 s0, $0xA;
	s2 =	sadd.s32 s3, s2  }
0x8d: {  	s2 =	sadd.s32 s2, s16  }
0x8e: {  	[smem:$0x3FBC] =	sst s2  }
0x8f: {  	_ = 	snop  }
0x90: {  	(tm) =	ssettm $0x1  }
0x91: {  	s17 =	sld [smem:$0x3FFB];
	_ =	sdelay $0x3  }
0x92: {  	_ =	strace s17  }
0x93: {  	s2 =	sld [smem:$0x3FFC];
	_ =	sdelay $0x3  }
0x94: {  	_ =	strace s2  }
0x95: {  	s2 =	sld [smem:$0x3FFD];
	_ =	sdelay $0x3  }
0x96: {  	_ =	strace s2  }
0x97: {  	_ =	strace $0x8FFFFFFF  }
0x98: {  	s18 =	sld [smem:$0x3FDB];
	_ =	sdelay $0x1  }
0x99: {  	s19 =	simm.s32 $_scs_section_size  }
0x9a: {  	s4 =	simm.s32 $_size__tile_overlayer_lowered;
	s5 =	simm.s32 $_tile_overlayer_lowered  }
0x9b: {  	s22 =	simm.s32 $0x1BFF;
	s21 =	sshll.u32 s5, $0x1;
	s2 =	sadd.s32 s19, s18  }
0x9c: {  	s6 =	simm.s32 $0x0;
	s20 =	sshll.u32 s4, $0x1;
	s4 =	sadd.s32 s21, s2  }
0x9d: {  	[timem:s6], [sflag:s22] =	dma.local [hbm:s4], s20  }
0x9e: {  	_ =	swait.ge [sflag:s22], s20  }
0x9f: {  	s3 =	ssub.s32 $0x0, s20;
	[sflag:s22] =	ssyncset.done $0x0  }
0xa0: {  	[sflag:s22] =	ssyncadd.s32 s3;
	_ =	sdelay $0x1  }
0xa1: {  	s23 =	simm.s32 $0x1B8B  }
0xa2: {  	_ =	swait.ge [sflag:s23], $0x1  }
0xa3: {  	[sflag:s23] =	ssyncset.done $0x0  }
0xa4: {  	s25 =	simm.s32 $0x1B8E;
	s24 =	sld [smem:$0x3FFE];
	[sflag:s23] =	ssyncadd.s32 $0xFFFFFFFF  }
0xa5: {  	s26 =	simm.s32 $execute0_lowered;
	[smem:$0x3FD2] =	sst s25  }
0xa6: {  	s4 =	sshll.u32 s26, $0x1;
	_ =	strace $0x80000046;
	[dreg:$0x1] =	wrdreg $0xFFFFFFFF  }
0xa7: {  	s28 =	simm.s32 $_size_execute0_lowered;
	s2 =	sadd.s32 s2, s4;
	[dreg:$0x0] =	wrdreg $0x0  }
0xa8: {  	s4 =	sshll.u32 s28, $0x1;
	[dreg:$0x2] =	wrdreg s2  }
0xa9: {  	[dreg:$0x3] =	wrdreg s4  }
0xaa: {  	[dreg:$0x4] =	wrdreg $0xC0  }
0xab: {  	_ =	task [dreg:s6], $0x5FFFF  }
0xac: {  	[dreg:$0x1] =	wrdreg $0xFFFFFFFF  }
0xad: {  	[dreg:$0x0] =	wrdreg $0x60  }
0xae: {  	[dreg:$0x2] =	wrdreg s24  }
0xaf: {  	[dreg:$0x3] =	wrdreg $0x6A000  }
0xb0: {  	[dreg:$0x4] =	wrdreg $0x9  }
0xb1: {  	_ =	task.clear_ibuf [dreg:s6], $0x5FFFF;
	_ =	strace $0x90000046  }
0xb2: {  	s29 =	simm.s32 $0x9;
	_ =	strace $0x80000048  }
0xb3: {  	_ =	swait.ge [sflag:s29], $0x1  }
0xb4: {  	[sflag:s29] =	ssyncadd.s32 $0xFFFFFFFF  }
0xb5: {  	_ =	strace $0x90000048  }
0xb6: {  	_ =	sfence  }
0xb7: {  	s30 =	sld [smem:$0x0];
	_ =	sdelay $0x2  }
0xb8: {  	s31 =	sshll.u32 s1, $0xD;
	s1 =	sshrl.u32 s1, $0x2  }
0xb9: {  	s3 =	sand.u32 $0x4000, s31;
	s1 =	sadd.s32 s1, s30  }
0xba: {  	s0 =	sor.u32 s3, s0;
	s1 =	sshll.u32 s1, $0x11  }
0xbb: {  	s0 =	sor.u32 s1, s0  }
0xbc: {  	s0 =	sadd.s32 $0x8F2B, s0  }
0xbd: {  	[sflag:s0] =	ssyncadd.remote.s32 $0x1  }
0xbe: {  	_ =	sfence.sel $0xFFFF  }
0xbf: {  	[dreg:$0x0] =	wrdreg $0xFFFFFFFF;
	(pc) =	sbr.abs _section_cstart, $3  }
0xc0: {  	[dreg:$0x1] =	wrdreg $0xFFFFFFFF  }
0xc1: {  	_ =	task.clear_ibuf [dreg:s6], $0x2FFFF;
	_ =	strace $0x9FFFFFFF  }
0xc2: {  	(tm) =	ssettm $0x7FFFFFFF  }
0xc3: {  	_ =	shalt  }
tec
execute0_lowered:
.L_overlay_start_1:
0x0: {  	(tag) =	ssettag $0x1  }
0x1: {  	s10 =	rddreg [dreg:$0x0]  }
0x2: {  	s2 =	rddreg [dreg:$0x1]  }
0x3: {  	s0 =	rddreg [dreg:$0x2];
	s1 =	stileid.u32  }
0x4: {  	s4 =	srdreg.scid;
	s3 =	simm.s32 $0x0;
	s12 =	simm.s32 $0x30E00  }
0x5: {  	s14 =	simm.s32 $0x80;
	s15 =	simm.s32 $0x2900;
	s5 =	smul.u32 $0x500, s1  }
0x6: {  	s8 =	sand.u32 $0x1, s4;
	[smem:$0x7FF] =	sst s3;
	s6 =	smul.u32 $0x50000, s1  }
0x7: {  	s11 =	smul.u32 $0x2800, s1;
	s16 =	sshll.u32 s1, $0x6;
	s4 =	ssub.s32 $0x2, s8  }
0x8: {  	_ =	strace $0x80000047;
	p0 =	seq.s32 s8, $0x1;
	s13 =	smul.u32 $0x5000, s8  }
0x9: {  	s16 =	sor.u32 $0x1C01, s16;
	s7 =	sshrl.u32 s4, $0x1;
	s5 =	sadd.s32 s5, s10  }
0xa: {  	s6 =	sshrl.u32 s6, $0x2;
	s12 =	simm.s32 @!p0 $0x8E00;
	s7 =	ssub.s32 s4, s7  }
0xb: {  	s4 =	sadd.s32 $0x3E00, s5;
	s5 =	sadd.s32 s6, s2;
	s31 =	sshrl.u32 s13, $0x2  }
0xc: {  	s12 =	sadd.s32 s12, s10;
	s13 =	simm.s32 $0x2A00;
	s18 =	sor.u32 $0x40, s31  }
0xd: {  	s6 =	smax.u32 s7, $0x1;
	s7 =	sadd.s32 $0x4000, s5;
	s8 =	sadd.s32 $0x8000, s5;
	v2 =	vmov s18  }
0xe: {  	s9 =	sadd.s32 $0xC000, s5;
	s10 =	sadd.s32 $0x10000, s5;
	s11 =	sadd.s32 s12, s11  }
0xf: {  	v0 =	vimm.f32 $0.0e+00;
	v1 =	vimm.f32 $1.000000000e+00;
	s12 =	simm.s32 $0x1;
	s17 =	sshrl.u32 s5, $0x3;
	s18 =	simm.s32 $0x0  }
.LBB2_1:
0x10: {  	[tilespmem:s3], [sflag:$0x1] =	stream.linear.gather [hbm4b:s4+s3], $0x2800, $0x38;
	[tilespmem:$0x1AA00] =	vst v63  }
0x11: {  	_ =	swait.ge [sflag:s12], $0x2800  }
0x12: {  	[sflag:s12] =	ssyncset.done $0x0  }
0x13: {  	s19 =	simm.s32 $0x0;
	s20 =	simm.s32 $0x200;
	[sflag:s12] =	ssyncadd.s32 $0xFFFFD800  }
.LBB2_2:
0x14: {  	p0 =	sne.s32 s20, $0xFE00;
	[tilespmem:s19+$0x2A70] =	vst v0  }
0x15: {  	[tilespmem:s19+$0x2A00] =	vst v0  }
0x16: {  	[tilespmem:s19+$0x2A10] =	vst v0  }
.Ltmp0:
0x17: {  	[tilespmem:s19+$0x2A20] =	vst v0;
	(pc) =	sbr.rel @p0 .LBB2_2-.Ltmp0, $4  }
0x18: {  	[tilespmem:s19+$0x2A30] =	vst v0  }
0x19: {  	[tilespmem:s19+$0x2A40] =	vst v0  }
0x1a: {  	[tilespmem:s19+$0x2A50] =	vst v0  }
0x1b: {  	[tilespmem:s19+$0x2A60] =	vst v0;
	s19 =	sshra.s32 s20, $0x2;
	s20 =	sadd.s32 $0x200, s20  }
0x1c: {  	[tilespmem:s19+$0x2A70] =	vst v0  }
0x1d: {  	[tilespmem:s19+$0x2A00] =	vst v0  }
0x1e: {  	[tilespmem:s19+$0x2A10] =	vst v0  }
0x1f: {  	[tilespmem:s19+$0x2A20] =	vst v0  }
0x20: {  	[tilespmem:s19+$0x2A30] =	vst v0  }
0x21: {  	[tilespmem:s19+$0x2A40] =	vst v0  }
0x22: {  	[tilespmem:s19+$0x2A50] =	vst v0  }
0x23: {  	[tilespmem:s19+$0x2A60] =	vst v0  }
0x24: {  	[spmem:s5] =	stream.linear.scatter [tilespmem:s13], [sflag:$0x1], $0x4000, $0x38;
	[tilespmem:$0x1AA00] =	vst v63  }
0x25: {  	_ =	swait.ge [sflag:s12], $0x4000  }
0x26: {  	[sflag:s12] =	ssyncset.done $0x0  }
0x27: {  	[sflag:s12] =	ssyncadd.s32 $0xFFFFC000  }
0x28: {  	[spmem:s7] =	stream.linear.scatter [tilespmem:s13], [sflag:$0x1], $0x4000, $0x38;
	[tilespmem:$0x1AA00] =	vst v63  }
0x29: {  	_ =	swait.ge [sflag:s12], $0x4000  }
0x2a: {  	[sflag:s12] =	ssyncset.done $0x0  }
0x2b: {  	[sflag:s12] =	ssyncadd.s32 $0xFFFFC000  }
0x2c: {  	[spmem:s8] =	stream.linear.scatter [tilespmem:s13], [sflag:$0x1], $0x4000, $0x38;
	[tilespmem:$0x1AA00] =	vst v63  }
0x2d: {  	_ =	swait.ge [sflag:s12], $0x4000  }
0x2e: {  	[sflag:s12] =	ssyncset.done $0x0  }
0x2f: {  	[sflag:s12] =	ssyncadd.s32 $0xFFFFC000  }
0x30: {  	[spmem:s9] =	stream.linear.scatter [tilespmem:s13], [sflag:$0x1], $0x4000, $0x38;
	[tilespmem:$0x1AA00] =	vst v63  }
0x31: {  	_ =	swait.ge [sflag:s12], $0x4000  }
0x32: {  	[sflag:s12] =	ssyncset.done $0x0  }
0x33: {  	[sflag:s12] =	ssyncadd.s32 $0xFFFFC000  }
0x34: {  	[spmem:s10] =	stream.linear.scatter [tilespmem:s13], [sflag:$0x1], $0x4000, $0x38;
	[tilespmem:$0x1AA00] =	vst v63  }
0x35: {  	_ =	swait.ge [sflag:s12], $0x4000  }
0x36: {  	[sflag:s12] =	ssyncset.done $0x0  }
0x37: {  	s19 =	simm.s32 $0x0;
	s20 =	simm.s32 $0x200;
	[sflag:s12] =	ssyncadd.s32 $0xFFFFC000  }
.LBB2_4:
0x38: {  	p0 =	sne.s32 s20, $0xFE00;
	[tilespmem:s19+$0x2A70] =	vst v1  }
0x39: {  	[tilespmem:s19+$0x2A00] =	vst v1  }
0x3a: {  	[tilespmem:s19+$0x2A10] =	vst v1  }
.Ltmp1:
0x3b: {  	[tilespmem:s19+$0x2A20] =	vst v1;
	(pc) =	sbr.rel @p0 .LBB2_4-.Ltmp1, $4  }
0x3c: {  	[tilespmem:s19+$0x2A30] =	vst v1  }
0x3d: {  	[tilespmem:s19+$0x2A40] =	vst v1  }
0x3e: {  	[tilespmem:s19+$0x2A50] =	vst v1  }
0x3f: {  	[tilespmem:s19+$0x2A60] =	vst v1;
	s19 =	sshra.s32 s20, $0x2;
	s20 =	sadd.s32 $0x200, s20  }
0x40: {  	[tilespmem:s19+$0x2A70] =	vst v1  }
0x41: {  	[tilespmem:s19+$0x2A00] =	vst v1  }
0x42: {  	[tilespmem:s19+$0x2A10] =	vst v1  }
0x43: {  	[tilespmem:s19+$0x2A20] =	vst v1  }
0x44: {  	[tilespmem:s19+$0x2A30] =	vst v1  }
0x45: {  	[tilespmem:s19+$0x2A40] =	vst v1  }
0x46: {  	[tilespmem:s19+$0x2A50] =	vst v1  }
0x47: {  	[tilespmem:s19+$0x2A60] =	vst v1  }
0x48: {  	s31 =	simm.s32 $0x0;
	[bflag:$0x0] =	sbarrier.arrive $0xFFFF  }
0x49: {  	v3 =	vld.idx.msk [tilespmem:v2+s31+$0xFFFFFFC0 ss:$0x1], $0xffff;
	_ =	sdelay $0x4  }
0x4a: {  	v3 =	vshra.s32 v3, $0xE  }
0x4b: {  	[tilespmem:$0x2900] =	vst v3  }
0x4c: {  	v3 =	vld.idx.msk [tilespmem:v2+s31+$0xFFFFFFD0 ss:$0x1], $0xffff;
	_ =	sdelay $0x4  }
0x4d: {  	v3 =	vshra.s32 v3, $0xE  }
0x4e: {  	[tilespmem:$0x2910] =	vst v3  }
0x4f: {  	v3 =	vld.idx.msk [tilespmem:v2+s31+$0xFFFFFFE0 ss:$0x1], $0xffff;
	_ =	sdelay $0x4  }
0x50: {  	v3 =	vshra.s32 v3, $0xE  }
0x51: {  	[tilespmem:$0x2920] =	vst v3  }
0x52: {  	v3 =	vld.idx.msk [tilespmem:v2+s31+$0xFFFFFFF0 ss:$0x1], $0xffff;
	_ =	sdelay $0x4  }
0x53: {  	v3 =	vshra.s32 v3, $0xE  }
0x54: {  	[tilespmem:$0x2930] =	vst v3  }
0x55: {  	v3 =	vld.idx.msk [tilespmem:v2+s31+$0x0 ss:$0x1], $0xffff;
	_ =	sdelay $0x4  }
0x56: {  	v3 =	vshra.s32 v3, $0xE  }
0x57: {  	[tilespmem:$0x2940] =	vst v3  }
0x58: {  	v3 =	vld.idx.msk [tilespmem:v2+s31+$0x10 ss:$0x1], $0xffff;
	_ =	sdelay $0x4  }
0x59: {  	v3 =	vshra.s32 v3, $0xE  }
0x5a: {  	[tilespmem:$0x2950] =	vst v3  }
0x5b: {  	v3 =	vld.idx.msk [tilespmem:v2+s31+$0x20 ss:$0x1], $0xffff;
	_ =	sdelay $0x4  }
0x5c: {  	v3 =	vshra.s32 v3, $0xE  }
0x5d: {  	[tilespmem:$0x2960] =	vst v3  }
0x5e: {  	v3 =	vld.idx.msk [tilespmem:v2+s31+$0x30 ss:$0x1], $0xffff;
	_ =	sdelay $0x4  }
0x5f: {  	v3 =	vshra.s32 v3, $0xE  }
0x60: {  	[tilespmem:$0x2970] =	vst v3  }
0x61: {  	[spmem:s2] =	stream.indirect.scatter.add.f32 [tilespmem:s13], [sflag:$0x1], $0x80, s15, s14, $0xb8;
	[tilespmem:$0x1AA00] =	vst v63  }
0x62: {  	_ =	swait.ge [sflag:s12], $0x4000  }
0x63: {  	s19 =	simm.s32 $0x200;
	s22 =	simm.s32 $0x400;
	[sflag:s12] =	ssyncset.done $0x0  }
.LBB2_6:
0x64: {  	s21 =	sshra.s32 s19, $0x2  }
0x65: {  	[sflag:s12] =	ssyncadd.s32 $0xFFFFC000;
	s19 =	smov.u32 s22;
	s20 =	sadd.s32 $0x200, s22  }
0x66: {  	p0 =	sne.s32 s22, $0x4E00;
	v3 =	vld.idx.msk [tilespmem:v2+s21+$0xFFFFFFC0 ss:$0x1], $0xffff;
	_ =	sdelay $0x5  }
0x67: {  	v3 =	vshra.s32 v3, $0xE  }
0x68: {  	[tilespmem:$0x2900] =	vst v3  }
0x69: {  	v3 =	vld.idx.msk [tilespmem:v2+s21+$0xFFFFFFD0 ss:$0x1], $0xffff;
	_ =	sdelay $0x5  }
0x6a: {  	v3 =	vshra.s32 v3, $0xE  }
0x6b: {  	[tilespmem:$0x2910] =	vst v3  }
0x6c: {  	v3 =	vld.idx.msk [tilespmem:v2+s21+$0xFFFFFFE0 ss:$0x1], $0xffff;
	_ =	sdelay $0x5  }
0x6d: {  	v3 =	vshra.s32 v3, $0xE  }
0x6e: {  	[tilespmem:$0x2920] =	vst v3  }
0x6f: {  	v3 =	vld.idx.msk [tilespmem:v2+s21+$0xFFFFFFF0 ss:$0x1], $0xffff;
	_ =	sdelay $0x5  }
0x70: {  	v3 =	vshra.s32 v3, $0xE  }
0x71: {  	[tilespmem:$0x2930] =	vst v3  }
0x72: {  	v3 =	vld.idx.msk [tilespmem:v2+s21+$0x0 ss:$0x1], $0xffff;
	_ =	sdelay $0x5  }
0x73: {  	v3 =	vshra.s32 v3, $0xE  }
0x74: {  	[tilespmem:$0x2940] =	vst v3  }
0x75: {  	v3 =	vld.idx.msk [tilespmem:v2+s21+$0x10 ss:$0x1], $0xffff;
	_ =	sdelay $0x5  }
0x76: {  	v3 =	vshra.s32 v3, $0xE  }
0x77: {  	[tilespmem:$0x2950] =	vst v3  }
0x78: {  	v3 =	vld.idx.msk [tilespmem:v2+s21+$0x20 ss:$0x1], $0xffff;
	_ =	sdelay $0x5  }
0x79: {  	v3 =	vshra.s32 v3, $0xE  }
0x7a: {  	[tilespmem:$0x2960] =	vst v3  }
0x7b: {  	v3 =	vld.idx.msk [tilespmem:v2+s21+$0x30 ss:$0x1], $0xffff;
	_ =	sdelay $0x5  }
.Ltmp2:
0x7c: {  	v3 =	vshra.s32 v3, $0xE;
	(pc) =	sbr.rel @p0 .LBB2_6-.Ltmp2, $4  }
0x7d: {  	[tilespmem:$0x2970] =	vst v3  }
0x7e: {  	[spmem:s2] =	stream.indirect.scatter.add.f32 [tilespmem:s13], [sflag:$0x1], $0x80, s15, s14, $0xb8;
	[tilespmem:$0x1AA00] =	vst v63  }
0x7f: {  	_ =	swait.ge [sflag:s12], $0x4000  }
0x80: {  	s22 =	smov.u32 s20;
	[sflag:s12] =	ssyncset.done $0x0  }
0x81: {  	_ =	sdelay $0x2  }
0x82: {  	s19 =	sshra.s32 s19, $0x2;
	[sflag:s12] =	ssyncadd.s32 $0xFFFFC000  }
0x83: {  	v3 =	vld.idx.msk [tilespmem:v2+s19+$0xFFFFFFC0 ss:$0x1], $0xffff;
	_ =	sdelay $0x4  }
0x84: {  	v3 =	vshra.s32 v3, $0xE  }
0x85: {  	[tilespmem:$0x2900] =	vst v3  }
0x86: {  	v3 =	vld.idx.msk [tilespmem:v2+s19+$0xFFFFFFD0 ss:$0x1], $0xffff;
	_ =	sdelay $0x4  }
0x87: {  	v3 =	vshra.s32 v3, $0xE  }
0x88: {  	[tilespmem:$0x2910] =	vst v3  }
0x89: {  	v3 =	vld.idx.msk [tilespmem:v2+s19+$0xFFFFFFE0 ss:$0x1], $0xffff;
	_ =	sdelay $0x4  }
0x8a: {  	v3 =	vshra.s32 v3, $0xE  }
0x8b: {  	[tilespmem:$0x2920] =	vst v3  }
0x8c: {  	v3 =	vld.idx.msk [tilespmem:v2+s19+$0xFFFFFFF0 ss:$0x1], $0xffff;
	_ =	sdelay $0x4  }
0x8d: {  	v3 =	vshra.s32 v3, $0xE  }
0x8e: {  	[tilespmem:$0x2930] =	vst v3  }
0x8f: {  	v3 =	vld.idx.msk [tilespmem:v2+s19+$0x0 ss:$0x1], $0xffff;
	_ =	sdelay $0x4  }
0x90: {  	v3 =	vshra.s32 v3, $0xE  }
0x91: {  	[tilespmem:$0x2940] =	vst v3  }
0x92: {  	v3 =	vld.idx.msk [tilespmem:v2+s19+$0x10 ss:$0x1], $0xffff;
	_ =	sdelay $0x4  }
0x93: {  	v3 =	vshra.s32 v3, $0xE  }
0x94: {  	[tilespmem:$0x2950] =	vst v3  }
0x95: {  	v3 =	vld.idx.msk [tilespmem:v2+s19+$0x20 ss:$0x1], $0xffff;
	_ =	sdelay $0x4  }
0x96: {  	v3 =	vshra.s32 v3, $0xE  }
0x97: {  	[tilespmem:$0x2960] =	vst v3  }
0x98: {  	v3 =	vld.idx.msk [tilespmem:v2+s19+$0x30 ss:$0x1], $0xffff;
	_ =	sdelay $0x4  }
0x99: {  	v3 =	vshra.s32 v3, $0xE  }
0x9a: {  	[tilespmem:$0x2970] =	vst v3  }
0x9b: {  	[spmem:s2] =	stream.indirect.scatter.add.f32 [tilespmem:s13], [sflag:$0x1], $0x80, s15, s14, $0xb8;
	[tilespmem:$0x1AA00] =	vst v63  }
0x9c: {  	_ =	swait.ge [sflag:s12], $0x4000  }
0x9d: {  	s18 =	sadd.s32 $0x1, s18;
	[sflag:s12] =	ssyncset.done $0x0  }
0x9e: {  	p0 =	sne.s32 s18, s6;
	[sflag:s12] =	ssyncadd.s32 $0xFFFFC000  }
.Ltmp3:
0x9f: {  	[bflag:$0x0] =	sbarrier.arrive $0xFFFF;
	(pc) =	sbr.rel @p0 .LBB2_1-.Ltmp3, $4  }
0xa0: {  	[hbm:s11], [sflag:s16] =	dma.local [spmem:s17], $0x2800  }
0xa1: {  	_ =	swait.ge [sflag:s12], $0x2800  }
0xa2: {  	[sflag:s12] =	ssyncset.done $0x0  }
0xa3: {  	[sflag:s12] =	ssyncadd.s32 $0xFFFFD800  }
0xa4: {  	_ =	sfence.sel $0x180000  }
0xa5: {  	[bflag:$0x0] =	sbarrier.arrive $0xFFFF  }
0xa6: {  	p0 =	sne.s32 s1, $0x0;
	_ =	strace $0x90000047  }
0xa7: {  	s0 =	sadd.s32 @!p0 $0x100000, s0;
	[bflag:$0x2] =	sbarrier.arrive $0xFFFF  }
0xa8: {  	[sflag:s0] =	ssyncadd.tile.s32 @!p0 $0x1;
	_ =	shalt  }
.Lfunc_end2:
_tile_overlayer_lowered:
.L_overlay_start_2:
0xa9: {  	(tag) =	ssettag $0x2  }
0xaa: {  	s0 =	rddreg [dreg:$0x0];
	s2 =	stileid.u32  }
0xab: {  	s1 =	rddreg [dreg:$0x1];
	p0 =	sne.s32 s2, $0x0  }
0xac: {  	s3 =	rddreg [dreg:$0x2];
	[bflag:$0x3] =	sbarrier.arrive $0xFFFF;
	s2 =	simm.s32 @!p0 $0x1C01  }
0xad: {  	[timem:s3], [sflag:s2] =	dma.local @!p0 [hbm:s0], s1  }
0xae: {  	s0 =	simm.s32 @!p0 $0x1  }
0xaf: {  	_ =	swait.ge @!p0 [sflag:s0], s1  }
0xb0: {  	s1 =	ssub.s32 @!p0 $0x0, s1;
	[sflag:s0] =	ssyncset.done @!p0 $0x0  }
0xb1: {  	[sflag:s0] =	ssyncadd.s32 @!p0 s1  }
0xb2: {  	[bflag:$0x3] =	sbarrier.arrive $0xFFFF  }
0xb3: {  	_ =	shalt  }

</sc_bundles>
